<compile_context>
chip_gen: v7x
topology: tpu7x:2x2x1
jax: 0.10.2.dev20260603
libtpu: 0.0.44.dev20260713+nightly
codegen_flags: <defaults>
</compile_context>

<pallas_src>
import functools

import jax
import jax.numpy as jnp
from jax import lax
from jax.experimental import pallas as pl
from jax.experimental.pallas import tpu as pltpu
from jax.experimental.pallas import tpu_sc as plsc

N_VERT = 2048
FAN_IN = 16
BATCH = 1024
N_LAYERS = 3
IN_SIZE = 512

NUM_CORES = 2
NUM_SUBCORES = 16
NW = NUM_CORES * NUM_SUBCORES
ROWS_PER_W = N_VERT // NW
RB = 16


N_BATCH = N_LAYERS * ROWS_PER_W // RB


def _build_a_body(src_hbm, w_hbm, a_hbm, rb0, rb1, src_v, w_v,
                  sem0, sem1, lsem):
    wid = lax.axis_index("s") * NUM_CORES + lax.axis_index("c")

    for l in range(N_LAYERS):
        off = (l * N_VERT + wid * ROWS_PER_W) * FAN_IN
        cnt = ROWS_PER_W * FAN_IN
        pltpu.async_copy(src_hbm.at[pl.ds(off, cnt)],
                         src_v.at[pl.ds(l * cnt, cnt)], lsem).wait()
        pltpu.async_copy(w_hbm.at[pl.ds(off, cnt)],
                         w_v.at[pl.ds(l * cnt, cnt)], lsem).wait()

    def _zero(i, _):
        rb0[pl.ds(i * 16, 16)] = jnp.zeros((16,), jnp.float32)
        rb1[pl.ds(i * 16, 16)] = jnp.zeros((16,), jnp.float32)
        return ()
    lax.fori_loop(0, RB * N_VERT // 16, _zero, ())

    bufs = (rb0, rb1)
    sems = (sem0, sem1)
    zeros16 = jnp.zeros((16,), jnp.float32)

    def _dma(i):
        l, rb = divmod(i, ROWS_PER_W // RB)
        base = l * N_VERT + wid * ROWS_PER_W + rb * RB
        return pltpu.make_async_copy(
            bufs[i % 2], a_hbm.at[pl.ds(base * N_VERT, RB * N_VERT)],
            sems[i % 2])

    def _scat(i, vals_of):
        l, rb = divmod(i, ROWS_PER_W // RB)
        buf = bufs[i % 2]
        for r in range(RB):
            o = (l * ROWS_PER_W + rb * RB + r) * FAN_IN
            idx = src_v[pl.ds(o, FAN_IN)] + r * N_VERT
            plsc.store_scatter(buf, [idx], vals_of(o))

    for i in range(N_BATCH):
        if i >= 2:
            _dma(i - 2).wait()
            _scat(i - 2, lambda o: zeros16)
        _scat(i, lambda o: w_v[pl.ds(o, FAN_IN)])
        _dma(i).start()
    _dma(N_BATCH - 2).wait()
    _dma(N_BATCH - 1).wait()


_build_a = functools.partial(
    pl.kernel,
    out_type=jax.ShapeDtypeStruct((N_LAYERS * N_VERT * N_VERT,), jnp.float32),
    mesh=plsc.VectorSubcoreMesh(core_axis_name="c", subcore_axis_name="s"),
    compiler_params=pltpu.CompilerParams(needs_layout_passes=False),
    scratch_types=[
        pltpu.VMEM((RB * N_VERT,), jnp.float32),
        pltpu.VMEM((RB * N_VERT,), jnp.float32),
        pltpu.VMEM((N_LAYERS * ROWS_PER_W * FAN_IN,), jnp.int32),
        pltpu.VMEM((N_LAYERS * ROWS_PER_W * FAN_IN,), jnp.float32),
        pltpu.SemaphoreType.DMA,
        pltpu.SemaphoreType.DMA,
        pltpu.SemaphoreType.DMA,
    ],
)(_build_a_body)


MB = 512
NB = N_VERT // MB


def _tc_in_body(x_ref, win_ref, bin_ref, h0_ref, xb_ref):
    bf = jnp.bfloat16
    f32 = jnp.float32
    xb_ref[...] = x_ref[...].astype(bf)
    for mb in range(N_VERT // 512):
        rows = pl.ds(mb * 512, 512)
        h0 = lax.dot_general(win_ref[rows, :].astype(bf), xb_ref[...],
                             (((1,), (1,)), ((), ())),
                             preferred_element_type=f32)
        h0_ref[rows, :] = jnp.maximum(h0 + bin_ref[rows, :], 0.0).astype(bf)


def _tc_body(h0_ref, wout_ref, bout_ref, a_hbm,
             out_ref, h_ref, g_ref, ab0, ab1, sem0, sem1):
    bf = jnp.bfloat16
    f32 = jnp.float32
    bufs = (h0_ref, g_ref, h_ref)
    abufs = (ab0, ab1)
    sems = (sem0, sem1)
    blocks = [(l, mb) for l in range(N_LAYERS) for mb in range(NB)]

    a3 = a_hbm.reshape(N_LAYERS * NB, MB * N_VERT // 128, 128)

    def _copy(i):
        l, mb = blocks[i]
        return pltpu.make_async_copy(
            a3.at[l * NB + mb], abufs[i % 2], sems[i % 2])

    _copy(0).start()
    src_of = (0, 1, 2)
    dst_of = (1, 2, 1)
    for i, (l, mb) in enumerate(blocks):
        if i + 1 < len(blocks):
            _copy(i + 1).start()
        _copy(i).wait()
        src, dst = bufs[src_of[l]], bufs[dst_of[l]]
        a_blk = abufs[i % 2].reshape(MB, N_VERT)
        acc = lax.dot_general(a_blk[...].astype(bf), src[...],
                              (((1,), (0,)), ((), ())),
                              preferred_element_type=f32)
        dst[pl.ds(mb * MB, MB), :] = jnp.maximum(acc, 0.0).astype(bf)

    hlast = bufs[dst_of[N_LAYERS - 1]]
    out = lax.dot_general(hlast[...], wout_ref[...].astype(bf),
                          (((0,), (1,)), ((), ())),
                          preferred_element_type=f32)
    out_ref[...] = out + bout_ref[...]


def kernel(x, W_in, b_in, w1, w2, w3, src1, src2, src3, W_out, b_out):
    src_all = jnp.stack([src1, src2, src3]).reshape(-1)
    w_all = jnp.stack([w1, w2, w3]).reshape(-1)
    a_all = _build_a(src_all, w_all).reshape(N_LAYERS * N_VERT * N_VERT // 128,
                                             128)

    out_size = W_out.shape[0]
    vmem = functools.partial(pl.BlockSpec, memory_space=pltpu.MemorySpace.VMEM)
    tc_in = pl.pallas_call(
        _tc_in_body,
        out_shape=jax.ShapeDtypeStruct((N_VERT, BATCH), jnp.bfloat16),
        in_specs=[vmem(), vmem(), vmem()],
        out_specs=vmem(),
        scratch_shapes=[pltpu.VMEM((BATCH, IN_SIZE), jnp.bfloat16)],
    )
    h0 = tc_in(x, W_in, b_in.reshape(N_VERT, 1))
    tc = pl.pallas_call(
        _tc_body,
        out_shape=jax.ShapeDtypeStruct((BATCH, out_size), jnp.float32),
        in_specs=[
            vmem(), vmem(), vmem(),
            pl.BlockSpec(memory_space=pltpu.MemorySpace.HBM),
        ],
        out_specs=vmem(),
        scratch_shapes=[
            pltpu.VMEM((N_VERT, BATCH), jnp.bfloat16),
            pltpu.VMEM((N_VERT, BATCH), jnp.bfloat16),
            pltpu.VMEM((MB * N_VERT // 128, 128), jnp.float32),
            pltpu.VMEM((MB * N_VERT // 128, 128), jnp.float32),
            pltpu.SemaphoreType.DMA,
            pltpu.SemaphoreType.DMA,
        ],
    )
    return tc(h0, W_out, b_out.reshape(1, out_size), a_all)

# --- scband reference (transcript-rebuilt; emitter-appended) ---
"""Pipeline reference for scband-sparse-torch-33706903339706 (READ-ONLY COPY).

The authoritative reference and input builder live on the scoring server;
editing this copy changes nothing except your own understanding.
"""

import jax, jax.numpy as jnp
import numpy as np

L_WIDTHS = [2048, 2048, 2048, 2048]  # layer 0 (sources) + 3 hidden DAG layers
FAN_IN = 16
INPUT_SIZE = 512
OUTPUT_SIZE = 128
BATCH = 1024


def setup_inputs(seed: int = 0) -> dict:
    key = jax.random.key(seed)
    ks = jax.random.split(key, 16)
    rng = np.random.default_rng(0)
    x = jax.random.normal(ks[0], (BATCH, INPUT_SIZE), dtype=jnp.float32)
    # fully_input_to_sources: Linear(input_size, len(layer0))
    W_in = jax.random.normal(ks[1], (L_WIDTHS[0], INPUT_SIZE), dtype=jnp.float32) * (1.0 / np.sqrt(INPUT_SIZE))
    b_in = jnp.zeros((L_WIDTHS[0],), dtype=jnp.float32)
    # per-vertex incoming weights (N(0, 0.1)) and sorted source indices into previous layer
    vw = []
    srcs = []
    for l in range(1, len(L_WIDTHS)):
        w = jax.random.normal(ks[1 + l], (L_WIDTHS[l], FAN_IN), dtype=jnp.float32) * 0.1
        src = np.stack([np.sort(rng.choice(L_WIDTHS[l - 1], size=FAN_IN, replace=False)) for _ in range(L_WIDTHS[l])], axis=0)
        vw.append(w)
        srcs.append(jnp.asarray(src, dtype=jnp.int32))
    # _linear_dummy: Linear(len(vertices_to_fully_layer) == last layer width, output_size)
    W_out = jax.random.normal(ks[8], (OUTPUT_SIZE, L_WIDTHS[-1]), dtype=jnp.float32) * (1.0 / np.sqrt(L_WIDTHS[-1]))
    b_out = jnp.zeros((OUTPUT_SIZE,), dtype=jnp.float32)
    return {
        'x': x,
        'W_in': W_in, 'b_in': b_in,
        'w1': vw[0], 'w2': vw[1], 'w3': vw[2],
        'src1': srcs[0], 'src2': srcs[1], 'src3': srcs[2],
        'W_out': W_out, 'b_out': b_out,
    }


def reference(x, W_in, b_in, w1, w2, w3, src1, src2, src3, W_out, b_out):
    # layer 0: relu(Linear(x)).transpose(0,1) -> [W0, batch]
    h = jax.nn.relu(x @ W_in.T + b_in).T
    # hidden DAG layers: per-vertex weighted sum over gathered source activations
    for w, src in ((w1, src1), (w2, src2), (w3, src3)):
        gathered = jnp.take(h, src, axis=0)          # [Wl, FAN_IN, batch]
        h = jax.nn.relu(jnp.sum(w[:, :, None] * gathered, axis=1))  # [Wl, batch]
    # collect vertices_to_fully_layer (last layer), transpose, linear_dummy
    result = h.T  # [batch, W_last]
    return result @ W_out.T + b_out

if __name__ == "__main__":
    import jax
    _d = setup_inputs()
    print(jax.jit(kernel)(*tuple(_d.values())))

</pallas_src>

<mosaic_0001>
#map = affine_map<(d0, d1) -> (0)>
module attributes {stable_mosaic.version = 14 : i64} {
  func.func @_build_a_body(%arg0: i32, %arg1: i32, %arg2: memref<98304xi32, #tpu.memory_space<hbm>>, %arg3: memref<98304xf32, #tpu.memory_space<hbm>>, %arg4: memref<12582912xf32, #tpu.memory_space<hbm>>, %arg5: memref<32768xf32, #tpu.memory_space<vmem>>, %arg6: memref<32768xf32, #tpu.memory_space<vmem>>, %arg7: memref<3072xi32, #tpu.memory_space<vmem>>, %arg8: memref<3072xf32, #tpu.memory_space<vmem>>, %arg9: memref<!tpu.dma_semaphore, #tpu.memory_space<semaphore_mem>>, %arg10: memref<!tpu.dma_semaphore, #tpu.memory_space<semaphore_mem>>, %arg11: memref<!tpu.dma_semaphore, #tpu.memory_space<semaphore_mem>>) attributes {dimension_semantics = [#tpu.dimension_semantics<core_parallel>, #tpu.dimension_semantics<subcore_parallel>], iteration_bounds = array<i64: 2, 16>, scalar_prefetch = 0 : i64, scratch_operands = 7 : i64, tpu.core_type = #tpu.core_type<sc_vector_subcore>, window_params = [{transform_indices = #map}, {transform_indices = #map}, {transform_indices = #map}]} {
    %mul3A = arith.constant 2 : i32
    %mul3A_0 = arith.muli %arg1, %mul3A : i32
    %add3A = arith.addi %mul3A_0, %arg0 : i32
    %mul3A_1 = arith.constant 64 : i32
    %mul3A_2 = arith.muli %add3A, %mul3A_1 : i32
    %add3A_3 = arith.constant 0 : i32
    %add3A_4 = arith.addi %add3A_3, %mul3A_2 : i32
    %mul3A_5 = arith.constant 16 : i32
    %mul3A_6 = arith.muli %add3A_4, %mul3A_5 : i32
    %dma_start3A = arith.constant 0 : i32
    %dma_start3A_7 = tpu.memref_slice %arg7[%dma_start3A] : memref<3072xi32, #tpu.memory_space<vmem>> -> memref<1024xi32, #tpu.memory_space<vmem>>
    %dma_start3A_8 = tpu.memref_slice %arg2[%mul3A_6] : memref<98304xi32, #tpu.memory_space<hbm>> -> memref<1024xi32, #tpu.memory_space<hbm>>
    %dma_start3A_9 = arith.constant 0 : i32
    %dma_start3A_10 = tpu.memref_slice %arg7[%dma_start3A_9] : memref<3072xi32, #tpu.memory_space<vmem>> -> memref<1024xi32, #tpu.memory_space<vmem>>
    %dma_start3A_11 = tpu.memref_slice %arg2[%mul3A_6] : memref<98304xi32, #tpu.memory_space<hbm>> -> memref<1024xi32, #tpu.memory_space<hbm>>
    tpu.enqueue_dma source(%dma_start3A_11 : memref<1024xi32, #tpu.memory_space<hbm>>) target(%dma_start3A_10 : memref<1024xi32, #tpu.memory_space<vmem>>) target_semaphore(%arg11 : memref<!tpu.dma_semaphore, #tpu.memory_space<semaphore_mem>>)
    %dma_wait3A = arith.constant 0 : i32
    %dma_wait3A_12 = tpu.memref_slice %arg7[%dma_wait3A] : memref<3072xi32, #tpu.memory_space<vmem>> -> memref<1024xi32, #tpu.memory_space<vmem>>
    %dma_wait3A_13 = tpu.memref_slice %arg2[%mul3A_6] : memref<98304xi32, #tpu.memory_space<hbm>> -> memref<1024xi32, #tpu.memory_space<hbm>>
    %dma_wait3A_14 = arith.constant 0 : i32
    %dma_wait3A_15 = tpu.memref_slice %arg7[%dma_wait3A_14] : memref<3072xi32, #tpu.memory_space<vmem>> -> memref<1024xi32, #tpu.memory_space<vmem>>
    %dma_wait3A_16 = tpu.memref_slice %arg2[%mul3A_6] : memref<98304xi32, #tpu.memory_space<hbm>> -> memref<1024xi32, #tpu.memory_space<hbm>>
    tpu.wait_dma2 semaphore(%arg11 : memref<!tpu.dma_semaphore, #tpu.memory_space<semaphore_mem>>) src(%dma_wait3A_16 : memref<1024xi32, #tpu.memory_space<hbm>>) dst(%dma_wait3A_15 : memref<1024xi32, #tpu.memory_space<vmem>>)
    %dma_start3A_17 = arith.constant 0 : i32
    %dma_start3A_18 = tpu.memref_slice %arg8[%dma_start3A_17] : memref<3072xf32, #tpu.memory_space<vmem>> -> memref<1024xf32, #tpu.memory_space<vmem>>
    %dma_start3A_19 = tpu.memref_slice %arg3[%mul3A_6] : memref<98304xf32, #tpu.memory_space<hbm>> -> memref<1024xf32, #tpu.memory_space<hbm>>
    %dma_start3A_20 = arith.constant 0 : i32
    %dma_start3A_21 = tpu.memref_slice %arg8[%dma_start3A_20] : memref<3072xf32, #tpu.memory_space<vmem>> -> memref<1024xf32, #tpu.memory_space<vmem>>
    %dma_start3A_22 = tpu.memref_slice %arg3[%mul3A_6] : memref<98304xf32, #tpu.memory_space<hbm>> -> memref<1024xf32, #tpu.memory_space<hbm>>
    tpu.enqueue_dma source(%dma_start3A_22 : memref<1024xf32, #tpu.memory_space<hbm>>) target(%dma_start3A_21 : memref<1024xf32, #tpu.memory_space<vmem>>) target_semaphore(%arg11 : memref<!tpu.dma_semaphore, #tpu.memory_space<semaphore_mem>>)
    %dma_wait3A_23 = arith.constant 0 : i32
    %dma_wait3A_24 = tpu.memref_slice %arg8[%dma_wait3A_23] : memref<3072xf32, #tpu.memory_space<vmem>> -> memref<1024xf32, #tpu.memory_space<vmem>>
    %dma_wait3A_25 = tpu.memref_slice %arg3[%mul3A_6] : memref<98304xf32, #tpu.memory_space<hbm>> -> memref<1024xf32, #tpu.memory_space<hbm>>
    %dma_wait3A_26 = arith.constant 0 : i32
    %dma_wait3A_27 = tpu.memref_slice %arg8[%dma_wait3A_26] : memref<3072xf32, #tpu.memory_space<vmem>> -> memref<1024xf32, #tpu.memory_space<vmem>>
    %dma_wait3A_28 = tpu.memref_slice %arg3[%mul3A_6] : memref<98304xf32, #tpu.memory_space<hbm>> -> memref<1024xf32, #tpu.memory_space<hbm>>
    tpu.wait_dma2 semaphore(%arg11 : memref<!tpu.dma_semaphore, #tpu.memory_space<semaphore_mem>>) src(%dma_wait3A_28 : memref<1024xf32, #tpu.memory_space<hbm>>) dst(%dma_wait3A_27 : memref<1024xf32, #tpu.memory_space<vmem>>)
    %mul3A_29 = arith.constant 64 : i32
    %mul3A_30 = arith.muli %add3A, %mul3A_29 : i32
    %add3A_31 = arith.constant 2048 : i32
    %add3A_32 = arith.addi %add3A_31, %mul3A_30 : i32
    %mul3A_33 = arith.constant 16 : i32
    %mul3A_34 = arith.muli %add3A_32, %mul3A_33 : i32
    %dma_start3A_35 = arith.constant 1024 : i32
    %dma_start3A_36 = tpu.memref_slice %arg7[%dma_start3A_35] : memref<3072xi32, #tpu.memory_space<vmem>> -> memref<1024xi32, #tpu.memory_space<vmem>>
    %dma_start3A_37 = tpu.memref_slice %arg2[%mul3A_34] : memref<98304xi32, #tpu.memory_space<hbm>> -> memref<1024xi32, #tpu.memory_space<hbm>>
    %dma_start3A_38 = arith.constant 1024 : i32
    %dma_start3A_39 = tpu.memref_slice %arg7[%dma_start3A_38] : memref<3072xi32, #tpu.memory_space<vmem>> -> memref<1024xi32, #tpu.memory_space<vmem>>
    %dma_start3A_40 = tpu.memref_slice %arg2[%mul3A_34] : memref<98304xi32, #tpu.memory_space<hbm>> -> memref<1024xi32, #tpu.memory_space<hbm>>
    tpu.enqueue_dma source(%dma_start3A_40 : memref<1024xi32, #tpu.memory_space<hbm>>) target(%dma_start3A_39 : memref<1024xi32, #tpu.memory_space<vmem>>) target_semaphore(%arg11 : memref<!tpu.dma_semaphore, #tpu.memory_space<semaphore_mem>>)
    %dma_wait3A_41 = arith.constant 1024 : i32
    %dma_wait3A_42 = tpu.memref_slice %arg7[%dma_wait3A_41] : memref<3072xi32, #tpu.memory_space<vmem>> -> memref<1024xi32, #tpu.memory_space<vmem>>
    %dma_wait3A_43 = tpu.memref_slice %arg2[%mul3A_34] : memref<98304xi32, #tpu.memory_space<hbm>> -> memref<1024xi32, #tpu.memory_space<hbm>>
    %dma_wait3A_44 = arith.constant 1024 : i32
    %dma_wait3A_45 = tpu.memref_slice %arg7[%dma_wait3A_44] : memref<3072xi32, #tpu.memory_space<vmem>> -> memref<1024xi32, #tpu.memory_space<vmem>>
    %dma_wait3A_46 = tpu.memref_slice %arg2[%mul3A_34] : memref<98304xi32, #tpu.memory_space<hbm>> -> memref<1024xi32, #tpu.memory_space<hbm>>
    tpu.wait_dma2 semaphore(%arg11 : memref<!tpu.dma_semaphore, #tpu.memory_space<semaphore_mem>>) src(%dma_wait3A_46 : memref<1024xi32, #tpu.memory_space<hbm>>) dst(%dma_wait3A_45 : memref<1024xi32, #tpu.memory_space<vmem>>)
    %dma_start3A_47 = arith.constant 1024 : i32
    %dma_start3A_48 = tpu.memref_slice %arg8[%dma_start3A_47] : memref<3072xf32, #tpu.memory_space<vmem>> -> memref<1024xf32, #tpu.memory_space<vmem>>
    %dma_start3A_49 = tpu.memref_slice %arg3[%mul3A_34] : memref<98304xf32, #tpu.memory_space<hbm>> -> memref<1024xf32, #tpu.memory_space<hbm>>
    %dma_start3A_50 = arith.constant 1024 : i32
    %dma_start3A_51 = tpu.memref_slice %arg8[%dma_start3A_50] : memref<3072xf32, #tpu.memory_space<vmem>> -> memref<1024xf32, #tpu.memory_space<vmem>>
    %dma_start3A_52 = tpu.memref_slice %arg3[%mul3A_34] : memref<98304xf32, #tpu.memory_space<hbm>> -> memref<1024xf32, #tpu.memory_space<hbm>>
    tpu.enqueue_dma source(%dma_start3A_52 : memref<1024xf32, #tpu.memory_space<hbm>>) target(%dma_start3A_51 : memref<1024xf32, #tpu.memory_space<vmem>>) target_semaphore(%arg11 : memref<!tpu.dma_semaphore, #tpu.memory_space<semaphore_mem>>)
    %dma_wait3A_53 = arith.constant 1024 : i32
    %dma_wait3A_54 = tpu.memref_slice %arg8[%dma_wait3A_53] : memref<3072xf32, #tpu.memory_space<vmem>> -> memref<1024xf32, #tpu.memory_space<vmem>>
    %dma_wait3A_55 = tpu.memref_slice %arg3[%mul3A_34] : memref<98304xf32, #tpu.memory_space<hbm>> -> memref<1024xf32, #tpu.memory_space<hbm>>
    %dma_wait3A_56 = arith.constant 1024 : i32
    %dma_wait3A_57 = tpu.memref_slice %arg8[%dma_wait3A_56] : memref<3072xf32, #tpu.memory_space<vmem>> -> memref<1024xf32, #tpu.memory_space<vmem>>
    %dma_wait3A_58 = tpu.memref_slice %arg3[%mul3A_34] : memref<98304xf32, #tpu.memory_space<hbm>> -> memref<1024xf32, #tpu.memory_space<hbm>>
    tpu.wait_dma2 semaphore(%arg11 : memref<!tpu.dma_semaphore, #tpu.memory_space<semaphore_mem>>) src(%dma_wait3A_58 : memref<1024xf32, #tpu.memory_space<hbm>>) dst(%dma_wait3A_57 : memref<1024xf32, #tpu.memory_space<vmem>>)
    %mul3A_59 = arith.constant 64 : i32
    %mul3A_60 = arith.muli %add3A, %mul3A_59 : i32
    %add3A_61 = arith.constant 4096 : i32
    %add3A_62 = arith.addi %add3A_61, %mul3A_60 : i32
    %mul3A_63 = arith.constant 16 : i32
    %mul3A_64 = arith.muli %add3A_62, %mul3A_63 : i32
    %dma_start3A_65 = arith.constant 2048 : i32
    %dma_start3A_66 = tpu.memref_slice %arg7[%dma_start3A_65] : memref<3072xi32, #tpu.memory_space<vmem>> -> memref<1024xi32, #tpu.memory_space<vmem>>
    %dma_start3A_67 = tpu.memref_slice %arg2[%mul3A_64] : memref<98304xi32, #tpu.memory_space<hbm>> -> memref<1024xi32, #tpu.memory_space<hbm>>
    %dma_start3A_68 = arith.constant 2048 : i32
    %dma_start3A_69 = tpu.memref_slice %arg7[%dma_start3A_68] : memref<3072xi32, #tpu.memory_space<vmem>> -> memref<1024xi32, #tpu.memory_space<vmem>>
    %dma_start3A_70 = tpu.memref_slice %arg2[%mul3A_64] : memref<98304xi32, #tpu.memory_space<hbm>> -> memref<1024xi32, #tpu.memory_space<hbm>>
    tpu.enqueue_dma source(%dma_start3A_70 : memref<1024xi32, #tpu.memory_space<hbm>>) target(%dma_start3A_69 : memref<1024xi32, #tpu.memory_space<vmem>>) target_semaphore(%arg11 : memref<!tpu.dma_semaphore, #tpu.memory_space<semaphore_mem>>)
    %dma_wait3A_71 = arith.constant 2048 : i32
    %dma_wait3A_72 = tpu.memref_slice %arg7[%dma_wait3A_71] : memref<3072xi32, #tpu.memory_space<vmem>> -> memref<1024xi32, #tpu.memory_space<vmem>>
    %dma_wait3A_73 = tpu.memref_slice %arg2[%mul3A_64] : memref<98304xi32, #tpu.memory_space<hbm>> -> memref<1024xi32, #tpu.memory_space<hbm>>
    %dma_wait3A_74 = arith.constant 2048 : i32
    %dma_wait3A_75 = tpu.memref_slice %arg7[%dma_wait3A_74] : memref<3072xi32, #tpu.memory_space<vmem>> -> memref<1024xi32, #tpu.memory_space<vmem>>
    %dma_wait3A_76 = tpu.memref_slice %arg2[%mul3A_64] : memref<98304xi32, #tpu.memory_space<hbm>> -> memref<1024xi32, #tpu.memory_space<hbm>>
    tpu.wait_dma2 semaphore(%arg11 : memref<!tpu.dma_semaphore, #tpu.memory_space<semaphore_mem>>) src(%dma_wait3A_76 : memref<1024xi32, #tpu.memory_space<hbm>>) dst(%dma_wait3A_75 : memref<1024xi32, #tpu.memory_space<vmem>>)
    %dma_start3A_77 = arith.constant 2048 : i32
    %dma_start3A_78 = tpu.memref_slice %arg8[%dma_start3A_77] : memref<3072xf32, #tpu.memory_space<vmem>> -> memref<1024xf32, #tpu.memory_space<vmem>>
    %dma_start3A_79 = tpu.memref_slice %arg3[%mul3A_64] : memref<98304xf32, #tpu.memory_space<hbm>> -> memref<1024xf32, #tpu.memory_space<hbm>>
    %dma_start3A_80 = arith.constant 2048 : i32
    %dma_start3A_81 = tpu.memref_slice %arg8[%dma_start3A_80] : memref<3072xf32, #tpu.memory_space<vmem>> -> memref<1024xf32, #tpu.memory_space<vmem>>
    %dma_start3A_82 = tpu.memref_slice %arg3[%mul3A_64] : memref<98304xf32, #tpu.memory_space<hbm>> -> memref<1024xf32, #tpu.memory_space<hbm>>
    tpu.enqueue_dma source(%dma_start3A_82 : memref<1024xf32, #tpu.memory_space<hbm>>) target(%dma_start3A_81 : memref<1024xf32, #tpu.memory_space<vmem>>) target_semaphore(%arg11 : memref<!tpu.dma_semaphore, #tpu.memory_space<semaphore_mem>>)
    %dma_wait3A_83 = arith.constant 2048 : i32
    %dma_wait3A_84 = tpu.memref_slice %arg8[%dma_wait3A_83] : memref<3072xf32, #tpu.memory_space<vmem>> -> memref<1024xf32, #tpu.memory_space<vmem>>
    %dma_wait3A_85 = tpu.memref_slice %arg3[%mul3A_64] : memref<98304xf32, #tpu.memory_space<hbm>> -> memref<1024xf32, #tpu.memory_space<hbm>>
    %dma_wait3A_86 = arith.constant 2048 : i32
    %dma_wait3A_87 = tpu.memref_slice %arg8[%dma_wait3A_86] : memref<3072xf32, #tpu.memory_space<vmem>> -> memref<1024xf32, #tpu.memory_space<vmem>>
    %dma_wait3A_88 = tpu.memref_slice %arg3[%mul3A_64] : memref<98304xf32, #tpu.memory_space<hbm>> -> memref<1024xf32, #tpu.memory_space<hbm>>
    tpu.wait_dma2 semaphore(%arg11 : memref<!tpu.dma_semaphore, #tpu.memory_space<semaphore_mem>>) src(%dma_wait3A_88 : memref<1024xf32, #tpu.memory_space<hbm>>) dst(%dma_wait3A_87 : memref<1024xf32, #tpu.memory_space<vmem>>)
    %scan3A = arith.constant 0 : i32
    %scan3A_89 = arith.constant 2048 : i32
    %scan3A_90 = arith.addi %scan3A, %scan3A_89 : i32
    %scan3A_91 = arith.constant 1 : i32
    scf.for %scan3A_2477 = %scan3A to %scan3A_90 step %scan3A_91  : i32 {
      %broadcast_in_dim3A_2478 = arith.constant 0.000000e+00 : f32
      %broadcast_in_dim3A_2479 = vector.broadcast %broadcast_in_dim3A_2478 : f32 to vector<16xf32>
      %mul3A_2480 = arith.constant 16 : i32
      %mul3A_2481 = arith.muli %scan3A_2477, %mul3A_2480 : i32
      %swap3A = arith.index_cast %mul3A_2481 : i32 to index
      %swap3A_2482 = tpu.vector_load %arg5[%swap3A] {strides = array<i32>} : memref<32768xf32, #tpu.memory_space<vmem>>, vector<16xf32>,
      tpu.vector_store %arg5[%swap3A], %broadcast_in_dim3A_2479 {strides = array<i32>} : memref<32768xf32, #tpu.memory_space<vmem>>, vector<16xf32>,
      %broadcast_in_dim3A_2483 = arith.constant 0.000000e+00 : f32
      %broadcast_in_dim3A_2484 = vector.broadcast %broadcast_in_dim3A_2483 : f32 to vector<16xf32>
      %mul3A_2485 = arith.constant 16 : i32
      %mul3A_2486 = arith.muli %scan3A_2477, %mul3A_2485 : i32
      %swap3A_2487 = arith.index_cast %mul3A_2486 : i32 to index
      %swap3A_2488 = tpu.vector_load %arg6[%swap3A_2487] {strides = array<i32>} : memref<32768xf32, #tpu.memory_space<vmem>>, vector<16xf32>,
      tpu.vector_store %arg6[%swap3A_2487], %broadcast_in_dim3A_2484 {strides = array<i32>} : memref<32768xf32, #tpu.memory_space<vmem>>, vector<16xf32>,
    }
    %scan3A_92 = arith.constant 2048 : i32
    %broadcast_in_dim3A = arith.constant 0.000000e+00 : f32
    %broadcast_in_dim3A_93 = vector.broadcast %broadcast_in_dim3A : f32 to vector<16xf32>
    %get3A = arith.constant 0 : index
    %get3A_94 = tpu.vector_load %arg7[%get3A] {strides = array<i32>} : memref<3072xi32, #tpu.memory_space<vmem>>, vector<16xi32>,
    %add3A_95 = arith.constant 0 : i32
    %add3A_96 = vector.broadcast %add3A_95 : i32 to vector<16xi32>
    %add3A_97 = arith.addi %get3A_94, %add3A_96 : vector<16xi32>
    %get3A_98 = arith.constant 0 : index
    %get3A_99 = tpu.vector_load %arg8[%get3A_98] {strides = array<i32>} : memref<3072xf32, #tpu.memory_space<vmem>>, vector<16xf32>,
    tpu.vector_store_idx %arg5[%add3A_97], %get3A_99 : memref<32768xf32, #tpu.memory_space<vmem>>[vector<16xi32>], vector<16xf32>,
    %get3A_100 = arith.constant 16 : index
    %get3A_101 = tpu.vector_load %arg7[%get3A_100] {strides = array<i32>} : memref<3072xi32, #tpu.memory_space<vmem>>, vector<16xi32>,
    %add3A_102 = arith.constant 2048 : i32
    %add3A_103 = vector.broadcast %add3A_102 : i32 to vector<16xi32>
    %add3A_104 = arith.addi %get3A_101, %add3A_103 : vector<16xi32>
    %get3A_105 = arith.constant 16 : index
    %get3A_106 = tpu.vector_load %arg8[%get3A_105] {strides = array<i32>} : memref<3072xf32, #tpu.memory_space<vmem>>, vector<16xf32>,
    tpu.vector_store_idx %arg5[%add3A_104], %get3A_106 : memref<32768xf32, #tpu.memory_space<vmem>>[vector<16xi32>], vector<16xf32>,
    %get3A_107 = arith.constant 32 : index
    %get3A_108 = tpu.vector_load %arg7[%get3A_107] {strides = array<i32>} : memref<3072xi32, #tpu.memory_space<vmem>>, vector<16xi32>,
    %add3A_109 = arith.constant 4096 : i32
    %add3A_110 = vector.broadcast %add3A_109 : i32 to vector<16xi32>
    %add3A_111 = arith.addi %get3A_108, %add3A_110 : vector<16xi32>
    %get3A_112 = arith.constant 32 : index
    %get3A_113 = tpu.vector_load %arg8[%get3A_112] {strides = array<i32>} : memref<3072xf32, #tpu.memory_space<vmem>>, vector<16xf32>,
    tpu.vector_store_idx %arg5[%add3A_111], %get3A_113 : memref<32768xf32, #tpu.memory_space<vmem>>[vector<16xi32>], vector<16xf32>,
    %get3A_114 = arith.constant 48 : index
    %get3A_115 = tpu.vector_load %arg7[%get3A_114] {strides = array<i32>} : memref<3072xi32, #tpu.memory_space<vmem>>, vector<16xi32>,
    %add3A_116 = arith.constant 6144 : i32
    %add3A_117 = vector.broadcast %add3A_116 : i32 to vector<16xi32>
    %add3A_118 = arith.addi %get3A_115, %add3A_117 : vector<16xi32>
    %get3A_119 = arith.constant 48 : index
    %get3A_120 = tpu.vector_load %arg8[%get3A_119] {strides = array<i32>} : memref<3072xf32, #tpu.memory_space<vmem>>, vector<16xf32>,
    tpu.vector_store_idx %arg5[%add3A_118], %get3A_120 : memref<32768xf32, #tpu.memory_space<vmem>>[vector<16xi32>], vector<16xf32>,
    %get3A_121 = arith.constant 64 : index
    %get3A_122 = tpu.vector_load %arg7[%get3A_121] {strides = array<i32>} : memref<3072xi32, #tpu.memory_space<vmem>>, vector<16xi32>,
    %add3A_123 = arith.constant 8192 : i32
    %add3A_124 = vector.broadcast %add3A_123 : i32 to vector<16xi32>
    %add3A_125 = arith.addi %get3A_122, %add3A_124 : vector<16xi32>
    %get3A_126 = arith.constant 64 : index
    %get3A_127 = tpu.vector_load %arg8[%get3A_126] {strides = array<i32>} : memref<3072xf32, #tpu.memory_space<vmem>>, vector<16xf32>,
    tpu.vector_store_idx %arg5[%add3A_125], %get3A_127 : memref<32768xf32, #tpu.memory_space<vmem>>[vector<16xi32>], vector<16xf32>,
    %get3A_128 = arith.constant 80 : index
    %get3A_129 = tpu.vector_load %arg7[%get3A_128] {strides = array<i32>} : memref<3072xi32, #tpu.memory_space<vmem>>, vector<16xi32>,
    %add3A_130 = arith.constant 10240 : i32
    %add3A_131 = vector.broadcast %add3A_130 : i32 to vector<16xi32>
    %add3A_132 = arith.addi %get3A_129, %add3A_131 : vector<16xi32>
    %get3A_133 = arith.constant 80 : index
    %get3A_134 = tpu.vector_load %arg8[%get3A_133] {strides = array<i32>} : memref<3072xf32, #tpu.memory_space<vmem>>, vector<16xf32>,
    tpu.vector_store_idx %arg5[%add3A_132], %get3A_134 : memref<32768xf32, #tpu.memory_space<vmem>>[vector<16xi32>], vector<16xf32>,
    %get3A_135 = arith.constant 96 : index
    %get3A_136 = tpu.vector_load %arg7[%get3A_135] {strides = array<i32>} : memref<3072xi32, #tpu.memory_space<vmem>>, vector<16xi32>,
    %add3A_137 = arith.constant 12288 : i32
    %add3A_138 = vector.broadcast %add3A_137 : i32 to vector<16xi32>
    %add3A_139 = arith.addi %get3A_136, %add3A_138 : vector<16xi32>
    %get3A_140 = arith.constant 96 : index
    %get3A_141 = tpu.vector_load %arg8[%get3A_140] {strides = array<i32>} : memref<3072xf32, #tpu.memory_space<vmem>>, vector<16xf32>,
    tpu.vector_store_idx %arg5[%add3A_139], %get3A_141 : memref<32768xf32, #tpu.memory_space<vmem>>[vector<16xi32>], vector<16xf32>,
    %get3A_142 = arith.constant 112 : index
    %get3A_143 = tpu.vector_load %arg7[%get3A_142] {strides = array<i32>} : memref<3072xi32, #tpu.memory_space<vmem>>, vector<16xi32>,
    %add3A_144 = arith.constant 14336 : i32
    %add3A_145 = vector.broadcast %add3A_144 : i32 to vector<16xi32>
    %add3A_146 = arith.addi %get3A_143, %add3A_145 : vector<16xi32>
    %get3A_147 = arith.constant 112 : index
    %get3A_148 = tpu.vector_load %arg8[%get3A_147] {strides = array<i32>} : memref<3072xf32, #tpu.memory_space<vmem>>, vector<16xf32>,
    tpu.vector_store_idx %arg5[%add3A_146], %get3A_148 : memref<32768xf32, #tpu.memory_space<vmem>>[vector<16xi32>], vector<16xf32>,
    %get3A_149 = arith.constant 128 : index
    %get3A_150 = tpu.vector_load %arg7[%get3A_149] {strides = array<i32>} : memref<3072xi32, #tpu.memory_space<vmem>>, vector<16xi32>,
    %add3A_151 = arith.constant 16384 : i32
    %add3A_152 = vector.broadcast %add3A_151 : i32 to vector<16xi32>
    %add3A_153 = arith.addi %get3A_150, %add3A_152 : vector<16xi32>
    %get3A_154 = arith.constant 128 : index
    %get3A_155 = tpu.vector_load %arg8[%get3A_154] {strides = array<i32>} : memref<3072xf32, #tpu.memory_space<vmem>>, vector<16xf32>,
    tpu.vector_store_idx %arg5[%add3A_153], %get3A_155 : memref<32768xf32, #tpu.memory_space<vmem>>[vector<16xi32>], vector<16xf32>,
    %get3A_156 = arith.constant 144 : index
    %get3A_157 = tpu.vector_load %arg7[%get3A_156] {strides = array<i32>} : memref<3072xi32, #tpu.memory_space<vmem>>, vector<16xi32>,
    %add3A_158 = arith.constant 18432 : i32
    %add3A_159 = vector.broadcast %add3A_158 : i32 to vector<16xi32>
    %add3A_160 = arith.addi %get3A_157, %add3A_159 : vector<16xi32>
    %get3A_161 = arith.constant 144 : index
    %get3A_162 = tpu.vector_load %arg8[%get3A_161] {strides = array<i32>} : memref<3072xf32, #tpu.memory_space<vmem>>, vector<16xf32>,
    tpu.vector_store_idx %arg5[%add3A_160], %get3A_162 : memref<32768xf32, #tpu.memory_space<vmem>>[vector<16xi32>], vector<16xf32>,
    %get3A_163 = arith.constant 160 : index
    %get3A_164 = tpu.vector_load %arg7[%get3A_163] {strides = array<i32>} : memref<3072xi32, #tpu.memory_space<vmem>>, vector<16xi32>,
    %add3A_165 = arith.constant 20480 : i32
    %add3A_166 = vector.broadcast %add3A_165 : i32 to vector<16xi32>
    %add3A_167 = arith.addi %get3A_164, %add3A_166 : vector<16xi32>
    %get3A_168 = arith.constant 160 : index
    %get3A_169 = tpu.vector_load %arg8[%get3A_168] {strides = array<i32>} : memref<3072xf32, #tpu.memory_space<vmem>>, vector<16xf32>,
    tpu.vector_store_idx %arg5[%add3A_167], %get3A_169 : memref<32768xf32, #tpu.memory_space<vmem>>[vector<16xi32>], vector<16xf32>,
    %get3A_170 = arith.constant 176 : index
    %get3A_171 = tpu.vector_load %arg7[%get3A_170] {strides = array<i32>} : memref<3072xi32, #tpu.memory_space<vmem>>, vector<16xi32>,
    %add3A_172 = arith.constant 22528 : i32
    %add3A_173 = vector.broadcast %add3A_172 : i32 to vector<16xi32>
    %add3A_174 = arith.addi %get3A_171, %add3A_173 : vector<16xi32>
    %get3A_175 = arith.constant 176 : index
    %get3A_176 = tpu.vector_load %arg8[%get3A_175] {strides = array<i32>} : memref<3072xf32, #tpu.memory_space<vmem>>, vector<16xf32>,
    tpu.vector_store_idx %arg5[%add3A_174], %get3A_176 : memref<32768xf32, #tpu.memory_space<vmem>>[vector<16xi32>], vector<16xf32>,
    %get3A_177 = arith.constant 192 : index
    %get3A_178 = tpu.vector_load %arg7[%get3A_177] {strides = array<i32>} : memref<3072xi32, #tpu.memory_space<vmem>>, vector<16xi32>,
    %add3A_179 = arith.constant 24576 : i32
    %add3A_180 = vector.broadcast %add3A_179 : i32 to vector<16xi32>
    %add3A_181 = arith.addi %get3A_178, %add3A_180 : vector<16xi32>
    %get3A_182 = arith.constant 192 : index
    %get3A_183 = tpu.vector_load %arg8[%get3A_182] {strides = array<i32>} : memref<3072xf32, #tpu.memory_space<vmem>>, vector<16xf32>,
    tpu.vector_store_idx %arg5[%add3A_181], %get3A_183 : memref<32768xf32, #tpu.memory_space<vmem>>[vector<16xi32>], vector<16xf32>,
    %get3A_184 = arith.constant 208 : index
    %get3A_185 = tpu.vector_load %arg7[%get3A_184] {strides = array<i32>} : memref<3072xi32, #tpu.memory_space<vmem>>, vector<16xi32>,
    %add3A_186 = arith.constant 26624 : i32
    %add3A_187 = vector.broadcast %add3A_186 : i32 to vector<16xi32>
    %add3A_188 = arith.addi %get3A_185, %add3A_187 : vector<16xi32>
    %get3A_189 = arith.constant 208 : index
    %get3A_190 = tpu.vector_load %arg8[%get3A_189] {strides = array<i32>} : memref<3072xf32, #tpu.memory_space<vmem>>, vector<16xf32>,
    tpu.vector_store_idx %arg5[%add3A_188], %get3A_190 : memref<32768xf32, #tpu.memory_space<vmem>>[vector<16xi32>], vector<16xf32>,
    %get3A_191 = arith.constant 224 : index
    %get3A_192 = tpu.vector_load %arg7[%get3A_191] {strides = array<i32>} : memref<3072xi32, #tpu.memory_space<vmem>>, vector<16xi32>,
    %add3A_193 = arith.constant 28672 : i32
    %add3A_194 = vector.broadcast %add3A_193 : i32 to vector<16xi32>
    %add3A_195 = arith.addi %get3A_192, %add3A_194 : vector<16xi32>
    %get3A_196 = arith.constant 224 : index
    %get3A_197 = tpu.vector_load %arg8[%get3A_196] {strides = array<i32>} : memref<3072xf32, #tpu.memory_space<vmem>>, vector<16xf32>,
    tpu.vector_store_idx %arg5[%add3A_195], %get3A_197 : memref<32768xf32, #tpu.memory_space<vmem>>[vector<16xi32>], vector<16xf32>,
    %get3A_198 = arith.constant 240 : index
    %get3A_199 = tpu.vector_load %arg7[%get3A_198] {strides = array<i32>} : memref<3072xi32, #tpu.memory_space<vmem>>, vector<16xi32>,
    %add3A_200 = arith.constant 30720 : i32
    %add3A_201 = vector.broadcast %add3A_200 : i32 to vector<16xi32>
    %add3A_202 = arith.addi %get3A_199, %add3A_201 : vector<16xi32>
    %get3A_203 = arith.constant 240 : index
    %get3A_204 = tpu.vector_load %arg8[%get3A_203] {strides = array<i32>} : memref<3072xf32, #tpu.memory_space<vmem>>, vector<16xf32>,
    tpu.vector_store_idx %arg5[%add3A_202], %get3A_204 : memref<32768xf32, #tpu.memory_space<vmem>>[vector<16xi32>], vector<16xf32>,
    %mul3A_205 = arith.constant 64 : i32
    %mul3A_206 = arith.muli %add3A, %mul3A_205 : i32
    %add3A_207 = arith.constant 0 : i32
    %add3A_208 = arith.addi %add3A_207, %mul3A_206 : i32
    %add3A_209 = arith.constant 0 : i32
    %add3A_210 = arith.addi %add3A_208, %add3A_209 : i32
    %mul3A_211 = arith.constant 2048 : i32
    %mul3A_212 = arith.muli %add3A_210, %mul3A_211 : i32
    %dma_start3A_213 = tpu.memref_slice %arg4[%mul3A_212] : memref<12582912xf32, #tpu.memory_space<hbm>> -> memref<32768xf32, #tpu.memory_space<hbm>>
    %dma_start3A_214 = tpu.memref_slice %arg4[%mul3A_212] : memref<12582912xf32, #tpu.memory_space<hbm>> -> memref<32768xf32, #tpu.memory_space<hbm>>
    tpu.enqueue_dma source(%arg5 : memref<32768xf32, #tpu.memory_space<vmem>>) target(%dma_start3A_214 : memref<32768xf32, #tpu.memory_space<hbm>>) target_semaphore(%arg9 : memref<!tpu.dma_semaphore, #tpu.memory_space<semaphore_mem>>)
    %get3A_215 = arith.constant 256 : index
    %get3A_216 = tpu.vector_load %arg7[%get3A_215] {strides = array<i32>} : memref<3072xi32, #tpu.memory_space<vmem>>, vector<16xi32>,
    %add3A_217 = arith.constant 0 : i32
    %add3A_218 = vector.broadcast %add3A_217 : i32 to vector<16xi32>
    %add3A_219 = arith.addi %get3A_216, %add3A_218 : vector<16xi32>
    %get3A_220 = arith.constant 256 : index
    %get3A_221 = tpu.vector_load %arg8[%get3A_220] {strides = array<i32>} : memref<3072xf32, #tpu.memory_space<vmem>>, vector<16xf32>,
    tpu.vector_store_idx %arg6[%add3A_219], %get3A_221 : memref<32768xf32, #tpu.memory_space<vmem>>[vector<16xi32>], vector<16xf32>,
    %get3A_222 = arith.constant 272 : index
    %get3A_223 = tpu.vector_load %arg7[%get3A_222] {strides = array<i32>} : memref<3072xi32, #tpu.memory_space<vmem>>, vector<16xi32>,
    %add3A_224 = arith.constant 2048 : i32
    %add3A_225 = vector.broadcast %add3A_224 : i32 to vector<16xi32>
    %add3A_226 = arith.addi %get3A_223, %add3A_225 : vector<16xi32>
    %get3A_227 = arith.constant 272 : index
    %get3A_228 = tpu.vector_load %arg8[%get3A_227] {strides = array<i32>} : memref<3072xf32, #tpu.memory_space<vmem>>, vector<16xf32>,
    tpu.vector_store_idx %arg6[%add3A_226], %get3A_228 : memref<32768xf32, #tpu.memory_space<vmem>>[vector<16xi32>], vector<16xf32>,
    %get3A_229 = arith.constant 288 : index
    %get3A_230 = tpu.vector_load %arg7[%get3A_229] {strides = array<i32>} : memref<3072xi32, #tpu.memory_space<vmem>>, vector<16xi32>,
    %add3A_231 = arith.constant 4096 : i32
    %add3A_232 = vector.broadcast %add3A_231 : i32 to vector<16xi32>
    %add3A_233 = arith.addi %get3A_230, %add3A_232 : vector<16xi32>
    %get3A_234 = arith.constant 288 : index
    %get3A_235 = tpu.vector_load %arg8[%get3A_234] {strides = array<i32>} : memref<3072xf32, #tpu.memory_space<vmem>>, vector<16xf32>,
    tpu.vector_store_idx %arg6[%add3A_233], %get3A_235 : memref<32768xf32, #tpu.memory_space<vmem>>[vector<16xi32>], vector<16xf32>,
    %get3A_236 = arith.constant 304 : index
    %get3A_237 = tpu.vector_load %arg7[%get3A_236] {strides = array<i32>} : memref<3072xi32, #tpu.memory_space<vmem>>, vector<16xi32>,
    %add3A_238 = arith.constant 6144 : i32
    %add3A_239 = vector.broadcast %add3A_238 : i32 to vector<16xi32>
    %add3A_240 = arith.addi %get3A_237, %add3A_239 : vector<16xi32>
    %get3A_241 = arith.constant 304 : index
    %get3A_242 = tpu.vector_load %arg8[%get3A_241] {strides = array<i32>} : memref<3072xf32, #tpu.memory_space<vmem>>, vector<16xf32>,
    tpu.vector_store_idx %arg6[%add3A_240], %get3A_242 : memref<32768xf32, #tpu.memory_space<vmem>>[vector<16xi32>], vector<16xf32>,
    %get3A_243 = arith.constant 320 : index
    %get3A_244 = tpu.vector_load %arg7[%get3A_243] {strides = array<i32>} : memref<3072xi32, #tpu.memory_space<vmem>>, vector<16xi32>,
    %add3A_245 = arith.constant 8192 : i32
    %add3A_246 = vector.broadcast %add3A_245 : i32 to vector<16xi32>
    %add3A_247 = arith.addi %get3A_244, %add3A_246 : vector<16xi32>
    %get3A_248 = arith.constant 320 : index
    %get3A_249 = tpu.vector_load %arg8[%get3A_248] {strides = array<i32>} : memref<3072xf32, #tpu.memory_space<vmem>>, vector<16xf32>,
    tpu.vector_store_idx %arg6[%add3A_247], %get3A_249 : memref<32768xf32, #tpu.memory_space<vmem>>[vector<16xi32>], vector<16xf32>,
    %get3A_250 = arith.constant 336 : index
    %get3A_251 = tpu.vector_load %arg7[%get3A_250] {strides = array<i32>} : memref<3072xi32, #tpu.memory_space<vmem>>, vector<16xi32>,
    %add3A_252 = arith.constant 10240 : i32
    %add3A_253 = vector.broadcast %add3A_252 : i32 to vector<16xi32>
    %add3A_254 = arith.addi %get3A_251, %add3A_253 : vector<16xi32>
    %get3A_255 = arith.constant 336 : index
    %get3A_256 = tpu.vector_load %arg8[%get3A_255] {strides = array<i32>} : memref<3072xf32, #tpu.memory_space<vmem>>, vector<16xf32>,
    tpu.vector_store_idx %arg6[%add3A_254], %get3A_256 : memref<32768xf32, #tpu.memory_space<vmem>>[vector<16xi32>], vector<16xf32>,
    %get3A_257 = arith.constant 352 : index
    %get3A_258 = tpu.vector_load %arg7[%get3A_257] {strides = array<i32>} : memref<3072xi32, #tpu.memory_space<vmem>>, vector<16xi32>,
    %add3A_259 = arith.constant 12288 : i32
    %add3A_260 = vector.broadcast %add3A_259 : i32 to vector<16xi32>
    %add3A_261 = arith.addi %get3A_258, %add3A_260 : vector<16xi32>
    %get3A_262 = arith.constant 352 : index
    %get3A_263 = tpu.vector_load %arg8[%get3A_262] {strides = array<i32>} : memref<3072xf32, #tpu.memory_space<vmem>>, vector<16xf32>,
    tpu.vector_store_idx %arg6[%add3A_261], %get3A_263 : memref<32768xf32, #tpu.memory_space<vmem>>[vector<16xi32>], vector<16xf32>,
    %get3A_264 = arith.constant 368 : index
    %get3A_265 = tpu.vector_load %arg7[%get3A_264] {strides = array<i32>} : memref<3072xi32, #tpu.memory_space<vmem>>, vector<16xi32>,
    %add3A_266 = arith.constant 14336 : i32
    %add3A_267 = vector.broadcast %add3A_266 : i32 to vector<16xi32>
    %add3A_268 = arith.addi %get3A_265, %add3A_267 : vector<16xi32>
    %get3A_269 = arith.constant 368 : index
    %get3A_270 = tpu.vector_load %arg8[%get3A_269] {strides = array<i32>} : memref<3072xf32, #tpu.memory_space<vmem>>, vector<16xf32>,
    tpu.vector_store_idx %arg6[%add3A_268], %get3A_270 : memref<32768xf32, #tpu.memory_space<vmem>>[vector<16xi32>], vector<16xf32>,
    %get3A_271 = arith.constant 384 : index
    %get3A_272 = tpu.vector_load %arg7[%get3A_271] {strides = array<i32>} : memref<3072xi32, #tpu.memory_space<vmem>>, vector<16xi32>,
    %add3A_273 = arith.constant 16384 : i32
    %add3A_274 = vector.broadcast %add3A_273 : i32 to vector<16xi32>
    %add3A_275 = arith.addi %get3A_272, %add3A_274 : vector<16xi32>
    %get3A_276 = arith.constant 384 : index
    %get3A_277 = tpu.vector_load %arg8[%get3A_276] {strides = array<i32>} : memref<3072xf32, #tpu.memory_space<vmem>>, vector<16xf32>,
    tpu.vector_store_idx %arg6[%add3A_275], %get3A_277 : memref<32768xf32, #tpu.memory_space<vmem>>[vector<16xi32>], vector<16xf32>,
    %get3A_278 = arith.constant 400 : index
    %get3A_279 = tpu.vector_load %arg7[%get3A_278] {strides = array<i32>} : memref<3072xi32, #tpu.memory_space<vmem>>, vector<16xi32>,
    %add3A_280 = arith.constant 18432 : i32
    %add3A_281 = vector.broadcast %add3A_280 : i32 to vector<16xi32>
    %add3A_282 = arith.addi %get3A_279, %add3A_281 : vector<16xi32>
    %get3A_283 = arith.constant 400 : index
    %get3A_284 = tpu.vector_load %arg8[%get3A_283] {strides = array<i32>} : memref<3072xf32, #tpu.memory_space<vmem>>, vector<16xf32>,
    tpu.vector_store_idx %arg6[%add3A_282], %get3A_284 : memref<32768xf32, #tpu.memory_space<vmem>>[vector<16xi32>], vector<16xf32>,
    %get3A_285 = arith.constant 416 : index
    %get3A_286 = tpu.vector_load %arg7[%get3A_285] {strides = array<i32>} : memref<3072xi32, #tpu.memory_space<vmem>>, vector<16xi32>,
    %add3A_287 = arith.constant 20480 : i32
    %add3A_288 = vector.broadcast %add3A_287 : i32 to vector<16xi32>
    %add3A_289 = arith.addi %get3A_286, %add3A_288 : vector<16xi32>
    %get3A_290 = arith.constant 416 : index
    %get3A_291 = tpu.vector_load %arg8[%get3A_290] {strides = array<i32>} : memref<3072xf32, #tpu.memory_space<vmem>>, vector<16xf32>,
    tpu.vector_store_idx %arg6[%add3A_289], %get3A_291 : memref<32768xf32, #tpu.memory_space<vmem>>[vector<16xi32>], vector<16xf32>,
    %get3A_292 = arith.constant 432 : index
    %get3A_293 = tpu.vector_load %arg7[%get3A_292] {strides = array<i32>} : memref<3072xi32, #tpu.memory_space<vmem>>, vector<16xi32>,
    %add3A_294 = arith.constant 22528 : i32
    %add3A_295 = vector.broadcast %add3A_294 : i32 to vector<16xi32>
    %add3A_296 = arith.addi %get3A_293, %add3A_295 : vector<16xi32>
    %get3A_297 = arith.constant 432 : index
    %get3A_298 = tpu.vector_load %arg8[%get3A_297] {strides = array<i32>} : memref<3072xf32, #tpu.memory_space<vmem>>, vector<16xf32>,
    tpu.vector_store_idx %arg6[%add3A_296], %get3A_298 : memref<32768xf32, #tpu.memory_space<vmem>>[vector<16xi32>], vector<16xf32>,
    %get3A_299 = arith.constant 448 : index
    %get3A_300 = tpu.vector_load %arg7[%get3A_299] {strides = array<i32>} : memref<3072xi32, #tpu.memory_space<vmem>>, vector<16xi32>,
    %add3A_301 = arith.constant 24576 : i32
    %add3A_302 = vector.broadcast %add3A_301 : i32 to vector<16xi32>
    %add3A_303 = arith.addi %get3A_300, %add3A_302 : vector<16xi32>
    %get3A_304 = arith.constant 448 : index
    %get3A_305 = tpu.vector_load %arg8[%get3A_304] {strides = array<i32>} : memref<3072xf32, #tpu.memory_space<vmem>>, vector<16xf32>,
    tpu.vector_store_idx %arg6[%add3A_303], %get3A_305 : memref<32768xf32, #tpu.memory_space<vmem>>[vector<16xi32>], vector<16xf32>,
    %get3A_306 = arith.constant 464 : index
    %get3A_307 = tpu.vector_load %arg7[%get3A_306] {strides = array<i32>} : memref<3072xi32, #tpu.memory_space<vmem>>, vector<16xi32>,
    %add3A_308 = arith.constant 26624 : i32
    %add3A_309 = vector.broadcast %add3A_308 : i32 to vector<16xi32>
    %add3A_310 = arith.addi %get3A_307, %add3A_309 : vector<16xi32>
    %get3A_311 = arith.constant 464 : index
    %get3A_312 = tpu.vector_load %arg8[%get3A_311] {strides = array<i32>} : memref<3072xf32, #tpu.memory_space<vmem>>, vector<16xf32>,
    tpu.vector_store_idx %arg6[%add3A_310], %get3A_312 : memref<32768xf32, #tpu.memory_space<vmem>>[vector<16xi32>], vector<16xf32>,
    %get3A_313 = arith.constant 480 : index
    %get3A_314 = tpu.vector_load %arg7[%get3A_313] {strides = array<i32>} : memref<3072xi32, #tpu.memory_space<vmem>>, vector<16xi32>,
    %add3A_315 = arith.constant 28672 : i32
    %add3A_316 = vector.broadcast %add3A_315 : i32 to vector<16xi32>
    %add3A_317 = arith.addi %get3A_314, %add3A_316 : vector<16xi32>
    %get3A_318 = arith.constant 480 : index
    %get3A_319 = tpu.vector_load %arg8[%get3A_318] {strides = array<i32>} : memref<3072xf32, #tpu.memory_space<vmem>>, vector<16xf32>,
    tpu.vector_store_idx %arg6[%add3A_317], %get3A_319 : memref<32768xf32, #tpu.memory_space<vmem>>[vector<16xi32>], vector<16xf32>,
    %get3A_320 = arith.constant 496 : index
    %get3A_321 = tpu.vector_load %arg7[%get3A_320] {strides = array<i32>} : memref<3072xi32, #tpu.memory_space<vmem>>, vector<16xi32>,
    %add3A_322 = arith.constant 30720 : i32
    %add3A_323 = vector.broadcast %add3A_322 : i32 to vector<16xi32>
    %add3A_324 = arith.addi %get3A_321, %add3A_323 : vector<16xi32>
    %get3A_325 = arith.constant 496 : index
    %get3A_326 = tpu.vector_load %arg8[%get3A_325] {strides = array<i32>} : memref<3072xf32, #tpu.memory_space<vmem>>, vector<16xf32>,
    tpu.vector_store_idx %arg6[%add3A_324], %get3A_326 : memref<32768xf32, #tpu.memory_space<vmem>>[vector<16xi32>], vector<16xf32>,
    %mul3A_327 = arith.constant 64 : i32
    %mul3A_328 = arith.muli %add3A, %mul3A_327 : i32
    %add3A_329 = arith.constant 0 : i32
    %add3A_330 = arith.addi %add3A_329, %mul3A_328 : i32
    %add3A_331 = arith.constant 16 : i32
    %add3A_332 = arith.addi %add3A_330, %add3A_331 : i32
    %mul3A_333 = arith.constant 2048 : i32
    %mul3A_334 = arith.muli %add3A_332, %mul3A_333 : i32
    %dma_start3A_335 = tpu.memref_slice %arg4[%mul3A_334] : memref<12582912xf32, #tpu.memory_space<hbm>> -> memref<32768xf32, #tpu.memory_space<hbm>>
    %dma_start3A_336 = tpu.memref_slice %arg4[%mul3A_334] : memref<12582912xf32, #tpu.memory_space<hbm>> -> memref<32768xf32, #tpu.memory_space<hbm>>
    tpu.enqueue_dma source(%arg6 : memref<32768xf32, #tpu.memory_space<vmem>>) target(%dma_start3A_336 : memref<32768xf32, #tpu.memory_space<hbm>>) target_semaphore(%arg10 : memref<!tpu.dma_semaphore, #tpu.memory_space<semaphore_mem>>)
    %mul3A_337 = arith.constant 64 : i32
    %mul3A_338 = arith.muli %add3A, %mul3A_337 : i32
    %add3A_339 = arith.constant 0 : i32
    %add3A_340 = arith.addi %add3A_339, %mul3A_338 : i32
    %add3A_341 = arith.constant 0 : i32
    %add3A_342 = arith.addi %add3A_340, %add3A_341 : i32
    %mul3A_343 = arith.constant 2048 : i32
    %mul3A_344 = arith.muli %add3A_342, %mul3A_343 : i32
    %dma_wait3A_345 = tpu.memref_slice %arg4[%mul3A_344] : memref<12582912xf32, #tpu.memory_space<hbm>> -> memref<32768xf32, #tpu.memory_space<hbm>>
    %dma_wait3A_346 = tpu.memref_slice %arg4[%mul3A_344] : memref<12582912xf32, #tpu.memory_space<hbm>> -> memref<32768xf32, #tpu.memory_space<hbm>>
    tpu.wait_dma2 semaphore(%arg9 : memref<!tpu.dma_semaphore, #tpu.memory_space<semaphore_mem>>) src(%arg5 : memref<32768xf32, #tpu.memory_space<vmem>>) dst(%dma_wait3A_346 : memref<32768xf32, #tpu.memory_space<hbm>>)
    %get3A_347 = arith.constant 0 : index
    %get3A_348 = tpu.vector_load %arg7[%get3A_347] {strides = array<i32>} : memref<3072xi32, #tpu.memory_space<vmem>>, vector<16xi32>,
    %add3A_349 = arith.constant 0 : i32
    %add3A_350 = vector.broadcast %add3A_349 : i32 to vector<16xi32>
    %add3A_351 = arith.addi %get3A_348, %add3A_350 : vector<16xi32>
    tpu.vector_store_idx %arg5[%add3A_351], %broadcast_in_dim3A_93 : memref<32768xf32, #tpu.memory_space<vmem>>[vector<16xi32>], vector<16xf32>,
    %get3A_352 = arith.constant 16 : index
    %get3A_353 = tpu.vector_load %arg7[%get3A_352] {strides = array<i32>} : memref<3072xi32, #tpu.memory_space<vmem>>, vector<16xi32>,
    %add3A_354 = arith.constant 2048 : i32
    %add3A_355 = vector.broadcast %add3A_354 : i32 to vector<16xi32>
    %add3A_356 = arith.addi %get3A_353, %add3A_355 : vector<16xi32>
    tpu.vector_store_idx %arg5[%add3A_356], %broadcast_in_dim3A_93 : memref<32768xf32, #tpu.memory_space<vmem>>[vector<16xi32>], vector<16xf32>,
    %get3A_357 = arith.constant 32 : index
    %get3A_358 = tpu.vector_load %arg7[%get3A_357] {strides = array<i32>} : memref<3072xi32, #tpu.memory_space<vmem>>, vector<16xi32>,
    %add3A_359 = arith.constant 4096 : i32
    %add3A_360 = vector.broadcast %add3A_359 : i32 to vector<16xi32>
    %add3A_361 = arith.addi %get3A_358, %add3A_360 : vector<16xi32>
    tpu.vector_store_idx %arg5[%add3A_361], %broadcast_in_dim3A_93 : memref<32768xf32, #tpu.memory_space<vmem>>[vector<16xi32>], vector<16xf32>,
    %get3A_362 = arith.constant 48 : index
    %get3A_363 = tpu.vector_load %arg7[%get3A_362] {strides = array<i32>} : memref<3072xi32, #tpu.memory_space<vmem>>, vector<16xi32>,
    %add3A_364 = arith.constant 6144 : i32
    %add3A_365 = vector.broadcast %add3A_364 : i32 to vector<16xi32>
    %add3A_366 = arith.addi %get3A_363, %add3A_365 : vector<16xi32>
    tpu.vector_store_idx %arg5[%add3A_366], %broadcast_in_dim3A_93 : memref<32768xf32, #tpu.memory_space<vmem>>[vector<16xi32>], vector<16xf32>,
    %get3A_367 = arith.constant 64 : index
    %get3A_368 = tpu.vector_load %arg7[%get3A_367] {strides = array<i32>} : memref<3072xi32, #tpu.memory_space<vmem>>, vector<16xi32>,
    %add3A_369 = arith.constant 8192 : i32
    %add3A_370 = vector.broadcast %add3A_369 : i32 to vector<16xi32>
    %add3A_371 = arith.addi %get3A_368, %add3A_370 : vector<16xi32>
    tpu.vector_store_idx %arg5[%add3A_371], %broadcast_in_dim3A_93 : memref<32768xf32, #tpu.memory_space<vmem>>[vector<16xi32>], vector<16xf32>,
    %get3A_372 = arith.constant 80 : index
    %get3A_373 = tpu.vector_load %arg7[%get3A_372] {strides = array<i32>} : memref<3072xi32, #tpu.memory_space<vmem>>, vector<16xi32>,
    %add3A_374 = arith.constant 10240 : i32
    %add3A_375 = vector.broadcast %add3A_374 : i32 to vector<16xi32>
    %add3A_376 = arith.addi %get3A_373, %add3A_375 : vector<16xi32>
    tpu.vector_store_idx %arg5[%add3A_376], %broadcast_in_dim3A_93 : memref<32768xf32, #tpu.memory_space<vmem>>[vector<16xi32>], vector<16xf32>,
    %get3A_377 = arith.constant 96 : index
    %get3A_378 = tpu.vector_load %arg7[%get3A_377] {strides = array<i32>} : memref<3072xi32, #tpu.memory_space<vmem>>, vector<16xi32>,
    %add3A_379 = arith.constant 12288 : i32
    %add3A_380 = vector.broadcast %add3A_379 : i32 to vector<16xi32>
    %add3A_381 = arith.addi %get3A_378, %add3A_380 : vector<16xi32>
    tpu.vector_store_idx %arg5[%add3A_381], %broadcast_in_dim3A_93 : memref<32768xf32, #tpu.memory_space<vmem>>[vector<16xi32>], vector<16xf32>,
    %get3A_382 = arith.constant 112 : index
    %get3A_383 = tpu.vector_load %arg7[%get3A_382] {strides = array<i32>} : memref<3072xi32, #tpu.memory_space<vmem>>, vector<16xi32>,
    %add3A_384 = arith.constant 14336 : i32
    %add3A_385 = vector.broadcast %add3A_384 : i32 to vector<16xi32>
    %add3A_386 = arith.addi %get3A_383, %add3A_385 : vector<16xi32>
    tpu.vector_store_idx %arg5[%add3A_386], %broadcast_in_dim3A_93 : memref<32768xf32, #tpu.memory_space<vmem>>[vector<16xi32>], vector<16xf32>,
    %get3A_387 = arith.constant 128 : index
    %get3A_388 = tpu.vector_load %arg7[%get3A_387] {strides = array<i32>} : memref<3072xi32, #tpu.memory_space<vmem>>, vector<16xi32>,
    %add3A_389 = arith.constant 16384 : i32
    %add3A_390 = vector.broadcast %add3A_389 : i32 to vector<16xi32>
    %add3A_391 = arith.addi %get3A_388, %add3A_390 : vector<16xi32>
    tpu.vector_store_idx %arg5[%add3A_391], %broadcast_in_dim3A_93 : memref<32768xf32, #tpu.memory_space<vmem>>[vector<16xi32>], vector<16xf32>,
    %get3A_392 = arith.constant 144 : index
    %get3A_393 = tpu.vector_load %arg7[%get3A_392] {strides = array<i32>} : memref<3072xi32, #tpu.memory_space<vmem>>, vector<16xi32>,
    %add3A_394 = arith.constant 18432 : i32
    %add3A_395 = vector.broadcast %add3A_394 : i32 to vector<16xi32>
    %add3A_396 = arith.addi %get3A_393, %add3A_395 : vector<16xi32>
    tpu.vector_store_idx %arg5[%add3A_396], %broadcast_in_dim3A_93 : memref<32768xf32, #tpu.memory_space<vmem>>[vector<16xi32>], vector<16xf32>,
    %get3A_397 = arith.constant 160 : index
    %get3A_398 = tpu.vector_load %arg7[%get3A_397] {strides = array<i32>} : memref<3072xi32, #tpu.memory_space<vmem>>, vector<16xi32>,
    %add3A_399 = arith.constant 20480 : i32
    %add3A_400 = vector.broadcast %add3A_399 : i32 to vector<16xi32>
    %add3A_401 = arith.addi %get3A_398, %add3A_400 : vector<16xi32>
    tpu.vector_store_idx %arg5[%add3A_401], %broadcast_in_dim3A_93 : memref<32768xf32, #tpu.memory_space<vmem>>[vector<16xi32>], vector<16xf32>,
    %get3A_402 = arith.constant 176 : index
    %get3A_403 = tpu.vector_load %arg7[%get3A_402] {strides = array<i32>} : memref<3072xi32, #tpu.memory_space<vmem>>, vector<16xi32>,
    %add3A_404 = arith.constant 22528 : i32
    %add3A_405 = vector.broadcast %add3A_404 : i32 to vector<16xi32>
    %add3A_406 = arith.addi %get3A_403, %add3A_405 : vector<16xi32>
    tpu.vector_store_idx %arg5[%add3A_406], %broadcast_in_dim3A_93 : memref<32768xf32, #tpu.memory_space<vmem>>[vector<16xi32>], vector<16xf32>,
    %get3A_407 = arith.constant 192 : index
    %get3A_408 = tpu.vector_load %arg7[%get3A_407] {strides = array<i32>} : memref<3072xi32, #tpu.memory_space<vmem>>, vector<16xi32>,
    %add3A_409 = arith.constant 24576 : i32
    %add3A_410 = vector.broadcast %add3A_409 : i32 to vector<16xi32>
    %add3A_411 = arith.addi %get3A_408, %add3A_410 : vector<16xi32>
    tpu.vector_store_idx %arg5[%add3A_411], %broadcast_in_dim3A_93 : memref<32768xf32, #tpu.memory_space<vmem>>[vector<16xi32>], vector<16xf32>,
    %get3A_412 = arith.constant 208 : index
    %get3A_413 = tpu.vector_load %arg7[%get3A_412] {strides = array<i32>} : memref<3072xi32, #tpu.memory_space<vmem>>, vector<16xi32>,
    %add3A_414 = arith.constant 26624 : i32
    %add3A_415 = vector.broadcast %add3A_414 : i32 to vector<16xi32>
    %add3A_416 = arith.addi %get3A_413, %add3A_415 : vector<16xi32>
    tpu.vector_store_idx %arg5[%add3A_416], %broadcast_in_dim3A_93 : memref<32768xf32, #tpu.memory_space<vmem>>[vector<16xi32>], vector<16xf32>,
    %get3A_417 = arith.constant 224 : index
    %get3A_418 = tpu.vector_load %arg7[%get3A_417] {strides = array<i32>} : memref<3072xi32, #tpu.memory_space<vmem>>, vector<16xi32>,
    %add3A_419 = arith.constant 28672 : i32
    %add3A_420 = vector.broadcast %add3A_419 : i32 to vector<16xi32>
    %add3A_421 = arith.addi %get3A_418, %add3A_420 : vector<16xi32>
    tpu.vector_store_idx %arg5[%add3A_421], %broadcast_in_dim3A_93 : memref<32768xf32, #tpu.memory_space<vmem>>[vector<16xi32>], vector<16xf32>,
    %get3A_422 = arith.constant 240 : index
    %get3A_423 = tpu.vector_load %arg7[%get3A_422] {strides = array<i32>} : memref<3072xi32, #tpu.memory_space<vmem>>, vector<16xi32>,
    %add3A_424 = arith.constant 30720 : i32
    %add3A_425 = vector.broadcast %add3A_424 : i32 to vector<16xi32>
    %add3A_426 = arith.addi %get3A_423, %add3A_425 : vector<16xi32>
    tpu.vector_store_idx %arg5[%add3A_426], %broadcast_in_dim3A_93 : memref<32768xf32, #tpu.memory_space<vmem>>[vector<16xi32>], vector<16xf32>,
    %get3A_427 = arith.constant 512 : index
    %get3A_428 = tpu.vector_load %arg7[%get3A_427] {strides = array<i32>} : memref<3072xi32, #tpu.memory_space<vmem>>, vector<16xi32>,
    %add3A_429 = arith.constant 0 : i32
    %add3A_430 = vector.broadcast %add3A_429 : i32 to vector<16xi32>
    %add3A_431 = arith.addi %get3A_428, %add3A_430 : vector<16xi32>
    %get3A_432 = arith.constant 512 : index
    %get3A_433 = tpu.vector_load %arg8[%get3A_432] {strides = array<i32>} : memref<3072xf32, #tpu.memory_space<vmem>>, vector<16xf32>,
    tpu.vector_store_idx %arg5[%add3A_431], %get3A_433 : memref<32768xf32, #tpu.memory_space<vmem>>[vector<16xi32>], vector<16xf32>,
    %get3A_434 = arith.constant 528 : index
    %get3A_435 = tpu.vector_load %arg7[%get3A_434] {strides = array<i32>} : memref<3072xi32, #tpu.memory_space<vmem>>, vector<16xi32>,
    %add3A_436 = arith.constant 2048 : i32
    %add3A_437 = vector.broadcast %add3A_436 : i32 to vector<16xi32>
    %add3A_438 = arith.addi %get3A_435, %add3A_437 : vector<16xi32>
    %get3A_439 = arith.constant 528 : index
    %get3A_440 = tpu.vector_load %arg8[%get3A_439] {strides = array<i32>} : memref<3072xf32, #tpu.memory_space<vmem>>, vector<16xf32>,
    tpu.vector_store_idx %arg5[%add3A_438], %get3A_440 : memref<32768xf32, #tpu.memory_space<vmem>>[vector<16xi32>], vector<16xf32>,
    %get3A_441 = arith.constant 544 : index
    %get3A_442 = tpu.vector_load %arg7[%get3A_441] {strides = array<i32>} : memref<3072xi32, #tpu.memory_space<vmem>>, vector<16xi32>,
    %add3A_443 = arith.constant 4096 : i32
    %add3A_444 = vector.broadcast %add3A_443 : i32 to vector<16xi32>
    %add3A_445 = arith.addi %get3A_442, %add3A_444 : vector<16xi32>
    %get3A_446 = arith.constant 544 : index
    %get3A_447 = tpu.vector_load %arg8[%get3A_446] {strides = array<i32>} : memref<3072xf32, #tpu.memory_space<vmem>>, vector<16xf32>,
    tpu.vector_store_idx %arg5[%add3A_445], %get3A_447 : memref<32768xf32, #tpu.memory_space<vmem>>[vector<16xi32>], vector<16xf32>,
    %get3A_448 = arith.constant 560 : index
    %get3A_449 = tpu.vector_load %arg7[%get3A_448] {strides = array<i32>} : memref<3072xi32, #tpu.memory_space<vmem>>, vector<16xi32>,
    %add3A_450 = arith.constant 6144 : i32
    %add3A_451 = vector.broadcast %add3A_450 : i32 to vector<16xi32>
    %add3A_452 = arith.addi %get3A_449, %add3A_451 : vector<16xi32>
    %get3A_453 = arith.constant 560 : index
    %get3A_454 = tpu.vector_load %arg8[%get3A_453] {strides = array<i32>} : memref<3072xf32, #tpu.memory_space<vmem>>, vector<16xf32>,
    tpu.vector_store_idx %arg5[%add3A_452], %get3A_454 : memref<32768xf32, #tpu.memory_space<vmem>>[vector<16xi32>], vector<16xf32>,
    %get3A_455 = arith.constant 576 : index
    %get3A_456 = tpu.vector_load %arg7[%get3A_455] {strides = array<i32>} : memref<3072xi32, #tpu.memory_space<vmem>>, vector<16xi32>,
    %add3A_457 = arith.constant 8192 : i32
    %add3A_458 = vector.broadcast %add3A_457 : i32 to vector<16xi32>
    %add3A_459 = arith.addi %get3A_456, %add3A_458 : vector<16xi32>
    %get3A_460 = arith.constant 576 : index
    %get3A_461 = tpu.vector_load %arg8[%get3A_460] {strides = array<i32>} : memref<3072xf32, #tpu.memory_space<vmem>>, vector<16xf32>,
    tpu.vector_store_idx %arg5[%add3A_459], %get3A_461 : memref<32768xf32, #tpu.memory_space<vmem>>[vector<16xi32>], vector<16xf32>,
    %get3A_462 = arith.constant 592 : index
    %get3A_463 = tpu.vector_load %arg7[%get3A_462] {strides = array<i32>} : memref<3072xi32, #tpu.memory_space<vmem>>, vector<16xi32>,
    %add3A_464 = arith.constant 10240 : i32
    %add3A_465 = vector.broadcast %add3A_464 : i32 to vector<16xi32>
    %add3A_466 = arith.addi %get3A_463, %add3A_465 : vector<16xi32>
    %get3A_467 = arith.constant 592 : index
    %get3A_468 = tpu.vector_load %arg8[%get3A_467] {strides = array<i32>} : memref<3072xf32, #tpu.memory_space<vmem>>, vector<16xf32>,
    tpu.vector_store_idx %arg5[%add3A_466], %get3A_468 : memref<32768xf32, #tpu.memory_space<vmem>>[vector<16xi32>], vector<16xf32>,
    %get3A_469 = arith.constant 608 : index
    %get3A_470 = tpu.vector_load %arg7[%get3A_469] {strides = array<i32>} : memref<3072xi32, #tpu.memory_space<vmem>>, vector<16xi32>,
    %add3A_471 = arith.constant 12288 : i32
    %add3A_472 = vector.broadcast %add3A_471 : i32 to vector<16xi32>
    %add3A_473 = arith.addi %get3A_470, %add3A_472 : vector<16xi32>
    %get3A_474 = arith.constant 608 : index
    %get3A_475 = tpu.vector_load %arg8[%get3A_474] {strides = array<i32>} : memref<3072xf32, #tpu.memory_space<vmem>>, vector<16xf32>,
    tpu.vector_store_idx %arg5[%add3A_473], %get3A_475 : memref<32768xf32, #tpu.memory_space<vmem>>[vector<16xi32>], vector<16xf32>,
    %get3A_476 = arith.constant 624 : index
    %get3A_477 = tpu.vector_load %arg7[%get3A_476] {strides = array<i32>} : memref<3072xi32, #tpu.memory_space<vmem>>, vector<16xi32>,
    %add3A_478 = arith.constant 14336 : i32
    %add3A_479 = vector.broadcast %add3A_478 : i32 to vector<16xi32>
    %add3A_480 = arith.addi %get3A_477, %add3A_479 : vector<16xi32>
    %get3A_481 = arith.constant 624 : index
    %get3A_482 = tpu.vector_load %arg8[%get3A_481] {strides = array<i32>} : memref<3072xf32, #tpu.memory_space<vmem>>, vector<16xf32>,
    tpu.vector_store_idx %arg5[%add3A_480], %get3A_482 : memref<32768xf32, #tpu.memory_space<vmem>>[vector<16xi32>], vector<16xf32>,
    %get3A_483 = arith.constant 640 : index
    %get3A_484 = tpu.vector_load %arg7[%get3A_483] {strides = array<i32>} : memref<3072xi32, #tpu.memory_space<vmem>>, vector<16xi32>,
    %add3A_485 = arith.constant 16384 : i32
    %add3A_486 = vector.broadcast %add3A_485 : i32 to vector<16xi32>
    %add3A_487 = arith.addi %get3A_484, %add3A_486 : vector<16xi32>
    %get3A_488 = arith.constant 640 : index
    %get3A_489 = tpu.vector_load %arg8[%get3A_488] {strides = array<i32>} : memref<3072xf32, #tpu.memory_space<vmem>>, vector<16xf32>,
    tpu.vector_store_idx %arg5[%add3A_487], %get3A_489 : memref<32768xf32, #tpu.memory_space<vmem>>[vector<16xi32>], vector<16xf32>,
    %get3A_490 = arith.constant 656 : index
    %get3A_491 = tpu.vector_load %arg7[%get3A_490] {strides = array<i32>} : memref<3072xi32, #tpu.memory_space<vmem>>, vector<16xi32>,
    %add3A_492 = arith.constant 18432 : i32
    %add3A_493 = vector.broadcast %add3A_492 : i32 to vector<16xi32>
    %add3A_494 = arith.addi %get3A_491, %add3A_493 : vector<16xi32>
    %get3A_495 = arith.constant 656 : index
    %get3A_496 = tpu.vector_load %arg8[%get3A_495] {strides = array<i32>} : memref<3072xf32, #tpu.memory_space<vmem>>, vector<16xf32>,
    tpu.vector_store_idx %arg5[%add3A_494], %get3A_496 : memref<32768xf32, #tpu.memory_space<vmem>>[vector<16xi32>], vector<16xf32>,
    %get3A_497 = arith.constant 672 : index
    %get3A_498 = tpu.vector_load %arg7[%get3A_497] {strides = array<i32>} : memref<3072xi32, #tpu.memory_space<vmem>>, vector<16xi32>,
    %add3A_499 = arith.constant 20480 : i32
    %add3A_500 = vector.broadcast %add3A_499 : i32 to vector<16xi32>
    %add3A_501 = arith.addi %get3A_498, %add3A_500 : vector<16xi32>
    %get3A_502 = arith.constant 672 : index
    %get3A_503 = tpu.vector_load %arg8[%get3A_502] {strides = array<i32>} : memref<3072xf32, #tpu.memory_space<vmem>>, vector<16xf32>,
    tpu.vector_store_idx %arg5[%add3A_501], %get3A_503 : memref<32768xf32, #tpu.memory_space<vmem>>[vector<16xi32>], vector<16xf32>,
    %get3A_504 = arith.constant 688 : index
    %get3A_505 = tpu.vector_load %arg7[%get3A_504] {strides = array<i32>} : memref<3072xi32, #tpu.memory_space<vmem>>, vector<16xi32>,
    %add3A_506 = arith.constant 22528 : i32
    %add3A_507 = vector.broadcast %add3A_506 : i32 to vector<16xi32>
    %add3A_508 = arith.addi %get3A_505, %add3A_507 : vector<16xi32>
    %get3A_509 = arith.constant 688 : index
    %get3A_510 = tpu.vector_load %arg8[%get3A_509] {strides = array<i32>} : memref<3072xf32, #tpu.memory_space<vmem>>, vector<16xf32>,
    tpu.vector_store_idx %arg5[%add3A_508], %get3A_510 : memref<32768xf32, #tpu.memory_space<vmem>>[vector<16xi32>], vector<16xf32>,
    %get3A_511 = arith.constant 704 : index
    %get3A_512 = tpu.vector_load %arg7[%get3A_511] {strides = array<i32>} : memref<3072xi32, #tpu.memory_space<vmem>>, vector<16xi32>,
    %add3A_513 = arith.constant 24576 : i32
    %add3A_514 = vector.broadcast %add3A_513 : i32 to vector<16xi32>
    %add3A_515 = arith.addi %get3A_512, %add3A_514 : vector<16xi32>
    %get3A_516 = arith.constant 704 : index
    %get3A_517 = tpu.vector_load %arg8[%get3A_516] {strides = array<i32>} : memref<3072xf32, #tpu.memory_space<vmem>>, vector<16xf32>,
    tpu.vector_store_idx %arg5[%add3A_515], %get3A_517 : memref<32768xf32, #tpu.memory_space<vmem>>[vector<16xi32>], vector<16xf32>,
    %get3A_518 = arith.constant 720 : index
    %get3A_519 = tpu.vector_load %arg7[%get3A_518] {strides = array<i32>} : memref<3072xi32, #tpu.memory_space<vmem>>, vector<16xi32>,
    %add3A_520 = arith.constant 26624 : i32
    %add3A_521 = vector.broadcast %add3A_520 : i32 to vector<16xi32>
    %add3A_522 = arith.addi %get3A_519, %add3A_521 : vector<16xi32>
    %get3A_523 = arith.constant 720 : index
    %get3A_524 = tpu.vector_load %arg8[%get3A_523] {strides = array<i32>} : memref<3072xf32, #tpu.memory_space<vmem>>, vector<16xf32>,
    tpu.vector_store_idx %arg5[%add3A_522], %get3A_524 : memref<32768xf32, #tpu.memory_space<vmem>>[vector<16xi32>], vector<16xf32>,
    %get3A_525 = arith.constant 736 : index
    %get3A_526 = tpu.vector_load %arg7[%get3A_525] {strides = array<i32>} : memref<3072xi32, #tpu.memory_space<vmem>>, vector<16xi32>,
    %add3A_527 = arith.constant 28672 : i32
    %add3A_528 = vector.broadcast %add3A_527 : i32 to vector<16xi32>
    %add3A_529 = arith.addi %get3A_526, %add3A_528 : vector<16xi32>
    %get3A_530 = arith.constant 736 : index
    %get3A_531 = tpu.vector_load %arg8[%get3A_530] {strides = array<i32>} : memref<3072xf32, #tpu.memory_space<vmem>>, vector<16xf32>,
    tpu.vector_store_idx %arg5[%add3A_529], %get3A_531 : memref<32768xf32, #tpu.memory_space<vmem>>[vector<16xi32>], vector<16xf32>,
    %get3A_532 = arith.constant 752 : index
    %get3A_533 = tpu.vector_load %arg7[%get3A_532] {strides = array<i32>} : memref<3072xi32, #tpu.memory_space<vmem>>, vector<16xi32>,
    %add3A_534 = arith.constant 30720 : i32
    %add3A_535 = vector.broadcast %add3A_534 : i32 to vector<16xi32>
    %add3A_536 = arith.addi %get3A_533, %add3A_535 : vector<16xi32>
    %get3A_537 = arith.constant 752 : index
    %get3A_538 = tpu.vector_load %arg8[%get3A_537] {strides = array<i32>} : memref<3072xf32, #tpu.memory_space<vmem>>, vector<16xf32>,
    tpu.vector_store_idx %arg5[%add3A_536], %get3A_538 : memref<32768xf32, #tpu.memory_space<vmem>>[vector<16xi32>], vector<16xf32>,
    %mul3A_539 = arith.constant 64 : i32
    %mul3A_540 = arith.muli %add3A, %mul3A_539 : i32
    %add3A_541 = arith.constant 0 : i32
    %add3A_542 = arith.addi %add3A_541, %mul3A_540 : i32
    %add3A_543 = arith.constant 32 : i32
    %add3A_544 = arith.addi %add3A_542, %add3A_543 : i32
    %mul3A_545 = arith.constant 2048 : i32
    %mul3A_546 = arith.muli %add3A_544, %mul3A_545 : i32
    %dma_start3A_547 = tpu.memref_slice %arg4[%mul3A_546] : memref<12582912xf32, #tpu.memory_space<hbm>> -> memref<32768xf32, #tpu.memory_space<hbm>>
    %dma_start3A_548 = tpu.memref_slice %arg4[%mul3A_546] : memref<12582912xf32, #tpu.memory_space<hbm>> -> memref<32768xf32, #tpu.memory_space<hbm>>
    tpu.enqueue_dma source(%arg5 : memref<32768xf32, #tpu.memory_space<vmem>>) target(%dma_start3A_548 : memref<32768xf32, #tpu.memory_space<hbm>>) target_semaphore(%arg9 : memref<!tpu.dma_semaphore, #tpu.memory_space<semaphore_mem>>)
    %mul3A_549 = arith.constant 64 : i32
    %mul3A_550 = arith.muli %add3A, %mul3A_549 : i32
    %add3A_551 = arith.constant 0 : i32
    %add3A_552 = arith.addi %add3A_551, %mul3A_550 : i32
    %add3A_553 = arith.constant 16 : i32
    %add3A_554 = arith.addi %add3A_552, %add3A_553 : i32
    %mul3A_555 = arith.constant 2048 : i32
    %mul3A_556 = arith.muli %add3A_554, %mul3A_555 : i32
    %dma_wait3A_557 = tpu.memref_slice %arg4[%mul3A_556] : memref<12582912xf32, #tpu.memory_space<hbm>> -> memref<32768xf32, #tpu.memory_space<hbm>>
    %dma_wait3A_558 = tpu.memref_slice %arg4[%mul3A_556] : memref<12582912xf32, #tpu.memory_space<hbm>> -> memref<32768xf32, #tpu.memory_space<hbm>>
    tpu.wait_dma2 semaphore(%arg10 : memref<!tpu.dma_semaphore, #tpu.memory_space<semaphore_mem>>) src(%arg6 : memref<32768xf32, #tpu.memory_space<vmem>>) dst(%dma_wait3A_558 : memref<32768xf32, #tpu.memory_space<hbm>>)
    %get3A_559 = arith.constant 256 : index
    %get3A_560 = tpu.vector_load %arg7[%get3A_559] {strides = array<i32>} : memref<3072xi32, #tpu.memory_space<vmem>>, vector<16xi32>,
    %add3A_561 = arith.constant 0 : i32
    %add3A_562 = vector.broadcast %add3A_561 : i32 to vector<16xi32>
    %add3A_563 = arith.addi %get3A_560, %add3A_562 : vector<16xi32>
    tpu.vector_store_idx %arg6[%add3A_563], %broadcast_in_dim3A_93 : memref<32768xf32, #tpu.memory_space<vmem>>[vector<16xi32>], vector<16xf32>,
    %get3A_564 = arith.constant 272 : index
    %get3A_565 = tpu.vector_load %arg7[%get3A_564] {strides = array<i32>} : memref<3072xi32, #tpu.memory_space<vmem>>, vector<16xi32>,
    %add3A_566 = arith.constant 2048 : i32
    %add3A_567 = vector.broadcast %add3A_566 : i32 to vector<16xi32>
    %add3A_568 = arith.addi %get3A_565, %add3A_567 : vector<16xi32>
    tpu.vector_store_idx %arg6[%add3A_568], %broadcast_in_dim3A_93 : memref<32768xf32, #tpu.memory_space<vmem>>[vector<16xi32>], vector<16xf32>,
    %get3A_569 = arith.constant 288 : index
    %get3A_570 = tpu.vector_load %arg7[%get3A_569] {strides = array<i32>} : memref<3072xi32, #tpu.memory_space<vmem>>, vector<16xi32>,
    %add3A_571 = arith.constant 4096 : i32
    %add3A_572 = vector.broadcast %add3A_571 : i32 to vector<16xi32>
    %add3A_573 = arith.addi %get3A_570, %add3A_572 : vector<16xi32>
    tpu.vector_store_idx %arg6[%add3A_573], %broadcast_in_dim3A_93 : memref<32768xf32, #tpu.memory_space<vmem>>[vector<16xi32>], vector<16xf32>,
    %get3A_574 = arith.constant 304 : index
    %get3A_575 = tpu.vector_load %arg7[%get3A_574] {strides = array<i32>} : memref<3072xi32, #tpu.memory_space<vmem>>, vector<16xi32>,
    %add3A_576 = arith.constant 6144 : i32
    %add3A_577 = vector.broadcast %add3A_576 : i32 to vector<16xi32>
    %add3A_578 = arith.addi %get3A_575, %add3A_577 : vector<16xi32>
    tpu.vector_store_idx %arg6[%add3A_578], %broadcast_in_dim3A_93 : memref<32768xf32, #tpu.memory_space<vmem>>[vector<16xi32>], vector<16xf32>,
    %get3A_579 = arith.constant 320 : index
    %get3A_580 = tpu.vector_load %arg7[%get3A_579] {strides = array<i32>} : memref<3072xi32, #tpu.memory_space<vmem>>, vector<16xi32>,
    %add3A_581 = arith.constant 8192 : i32
    %add3A_582 = vector.broadcast %add3A_581 : i32 to vector<16xi32>
    %add3A_583 = arith.addi %get3A_580, %add3A_582 : vector<16xi32>
    tpu.vector_store_idx %arg6[%add3A_583], %broadcast_in_dim3A_93 : memref<32768xf32, #tpu.memory_space<vmem>>[vector<16xi32>], vector<16xf32>,
    %get3A_584 = arith.constant 336 : index
    %get3A_585 = tpu.vector_load %arg7[%get3A_584] {strides = array<i32>} : memref<3072xi32, #tpu.memory_space<vmem>>, vector<16xi32>,
    %add3A_586 = arith.constant 10240 : i32
    %add3A_587 = vector.broadcast %add3A_586 : i32 to vector<16xi32>
    %add3A_588 = arith.addi %get3A_585, %add3A_587 : vector<16xi32>
    tpu.vector_store_idx %arg6[%add3A_588], %broadcast_in_dim3A_93 : memref<32768xf32, #tpu.memory_space<vmem>>[vector<16xi32>], vector<16xf32>,
    %get3A_589 = arith.constant 352 : index
    %get3A_590 = tpu.vector_load %arg7[%get3A_589] {strides = array<i32>} : memref<3072xi32, #tpu.memory_space<vmem>>, vector<16xi32>,
    %add3A_591 = arith.constant 12288 : i32
    %add3A_592 = vector.broadcast %add3A_591 : i32 to vector<16xi32>
    %add3A_593 = arith.addi %get3A_590, %add3A_592 : vector<16xi32>
    tpu.vector_store_idx %arg6[%add3A_593], %broadcast_in_dim3A_93 : memref<32768xf32, #tpu.memory_space<vmem>>[vector<16xi32>], vector<16xf32>,
    %get3A_594 = arith.constant 368 : index
    %get3A_595 = tpu.vector_load %arg7[%get3A_594] {strides = array<i32>} : memref<3072xi32, #tpu.memory_space<vmem>>, vector<16xi32>,
    %add3A_596 = arith.constant 14336 : i32
    %add3A_597 = vector.broadcast %add3A_596 : i32 to vector<16xi32>
    %add3A_598 = arith.addi %get3A_595, %add3A_597 : vector<16xi32>
    tpu.vector_store_idx %arg6[%add3A_598], %broadcast_in_dim3A_93 : memref<32768xf32, #tpu.memory_space<vmem>>[vector<16xi32>], vector<16xf32>,
    %get3A_599 = arith.constant 384 : index
    %get3A_600 = tpu.vector_load %arg7[%get3A_599] {strides = array<i32>} : memref<3072xi32, #tpu.memory_space<vmem>>, vector<16xi32>,
    %add3A_601 = arith.constant 16384 : i32
    %add3A_602 = vector.broadcast %add3A_601 : i32 to vector<16xi32>
    %add3A_603 = arith.addi %get3A_600, %add3A_602 : vector<16xi32>
    tpu.vector_store_idx %arg6[%add3A_603], %broadcast_in_dim3A_93 : memref<32768xf32, #tpu.memory_space<vmem>>[vector<16xi32>], vector<16xf32>,
    %get3A_604 = arith.constant 400 : index
    %get3A_605 = tpu.vector_load %arg7[%get3A_604] {strides = array<i32>} : memref<3072xi32, #tpu.memory_space<vmem>>, vector<16xi32>,
    %add3A_606 = arith.constant 18432 : i32
    %add3A_607 = vector.broadcast %add3A_606 : i32 to vector<16xi32>
    %add3A_608 = arith.addi %get3A_605, %add3A_607 : vector<16xi32>
    tpu.vector_store_idx %arg6[%add3A_608], %broadcast_in_dim3A_93 : memref<32768xf32, #tpu.memory_space<vmem>>[vector<16xi32>], vector<16xf32>,
    %get3A_609 = arith.constant 416 : index
    %get3A_610 = tpu.vector_load %arg7[%get3A_609] {strides = array<i32>} : memref<3072xi32, #tpu.memory_space<vmem>>, vector<16xi32>,
    %add3A_611 = arith.constant 20480 : i32
    %add3A_612 = vector.broadcast %add3A_611 : i32 to vector<16xi32>
    %add3A_613 = arith.addi %get3A_610, %add3A_612 : vector<16xi32>
    tpu.vector_store_idx %arg6[%add3A_613], %broadcast_in_dim3A_93 : memref<32768xf32, #tpu.memory_space<vmem>>[vector<16xi32>], vector<16xf32>,
    %get3A_614 = arith.constant 432 : index
    %get3A_615 = tpu.vector_load %arg7[%get3A_614] {strides = array<i32>} : memref<3072xi32, #tpu.memory_space<vmem>>, vector<16xi32>,
    %add3A_616 = arith.constant 22528 : i32
    %add3A_617 = vector.broadcast %add3A_616 : i32 to vector<16xi32>
    %add3A_618 = arith.addi %get3A_615, %add3A_617 : vector<16xi32>
    tpu.vector_store_idx %arg6[%add3A_618], %broadcast_in_dim3A_93 : memref<32768xf32, #tpu.memory_space<vmem>>[vector<16xi32>], vector<16xf32>,
    %get3A_619 = arith.constant 448 : index
    %get3A_620 = tpu.vector_load %arg7[%get3A_619] {strides = array<i32>} : memref<3072xi32, #tpu.memory_space<vmem>>, vector<16xi32>,
    %add3A_621 = arith.constant 24576 : i32
    %add3A_622 = vector.broadcast %add3A_621 : i32 to vector<16xi32>
    %add3A_623 = arith.addi %get3A_620, %add3A_622 : vector<16xi32>
    tpu.vector_store_idx %arg6[%add3A_623], %broadcast_in_dim3A_93 : memref<32768xf32, #tpu.memory_space<vmem>>[vector<16xi32>], vector<16xf32>,
    %get3A_624 = arith.constant 464 : index
    %get3A_625 = tpu.vector_load %arg7[%get3A_624] {strides = array<i32>} : memref<3072xi32, #tpu.memory_space<vmem>>, vector<16xi32>,
    %add3A_626 = arith.constant 26624 : i32
    %add3A_627 = vector.broadcast %add3A_626 : i32 to vector<16xi32>
    %add3A_628 = arith.addi %get3A_625, %add3A_627 : vector<16xi32>
    tpu.vector_store_idx %arg6[%add3A_628], %broadcast_in_dim3A_93 : memref<32768xf32, #tpu.memory_space<vmem>>[vector<16xi32>], vector<16xf32>,
    %get3A_629 = arith.constant 480 : index
    %get3A_630 = tpu.vector_load %arg7[%get3A_629] {strides = array<i32>} : memref<3072xi32, #tpu.memory_space<vmem>>, vector<16xi32>,
    %add3A_631 = arith.constant 28672 : i32
    %add3A_632 = vector.broadcast %add3A_631 : i32 to vector<16xi32>
    %add3A_633 = arith.addi %get3A_630, %add3A_632 : vector<16xi32>
    tpu.vector_store_idx %arg6[%add3A_633], %broadcast_in_dim3A_93 : memref<32768xf32, #tpu.memory_space<vmem>>[vector<16xi32>], vector<16xf32>,
    %get3A_634 = arith.constant 496 : index
    %get3A_635 = tpu.vector_load %arg7[%get3A_634] {strides = array<i32>} : memref<3072xi32, #tpu.memory_space<vmem>>, vector<16xi32>,
    %add3A_636 = arith.constant 30720 : i32
    %add3A_637 = vector.broadcast %add3A_636 : i32 to vector<16xi32>
    %add3A_638 = arith.addi %get3A_635, %add3A_637 : vector<16xi32>
    tpu.vector_store_idx %arg6[%add3A_638], %broadcast_in_dim3A_93 : memref<32768xf32, #tpu.memory_space<vmem>>[vector<16xi32>], vector<16xf32>,
    %get3A_639 = arith.constant 768 : index
    %get3A_640 = tpu.vector_load %arg7[%get3A_639] {strides = array<i32>} : memref<3072xi32, #tpu.memory_space<vmem>>, vector<16xi32>,
    %add3A_641 = arith.constant 0 : i32
    %add3A_642 = vector.broadcast %add3A_641 : i32 to vector<16xi32>
    %add3A_643 = arith.addi %get3A_640, %add3A_642 : vector<16xi32>
    %get3A_644 = arith.constant 768 : index
    %get3A_645 = tpu.vector_load %arg8[%get3A_644] {strides = array<i32>} : memref<3072xf32, #tpu.memory_space<vmem>>, vector<16xf32>,
    tpu.vector_store_idx %arg6[%add3A_643], %get3A_645 : memref<32768xf32, #tpu.memory_space<vmem>>[vector<16xi32>], vector<16xf32>,
    %get3A_646 = arith.constant 784 : index
    %get3A_647 = tpu.vector_load %arg7[%get3A_646] {strides = array<i32>} : memref<3072xi32, #tpu.memory_space<vmem>>, vector<16xi32>,
    %add3A_648 = arith.constant 2048 : i32
    %add3A_649 = vector.broadcast %add3A_648 : i32 to vector<16xi32>
    %add3A_650 = arith.addi %get3A_647, %add3A_649 : vector<16xi32>
    %get3A_651 = arith.constant 784 : index
    %get3A_652 = tpu.vector_load %arg8[%get3A_651] {strides = array<i32>} : memref<3072xf32, #tpu.memory_space<vmem>>, vector<16xf32>,
    tpu.vector_store_idx %arg6[%add3A_650], %get3A_652 : memref<32768xf32, #tpu.memory_space<vmem>>[vector<16xi32>], vector<16xf32>,
    %get3A_653 = arith.constant 800 : index
    %get3A_654 = tpu.vector_load %arg7[%get3A_653] {strides = array<i32>} : memref<3072xi32, #tpu.memory_space<vmem>>, vector<16xi32>,
    %add3A_655 = arith.constant 4096 : i32
    %add3A_656 = vector.broadcast %add3A_655 : i32 to vector<16xi32>
    %add3A_657 = arith.addi %get3A_654, %add3A_656 : vector<16xi32>
    %get3A_658 = arith.constant 800 : index
    %get3A_659 = tpu.vector_load %arg8[%get3A_658] {strides = array<i32>} : memref<3072xf32, #tpu.memory_space<vmem>>, vector<16xf32>,
    tpu.vector_store_idx %arg6[%add3A_657], %get3A_659 : memref<32768xf32, #tpu.memory_space<vmem>>[vector<16xi32>], vector<16xf32>,
    %get3A_660 = arith.constant 816 : index
    %get3A_661 = tpu.vector_load %arg7[%get3A_660] {strides = array<i32>} : memref<3072xi32, #tpu.memory_space<vmem>>, vector<16xi32>,
    %add3A_662 = arith.constant 6144 : i32
    %add3A_663 = vector.broadcast %add3A_662 : i32 to vector<16xi32>
    %add3A_664 = arith.addi %get3A_661, %add3A_663 : vector<16xi32>
    %get3A_665 = arith.constant 816 : index
    %get3A_666 = tpu.vector_load %arg8[%get3A_665] {strides = array<i32>} : memref<3072xf32, #tpu.memory_space<vmem>>, vector<16xf32>,
    tpu.vector_store_idx %arg6[%add3A_664], %get3A_666 : memref<32768xf32, #tpu.memory_space<vmem>>[vector<16xi32>], vector<16xf32>,
    %get3A_667 = arith.constant 832 : index
    %get3A_668 = tpu.vector_load %arg7[%get3A_667] {strides = array<i32>} : memref<3072xi32, #tpu.memory_space<vmem>>, vector<16xi32>,
    %add3A_669 = arith.constant 8192 : i32
    %add3A_670 = vector.broadcast %add3A_669 : i32 to vector<16xi32>
    %add3A_671 = arith.addi %get3A_668, %add3A_670 : vector<16xi32>
    %get3A_672 = arith.constant 832 : index
    %get3A_673 = tpu.vector_load %arg8[%get3A_672] {strides = array<i32>} : memref<3072xf32, #tpu.memory_space<vmem>>, vector<16xf32>,
    tpu.vector_store_idx %arg6[%add3A_671], %get3A_673 : memref<32768xf32, #tpu.memory_space<vmem>>[vector<16xi32>], vector<16xf32>,
    %get3A_674 = arith.constant 848 : index
    %get3A_675 = tpu.vector_load %arg7[%get3A_674] {strides = array<i32>} : memref<3072xi32, #tpu.memory_space<vmem>>, vector<16xi32>,
    %add3A_676 = arith.constant 10240 : i32
    %add3A_677 = vector.broadcast %add3A_676 : i32 to vector<16xi32>
    %add3A_678 = arith.addi %get3A_675, %add3A_677 : vector<16xi32>
    %get3A_679 = arith.constant 848 : index
    %get3A_680 = tpu.vector_load %arg8[%get3A_679] {strides = array<i32>} : memref<3072xf32, #tpu.memory_space<vmem>>, vector<16xf32>,
    tpu.vector_store_idx %arg6[%add3A_678], %get3A_680 : memref<32768xf32, #tpu.memory_space<vmem>>[vector<16xi32>], vector<16xf32>,
    %get3A_681 = arith.constant 864 : index
    %get3A_682 = tpu.vector_load %arg7[%get3A_681] {strides = array<i32>} : memref<3072xi32, #tpu.memory_space<vmem>>, vector<16xi32>,
    %add3A_683 = arith.constant 12288 : i32
    %add3A_684 = vector.broadcast %add3A_683 : i32 to vector<16xi32>
    %add3A_685 = arith.addi %get3A_682, %add3A_684 : vector<16xi32>
    %get3A_686 = arith.constant 864 : index
    %get3A_687 = tpu.vector_load %arg8[%get3A_686] {strides = array<i32>} : memref<3072xf32, #tpu.memory_space<vmem>>, vector<16xf32>,
    tpu.vector_store_idx %arg6[%add3A_685], %get3A_687 : memref<32768xf32, #tpu.memory_space<vmem>>[vector<16xi32>], vector<16xf32>,
    %get3A_688 = arith.constant 880 : index
    %get3A_689 = tpu.vector_load %arg7[%get3A_688] {strides = array<i32>} : memref<3072xi32, #tpu.memory_space<vmem>>, vector<16xi32>,
    %add3A_690 = arith.constant 14336 : i32
    %add3A_691 = vector.broadcast %add3A_690 : i32 to vector<16xi32>
    %add3A_692 = arith.addi %get3A_689, %add3A_691 : vector<16xi32>
    %get3A_693 = arith.constant 880 : index
    %get3A_694 = tpu.vector_load %arg8[%get3A_693] {strides = array<i32>} : memref<3072xf32, #tpu.memory_space<vmem>>, vector<16xf32>,
    tpu.vector_store_idx %arg6[%add3A_692], %get3A_694 : memref<32768xf32, #tpu.memory_space<vmem>>[vector<16xi32>], vector<16xf32>,
    %get3A_695 = arith.constant 896 : index
    %get3A_696 = tpu.vector_load %arg7[%get3A_695] {strides = array<i32>} : memref<3072xi32, #tpu.memory_space<vmem>>, vector<16xi32>,
    %add3A_697 = arith.constant 16384 : i32
    %add3A_698 = vector.broadcast %add3A_697 : i32 to vector<16xi32>
    %add3A_699 = arith.addi %get3A_696, %add3A_698 : vector<16xi32>
    %get3A_700 = arith.constant 896 : index
    %get3A_701 = tpu.vector_load %arg8[%get3A_700] {strides = array<i32>} : memref<3072xf32, #tpu.memory_space<vmem>>, vector<16xf32>,
    tpu.vector_store_idx %arg6[%add3A_699], %get3A_701 : memref<32768xf32, #tpu.memory_space<vmem>>[vector<16xi32>], vector<16xf32>,
    %get3A_702 = arith.constant 912 : index
    %get3A_703 = tpu.vector_load %arg7[%get3A_702] {strides = array<i32>} : memref<3072xi32, #tpu.memory_space<vmem>>, vector<16xi32>,
    %add3A_704 = arith.constant 18432 : i32
    %add3A_705 = vector.broadcast %add3A_704 : i32 to vector<16xi32>
    %add3A_706 = arith.addi %get3A_703, %add3A_705 : vector<16xi32>
    %get3A_707 = arith.constant 912 : index
    %get3A_708 = tpu.vector_load %arg8[%get3A_707] {strides = array<i32>} : memref<3072xf32, #tpu.memory_space<vmem>>, vector<16xf32>,
    tpu.vector_store_idx %arg6[%add3A_706], %get3A_708 : memref<32768xf32, #tpu.memory_space<vmem>>[vector<16xi32>], vector<16xf32>,
    %get3A_709 = arith.constant 928 : index
    %get3A_710 = tpu.vector_load %arg7[%get3A_709] {strides = array<i32>} : memref<3072xi32, #tpu.memory_space<vmem>>, vector<16xi32>,
    %add3A_711 = arith.constant 20480 : i32
    %add3A_712 = vector.broadcast %add3A_711 : i32 to vector<16xi32>
    %add3A_713 = arith.addi %get3A_710, %add3A_712 : vector<16xi32>
    %get3A_714 = arith.constant 928 : index
    %get3A_715 = tpu.vector_load %arg8[%get3A_714] {strides = array<i32>} : memref<3072xf32, #tpu.memory_space<vmem>>, vector<16xf32>,
    tpu.vector_store_idx %arg6[%add3A_713], %get3A_715 : memref<32768xf32, #tpu.memory_space<vmem>>[vector<16xi32>], vector<16xf32>,
    %get3A_716 = arith.constant 944 : index
    %get3A_717 = tpu.vector_load %arg7[%get3A_716] {strides = array<i32>} : memref<3072xi32, #tpu.memory_space<vmem>>, vector<16xi32>,
    %add3A_718 = arith.constant 22528 : i32
    %add3A_719 = vector.broadcast %add3A_718 : i32 to vector<16xi32>
    %add3A_720 = arith.addi %get3A_717, %add3A_719 : vector<16xi32>
    %get3A_721 = arith.constant 944 : index
    %get3A_722 = tpu.vector_load %arg8[%get3A_721] {strides = array<i32>} : memref<3072xf32, #tpu.memory_space<vmem>>, vector<16xf32>,
    tpu.vector_store_idx %arg6[%add3A_720], %get3A_722 : memref<32768xf32, #tpu.memory_space<vmem>>[vector<16xi32>], vector<16xf32>,
    %get3A_723 = arith.constant 960 : index
    %get3A_724 = tpu.vector_load %arg7[%get3A_723] {strides = array<i32>} : memref<3072xi32, #tpu.memory_space<vmem>>, vector<16xi32>,
    %add3A_725 = arith.constant 24576 : i32
    %add3A_726 = vector.broadcast %add3A_725 : i32 to vector<16xi32>
    %add3A_727 = arith.addi %get3A_724, %add3A_726 : vector<16xi32>
    %get3A_728 = arith.constant 960 : index
    %get3A_729 = tpu.vector_load %arg8[%get3A_728] {strides = array<i32>} : memref<3072xf32, #tpu.memory_space<vmem>>, vector<16xf32>,
    tpu.vector_store_idx %arg6[%add3A_727], %get3A_729 : memref<32768xf32, #tpu.memory_space<vmem>>[vector<16xi32>], vector<16xf32>,
    %get3A_730 = arith.constant 976 : index
    %get3A_731 = tpu.vector_load %arg7[%get3A_730] {strides = array<i32>} : memref<3072xi32, #tpu.memory_space<vmem>>, vector<16xi32>,
    %add3A_732 = arith.constant 26624 : i32
    %add3A_733 = vector.broadcast %add3A_732 : i32 to vector<16xi32>
    %add3A_734 = arith.addi %get3A_731, %add3A_733 : vector<16xi32>
    %get3A_735 = arith.constant 976 : index
    %get3A_736 = tpu.vector_load %arg8[%get3A_735] {strides = array<i32>} : memref<3072xf32, #tpu.memory_space<vmem>>, vector<16xf32>,
    tpu.vector_store_idx %arg6[%add3A_734], %get3A_736 : memref<32768xf32, #tpu.memory_space<vmem>>[vector<16xi32>], vector<16xf32>,
    %get3A_737 = arith.constant 992 : index
    %get3A_738 = tpu.vector_load %arg7[%get3A_737] {strides = array<i32>} : memref<3072xi32, #tpu.memory_space<vmem>>, vector<16xi32>,
    %add3A_739 = arith.constant 28672 : i32
    %add3A_740 = vector.broadcast %add3A_739 : i32 to vector<16xi32>
    %add3A_741 = arith.addi %get3A_738, %add3A_740 : vector<16xi32>
    %get3A_742 = arith.constant 992 : index
    %get3A_743 = tpu.vector_load %arg8[%get3A_742] {strides = array<i32>} : memref<3072xf32, #tpu.memory_space<vmem>>, vector<16xf32>,
    tpu.vector_store_idx %arg6[%add3A_741], %get3A_743 : memref<32768xf32, #tpu.memory_space<vmem>>[vector<16xi32>], vector<16xf32>,
    %get3A_744 = arith.constant 1008 : index
    %get3A_745 = tpu.vector_load %arg7[%get3A_744] {strides = array<i32>} : memref<3072xi32, #tpu.memory_space<vmem>>, vector<16xi32>,
    %add3A_746 = arith.constant 30720 : i32
    %add3A_747 = vector.broadcast %add3A_746 : i32 to vector<16xi32>
    %add3A_748 = arith.addi %get3A_745, %add3A_747 : vector<16xi32>
    %get3A_749 = arith.constant 1008 : index
    %get3A_750 = tpu.vector_load %arg8[%get3A_749] {strides = array<i32>} : memref<3072xf32, #tpu.memory_space<vmem>>, vector<16xf32>,
    tpu.vector_store_idx %arg6[%add3A_748], %get3A_750 : memref<32768xf32, #tpu.memory_space<vmem>>[vector<16xi32>], vector<16xf32>,
    %mul3A_751 = arith.constant 64 : i32
    %mul3A_752 = arith.muli %add3A, %mul3A_751 : i32
    %add3A_753 = arith.constant 0 : i32
    %add3A_754 = arith.addi %add3A_753, %mul3A_752 : i32
    %add3A_755 = arith.constant 48 : i32
    %add3A_756 = arith.addi %add3A_754, %add3A_755 : i32
    %mul3A_757 = arith.constant 2048 : i32
    %mul3A_758 = arith.muli %add3A_756, %mul3A_757 : i32
    %dma_start3A_759 = tpu.memref_slice %arg4[%mul3A_758] : memref<12582912xf32, #tpu.memory_space<hbm>> -> memref<32768xf32, #tpu.memory_space<hbm>>
    %dma_start3A_760 = tpu.memref_slice %arg4[%mul3A_758] : memref<12582912xf32, #tpu.memory_space<hbm>> -> memref<32768xf32, #tpu.memory_space<hbm>>
    tpu.enqueue_dma source(%arg6 : memref<32768xf32, #tpu.memory_space<vmem>>) target(%dma_start3A_760 : memref<32768xf32, #tpu.memory_space<hbm>>) target_semaphore(%arg10 : memref<!tpu.dma_semaphore, #tpu.memory_space<semaphore_mem>>)
    %mul3A_761 = arith.constant 64 : i32
    %mul3A_762 = arith.muli %add3A, %mul3A_761 : i32
    %add3A_763 = arith.constant 0 : i32
    %add3A_764 = arith.addi %add3A_763, %mul3A_762 : i32
    %add3A_765 = arith.constant 32 : i32
    %add3A_766 = arith.addi %add3A_764, %add3A_765 : i32
    %mul3A_767 = arith.constant 2048 : i32
    %mul3A_768 = arith.muli %add3A_766, %mul3A_767 : i32
    %dma_wait3A_769 = tpu.memref_slice %arg4[%mul3A_768] : memref<12582912xf32, #tpu.memory_space<hbm>> -> memref<32768xf32, #tpu.memory_space<hbm>>
    %dma_wait3A_770 = tpu.memref_slice %arg4[%mul3A_768] : memref<12582912xf32, #tpu.memory_space<hbm>> -> memref<32768xf32, #tpu.memory_space<hbm>>
    tpu.wait_dma2 semaphore(%arg9 : memref<!tpu.dma_semaphore, #tpu.memory_space<semaphore_mem>>) src(%arg5 : memref<32768xf32, #tpu.memory_space<vmem>>) dst(%dma_wait3A_770 : memref<32768xf32, #tpu.memory_space<hbm>>)
    %get3A_771 = arith.constant 512 : index
    %get3A_772 = tpu.vector_load %arg7[%get3A_771] {strides = array<i32>} : memref<3072xi32, #tpu.memory_space<vmem>>, vector<16xi32>,
    %add3A_773 = arith.constant 0 : i32
    %add3A_774 = vector.broadcast %add3A_773 : i32 to vector<16xi32>
    %add3A_775 = arith.addi %get3A_772, %add3A_774 : vector<16xi32>
    tpu.vector_store_idx %arg5[%add3A_775], %broadcast_in_dim3A_93 : memref<32768xf32, #tpu.memory_space<vmem>>[vector<16xi32>], vector<16xf32>,
    %get3A_776 = arith.constant 528 : index
    %get3A_777 = tpu.vector_load %arg7[%get3A_776] {strides = array<i32>} : memref<3072xi32, #tpu.memory_space<vmem>>, vector<16xi32>,
    %add3A_778 = arith.constant 2048 : i32
    %add3A_779 = vector.broadcast %add3A_778 : i32 to vector<16xi32>
    %add3A_780 = arith.addi %get3A_777, %add3A_779 : vector<16xi32>
    tpu.vector_store_idx %arg5[%add3A_780], %broadcast_in_dim3A_93 : memref<32768xf32, #tpu.memory_space<vmem>>[vector<16xi32>], vector<16xf32>,
    %get3A_781 = arith.constant 544 : index
    %get3A_782 = tpu.vector_load %arg7[%get3A_781] {strides = array<i32>} : memref<3072xi32, #tpu.memory_space<vmem>>, vector<16xi32>,
    %add3A_783 = arith.constant 4096 : i32
    %add3A_784 = vector.broadcast %add3A_783 : i32 to vector<16xi32>
    %add3A_785 = arith.addi %get3A_782, %add3A_784 : vector<16xi32>
    tpu.vector_store_idx %arg5[%add3A_785], %broadcast_in_dim3A_93 : memref<32768xf32, #tpu.memory_space<vmem>>[vector<16xi32>], vector<16xf32>,
    %get3A_786 = arith.constant 560 : index
    %get3A_787 = tpu.vector_load %arg7[%get3A_786] {strides = array<i32>} : memref<3072xi32, #tpu.memory_space<vmem>>, vector<16xi32>,
    %add3A_788 = arith.constant 6144 : i32
    %add3A_789 = vector.broadcast %add3A_788 : i32 to vector<16xi32>
    %add3A_790 = arith.addi %get3A_787, %add3A_789 : vector<16xi32>
    tpu.vector_store_idx %arg5[%add3A_790], %broadcast_in_dim3A_93 : memref<32768xf32, #tpu.memory_space<vmem>>[vector<16xi32>], vector<16xf32>,
    %get3A_791 = arith.constant 576 : index
    %get3A_792 = tpu.vector_load %arg7[%get3A_791] {strides = array<i32>} : memref<3072xi32, #tpu.memory_space<vmem>>, vector<16xi32>,
    %add3A_793 = arith.constant 8192 : i32
    %add3A_794 = vector.broadcast %add3A_793 : i32 to vector<16xi32>
    %add3A_795 = arith.addi %get3A_792, %add3A_794 : vector<16xi32>
    tpu.vector_store_idx %arg5[%add3A_795], %broadcast_in_dim3A_93 : memref<32768xf32, #tpu.memory_space<vmem>>[vector<16xi32>], vector<16xf32>,
    %get3A_796 = arith.constant 592 : index
    %get3A_797 = tpu.vector_load %arg7[%get3A_796] {strides = array<i32>} : memref<3072xi32, #tpu.memory_space<vmem>>, vector<16xi32>,
    %add3A_798 = arith.constant 10240 : i32
    %add3A_799 = vector.broadcast %add3A_798 : i32 to vector<16xi32>
    %add3A_800 = arith.addi %get3A_797, %add3A_799 : vector<16xi32>
    tpu.vector_store_idx %arg5[%add3A_800], %broadcast_in_dim3A_93 : memref<32768xf32, #tpu.memory_space<vmem>>[vector<16xi32>], vector<16xf32>,
    %get3A_801 = arith.constant 608 : index
    %get3A_802 = tpu.vector_load %arg7[%get3A_801] {strides = array<i32>} : memref<3072xi32, #tpu.memory_space<vmem>>, vector<16xi32>,
    %add3A_803 = arith.constant 12288 : i32
    %add3A_804 = vector.broadcast %add3A_803 : i32 to vector<16xi32>
    %add3A_805 = arith.addi %get3A_802, %add3A_804 : vector<16xi32>
    tpu.vector_store_idx %arg5[%add3A_805], %broadcast_in_dim3A_93 : memref<32768xf32, #tpu.memory_space<vmem>>[vector<16xi32>], vector<16xf32>,
    %get3A_806 = arith.constant 624 : index
    %get3A_807 = tpu.vector_load %arg7[%get3A_806] {strides = array<i32>} : memref<3072xi32, #tpu.memory_space<vmem>>, vector<16xi32>,
    %add3A_808 = arith.constant 14336 : i32
    %add3A_809 = vector.broadcast %add3A_808 : i32 to vector<16xi32>
    %add3A_810 = arith.addi %get3A_807, %add3A_809 : vector<16xi32>
    tpu.vector_store_idx %arg5[%add3A_810], %broadcast_in_dim3A_93 : memref<32768xf32, #tpu.memory_space<vmem>>[vector<16xi32>], vector<16xf32>,
    %get3A_811 = arith.constant 640 : index
    %get3A_812 = tpu.vector_load %arg7[%get3A_811] {strides = array<i32>} : memref<3072xi32, #tpu.memory_space<vmem>>, vector<16xi32>,
    %add3A_813 = arith.constant 16384 : i32
    %add3A_814 = vector.broadcast %add3A_813 : i32 to vector<16xi32>
    %add3A_815 = arith.addi %get3A_812, %add3A_814 : vector<16xi32>
    tpu.vector_store_idx %arg5[%add3A_815], %broadcast_in_dim3A_93 : memref<32768xf32, #tpu.memory_space<vmem>>[vector<16xi32>], vector<16xf32>,
    %get3A_816 = arith.constant 656 : index
    %get3A_817 = tpu.vector_load %arg7[%get3A_816] {strides = array<i32>} : memref<3072xi32, #tpu.memory_space<vmem>>, vector<16xi32>,
    %add3A_818 = arith.constant 18432 : i32
    %add3A_819 = vector.broadcast %add3A_818 : i32 to vector<16xi32>
    %add3A_820 = arith.addi %get3A_817, %add3A_819 : vector<16xi32>
    tpu.vector_store_idx %arg5[%add3A_820], %broadcast_in_dim3A_93 : memref<32768xf32, #tpu.memory_space<vmem>>[vector<16xi32>], vector<16xf32>,
    %get3A_821 = arith.constant 672 : index
    %get3A_822 = tpu.vector_load %arg7[%get3A_821] {strides = array<i32>} : memref<3072xi32, #tpu.memory_space<vmem>>, vector<16xi32>,
    %add3A_823 = arith.constant 20480 : i32
    %add3A_824 = vector.broadcast %add3A_823 : i32 to vector<16xi32>
    %add3A_825 = arith.addi %get3A_822, %add3A_824 : vector<16xi32>
    tpu.vector_store_idx %arg5[%add3A_825], %broadcast_in_dim3A_93 : memref<32768xf32, #tpu.memory_space<vmem>>[vector<16xi32>], vector<16xf32>,
    %get3A_826 = arith.constant 688 : index
    %get3A_827 = tpu.vector_load %arg7[%get3A_826] {strides = array<i32>} : memref<3072xi32, #tpu.memory_space<vmem>>, vector<16xi32>,
    %add3A_828 = arith.constant 22528 : i32
    %add3A_829 = vector.broadcast %add3A_828 : i32 to vector<16xi32>
    %add3A_830 = arith.addi %get3A_827, %add3A_829 : vector<16xi32>
    tpu.vector_store_idx %arg5[%add3A_830], %broadcast_in_dim3A_93 : memref<32768xf32, #tpu.memory_space<vmem>>[vector<16xi32>], vector<16xf32>,
    %get3A_831 = arith.constant 704 : index
    %get3A_832 = tpu.vector_load %arg7[%get3A_831] {strides = array<i32>} : memref<3072xi32, #tpu.memory_space<vmem>>, vector<16xi32>,
    %add3A_833 = arith.constant 24576 : i32
    %add3A_834 = vector.broadcast %add3A_833 : i32 to vector<16xi32>
    %add3A_835 = arith.addi %get3A_832, %add3A_834 : vector<16xi32>
    tpu.vector_store_idx %arg5[%add3A_835], %broadcast_in_dim3A_93 : memref<32768xf32, #tpu.memory_space<vmem>>[vector<16xi32>], vector<16xf32>,
    %get3A_836 = arith.constant 720 : index
    %get3A_837 = tpu.vector_load %arg7[%get3A_836] {strides = array<i32>} : memref<3072xi32, #tpu.memory_space<vmem>>, vector<16xi32>,
    %add3A_838 = arith.constant 26624 : i32
    %add3A_839 = vector.broadcast %add3A_838 : i32 to vector<16xi32>
    %add3A_840 = arith.addi %get3A_837, %add3A_839 : vector<16xi32>
    tpu.vector_store_idx %arg5[%add3A_840], %broadcast_in_dim3A_93 : memref<32768xf32, #tpu.memory_space<vmem>>[vector<16xi32>], vector<16xf32>,
    %get3A_841 = arith.constant 736 : index
    %get3A_842 = tpu.vector_load %arg7[%get3A_841] {strides = array<i32>} : memref<3072xi32, #tpu.memory_space<vmem>>, vector<16xi32>,
    %add3A_843 = arith.constant 28672 : i32
    %add3A_844 = vector.broadcast %add3A_843 : i32 to vector<16xi32>
    %add3A_845 = arith.addi %get3A_842, %add3A_844 : vector<16xi32>
    tpu.vector_store_idx %arg5[%add3A_845], %broadcast_in_dim3A_93 : memref<32768xf32, #tpu.memory_space<vmem>>[vector<16xi32>], vector<16xf32>,
    %get3A_846 = arith.constant 752 : index
    %get3A_847 = tpu.vector_load %arg7[%get3A_846] {strides = array<i32>} : memref<3072xi32, #tpu.memory_space<vmem>>, vector<16xi32>,
    %add3A_848 = arith.constant 30720 : i32
    %add3A_849 = vector.broadcast %add3A_848 : i32 to vector<16xi32>
    %add3A_850 = arith.addi %get3A_847, %add3A_849 : vector<16xi32>
    tpu.vector_store_idx %arg5[%add3A_850], %broadcast_in_dim3A_93 : memref<32768xf32, #tpu.memory_space<vmem>>[vector<16xi32>], vector<16xf32>,
    %get3A_851 = arith.constant 1024 : index
    %get3A_852 = tpu.vector_load %arg7[%get3A_851] {strides = array<i32>} : memref<3072xi32, #tpu.memory_space<vmem>>, vector<16xi32>,
    %add3A_853 = arith.constant 0 : i32
    %add3A_854 = vector.broadcast %add3A_853 : i32 to vector<16xi32>
    %add3A_855 = arith.addi %get3A_852, %add3A_854 : vector<16xi32>
    %get3A_856 = arith.constant 1024 : index
    %get3A_857 = tpu.vector_load %arg8[%get3A_856] {strides = array<i32>} : memref<3072xf32, #tpu.memory_space<vmem>>, vector<16xf32>,
    tpu.vector_store_idx %arg5[%add3A_855], %get3A_857 : memref<32768xf32, #tpu.memory_space<vmem>>[vector<16xi32>], vector<16xf32>,
    %get3A_858 = arith.constant 1040 : index
    %get3A_859 = tpu.vector_load %arg7[%get3A_858] {strides = array<i32>} : memref<3072xi32, #tpu.memory_space<vmem>>, vector<16xi32>,
    %add3A_860 = arith.constant 2048 : i32
    %add3A_861 = vector.broadcast %add3A_860 : i32 to vector<16xi32>
    %add3A_862 = arith.addi %get3A_859, %add3A_861 : vector<16xi32>
    %get3A_863 = arith.constant 1040 : index
    %get3A_864 = tpu.vector_load %arg8[%get3A_863] {strides = array<i32>} : memref<3072xf32, #tpu.memory_space<vmem>>, vector<16xf32>,
    tpu.vector_store_idx %arg5[%add3A_862], %get3A_864 : memref<32768xf32, #tpu.memory_space<vmem>>[vector<16xi32>], vector<16xf32>,
    %get3A_865 = arith.constant 1056 : index
    %get3A_866 = tpu.vector_load %arg7[%get3A_865] {strides = array<i32>} : memref<3072xi32, #tpu.memory_space<vmem>>, vector<16xi32>,
    %add3A_867 = arith.constant 4096 : i32
    %add3A_868 = vector.broadcast %add3A_867 : i32 to vector<16xi32>
    %add3A_869 = arith.addi %get3A_866, %add3A_868 : vector<16xi32>
    %get3A_870 = arith.constant 1056 : index
    %get3A_871 = tpu.vector_load %arg8[%get3A_870] {strides = array<i32>} : memref<3072xf32, #tpu.memory_space<vmem>>, vector<16xf32>,
    tpu.vector_store_idx %arg5[%add3A_869], %get3A_871 : memref<32768xf32, #tpu.memory_space<vmem>>[vector<16xi32>], vector<16xf32>,
    %get3A_872 = arith.constant 1072 : index
    %get3A_873 = tpu.vector_load %arg7[%get3A_872] {strides = array<i32>} : memref<3072xi32, #tpu.memory_space<vmem>>, vector<16xi32>,
    %add3A_874 = arith.constant 6144 : i32
    %add3A_875 = vector.broadcast %add3A_874 : i32 to vector<16xi32>
    %add3A_876 = arith.addi %get3A_873, %add3A_875 : vector<16xi32>
    %get3A_877 = arith.constant 1072 : index
    %get3A_878 = tpu.vector_load %arg8[%get3A_877] {strides = array<i32>} : memref<3072xf32, #tpu.memory_space<vmem>>, vector<16xf32>,
    tpu.vector_store_idx %arg5[%add3A_876], %get3A_878 : memref<32768xf32, #tpu.memory_space<vmem>>[vector<16xi32>], vector<16xf32>,
    %get3A_879 = arith.constant 1088 : index
    %get3A_880 = tpu.vector_load %arg7[%get3A_879] {strides = array<i32>} : memref<3072xi32, #tpu.memory_space<vmem>>, vector<16xi32>,
    %add3A_881 = arith.constant 8192 : i32
    %add3A_882 = vector.broadcast %add3A_881 : i32 to vector<16xi32>
    %add3A_883 = arith.addi %get3A_880, %add3A_882 : vector<16xi32>
    %get3A_884 = arith.constant 1088 : index
    %get3A_885 = tpu.vector_load %arg8[%get3A_884] {strides = array<i32>} : memref<3072xf32, #tpu.memory_space<vmem>>, vector<16xf32>,
    tpu.vector_store_idx %arg5[%add3A_883], %get3A_885 : memref<32768xf32, #tpu.memory_space<vmem>>[vector<16xi32>], vector<16xf32>,
    %get3A_886 = arith.constant 1104 : index
    %get3A_887 = tpu.vector_load %arg7[%get3A_886] {strides = array<i32>} : memref<3072xi32, #tpu.memory_space<vmem>>, vector<16xi32>,
    %add3A_888 = arith.constant 10240 : i32
    %add3A_889 = vector.broadcast %add3A_888 : i32 to vector<16xi32>
    %add3A_890 = arith.addi %get3A_887, %add3A_889 : vector<16xi32>
    %get3A_891 = arith.constant 1104 : index
    %get3A_892 = tpu.vector_load %arg8[%get3A_891] {strides = array<i32>} : memref<3072xf32, #tpu.memory_space<vmem>>, vector<16xf32>,
    tpu.vector_store_idx %arg5[%add3A_890], %get3A_892 : memref<32768xf32, #tpu.memory_space<vmem>>[vector<16xi32>], vector<16xf32>,
    %get3A_893 = arith.constant 1120 : index
    %get3A_894 = tpu.vector_load %arg7[%get3A_893] {strides = array<i32>} : memref<3072xi32, #tpu.memory_space<vmem>>, vector<16xi32>,
    %add3A_895 = arith.constant 12288 : i32
    %add3A_896 = vector.broadcast %add3A_895 : i32 to vector<16xi32>
    %add3A_897 = arith.addi %get3A_894, %add3A_896 : vector<16xi32>
    %get3A_898 = arith.constant 1120 : index
    %get3A_899 = tpu.vector_load %arg8[%get3A_898] {strides = array<i32>} : memref<3072xf32, #tpu.memory_space<vmem>>, vector<16xf32>,
    tpu.vector_store_idx %arg5[%add3A_897], %get3A_899 : memref<32768xf32, #tpu.memory_space<vmem>>[vector<16xi32>], vector<16xf32>,
    %get3A_900 = arith.constant 1136 : index
    %get3A_901 = tpu.vector_load %arg7[%get3A_900] {strides = array<i32>} : memref<3072xi32, #tpu.memory_space<vmem>>, vector<16xi32>,
    %add3A_902 = arith.constant 14336 : i32
    %add3A_903 = vector.broadcast %add3A_902 : i32 to vector<16xi32>
    %add3A_904 = arith.addi %get3A_901, %add3A_903 : vector<16xi32>
    %get3A_905 = arith.constant 1136 : index
    %get3A_906 = tpu.vector_load %arg8[%get3A_905] {strides = array<i32>} : memref<3072xf32, #tpu.memory_space<vmem>>, vector<16xf32>,
    tpu.vector_store_idx %arg5[%add3A_904], %get3A_906 : memref<32768xf32, #tpu.memory_space<vmem>>[vector<16xi32>], vector<16xf32>,
    %get3A_907 = arith.constant 1152 : index
    %get3A_908 = tpu.vector_load %arg7[%get3A_907] {strides = array<i32>} : memref<3072xi32, #tpu.memory_space<vmem>>, vector<16xi32>,
    %add3A_909 = arith.constant 16384 : i32
    %add3A_910 = vector.broadcast %add3A_909 : i32 to vector<16xi32>
    %add3A_911 = arith.addi %get3A_908, %add3A_910 : vector<16xi32>
    %get3A_912 = arith.constant 1152 : index
    %get3A_913 = tpu.vector_load %arg8[%get3A_912] {strides = array<i32>} : memref<3072xf32, #tpu.memory_space<vmem>>, vector<16xf32>,
    tpu.vector_store_idx %arg5[%add3A_911], %get3A_913 : memref<32768xf32, #tpu.memory_space<vmem>>[vector<16xi32>], vector<16xf32>,
    %get3A_914 = arith.constant 1168 : index
    %get3A_915 = tpu.vector_load %arg7[%get3A_914] {strides = array<i32>} : memref<3072xi32, #tpu.memory_space<vmem>>, vector<16xi32>,
    %add3A_916 = arith.constant 18432 : i32
    %add3A_917 = vector.broadcast %add3A_916 : i32 to vector<16xi32>
    %add3A_918 = arith.addi %get3A_915, %add3A_917 : vector<16xi32>
    %get3A_919 = arith.constant 1168 : index
    %get3A_920 = tpu.vector_load %arg8[%get3A_919] {strides = array<i32>} : memref<3072xf32, #tpu.memory_space<vmem>>, vector<16xf32>,
    tpu.vector_store_idx %arg5[%add3A_918], %get3A_920 : memref<32768xf32, #tpu.memory_space<vmem>>[vector<16xi32>], vector<16xf32>,
    %get3A_921 = arith.constant 1184 : index
    %get3A_922 = tpu.vector_load %arg7[%get3A_921] {strides = array<i32>} : memref<3072xi32, #tpu.memory_space<vmem>>, vector<16xi32>,
    %add3A_923 = arith.constant 20480 : i32
    %add3A_924 = vector.broadcast %add3A_923 : i32 to vector<16xi32>
    %add3A_925 = arith.addi %get3A_922, %add3A_924 : vector<16xi32>
    %get3A_926 = arith.constant 1184 : index
    %get3A_927 = tpu.vector_load %arg8[%get3A_926] {strides = array<i32>} : memref<3072xf32, #tpu.memory_space<vmem>>, vector<16xf32>,
    tpu.vector_store_idx %arg5[%add3A_925], %get3A_927 : memref<32768xf32, #tpu.memory_space<vmem>>[vector<16xi32>], vector<16xf32>,
    %get3A_928 = arith.constant 1200 : index
    %get3A_929 = tpu.vector_load %arg7[%get3A_928] {strides = array<i32>} : memref<3072xi32, #tpu.memory_space<vmem>>, vector<16xi32>,
    %add3A_930 = arith.constant 22528 : i32
    %add3A_931 = vector.broadcast %add3A_930 : i32 to vector<16xi32>
    %add3A_932 = arith.addi %get3A_929, %add3A_931 : vector<16xi32>
    %get3A_933 = arith.constant 1200 : index
    %get3A_934 = tpu.vector_load %arg8[%get3A_933] {strides = array<i32>} : memref<3072xf32, #tpu.memory_space<vmem>>, vector<16xf32>,
    tpu.vector_store_idx %arg5[%add3A_932], %get3A_934 : memref<32768xf32, #tpu.memory_space<vmem>>[vector<16xi32>], vector<16xf32>,
    %get3A_935 = arith.constant 1216 : index
    %get3A_936 = tpu.vector_load %arg7[%get3A_935] {strides = array<i32>} : memref<3072xi32, #tpu.memory_space<vmem>>, vector<16xi32>,
    %add3A_937 = arith.constant 24576 : i32
    %add3A_938 = vector.broadcast %add3A_937 : i32 to vector<16xi32>
    %add3A_939 = arith.addi %get3A_936, %add3A_938 : vector<16xi32>
    %get3A_940 = arith.constant 1216 : index
    %get3A_941 = tpu.vector_load %arg8[%get3A_940] {strides = array<i32>} : memref<3072xf32, #tpu.memory_space<vmem>>, vector<16xf32>,
    tpu.vector_store_idx %arg5[%add3A_939], %get3A_941 : memref<32768xf32, #tpu.memory_space<vmem>>[vector<16xi32>], vector<16xf32>,
    %get3A_942 = arith.constant 1232 : index
    %get3A_943 = tpu.vector_load %arg7[%get3A_942] {strides = array<i32>} : memref<3072xi32, #tpu.memory_space<vmem>>, vector<16xi32>,
    %add3A_944 = arith.constant 26624 : i32
    %add3A_945 = vector.broadcast %add3A_944 : i32 to vector<16xi32>
    %add3A_946 = arith.addi %get3A_943, %add3A_945 : vector<16xi32>
    %get3A_947 = arith.constant 1232 : index
    %get3A_948 = tpu.vector_load %arg8[%get3A_947] {strides = array<i32>} : memref<3072xf32, #tpu.memory_space<vmem>>, vector<16xf32>,
    tpu.vector_store_idx %arg5[%add3A_946], %get3A_948 : memref<32768xf32, #tpu.memory_space<vmem>>[vector<16xi32>], vector<16xf32>,
    %get3A_949 = arith.constant 1248 : index
    %get3A_950 = tpu.vector_load %arg7[%get3A_949] {strides = array<i32>} : memref<3072xi32, #tpu.memory_space<vmem>>, vector<16xi32>,
    %add3A_951 = arith.constant 28672 : i32
    %add3A_952 = vector.broadcast %add3A_951 : i32 to vector<16xi32>
    %add3A_953 = arith.addi %get3A_950, %add3A_952 : vector<16xi32>
    %get3A_954 = arith.constant 1248 : index
    %get3A_955 = tpu.vector_load %arg8[%get3A_954] {strides = array<i32>} : memref<3072xf32, #tpu.memory_space<vmem>>, vector<16xf32>,
    tpu.vector_store_idx %arg5[%add3A_953], %get3A_955 : memref<32768xf32, #tpu.memory_space<vmem>>[vector<16xi32>], vector<16xf32>,
    %get3A_956 = arith.constant 1264 : index
    %get3A_957 = tpu.vector_load %arg7[%get3A_956] {strides = array<i32>} : memref<3072xi32, #tpu.memory_space<vmem>>, vector<16xi32>,
    %add3A_958 = arith.constant 30720 : i32
    %add3A_959 = vector.broadcast %add3A_958 : i32 to vector<16xi32>
    %add3A_960 = arith.addi %get3A_957, %add3A_959 : vector<16xi32>
    %get3A_961 = arith.constant 1264 : index
    %get3A_962 = tpu.vector_load %arg8[%get3A_961] {strides = array<i32>} : memref<3072xf32, #tpu.memory_space<vmem>>, vector<16xf32>,
    tpu.vector_store_idx %arg5[%add3A_960], %get3A_962 : memref<32768xf32, #tpu.memory_space<vmem>>[vector<16xi32>], vector<16xf32>,
    %mul3A_963 = arith.constant 64 : i32
    %mul3A_964 = arith.muli %add3A, %mul3A_963 : i32
    %add3A_965 = arith.constant 2048 : i32
    %add3A_966 = arith.addi %add3A_965, %mul3A_964 : i32
    %add3A_967 = arith.constant 0 : i32
    %add3A_968 = arith.addi %add3A_966, %add3A_967 : i32
    %mul3A_969 = arith.constant 2048 : i32
    %mul3A_970 = arith.muli %add3A_968, %mul3A_969 : i32
    %dma_start3A_971 = tpu.memref_slice %arg4[%mul3A_970] : memref<12582912xf32, #tpu.memory_space<hbm>> -> memref<32768xf32, #tpu.memory_space<hbm>>
    %dma_start3A_972 = tpu.memref_slice %arg4[%mul3A_970] : memref<12582912xf32, #tpu.memory_space<hbm>> -> memref<32768xf32, #tpu.memory_space<hbm>>
    tpu.enqueue_dma source(%arg5 : memref<32768xf32, #tpu.memory_space<vmem>>) target(%dma_start3A_972 : memref<32768xf32, #tpu.memory_space<hbm>>) target_semaphore(%arg9 : memref<!tpu.dma_semaphore, #tpu.memory_space<semaphore_mem>>)
    %mul3A_973 = arith.constant 64 : i32
    %mul3A_974 = arith.muli %add3A, %mul3A_973 : i32
    %add3A_975 = arith.constant 0 : i32
    %add3A_976 = arith.addi %add3A_975, %mul3A_974 : i32
    %add3A_977 = arith.constant 48 : i32
    %add3A_978 = arith.addi %add3A_976, %add3A_977 : i32
    %mul3A_979 = arith.constant 2048 : i32
    %mul3A_980 = arith.muli %add3A_978, %mul3A_979 : i32
    %dma_wait3A_981 = tpu.memref_slice %arg4[%mul3A_980] : memref<12582912xf32, #tpu.memory_space<hbm>> -> memref<32768xf32, #tpu.memory_space<hbm>>
    %dma_wait3A_982 = tpu.memref_slice %arg4[%mul3A_980] : memref<12582912xf32, #tpu.memory_space<hbm>> -> memref<32768xf32, #tpu.memory_space<hbm>>
    tpu.wait_dma2 semaphore(%arg10 : memref<!tpu.dma_semaphore, #tpu.memory_space<semaphore_mem>>) src(%arg6 : memref<32768xf32, #tpu.memory_space<vmem>>) dst(%dma_wait3A_982 : memref<32768xf32, #tpu.memory_space<hbm>>)
    %get3A_983 = arith.constant 768 : index
    %get3A_984 = tpu.vector_load %arg7[%get3A_983] {strides = array<i32>} : memref<3072xi32, #tpu.memory_space<vmem>>, vector<16xi32>,
    %add3A_985 = arith.constant 0 : i32
    %add3A_986 = vector.broadcast %add3A_985 : i32 to vector<16xi32>
    %add3A_987 = arith.addi %get3A_984, %add3A_986 : vector<16xi32>
    tpu.vector_store_idx %arg6[%add3A_987], %broadcast_in_dim3A_93 : memref<32768xf32, #tpu.memory_space<vmem>>[vector<16xi32>], vector<16xf32>,
    %get3A_988 = arith.constant 784 : index
    %get3A_989 = tpu.vector_load %arg7[%get3A_988] {strides = array<i32>} : memref<3072xi32, #tpu.memory_space<vmem>>, vector<16xi32>,
    %add3A_990 = arith.constant 2048 : i32
    %add3A_991 = vector.broadcast %add3A_990 : i32 to vector<16xi32>
    %add3A_992 = arith.addi %get3A_989, %add3A_991 : vector<16xi32>
    tpu.vector_store_idx %arg6[%add3A_992], %broadcast_in_dim3A_93 : memref<32768xf32, #tpu.memory_space<vmem>>[vector<16xi32>], vector<16xf32>,
    %get3A_993 = arith.constant 800 : index
    %get3A_994 = tpu.vector_load %arg7[%get3A_993] {strides = array<i32>} : memref<3072xi32, #tpu.memory_space<vmem>>, vector<16xi32>,
    %add3A_995 = arith.constant 4096 : i32
    %add3A_996 = vector.broadcast %add3A_995 : i32 to vector<16xi32>
    %add3A_997 = arith.addi %get3A_994, %add3A_996 : vector<16xi32>
    tpu.vector_store_idx %arg6[%add3A_997], %broadcast_in_dim3A_93 : memref<32768xf32, #tpu.memory_space<vmem>>[vector<16xi32>], vector<16xf32>,
    %get3A_998 = arith.constant 816 : index
    %get3A_999 = tpu.vector_load %arg7[%get3A_998] {strides = array<i32>} : memref<3072xi32, #tpu.memory_space<vmem>>, vector<16xi32>,
    %add3A_1000 = arith.constant 6144 : i32
    %add3A_1001 = vector.broadcast %add3A_1000 : i32 to vector<16xi32>
    %add3A_1002 = arith.addi %get3A_999, %add3A_1001 : vector<16xi32>
    tpu.vector_store_idx %arg6[%add3A_1002], %broadcast_in_dim3A_93 : memref<32768xf32, #tpu.memory_space<vmem>>[vector<16xi32>], vector<16xf32>,
    %get3A_1003 = arith.constant 832 : index
    %get3A_1004 = tpu.vector_load %arg7[%get3A_1003] {strides = array<i32>} : memref<3072xi32, #tpu.memory_space<vmem>>, vector<16xi32>,
    %add3A_1005 = arith.constant 8192 : i32
    %add3A_1006 = vector.broadcast %add3A_1005 : i32 to vector<16xi32>
    %add3A_1007 = arith.addi %get3A_1004, %add3A_1006 : vector<16xi32>
    tpu.vector_store_idx %arg6[%add3A_1007], %broadcast_in_dim3A_93 : memref<32768xf32, #tpu.memory_space<vmem>>[vector<16xi32>], vector<16xf32>,
    %get3A_1008 = arith.constant 848 : index
    %get3A_1009 = tpu.vector_load %arg7[%get3A_1008] {strides = array<i32>} : memref<3072xi32, #tpu.memory_space<vmem>>, vector<16xi32>,
    %add3A_1010 = arith.constant 10240 : i32
    %add3A_1011 = vector.broadcast %add3A_1010 : i32 to vector<16xi32>
    %add3A_1012 = arith.addi %get3A_1009, %add3A_1011 : vector<16xi32>
    tpu.vector_store_idx %arg6[%add3A_1012], %broadcast_in_dim3A_93 : memref<32768xf32, #tpu.memory_space<vmem>>[vector<16xi32>], vector<16xf32>,
    %get3A_1013 = arith.constant 864 : index
    %get3A_1014 = tpu.vector_load %arg7[%get3A_1013] {strides = array<i32>} : memref<3072xi32, #tpu.memory_space<vmem>>, vector<16xi32>,
    %add3A_1015 = arith.constant 12288 : i32
    %add3A_1016 = vector.broadcast %add3A_1015 : i32 to vector<16xi32>
    %add3A_1017 = arith.addi %get3A_1014, %add3A_1016 : vector<16xi32>
    tpu.vector_store_idx %arg6[%add3A_1017], %broadcast_in_dim3A_93 : memref<32768xf32, #tpu.memory_space<vmem>>[vector<16xi32>], vector<16xf32>,
    %get3A_1018 = arith.constant 880 : index
    %get3A_1019 = tpu.vector_load %arg7[%get3A_1018] {strides = array<i32>} : memref<3072xi32, #tpu.memory_space<vmem>>, vector<16xi32>,
    %add3A_1020 = arith.constant 14336 : i32
    %add3A_1021 = vector.broadcast %add3A_1020 : i32 to vector<16xi32>
    %add3A_1022 = arith.addi %get3A_1019, %add3A_1021 : vector<16xi32>
    tpu.vector_store_idx %arg6[%add3A_1022], %broadcast_in_dim3A_93 : memref<32768xf32, #tpu.memory_space<vmem>>[vector<16xi32>], vector<16xf32>,
    %get3A_1023 = arith.constant 896 : index
    %get3A_1024 = tpu.vector_load %arg7[%get3A_1023] {strides = array<i32>} : memref<3072xi32, #tpu.memory_space<vmem>>, vector<16xi32>,
    %add3A_1025 = arith.constant 16384 : i32
    %add3A_1026 = vector.broadcast %add3A_1025 : i32 to vector<16xi32>
    %add3A_1027 = arith.addi %get3A_1024, %add3A_1026 : vector<16xi32>
    tpu.vector_store_idx %arg6[%add3A_1027], %broadcast_in_dim3A_93 : memref<32768xf32, #tpu.memory_space<vmem>>[vector<16xi32>], vector<16xf32>,
    %get3A_1028 = arith.constant 912 : index
    %get3A_1029 = tpu.vector_load %arg7[%get3A_1028] {strides = array<i32>} : memref<3072xi32, #tpu.memory_space<vmem>>, vector<16xi32>,
    %add3A_1030 = arith.constant 18432 : i32
    %add3A_1031 = vector.broadcast %add3A_1030 : i32 to vector<16xi32>
    %add3A_1032 = arith.addi %get3A_1029, %add3A_1031 : vector<16xi32>
    tpu.vector_store_idx %arg6[%add3A_1032], %broadcast_in_dim3A_93 : memref<32768xf32, #tpu.memory_space<vmem>>[vector<16xi32>], vector<16xf32>,
    %get3A_1033 = arith.constant 928 : index
    %get3A_1034 = tpu.vector_load %arg7[%get3A_1033] {strides = array<i32>} : memref<3072xi32, #tpu.memory_space<vmem>>, vector<16xi32>,
    %add3A_1035 = arith.constant 20480 : i32
    %add3A_1036 = vector.broadcast %add3A_1035 : i32 to vector<16xi32>
    %add3A_1037 = arith.addi %get3A_1034, %add3A_1036 : vector<16xi32>
    tpu.vector_store_idx %arg6[%add3A_1037], %broadcast_in_dim3A_93 : memref<32768xf32, #tpu.memory_space<vmem>>[vector<16xi32>], vector<16xf32>,
    %get3A_1038 = arith.constant 944 : index
    %get3A_1039 = tpu.vector_load %arg7[%get3A_1038] {strides = array<i32>} : memref<3072xi32, #tpu.memory_space<vmem>>, vector<16xi32>,
    %add3A_1040 = arith.constant 22528 : i32
    %add3A_1041 = vector.broadcast %add3A_1040 : i32 to vector<16xi32>
    %add3A_1042 = arith.addi %get3A_1039, %add3A_1041 : vector<16xi32>
    tpu.vector_store_idx %arg6[%add3A_1042], %broadcast_in_dim3A_93 : memref<32768xf32, #tpu.memory_space<vmem>>[vector<16xi32>], vector<16xf32>,
    %get3A_1043 = arith.constant 960 : index
    %get3A_1044 = tpu.vector_load %arg7[%get3A_1043] {strides = array<i32>} : memref<3072xi32, #tpu.memory_space<vmem>>, vector<16xi32>,
    %add3A_1045 = arith.constant 24576 : i32
    %add3A_1046 = vector.broadcast %add3A_1045 : i32 to vector<16xi32>
    %add3A_1047 = arith.addi %get3A_1044, %add3A_1046 : vector<16xi32>
    tpu.vector_store_idx %arg6[%add3A_1047], %broadcast_in_dim3A_93 : memref<32768xf32, #tpu.memory_space<vmem>>[vector<16xi32>], vector<16xf32>,
    %get3A_1048 = arith.constant 976 : index
    %get3A_1049 = tpu.vector_load %arg7[%get3A_1048] {strides = array<i32>} : memref<3072xi32, #tpu.memory_space<vmem>>, vector<16xi32>,
    %add3A_1050 = arith.constant 26624 : i32
    %add3A_1051 = vector.broadcast %add3A_1050 : i32 to vector<16xi32>
    %add3A_1052 = arith.addi %get3A_1049, %add3A_1051 : vector<16xi32>
    tpu.vector_store_idx %arg6[%add3A_1052], %broadcast_in_dim3A_93 : memref<32768xf32, #tpu.memory_space<vmem>>[vector<16xi32>], vector<16xf32>,
    %get3A_1053 = arith.constant 992 : index
    %get3A_1054 = tpu.vector_load %arg7[%get3A_1053] {strides = array<i32>} : memref<3072xi32, #tpu.memory_space<vmem>>, vector<16xi32>,
    %add3A_1055 = arith.constant 28672 : i32
    %add3A_1056 = vector.broadcast %add3A_1055 : i32 to vector<16xi32>
    %add3A_1057 = arith.addi %get3A_1054, %add3A_1056 : vector<16xi32>
    tpu.vector_store_idx %arg6[%add3A_1057], %broadcast_in_dim3A_93 : memref<32768xf32, #tpu.memory_space<vmem>>[vector<16xi32>], vector<16xf32>,
    %get3A_1058 = arith.constant 1008 : index
    %get3A_1059 = tpu.vector_load %arg7[%get3A_1058] {strides = array<i32>} : memref<3072xi32, #tpu.memory_space<vmem>>, vector<16xi32>,
    %add3A_1060 = arith.constant 30720 : i32
    %add3A_1061 = vector.broadcast %add3A_1060 : i32 to vector<16xi32>
    %add3A_1062 = arith.addi %get3A_1059, %add3A_1061 : vector<16xi32>
    tpu.vector_store_idx %arg6[%add3A_1062], %broadcast_in_dim3A_93 : memref<32768xf32, #tpu.memory_space<vmem>>[vector<16xi32>], vector<16xf32>,
    %get3A_1063 = arith.constant 1280 : index
    %get3A_1064 = tpu.vector_load %arg7[%get3A_1063] {strides = array<i32>} : memref<3072xi32, #tpu.memory_space<vmem>>, vector<16xi32>,
    %add3A_1065 = arith.constant 0 : i32
    %add3A_1066 = vector.broadcast %add3A_1065 : i32 to vector<16xi32>
    %add3A_1067 = arith.addi %get3A_1064, %add3A_1066 : vector<16xi32>
    %get3A_1068 = arith.constant 1280 : index
    %get3A_1069 = tpu.vector_load %arg8[%get3A_1068] {strides = array<i32>} : memref<3072xf32, #tpu.memory_space<vmem>>, vector<16xf32>,
    tpu.vector_store_idx %arg6[%add3A_1067], %get3A_1069 : memref<32768xf32, #tpu.memory_space<vmem>>[vector<16xi32>], vector<16xf32>,
    %get3A_1070 = arith.constant 1296 : index
    %get3A_1071 = tpu.vector_load %arg7[%get3A_1070] {strides = array<i32>} : memref<3072xi32, #tpu.memory_space<vmem>>, vector<16xi32>,
    %add3A_1072 = arith.constant 2048 : i32
    %add3A_1073 = vector.broadcast %add3A_1072 : i32 to vector<16xi32>
    %add3A_1074 = arith.addi %get3A_1071, %add3A_1073 : vector<16xi32>
    %get3A_1075 = arith.constant 1296 : index
    %get3A_1076 = tpu.vector_load %arg8[%get3A_1075] {strides = array<i32>} : memref<3072xf32, #tpu.memory_space<vmem>>, vector<16xf32>,
    tpu.vector_store_idx %arg6[%add3A_1074], %get3A_1076 : memref<32768xf32, #tpu.memory_space<vmem>>[vector<16xi32>], vector<16xf32>,
    %get3A_1077 = arith.constant 1312 : index
    %get3A_1078 = tpu.vector_load %arg7[%get3A_1077] {strides = array<i32>} : memref<3072xi32, #tpu.memory_space<vmem>>, vector<16xi32>,
    %add3A_1079 = arith.constant 4096 : i32
    %add3A_1080 = vector.broadcast %add3A_1079 : i32 to vector<16xi32>
    %add3A_1081 = arith.addi %get3A_1078, %add3A_1080 : vector<16xi32>
    %get3A_1082 = arith.constant 1312 : index
    %get3A_1083 = tpu.vector_load %arg8[%get3A_1082] {strides = array<i32>} : memref<3072xf32, #tpu.memory_space<vmem>>, vector<16xf32>,
    tpu.vector_store_idx %arg6[%add3A_1081], %get3A_1083 : memref<32768xf32, #tpu.memory_space<vmem>>[vector<16xi32>], vector<16xf32>,
    %get3A_1084 = arith.constant 1328 : index
    %get3A_1085 = tpu.vector_load %arg7[%get3A_1084] {strides = array<i32>} : memref<3072xi32, #tpu.memory_space<vmem>>, vector<16xi32>,
    %add3A_1086 = arith.constant 6144 : i32
    %add3A_1087 = vector.broadcast %add3A_1086 : i32 to vector<16xi32>
    %add3A_1088 = arith.addi %get3A_1085, %add3A_1087 : vector<16xi32>
    %get3A_1089 = arith.constant 1328 : index
    %get3A_1090 = tpu.vector_load %arg8[%get3A_1089] {strides = array<i32>} : memref<3072xf32, #tpu.memory_space<vmem>>, vector<16xf32>,
    tpu.vector_store_idx %arg6[%add3A_1088], %get3A_1090 : memref<32768xf32, #tpu.memory_space<vmem>>[vector<16xi32>], vector<16xf32>,
    %get3A_1091 = arith.constant 1344 : index
    %get3A_1092 = tpu.vector_load %arg7[%get3A_1091] {strides = array<i32>} : memref<3072xi32, #tpu.memory_space<vmem>>, vector<16xi32>,
    %add3A_1093 = arith.constant 8192 : i32
    %add3A_1094 = vector.broadcast %add3A_1093 : i32 to vector<16xi32>
    %add3A_1095 = arith.addi %get3A_1092, %add3A_1094 : vector<16xi32>
    %get3A_1096 = arith.constant 1344 : index
    %get3A_1097 = tpu.vector_load %arg8[%get3A_1096] {strides = array<i32>} : memref<3072xf32, #tpu.memory_space<vmem>>, vector<16xf32>,
    tpu.vector_store_idx %arg6[%add3A_1095], %get3A_1097 : memref<32768xf32, #tpu.memory_space<vmem>>[vector<16xi32>], vector<16xf32>,
    %get3A_1098 = arith.constant 1360 : index
    %get3A_1099 = tpu.vector_load %arg7[%get3A_1098] {strides = array<i32>} : memref<3072xi32, #tpu.memory_space<vmem>>, vector<16xi32>,
    %add3A_1100 = arith.constant 10240 : i32
    %add3A_1101 = vector.broadcast %add3A_1100 : i32 to vector<16xi32>
    %add3A_1102 = arith.addi %get3A_1099, %add3A_1101 : vector<16xi32>
    %get3A_1103 = arith.constant 1360 : index
    %get3A_1104 = tpu.vector_load %arg8[%get3A_1103] {strides = array<i32>} : memref<3072xf32, #tpu.memory_space<vmem>>, vector<16xf32>,
    tpu.vector_store_idx %arg6[%add3A_1102], %get3A_1104 : memref<32768xf32, #tpu.memory_space<vmem>>[vector<16xi32>], vector<16xf32>,
    %get3A_1105 = arith.constant 1376 : index
    %get3A_1106 = tpu.vector_load %arg7[%get3A_1105] {strides = array<i32>} : memref<3072xi32, #tpu.memory_space<vmem>>, vector<16xi32>,
    %add3A_1107 = arith.constant 12288 : i32
    %add3A_1108 = vector.broadcast %add3A_1107 : i32 to vector<16xi32>
    %add3A_1109 = arith.addi %get3A_1106, %add3A_1108 : vector<16xi32>
    %get3A_1110 = arith.constant 1376 : index
    %get3A_1111 = tpu.vector_load %arg8[%get3A_1110] {strides = array<i32>} : memref<3072xf32, #tpu.memory_space<vmem>>, vector<16xf32>,
    tpu.vector_store_idx %arg6[%add3A_1109], %get3A_1111 : memref<32768xf32, #tpu.memory_space<vmem>>[vector<16xi32>], vector<16xf32>,
    %get3A_1112 = arith.constant 1392 : index
    %get3A_1113 = tpu.vector_load %arg7[%get3A_1112] {strides = array<i32>} : memref<3072xi32, #tpu.memory_space<vmem>>, vector<16xi32>,
    %add3A_1114 = arith.constant 14336 : i32
    %add3A_1115 = vector.broadcast %add3A_1114 : i32 to vector<16xi32>
    %add3A_1116 = arith.addi %get3A_1113, %add3A_1115 : vector<16xi32>
    %get3A_1117 = arith.constant 1392 : index
    %get3A_1118 = tpu.vector_load %arg8[%get3A_1117] {strides = array<i32>} : memref<3072xf32, #tpu.memory_space<vmem>>, vector<16xf32>,
    tpu.vector_store_idx %arg6[%add3A_1116], %get3A_1118 : memref<32768xf32, #tpu.memory_space<vmem>>[vector<16xi32>], vector<16xf32>,
    %get3A_1119 = arith.constant 1408 : index
    %get3A_1120 = tpu.vector_load %arg7[%get3A_1119] {strides = array<i32>} : memref<3072xi32, #tpu.memory_space<vmem>>, vector<16xi32>,
    %add3A_1121 = arith.constant 16384 : i32
    %add3A_1122 = vector.broadcast %add3A_1121 : i32 to vector<16xi32>
    %add3A_1123 = arith.addi %get3A_1120, %add3A_1122 : vector<16xi32>
    %get3A_1124 = arith.constant 1408 : index
    %get3A_1125 = tpu.vector_load %arg8[%get3A_1124] {strides = array<i32>} : memref<3072xf32, #tpu.memory_space<vmem>>, vector<16xf32>,
    tpu.vector_store_idx %arg6[%add3A_1123], %get3A_1125 : memref<32768xf32, #tpu.memory_space<vmem>>[vector<16xi32>], vector<16xf32>,
    %get3A_1126 = arith.constant 1424 : index
    %get3A_1127 = tpu.vector_load %arg7[%get3A_1126] {strides = array<i32>} : memref<3072xi32, #tpu.memory_space<vmem>>, vector<16xi32>,
    %add3A_1128 = arith.constant 18432 : i32
    %add3A_1129 = vector.broadcast %add3A_1128 : i32 to vector<16xi32>
    %add3A_1130 = arith.addi %get3A_1127, %add3A_1129 : vector<16xi32>
    %get3A_1131 = arith.constant 1424 : index
    %get3A_1132 = tpu.vector_load %arg8[%get3A_1131] {strides = array<i32>} : memref<3072xf32, #tpu.memory_space<vmem>>, vector<16xf32>,
    tpu.vector_store_idx %arg6[%add3A_1130], %get3A_1132 : memref<32768xf32, #tpu.memory_space<vmem>>[vector<16xi32>], vector<16xf32>,
    %get3A_1133 = arith.constant 1440 : index
    %get3A_1134 = tpu.vector_load %arg7[%get3A_1133] {strides = array<i32>} : memref<3072xi32, #tpu.memory_space<vmem>>, vector<16xi32>,
    %add3A_1135 = arith.constant 20480 : i32
    %add3A_1136 = vector.broadcast %add3A_1135 : i32 to vector<16xi32>
    %add3A_1137 = arith.addi %get3A_1134, %add3A_1136 : vector<16xi32>
    %get3A_1138 = arith.constant 1440 : index
    %get3A_1139 = tpu.vector_load %arg8[%get3A_1138] {strides = array<i32>} : memref<3072xf32, #tpu.memory_space<vmem>>, vector<16xf32>,
    tpu.vector_store_idx %arg6[%add3A_1137], %get3A_1139 : memref<32768xf32, #tpu.memory_space<vmem>>[vector<16xi32>], vector<16xf32>,
    %get3A_1140 = arith.constant 1456 : index
    %get3A_1141 = tpu.vector_load %arg7[%get3A_1140] {strides = array<i32>} : memref<3072xi32, #tpu.memory_space<vmem>>, vector<16xi32>,
    %add3A_1142 = arith.constant 22528 : i32
    %add3A_1143 = vector.broadcast %add3A_1142 : i32 to vector<16xi32>
    %add3A_1144 = arith.addi %get3A_1141, %add3A_1143 : vector<16xi32>
    %get3A_1145 = arith.constant 1456 : index
    %get3A_1146 = tpu.vector_load %arg8[%get3A_1145] {strides = array<i32>} : memref<3072xf32, #tpu.memory_space<vmem>>, vector<16xf32>,
    tpu.vector_store_idx %arg6[%add3A_1144], %get3A_1146 : memref<32768xf32, #tpu.memory_space<vmem>>[vector<16xi32>], vector<16xf32>,
    %get3A_1147 = arith.constant 1472 : index
    %get3A_1148 = tpu.vector_load %arg7[%get3A_1147] {strides = array<i32>} : memref<3072xi32, #tpu.memory_space<vmem>>, vector<16xi32>,
    %add3A_1149 = arith.constant 24576 : i32
    %add3A_1150 = vector.broadcast %add3A_1149 : i32 to vector<16xi32>
    %add3A_1151 = arith.addi %get3A_1148, %add3A_1150 : vector<16xi32>
    %get3A_1152 = arith.constant 1472 : index
    %get3A_1153 = tpu.vector_load %arg8[%get3A_1152] {strides = array<i32>} : memref<3072xf32, #tpu.memory_space<vmem>>, vector<16xf32>,
    tpu.vector_store_idx %arg6[%add3A_1151], %get3A_1153 : memref<32768xf32, #tpu.memory_space<vmem>>[vector<16xi32>], vector<16xf32>,
    %get3A_1154 = arith.constant 1488 : index
    %get3A_1155 = tpu.vector_load %arg7[%get3A_1154] {strides = array<i32>} : memref<3072xi32, #tpu.memory_space<vmem>>, vector<16xi32>,
    %add3A_1156 = arith.constant 26624 : i32
    %add3A_1157 = vector.broadcast %add3A_1156 : i32 to vector<16xi32>
    %add3A_1158 = arith.addi %get3A_1155, %add3A_1157 : vector<16xi32>
    %get3A_1159 = arith.constant 1488 : index
    %get3A_1160 = tpu.vector_load %arg8[%get3A_1159] {strides = array<i32>} : memref<3072xf32, #tpu.memory_space<vmem>>, vector<16xf32>,
    tpu.vector_store_idx %arg6[%add3A_1158], %get3A_1160 : memref<32768xf32, #tpu.memory_space<vmem>>[vector<16xi32>], vector<16xf32>,
    %get3A_1161 = arith.constant 1504 : index
    %get3A_1162 = tpu.vector_load %arg7[%get3A_1161] {strides = array<i32>} : memref<3072xi32, #tpu.memory_space<vmem>>, vector<16xi32>,
    %add3A_1163 = arith.constant 28672 : i32
    %add3A_1164 = vector.broadcast %add3A_1163 : i32 to vector<16xi32>
    %add3A_1165 = arith.addi %get3A_1162, %add3A_1164 : vector<16xi32>
    %get3A_1166 = arith.constant 1504 : index
    %get3A_1167 = tpu.vector_load %arg8[%get3A_1166] {strides = array<i32>} : memref<3072xf32, #tpu.memory_space<vmem>>, vector<16xf32>,
    tpu.vector_store_idx %arg6[%add3A_1165], %get3A_1167 : memref<32768xf32, #tpu.memory_space<vmem>>[vector<16xi32>], vector<16xf32>,
    %get3A_1168 = arith.constant 1520 : index
    %get3A_1169 = tpu.vector_load %arg7[%get3A_1168] {strides = array<i32>} : memref<3072xi32, #tpu.memory_space<vmem>>, vector<16xi32>,
    %add3A_1170 = arith.constant 30720 : i32
    %add3A_1171 = vector.broadcast %add3A_1170 : i32 to vector<16xi32>
    %add3A_1172 = arith.addi %get3A_1169, %add3A_1171 : vector<16xi32>
    %get3A_1173 = arith.constant 1520 : index
    %get3A_1174 = tpu.vector_load %arg8[%get3A_1173] {strides = array<i32>} : memref<3072xf32, #tpu.memory_space<vmem>>, vector<16xf32>,
    tpu.vector_store_idx %arg6[%add3A_1172], %get3A_1174 : memref<32768xf32, #tpu.memory_space<vmem>>[vector<16xi32>], vector<16xf32>,
    %mul3A_1175 = arith.constant 64 : i32
    %mul3A_1176 = arith.muli %add3A, %mul3A_1175 : i32
    %add3A_1177 = arith.constant 2048 : i32
    %add3A_1178 = arith.addi %add3A_1177, %mul3A_1176 : i32
    %add3A_1179 = arith.constant 16 : i32
    %add3A_1180 = arith.addi %add3A_1178, %add3A_1179 : i32
    %mul3A_1181 = arith.constant 2048 : i32
    %mul3A_1182 = arith.muli %add3A_1180, %mul3A_1181 : i32
    %dma_start3A_1183 = tpu.memref_slice %arg4[%mul3A_1182] : memref<12582912xf32, #tpu.memory_space<hbm>> -> memref<32768xf32, #tpu.memory_space<hbm>>
    %dma_start3A_1184 = tpu.memref_slice %arg4[%mul3A_1182] : memref<12582912xf32, #tpu.memory_space<hbm>> -> memref<32768xf32, #tpu.memory_space<hbm>>
    tpu.enqueue_dma source(%arg6 : memref<32768xf32, #tpu.memory_space<vmem>>) target(%dma_start3A_1184 : memref<32768xf32, #tpu.memory_space<hbm>>) target_semaphore(%arg10 : memref<!tpu.dma_semaphore, #tpu.memory_space<semaphore_mem>>)
    %mul3A_1185 = arith.constant 64 : i32
    %mul3A_1186 = arith.muli %add3A, %mul3A_1185 : i32
    %add3A_1187 = arith.constant 2048 : i32
    %add3A_1188 = arith.addi %add3A_1187, %mul3A_1186 : i32
    %add3A_1189 = arith.constant 0 : i32
    %add3A_1190 = arith.addi %add3A_1188, %add3A_1189 : i32
    %mul3A_1191 = arith.constant 2048 : i32
    %mul3A_1192 = arith.muli %add3A_1190, %mul3A_1191 : i32
    %dma_wait3A_1193 = tpu.memref_slice %arg4[%mul3A_1192] : memref<12582912xf32, #tpu.memory_space<hbm>> -> memref<32768xf32, #tpu.memory_space<hbm>>
    %dma_wait3A_1194 = tpu.memref_slice %arg4[%mul3A_1192] : memref<12582912xf32, #tpu.memory_space<hbm>> -> memref<32768xf32, #tpu.memory_space<hbm>>
    tpu.wait_dma2 semaphore(%arg9 : memref<!tpu.dma_semaphore, #tpu.memory_space<semaphore_mem>>) src(%arg5 : memref<32768xf32, #tpu.memory_space<vmem>>) dst(%dma_wait3A_1194 : memref<32768xf32, #tpu.memory_space<hbm>>)
    %get3A_1195 = arith.constant 1024 : index
    %get3A_1196 = tpu.vector_load %arg7[%get3A_1195] {strides = array<i32>} : memref<3072xi32, #tpu.memory_space<vmem>>, vector<16xi32>,
    %add3A_1197 = arith.constant 0 : i32
    %add3A_1198 = vector.broadcast %add3A_1197 : i32 to vector<16xi32>
    %add3A_1199 = arith.addi %get3A_1196, %add3A_1198 : vector<16xi32>
    tpu.vector_store_idx %arg5[%add3A_1199], %broadcast_in_dim3A_93 : memref<32768xf32, #tpu.memory_space<vmem>>[vector<16xi32>], vector<16xf32>,
    %get3A_1200 = arith.constant 1040 : index
    %get3A_1201 = tpu.vector_load %arg7[%get3A_1200] {strides = array<i32>} : memref<3072xi32, #tpu.memory_space<vmem>>, vector<16xi32>,
    %add3A_1202 = arith.constant 2048 : i32
    %add3A_1203 = vector.broadcast %add3A_1202 : i32 to vector<16xi32>
    %add3A_1204 = arith.addi %get3A_1201, %add3A_1203 : vector<16xi32>
    tpu.vector_store_idx %arg5[%add3A_1204], %broadcast_in_dim3A_93 : memref<32768xf32, #tpu.memory_space<vmem>>[vector<16xi32>], vector<16xf32>,
    %get3A_1205 = arith.constant 1056 : index
    %get3A_1206 = tpu.vector_load %arg7[%get3A_1205] {strides = array<i32>} : memref<3072xi32, #tpu.memory_space<vmem>>, vector<16xi32>,
    %add3A_1207 = arith.constant 4096 : i32
    %add3A_1208 = vector.broadcast %add3A_1207 : i32 to vector<16xi32>
    %add3A_1209 = arith.addi %get3A_1206, %add3A_1208 : vector<16xi32>
    tpu.vector_store_idx %arg5[%add3A_1209], %broadcast_in_dim3A_93 : memref<32768xf32, #tpu.memory_space<vmem>>[vector<16xi32>], vector<16xf32>,
    %get3A_1210 = arith.constant 1072 : index
    %get3A_1211 = tpu.vector_load %arg7[%get3A_1210] {strides = array<i32>} : memref<3072xi32, #tpu.memory_space<vmem>>, vector<16xi32>,
    %add3A_1212 = arith.constant 6144 : i32
    %add3A_1213 = vector.broadcast %add3A_1212 : i32 to vector<16xi32>
    %add3A_1214 = arith.addi %get3A_1211, %add3A_1213 : vector<16xi32>
    tpu.vector_store_idx %arg5[%add3A_1214], %broadcast_in_dim3A_93 : memref<32768xf32, #tpu.memory_space<vmem>>[vector<16xi32>], vector<16xf32>,
    %get3A_1215 = arith.constant 1088 : index
    %get3A_1216 = tpu.vector_load %arg7[%get3A_1215] {strides = array<i32>} : memref<3072xi32, #tpu.memory_space<vmem>>, vector<16xi32>,
    %add3A_1217 = arith.constant 8192 : i32
    %add3A_1218 = vector.broadcast %add3A_1217 : i32 to vector<16xi32>
    %add3A_1219 = arith.addi %get3A_1216, %add3A_1218 : vector<16xi32>
    tpu.vector_store_idx %arg5[%add3A_1219], %broadcast_in_dim3A_93 : memref<32768xf32, #tpu.memory_space<vmem>>[vector<16xi32>], vector<16xf32>,
    %get3A_1220 = arith.constant 1104 : index
    %get3A_1221 = tpu.vector_load %arg7[%get3A_1220] {strides = array<i32>} : memref<3072xi32, #tpu.memory_space<vmem>>, vector<16xi32>,
    %add3A_1222 = arith.constant 10240 : i32
    %add3A_1223 = vector.broadcast %add3A_1222 : i32 to vector<16xi32>
    %add3A_1224 = arith.addi %get3A_1221, %add3A_1223 : vector<16xi32>
    tpu.vector_store_idx %arg5[%add3A_1224], %broadcast_in_dim3A_93 : memref<32768xf32, #tpu.memory_space<vmem>>[vector<16xi32>], vector<16xf32>,
    %get3A_1225 = arith.constant 1120 : index
    %get3A_1226 = tpu.vector_load %arg7[%get3A_1225] {strides = array<i32>} : memref<3072xi32, #tpu.memory_space<vmem>>, vector<16xi32>,
    %add3A_1227 = arith.constant 12288 : i32
    %add3A_1228 = vector.broadcast %add3A_1227 : i32 to vector<16xi32>
    %add3A_1229 = arith.addi %get3A_1226, %add3A_1228 : vector<16xi32>
    tpu.vector_store_idx %arg5[%add3A_1229], %broadcast_in_dim3A_93 : memref<32768xf32, #tpu.memory_space<vmem>>[vector<16xi32>], vector<16xf32>,
    %get3A_1230 = arith.constant 1136 : index
    %get3A_1231 = tpu.vector_load %arg7[%get3A_1230] {strides = array<i32>} : memref<3072xi32, #tpu.memory_space<vmem>>, vector<16xi32>,
    %add3A_1232 = arith.constant 14336 : i32
    %add3A_1233 = vector.broadcast %add3A_1232 : i32 to vector<16xi32>
    %add3A_1234 = arith.addi %get3A_1231, %add3A_1233 : vector<16xi32>
    tpu.vector_store_idx %arg5[%add3A_1234], %broadcast_in_dim3A_93 : memref<32768xf32, #tpu.memory_space<vmem>>[vector<16xi32>], vector<16xf32>,
    %get3A_1235 = arith.constant 1152 : index
    %get3A_1236 = tpu.vector_load %arg7[%get3A_1235] {strides = array<i32>} : memref<3072xi32, #tpu.memory_space<vmem>>, vector<16xi32>,
    %add3A_1237 = arith.constant 16384 : i32
    %add3A_1238 = vector.broadcast %add3A_1237 : i32 to vector<16xi32>
    %add3A_1239 = arith.addi %get3A_1236, %add3A_1238 : vector<16xi32>
    tpu.vector_store_idx %arg5[%add3A_1239], %broadcast_in_dim3A_93 : memref<32768xf32, #tpu.memory_space<vmem>>[vector<16xi32>], vector<16xf32>,
    %get3A_1240 = arith.constant 1168 : index
    %get3A_1241 = tpu.vector_load %arg7[%get3A_1240] {strides = array<i32>} : memref<3072xi32, #tpu.memory_space<vmem>>, vector<16xi32>,
    %add3A_1242 = arith.constant 18432 : i32
    %add3A_1243 = vector.broadcast %add3A_1242 : i32 to vector<16xi32>
    %add3A_1244 = arith.addi %get3A_1241, %add3A_1243 : vector<16xi32>
    tpu.vector_store_idx %arg5[%add3A_1244], %broadcast_in_dim3A_93 : memref<32768xf32, #tpu.memory_space<vmem>>[vector<16xi32>], vector<16xf32>,
    %get3A_1245 = arith.constant 1184 : index
    %get3A_1246 = tpu.vector_load %arg7[%get3A_1245] {strides = array<i32>} : memref<3072xi32, #tpu.memory_space<vmem>>, vector<16xi32>,
    %add3A_1247 = arith.constant 20480 : i32
    %add3A_1248 = vector.broadcast %add3A_1247 : i32 to vector<16xi32>
    %add3A_1249 = arith.addi %get3A_1246, %add3A_1248 : vector<16xi32>
    tpu.vector_store_idx %arg5[%add3A_1249], %broadcast_in_dim3A_93 : memref<32768xf32, #tpu.memory_space<vmem>>[vector<16xi32>], vector<16xf32>,
    %get3A_1250 = arith.constant 1200 : index
    %get3A_1251 = tpu.vector_load %arg7[%get3A_1250] {strides = array<i32>} : memref<3072xi32, #tpu.memory_space<vmem>>, vector<16xi32>,
    %add3A_1252 = arith.constant 22528 : i32
    %add3A_1253 = vector.broadcast %add3A_1252 : i32 to vector<16xi32>
    %add3A_1254 = arith.addi %get3A_1251, %add3A_1253 : vector<16xi32>
    tpu.vector_store_idx %arg5[%add3A_1254], %broadcast_in_dim3A_93 : memref<32768xf32, #tpu.memory_space<vmem>>[vector<16xi32>], vector<16xf32>,
    %get3A_1255 = arith.constant 1216 : index
    %get3A_1256 = tpu.vector_load %arg7[%get3A_1255] {strides = array<i32>} : memref<3072xi32, #tpu.memory_space<vmem>>, vector<16xi32>,
    %add3A_1257 = arith.constant 24576 : i32
    %add3A_1258 = vector.broadcast %add3A_1257 : i32 to vector<16xi32>
    %add3A_1259 = arith.addi %get3A_1256, %add3A_1258 : vector<16xi32>
    tpu.vector_store_idx %arg5[%add3A_1259], %broadcast_in_dim3A_93 : memref<32768xf32, #tpu.memory_space<vmem>>[vector<16xi32>], vector<16xf32>,
    %get3A_1260 = arith.constant 1232 : index
    %get3A_1261 = tpu.vector_load %arg7[%get3A_1260] {strides = array<i32>} : memref<3072xi32, #tpu.memory_space<vmem>>, vector<16xi32>,
    %add3A_1262 = arith.constant 26624 : i32
    %add3A_1263 = vector.broadcast %add3A_1262 : i32 to vector<16xi32>
    %add3A_1264 = arith.addi %get3A_1261, %add3A_1263 : vector<16xi32>
    tpu.vector_store_idx %arg5[%add3A_1264], %broadcast_in_dim3A_93 : memref<32768xf32, #tpu.memory_space<vmem>>[vector<16xi32>], vector<16xf32>,
    %get3A_1265 = arith.constant 1248 : index
    %get3A_1266 = tpu.vector_load %arg7[%get3A_1265] {strides = array<i32>} : memref<3072xi32, #tpu.memory_space<vmem>>, vector<16xi32>,
    %add3A_1267 = arith.constant 28672 : i32
    %add3A_1268 = vector.broadcast %add3A_1267 : i32 to vector<16xi32>
    %add3A_1269 = arith.addi %get3A_1266, %add3A_1268 : vector<16xi32>
    tpu.vector_store_idx %arg5[%add3A_1269], %broadcast_in_dim3A_93 : memref<32768xf32, #tpu.memory_space<vmem>>[vector<16xi32>], vector<16xf32>,
    %get3A_1270 = arith.constant 1264 : index
    %get3A_1271 = tpu.vector_load %arg7[%get3A_1270] {strides = array<i32>} : memref<3072xi32, #tpu.memory_space<vmem>>, vector<16xi32>,
    %add3A_1272 = arith.constant 30720 : i32
    %add3A_1273 = vector.broadcast %add3A_1272 : i32 to vector<16xi32>
    %add3A_1274 = arith.addi %get3A_1271, %add3A_1273 : vector<16xi32>
    tpu.vector_store_idx %arg5[%add3A_1274], %broadcast_in_dim3A_93 : memref<32768xf32, #tpu.memory_space<vmem>>[vector<16xi32>], vector<16xf32>,
    %get3A_1275 = arith.constant 1536 : index
    %get3A_1276 = tpu.vector_load %arg7[%get3A_1275] {strides = array<i32>} : memref<3072xi32, #tpu.memory_space<vmem>>, vector<16xi32>,
    %add3A_1277 = arith.constant 0 : i32
    %add3A_1278 = vector.broadcast %add3A_1277 : i32 to vector<16xi32>
    %add3A_1279 = arith.addi %get3A_1276, %add3A_1278 : vector<16xi32>
    %get3A_1280 = arith.constant 1536 : index
    %get3A_1281 = tpu.vector_load %arg8[%get3A_1280] {strides = array<i32>} : memref<3072xf32, #tpu.memory_space<vmem>>, vector<16xf32>,
    tpu.vector_store_idx %arg5[%add3A_1279], %get3A_1281 : memref<32768xf32, #tpu.memory_space<vmem>>[vector<16xi32>], vector<16xf32>,
    %get3A_1282 = arith.constant 1552 : index
    %get3A_1283 = tpu.vector_load %arg7[%get3A_1282] {strides = array<i32>} : memref<3072xi32, #tpu.memory_space<vmem>>, vector<16xi32>,
    %add3A_1284 = arith.constant 2048 : i32
    %add3A_1285 = vector.broadcast %add3A_1284 : i32 to vector<16xi32>
    %add3A_1286 = arith.addi %get3A_1283, %add3A_1285 : vector<16xi32>
    %get3A_1287 = arith.constant 1552 : index
    %get3A_1288 = tpu.vector_load %arg8[%get3A_1287] {strides = array<i32>} : memref<3072xf32, #tpu.memory_space<vmem>>, vector<16xf32>,
    tpu.vector_store_idx %arg5[%add3A_1286], %get3A_1288 : memref<32768xf32, #tpu.memory_space<vmem>>[vector<16xi32>], vector<16xf32>,
    %get3A_1289 = arith.constant 1568 : index
    %get3A_1290 = tpu.vector_load %arg7[%get3A_1289] {strides = array<i32>} : memref<3072xi32, #tpu.memory_space<vmem>>, vector<16xi32>,
    %add3A_1291 = arith.constant 4096 : i32
    %add3A_1292 = vector.broadcast %add3A_1291 : i32 to vector<16xi32>
    %add3A_1293 = arith.addi %get3A_1290, %add3A_1292 : vector<16xi32>
    %get3A_1294 = arith.constant 1568 : index
    %get3A_1295 = tpu.vector_load %arg8[%get3A_1294] {strides = array<i32>} : memref<3072xf32, #tpu.memory_space<vmem>>, vector<16xf32>,
    tpu.vector_store_idx %arg5[%add3A_1293], %get3A_1295 : memref<32768xf32, #tpu.memory_space<vmem>>[vector<16xi32>], vector<16xf32>,
    %get3A_1296 = arith.constant 1584 : index
    %get3A_1297 = tpu.vector_load %arg7[%get3A_1296] {strides = array<i32>} : memref<3072xi32, #tpu.memory_space<vmem>>, vector<16xi32>,
    %add3A_1298 = arith.constant 6144 : i32
    %add3A_1299 = vector.broadcast %add3A_1298 : i32 to vector<16xi32>
    %add3A_1300 = arith.addi %get3A_1297, %add3A_1299 : vector<16xi32>
    %get3A_1301 = arith.constant 1584 : index
    %get3A_1302 = tpu.vector_load %arg8[%get3A_1301] {strides = array<i32>} : memref<3072xf32, #tpu.memory_space<vmem>>, vector<16xf32>,
    tpu.vector_store_idx %arg5[%add3A_1300], %get3A_1302 : memref<32768xf32, #tpu.memory_space<vmem>>[vector<16xi32>], vector<16xf32>,
    %get3A_1303 = arith.constant 1600 : index
    %get3A_1304 = tpu.vector_load %arg7[%get3A_1303] {strides = array<i32>} : memref<3072xi32, #tpu.memory_space<vmem>>, vector<16xi32>,
    %add3A_1305 = arith.constant 8192 : i32
    %add3A_1306 = vector.broadcast %add3A_1305 : i32 to vector<16xi32>
    %add3A_1307 = arith.addi %get3A_1304, %add3A_1306 : vector<16xi32>
    %get3A_1308 = arith.constant 1600 : index
    %get3A_1309 = tpu.vector_load %arg8[%get3A_1308] {strides = array<i32>} : memref<3072xf32, #tpu.memory_space<vmem>>, vector<16xf32>,
    tpu.vector_store_idx %arg5[%add3A_1307], %get3A_1309 : memref<32768xf32, #tpu.memory_space<vmem>>[vector<16xi32>], vector<16xf32>,
    %get3A_1310 = arith.constant 1616 : index
    %get3A_1311 = tpu.vector_load %arg7[%get3A_1310] {strides = array<i32>} : memref<3072xi32, #tpu.memory_space<vmem>>, vector<16xi32>,
    %add3A_1312 = arith.constant 10240 : i32
    %add3A_1313 = vector.broadcast %add3A_1312 : i32 to vector<16xi32>
    %add3A_1314 = arith.addi %get3A_1311, %add3A_1313 : vector<16xi32>
    %get3A_1315 = arith.constant 1616 : index
    %get3A_1316 = tpu.vector_load %arg8[%get3A_1315] {strides = array<i32>} : memref<3072xf32, #tpu.memory_space<vmem>>, vector<16xf32>,
    tpu.vector_store_idx %arg5[%add3A_1314], %get3A_1316 : memref<32768xf32, #tpu.memory_space<vmem>>[vector<16xi32>], vector<16xf32>,
    %get3A_1317 = arith.constant 1632 : index
    %get3A_1318 = tpu.vector_load %arg7[%get3A_1317] {strides = array<i32>} : memref<3072xi32, #tpu.memory_space<vmem>>, vector<16xi32>,
    %add3A_1319 = arith.constant 12288 : i32
    %add3A_1320 = vector.broadcast %add3A_1319 : i32 to vector<16xi32>
    %add3A_1321 = arith.addi %get3A_1318, %add3A_1320 : vector<16xi32>
    %get3A_1322 = arith.constant 1632 : index
    %get3A_1323 = tpu.vector_load %arg8[%get3A_1322] {strides = array<i32>} : memref<3072xf32, #tpu.memory_space<vmem>>, vector<16xf32>,
    tpu.vector_store_idx %arg5[%add3A_1321], %get3A_1323 : memref<32768xf32, #tpu.memory_space<vmem>>[vector<16xi32>], vector<16xf32>,
    %get3A_1324 = arith.constant 1648 : index
    %get3A_1325 = tpu.vector_load %arg7[%get3A_1324] {strides = array<i32>} : memref<3072xi32, #tpu.memory_space<vmem>>, vector<16xi32>,
    %add3A_1326 = arith.constant 14336 : i32
    %add3A_1327 = vector.broadcast %add3A_1326 : i32 to vector<16xi32>
    %add3A_1328 = arith.addi %get3A_1325, %add3A_1327 : vector<16xi32>
    %get3A_1329 = arith.constant 1648 : index
    %get3A_1330 = tpu.vector_load %arg8[%get3A_1329] {strides = array<i32>} : memref<3072xf32, #tpu.memory_space<vmem>>, vector<16xf32>,
    tpu.vector_store_idx %arg5[%add3A_1328], %get3A_1330 : memref<32768xf32, #tpu.memory_space<vmem>>[vector<16xi32>], vector<16xf32>,
    %get3A_1331 = arith.constant 1664 : index
    %get3A_1332 = tpu.vector_load %arg7[%get3A_1331] {strides = array<i32>} : memref<3072xi32, #tpu.memory_space<vmem>>, vector<16xi32>,
    %add3A_1333 = arith.constant 16384 : i32
    %add3A_1334 = vector.broadcast %add3A_1333 : i32 to vector<16xi32>
    %add3A_1335 = arith.addi %get3A_1332, %add3A_1334 : vector<16xi32>
    %get3A_1336 = arith.constant 1664 : index
    %get3A_1337 = tpu.vector_load %arg8[%get3A_1336] {strides = array<i32>} : memref<3072xf32, #tpu.memory_space<vmem>>, vector<16xf32>,
    tpu.vector_store_idx %arg5[%add3A_1335], %get3A_1337 : memref<32768xf32, #tpu.memory_space<vmem>>[vector<16xi32>], vector<16xf32>,
    %get3A_1338 = arith.constant 1680 : index
    %get3A_1339 = tpu.vector_load %arg7[%get3A_1338] {strides = array<i32>} : memref<3072xi32, #tpu.memory_space<vmem>>, vector<16xi32>,
    %add3A_1340 = arith.constant 18432 : i32
    %add3A_1341 = vector.broadcast %add3A_1340 : i32 to vector<16xi32>
    %add3A_1342 = arith.addi %get3A_1339, %add3A_1341 : vector<16xi32>
    %get3A_1343 = arith.constant 1680 : index
    %get3A_1344 = tpu.vector_load %arg8[%get3A_1343] {strides = array<i32>} : memref<3072xf32, #tpu.memory_space<vmem>>, vector<16xf32>,
    tpu.vector_store_idx %arg5[%add3A_1342], %get3A_1344 : memref<32768xf32, #tpu.memory_space<vmem>>[vector<16xi32>], vector<16xf32>,
    %get3A_1345 = arith.constant 1696 : index
    %get3A_1346 = tpu.vector_load %arg7[%get3A_1345] {strides = array<i32>} : memref<3072xi32, #tpu.memory_space<vmem>>, vector<16xi32>,
    %add3A_1347 = arith.constant 20480 : i32
    %add3A_1348 = vector.broadcast %add3A_1347 : i32 to vector<16xi32>
    %add3A_1349 = arith.addi %get3A_1346, %add3A_1348 : vector<16xi32>
    %get3A_1350 = arith.constant 1696 : index
    %get3A_1351 = tpu.vector_load %arg8[%get3A_1350] {strides = array<i32>} : memref<3072xf32, #tpu.memory_space<vmem>>, vector<16xf32>,
    tpu.vector_store_idx %arg5[%add3A_1349], %get3A_1351 : memref<32768xf32, #tpu.memory_space<vmem>>[vector<16xi32>], vector<16xf32>,
    %get3A_1352 = arith.constant 1712 : index
    %get3A_1353 = tpu.vector_load %arg7[%get3A_1352] {strides = array<i32>} : memref<3072xi32, #tpu.memory_space<vmem>>, vector<16xi32>,
    %add3A_1354 = arith.constant 22528 : i32
    %add3A_1355 = vector.broadcast %add3A_1354 : i32 to vector<16xi32>
    %add3A_1356 = arith.addi %get3A_1353, %add3A_1355 : vector<16xi32>
    %get3A_1357 = arith.constant 1712 : index
    %get3A_1358 = tpu.vector_load %arg8[%get3A_1357] {strides = array<i32>} : memref<3072xf32, #tpu.memory_space<vmem>>, vector<16xf32>,
    tpu.vector_store_idx %arg5[%add3A_1356], %get3A_1358 : memref<32768xf32, #tpu.memory_space<vmem>>[vector<16xi32>], vector<16xf32>,
    %get3A_1359 = arith.constant 1728 : index
    %get3A_1360 = tpu.vector_load %arg7[%get3A_1359] {strides = array<i32>} : memref<3072xi32, #tpu.memory_space<vmem>>, vector<16xi32>,
    %add3A_1361 = arith.constant 24576 : i32
    %add3A_1362 = vector.broadcast %add3A_1361 : i32 to vector<16xi32>
    %add3A_1363 = arith.addi %get3A_1360, %add3A_1362 : vector<16xi32>
    %get3A_1364 = arith.constant 1728 : index
    %get3A_1365 = tpu.vector_load %arg8[%get3A_1364] {strides = array<i32>} : memref<3072xf32, #tpu.memory_space<vmem>>, vector<16xf32>,
    tpu.vector_store_idx %arg5[%add3A_1363], %get3A_1365 : memref<32768xf32, #tpu.memory_space<vmem>>[vector<16xi32>], vector<16xf32>,
    %get3A_1366 = arith.constant 1744 : index
    %get3A_1367 = tpu.vector_load %arg7[%get3A_1366] {strides = array<i32>} : memref<3072xi32, #tpu.memory_space<vmem>>, vector<16xi32>,
    %add3A_1368 = arith.constant 26624 : i32
    %add3A_1369 = vector.broadcast %add3A_1368 : i32 to vector<16xi32>
    %add3A_1370 = arith.addi %get3A_1367, %add3A_1369 : vector<16xi32>
    %get3A_1371 = arith.constant 1744 : index
    %get3A_1372 = tpu.vector_load %arg8[%get3A_1371] {strides = array<i32>} : memref<3072xf32, #tpu.memory_space<vmem>>, vector<16xf32>,
    tpu.vector_store_idx %arg5[%add3A_1370], %get3A_1372 : memref<32768xf32, #tpu.memory_space<vmem>>[vector<16xi32>], vector<16xf32>,
    %get3A_1373 = arith.constant 1760 : index
    %get3A_1374 = tpu.vector_load %arg7[%get3A_1373] {strides = array<i32>} : memref<3072xi32, #tpu.memory_space<vmem>>, vector<16xi32>,
    %add3A_1375 = arith.constant 28672 : i32
    %add3A_1376 = vector.broadcast %add3A_1375 : i32 to vector<16xi32>
    %add3A_1377 = arith.addi %get3A_1374, %add3A_1376 : vector<16xi32>
    %get3A_1378 = arith.constant 1760 : index
    %get3A_1379 = tpu.vector_load %arg8[%get3A_1378] {strides = array<i32>} : memref<3072xf32, #tpu.memory_space<vmem>>, vector<16xf32>,
    tpu.vector_store_idx %arg5[%add3A_1377], %get3A_1379 : memref<32768xf32, #tpu.memory_space<vmem>>[vector<16xi32>], vector<16xf32>,
    %get3A_1380 = arith.constant 1776 : index
    %get3A_1381 = tpu.vector_load %arg7[%get3A_1380] {strides = array<i32>} : memref<3072xi32, #tpu.memory_space<vmem>>, vector<16xi32>,
    %add3A_1382 = arith.constant 30720 : i32
    %add3A_1383 = vector.broadcast %add3A_1382 : i32 to vector<16xi32>
    %add3A_1384 = arith.addi %get3A_1381, %add3A_1383 : vector<16xi32>
    %get3A_1385 = arith.constant 1776 : index
    %get3A_1386 = tpu.vector_load %arg8[%get3A_1385] {strides = array<i32>} : memref<3072xf32, #tpu.memory_space<vmem>>, vector<16xf32>,
    tpu.vector_store_idx %arg5[%add3A_1384], %get3A_1386 : memref<32768xf32, #tpu.memory_space<vmem>>[vector<16xi32>], vector<16xf32>,
    %mul3A_1387 = arith.constant 64 : i32
    %mul3A_1388 = arith.muli %add3A, %mul3A_1387 : i32
    %add3A_1389 = arith.constant 2048 : i32
    %add3A_1390 = arith.addi %add3A_1389, %mul3A_1388 : i32
    %add3A_1391 = arith.constant 32 : i32
    %add3A_1392 = arith.addi %add3A_1390, %add3A_1391 : i32
    %mul3A_1393 = arith.constant 2048 : i32
    %mul3A_1394 = arith.muli %add3A_1392, %mul3A_1393 : i32
    %dma_start3A_1395 = tpu.memref_slice %arg4[%mul3A_1394] : memref<12582912xf32, #tpu.memory_space<hbm>> -> memref<32768xf32, #tpu.memory_space<hbm>>
    %dma_start3A_1396 = tpu.memref_slice %arg4[%mul3A_1394] : memref<12582912xf32, #tpu.memory_space<hbm>> -> memref<32768xf32, #tpu.memory_space<hbm>>
    tpu.enqueue_dma source(%arg5 : memref<32768xf32, #tpu.memory_space<vmem>>) target(%dma_start3A_1396 : memref<32768xf32, #tpu.memory_space<hbm>>) target_semaphore(%arg9 : memref<!tpu.dma_semaphore, #tpu.memory_space<semaphore_mem>>)
    %mul3A_1397 = arith.constant 64 : i32
    %mul3A_1398 = arith.muli %add3A, %mul3A_1397 : i32
    %add3A_1399 = arith.constant 2048 : i32
    %add3A_1400 = arith.addi %add3A_1399, %mul3A_1398 : i32
    %add3A_1401 = arith.constant 16 : i32
    %add3A_1402 = arith.addi %add3A_1400, %add3A_1401 : i32
    %mul3A_1403 = arith.constant 2048 : i32
    %mul3A_1404 = arith.muli %add3A_1402, %mul3A_1403 : i32
    %dma_wait3A_1405 = tpu.memref_slice %arg4[%mul3A_1404] : memref<12582912xf32, #tpu.memory_space<hbm>> -> memref<32768xf32, #tpu.memory_space<hbm>>
    %dma_wait3A_1406 = tpu.memref_slice %arg4[%mul3A_1404] : memref<12582912xf32, #tpu.memory_space<hbm>> -> memref<32768xf32, #tpu.memory_space<hbm>>
    tpu.wait_dma2 semaphore(%arg10 : memref<!tpu.dma_semaphore, #tpu.memory_space<semaphore_mem>>) src(%arg6 : memref<32768xf32, #tpu.memory_space<vmem>>) dst(%dma_wait3A_1406 : memref<32768xf32, #tpu.memory_space<hbm>>)
    %get3A_1407 = arith.constant 1280 : index
    %get3A_1408 = tpu.vector_load %arg7[%get3A_1407] {strides = array<i32>} : memref<3072xi32, #tpu.memory_space<vmem>>, vector<16xi32>,
    %add3A_1409 = arith.constant 0 : i32
    %add3A_1410 = vector.broadcast %add3A_1409 : i32 to vector<16xi32>
    %add3A_1411 = arith.addi %get3A_1408, %add3A_1410 : vector<16xi32>
    tpu.vector_store_idx %arg6[%add3A_1411], %broadcast_in_dim3A_93 : memref<32768xf32, #tpu.memory_space<vmem>>[vector<16xi32>], vector<16xf32>,
    %get3A_1412 = arith.constant 1296 : index
    %get3A_1413 = tpu.vector_load %arg7[%get3A_1412] {strides = array<i32>} : memref<3072xi32, #tpu.memory_space<vmem>>, vector<16xi32>,
    %add3A_1414 = arith.constant 2048 : i32
    %add3A_1415 = vector.broadcast %add3A_1414 : i32 to vector<16xi32>
    %add3A_1416 = arith.addi %get3A_1413, %add3A_1415 : vector<16xi32>
    tpu.vector_store_idx %arg6[%add3A_1416], %broadcast_in_dim3A_93 : memref<32768xf32, #tpu.memory_space<vmem>>[vector<16xi32>], vector<16xf32>,
    %get3A_1417 = arith.constant 1312 : index
    %get3A_1418 = tpu.vector_load %arg7[%get3A_1417] {strides = array<i32>} : memref<3072xi32, #tpu.memory_space<vmem>>, vector<16xi32>,
    %add3A_1419 = arith.constant 4096 : i32
    %add3A_1420 = vector.broadcast %add3A_1419 : i32 to vector<16xi32>
    %add3A_1421 = arith.addi %get3A_1418, %add3A_1420 : vector<16xi32>
    tpu.vector_store_idx %arg6[%add3A_1421], %broadcast_in_dim3A_93 : memref<32768xf32, #tpu.memory_space<vmem>>[vector<16xi32>], vector<16xf32>,
    %get3A_1422 = arith.constant 1328 : index
    %get3A_1423 = tpu.vector_load %arg7[%get3A_1422] {strides = array<i32>} : memref<3072xi32, #tpu.memory_space<vmem>>, vector<16xi32>,
    %add3A_1424 = arith.constant 6144 : i32
    %add3A_1425 = vector.broadcast %add3A_1424 : i32 to vector<16xi32>
    %add3A_1426 = arith.addi %get3A_1423, %add3A_1425 : vector<16xi32>
    tpu.vector_store_idx %arg6[%add3A_1426], %broadcast_in_dim3A_93 : memref<32768xf32, #tpu.memory_space<vmem>>[vector<16xi32>], vector<16xf32>,
    %get3A_1427 = arith.constant 1344 : index
    %get3A_1428 = tpu.vector_load %arg7[%get3A_1427] {strides = array<i32>} : memref<3072xi32, #tpu.memory_space<vmem>>, vector<16xi32>,
    %add3A_1429 = arith.constant 8192 : i32
    %add3A_1430 = vector.broadcast %add3A_1429 : i32 to vector<16xi32>
    %add3A_1431 = arith.addi %get3A_1428, %add3A_1430 : vector<16xi32>
    tpu.vector_store_idx %arg6[%add3A_1431], %broadcast_in_dim3A_93 : memref<32768xf32, #tpu.memory_space<vmem>>[vector<16xi32>], vector<16xf32>,
    %get3A_1432 = arith.constant 1360 : index
    %get3A_1433 = tpu.vector_load %arg7[%get3A_1432] {strides = array<i32>} : memref<3072xi32, #tpu.memory_space<vmem>>, vector<16xi32>,
    %add3A_1434 = arith.constant 10240 : i32
    %add3A_1435 = vector.broadcast %add3A_1434 : i32 to vector<16xi32>
    %add3A_1436 = arith.addi %get3A_1433, %add3A_1435 : vector<16xi32>
    tpu.vector_store_idx %arg6[%add3A_1436], %broadcast_in_dim3A_93 : memref<32768xf32, #tpu.memory_space<vmem>>[vector<16xi32>], vector<16xf32>,
    %get3A_1437 = arith.constant 1376 : index
    %get3A_1438 = tpu.vector_load %arg7[%get3A_1437] {strides = array<i32>} : memref<3072xi32, #tpu.memory_space<vmem>>, vector<16xi32>,
    %add3A_1439 = arith.constant 12288 : i32
    %add3A_1440 = vector.broadcast %add3A_1439 : i32 to vector<16xi32>
    %add3A_1441 = arith.addi %get3A_1438, %add3A_1440 : vector<16xi32>
    tpu.vector_store_idx %arg6[%add3A_1441], %broadcast_in_dim3A_93 : memref<32768xf32, #tpu.memory_space<vmem>>[vector<16xi32>], vector<16xf32>,
    %get3A_1442 = arith.constant 1392 : index
    %get3A_1443 = tpu.vector_load %arg7[%get3A_1442] {strides = array<i32>} : memref<3072xi32, #tpu.memory_space<vmem>>, vector<16xi32>,
    %add3A_1444 = arith.constant 14336 : i32
    %add3A_1445 = vector.broadcast %add3A_1444 : i32 to vector<16xi32>
    %add3A_1446 = arith.addi %get3A_1443, %add3A_1445 : vector<16xi32>
    tpu.vector_store_idx %arg6[%add3A_1446], %broadcast_in_dim3A_93 : memref<32768xf32, #tpu.memory_space<vmem>>[vector<16xi32>], vector<16xf32>,
    %get3A_1447 = arith.constant 1408 : index
    %get3A_1448 = tpu.vector_load %arg7[%get3A_1447] {strides = array<i32>} : memref<3072xi32, #tpu.memory_space<vmem>>, vector<16xi32>,
    %add3A_1449 = arith.constant 16384 : i32
    %add3A_1450 = vector.broadcast %add3A_1449 : i32 to vector<16xi32>
    %add3A_1451 = arith.addi %get3A_1448, %add3A_1450 : vector<16xi32>
    tpu.vector_store_idx %arg6[%add3A_1451], %broadcast_in_dim3A_93 : memref<32768xf32, #tpu.memory_space<vmem>>[vector<16xi32>], vector<16xf32>,
    %get3A_1452 = arith.constant 1424 : index
    %get3A_1453 = tpu.vector_load %arg7[%get3A_1452] {strides = array<i32>} : memref<3072xi32, #tpu.memory_space<vmem>>, vector<16xi32>,
    %add3A_1454 = arith.constant 18432 : i32
    %add3A_1455 = vector.broadcast %add3A_1454 : i32 to vector<16xi32>
    %add3A_1456 = arith.addi %get3A_1453, %add3A_1455 : vector<16xi32>
    tpu.vector_store_idx %arg6[%add3A_1456], %broadcast_in_dim3A_93 : memref<32768xf32, #tpu.memory_space<vmem>>[vector<16xi32>], vector<16xf32>,
    %get3A_1457 = arith.constant 1440 : index
    %get3A_1458 = tpu.vector_load %arg7[%get3A_1457] {strides = array<i32>} : memref<3072xi32, #tpu.memory_space<vmem>>, vector<16xi32>,
    %add3A_1459 = arith.constant 20480 : i32
    %add3A_1460 = vector.broadcast %add3A_1459 : i32 to vector<16xi32>
    %add3A_1461 = arith.addi %get3A_1458, %add3A_1460 : vector<16xi32>
    tpu.vector_store_idx %arg6[%add3A_1461], %broadcast_in_dim3A_93 : memref<32768xf32, #tpu.memory_space<vmem>>[vector<16xi32>], vector<16xf32>,
    %get3A_1462 = arith.constant 1456 : index
    %get3A_1463 = tpu.vector_load %arg7[%get3A_1462] {strides = array<i32>} : memref<3072xi32, #tpu.memory_space<vmem>>, vector<16xi32>,
    %add3A_1464 = arith.constant 22528 : i32
    %add3A_1465 = vector.broadcast %add3A_1464 : i32 to vector<16xi32>
    %add3A_1466 = arith.addi %get3A_1463, %add3A_1465 : vector<16xi32>
    tpu.vector_store_idx %arg6[%add3A_1466], %broadcast_in_dim3A_93 : memref<32768xf32, #tpu.memory_space<vmem>>[vector<16xi32>], vector<16xf32>,
    %get3A_1467 = arith.constant 1472 : index
    %get3A_1468 = tpu.vector_load %arg7[%get3A_1467] {strides = array<i32>} : memref<3072xi32, #tpu.memory_space<vmem>>, vector<16xi32>,
    %add3A_1469 = arith.constant 24576 : i32
    %add3A_1470 = vector.broadcast %add3A_1469 : i32 to vector<16xi32>
    %add3A_1471 = arith.addi %get3A_1468, %add3A_1470 : vector<16xi32>
    tpu.vector_store_idx %arg6[%add3A_1471], %broadcast_in_dim3A_93 : memref<32768xf32, #tpu.memory_space<vmem>>[vector<16xi32>], vector<16xf32>,
    %get3A_1472 = arith.constant 1488 : index
    %get3A_1473 = tpu.vector_load %arg7[%get3A_1472] {strides = array<i32>} : memref<3072xi32, #tpu.memory_space<vmem>>, vector<16xi32>,
    %add3A_1474 = arith.constant 26624 : i32
    %add3A_1475 = vector.broadcast %add3A_1474 : i32 to vector<16xi32>
    %add3A_1476 = arith.addi %get3A_1473, %add3A_1475 : vector<16xi32>
    tpu.vector_store_idx %arg6[%add3A_1476], %broadcast_in_dim3A_93 : memref<32768xf32, #tpu.memory_space<vmem>>[vector<16xi32>], vector<16xf32>,
    %get3A_1477 = arith.constant 1504 : index
    %get3A_1478 = tpu.vector_load %arg7[%get3A_1477] {strides = array<i32>} : memref<3072xi32, #tpu.memory_space<vmem>>, vector<16xi32>,
    %add3A_1479 = arith.constant 28672 : i32
    %add3A_1480 = vector.broadcast %add3A_1479 : i32 to vector<16xi32>
    %add3A_1481 = arith.addi %get3A_1478, %add3A_1480 : vector<16xi32>
    tpu.vector_store_idx %arg6[%add3A_1481], %broadcast_in_dim3A_93 : memref<32768xf32, #tpu.memory_space<vmem>>[vector<16xi32>], vector<16xf32>,
    %get3A_1482 = arith.constant 1520 : index
    %get3A_1483 = tpu.vector_load %arg7[%get3A_1482] {strides = array<i32>} : memref<3072xi32, #tpu.memory_space<vmem>>, vector<16xi32>,
    %add3A_1484 = arith.constant 30720 : i32
    %add3A_1485 = vector.broadcast %add3A_1484 : i32 to vector<16xi32>
    %add3A_1486 = arith.addi %get3A_1483, %add3A_1485 : vector<16xi32>
    tpu.vector_store_idx %arg6[%add3A_1486], %broadcast_in_dim3A_93 : memref<32768xf32, #tpu.memory_space<vmem>>[vector<16xi32>], vector<16xf32>,
    %get3A_1487 = arith.constant 1792 : index
    %get3A_1488 = tpu.vector_load %arg7[%get3A_1487] {strides = array<i32>} : memref<3072xi32, #tpu.memory_space<vmem>>, vector<16xi32>,
    %add3A_1489 = arith.constant 0 : i32
    %add3A_1490 = vector.broadcast %add3A_1489 : i32 to vector<16xi32>
    %add3A_1491 = arith.addi %get3A_1488, %add3A_1490 : vector<16xi32>
    %get3A_1492 = arith.constant 1792 : index
    %get3A_1493 = tpu.vector_load %arg8[%get3A_1492] {strides = array<i32>} : memref<3072xf32, #tpu.memory_space<vmem>>, vector<16xf32>,
    tpu.vector_store_idx %arg6[%add3A_1491], %get3A_1493 : memref<32768xf32, #tpu.memory_space<vmem>>[vector<16xi32>], vector<16xf32>,
    %get3A_1494 = arith.constant 1808 : index
    %get3A_1495 = tpu.vector_load %arg7[%get3A_1494] {strides = array<i32>} : memref<3072xi32, #tpu.memory_space<vmem>>, vector<16xi32>,
    %add3A_1496 = arith.constant 2048 : i32
    %add3A_1497 = vector.broadcast %add3A_1496 : i32 to vector<16xi32>
    %add3A_1498 = arith.addi %get3A_1495, %add3A_1497 : vector<16xi32>
    %get3A_1499 = arith.constant 1808 : index
    %get3A_1500 = tpu.vector_load %arg8[%get3A_1499] {strides = array<i32>} : memref<3072xf32, #tpu.memory_space<vmem>>, vector<16xf32>,
    tpu.vector_store_idx %arg6[%add3A_1498], %get3A_1500 : memref<32768xf32, #tpu.memory_space<vmem>>[vector<16xi32>], vector<16xf32>,
    %get3A_1501 = arith.constant 1824 : index
    %get3A_1502 = tpu.vector_load %arg7[%get3A_1501] {strides = array<i32>} : memref<3072xi32, #tpu.memory_space<vmem>>, vector<16xi32>,
    %add3A_1503 = arith.constant 4096 : i32
    %add3A_1504 = vector.broadcast %add3A_1503 : i32 to vector<16xi32>
    %add3A_1505 = arith.addi %get3A_1502, %add3A_1504 : vector<16xi32>
    %get3A_1506 = arith.constant 1824 : index
    %get3A_1507 = tpu.vector_load %arg8[%get3A_1506] {strides = array<i32>} : memref<3072xf32, #tpu.memory_space<vmem>>, vector<16xf32>,
    tpu.vector_store_idx %arg6[%add3A_1505], %get3A_1507 : memref<32768xf32, #tpu.memory_space<vmem>>[vector<16xi32>], vector<16xf32>,
    %get3A_1508 = arith.constant 1840 : index
    %get3A_1509 = tpu.vector_load %arg7[%get3A_1508] {strides = array<i32>} : memref<3072xi32, #tpu.memory_space<vmem>>, vector<16xi32>,
    %add3A_1510 = arith.constant 6144 : i32
    %add3A_1511 = vector.broadcast %add3A_1510 : i32 to vector<16xi32>
    %add3A_1512 = arith.addi %get3A_1509, %add3A_1511 : vector<16xi32>
    %get3A_1513 = arith.constant 1840 : index
    %get3A_1514 = tpu.vector_load %arg8[%get3A_1513] {strides = array<i32>} : memref<3072xf32, #tpu.memory_space<vmem>>, vector<16xf32>,
    tpu.vector_store_idx %arg6[%add3A_1512], %get3A_1514 : memref<32768xf32, #tpu.memory_space<vmem>>[vector<16xi32>], vector<16xf32>,
    %get3A_1515 = arith.constant 1856 : index
    %get3A_1516 = tpu.vector_load %arg7[%get3A_1515] {strides = array<i32>} : memref<3072xi32, #tpu.memory_space<vmem>>, vector<16xi32>,
    %add3A_1517 = arith.constant 8192 : i32
    %add3A_1518 = vector.broadcast %add3A_1517 : i32 to vector<16xi32>
    %add3A_1519 = arith.addi %get3A_1516, %add3A_1518 : vector<16xi32>
    %get3A_1520 = arith.constant 1856 : index
    %get3A_1521 = tpu.vector_load %arg8[%get3A_1520] {strides = array<i32>} : memref<3072xf32, #tpu.memory_space<vmem>>, vector<16xf32>,
    tpu.vector_store_idx %arg6[%add3A_1519], %get3A_1521 : memref<32768xf32, #tpu.memory_space<vmem>>[vector<16xi32>], vector<16xf32>,
    %get3A_1522 = arith.constant 1872 : index
    %get3A_1523 = tpu.vector_load %arg7[%get3A_1522] {strides = array<i32>} : memref<3072xi32, #tpu.memory_space<vmem>>, vector<16xi32>,
    %add3A_1524 = arith.constant 10240 : i32
    %add3A_1525 = vector.broadcast %add3A_1524 : i32 to vector<16xi32>
    %add3A_1526 = arith.addi %get3A_1523, %add3A_1525 : vector<16xi32>
    %get3A_1527 = arith.constant 1872 : index
    %get3A_1528 = tpu.vector_load %arg8[%get3A_1527] {strides = array<i32>} : memref<3072xf32, #tpu.memory_space<vmem>>, vector<16xf32>,
    tpu.vector_store_idx %arg6[%add3A_1526], %get3A_1528 : memref<32768xf32, #tpu.memory_space<vmem>>[vector<16xi32>], vector<16xf32>,
    %get3A_1529 = arith.constant 1888 : index
    %get3A_1530 = tpu.vector_load %arg7[%get3A_1529] {strides = array<i32>} : memref<3072xi32, #tpu.memory_space<vmem>>, vector<16xi32>,
    %add3A_1531 = arith.constant 12288 : i32
    %add3A_1532 = vector.broadcast %add3A_1531 : i32 to vector<16xi32>
    %add3A_1533 = arith.addi %get3A_1530, %add3A_1532 : vector<16xi32>
    %get3A_1534 = arith.constant 1888 : index
    %get3A_1535 = tpu.vector_load %arg8[%get3A_1534] {strides = array<i32>} : memref<3072xf32, #tpu.memory_space<vmem>>, vector<16xf32>,
    tpu.vector_store_idx %arg6[%add3A_1533], %get3A_1535 : memref<32768xf32, #tpu.memory_space<vmem>>[vector<16xi32>], vector<16xf32>,
    %get3A_1536 = arith.constant 1904 : index
    %get3A_1537 = tpu.vector_load %arg7[%get3A_1536] {strides = array<i32>} : memref<3072xi32, #tpu.memory_space<vmem>>, vector<16xi32>,
    %add3A_1538 = arith.constant 14336 : i32
    %add3A_1539 = vector.broadcast %add3A_1538 : i32 to vector<16xi32>
    %add3A_1540 = arith.addi %get3A_1537, %add3A_1539 : vector<16xi32>
    %get3A_1541 = arith.constant 1904 : index
    %get3A_1542 = tpu.vector_load %arg8[%get3A_1541] {strides = array<i32>} : memref<3072xf32, #tpu.memory_space<vmem>>, vector<16xf32>,
    tpu.vector_store_idx %arg6[%add3A_1540], %get3A_1542 : memref<32768xf32, #tpu.memory_space<vmem>>[vector<16xi32>], vector<16xf32>,
    %get3A_1543 = arith.constant 1920 : index
    %get3A_1544 = tpu.vector_load %arg7[%get3A_1543] {strides = array<i32>} : memref<3072xi32, #tpu.memory_space<vmem>>, vector<16xi32>,
    %add3A_1545 = arith.constant 16384 : i32
    %add3A_1546 = vector.broadcast %add3A_1545 : i32 to vector<16xi32>
    %add3A_1547 = arith.addi %get3A_1544, %add3A_1546 : vector<16xi32>
    %get3A_1548 = arith.constant 1920 : index
    %get3A_1549 = tpu.vector_load %arg8[%get3A_1548] {strides = array<i32>} : memref<3072xf32, #tpu.memory_space<vmem>>, vector<16xf32>,
    tpu.vector_store_idx %arg6[%add3A_1547], %get3A_1549 : memref<32768xf32, #tpu.memory_space<vmem>>[vector<16xi32>], vector<16xf32>,
    %get3A_1550 = arith.constant 1936 : index
    %get3A_1551 = tpu.vector_load %arg7[%get3A_1550] {strides = array<i32>} : memref<3072xi32, #tpu.memory_space<vmem>>, vector<16xi32>,
    %add3A_1552 = arith.constant 18432 : i32
    %add3A_1553 = vector.broadcast %add3A_1552 : i32 to vector<16xi32>
    %add3A_1554 = arith.addi %get3A_1551, %add3A_1553 : vector<16xi32>
    %get3A_1555 = arith.constant 1936 : index
    %get3A_1556 = tpu.vector_load %arg8[%get3A_1555] {strides = array<i32>} : memref<3072xf32, #tpu.memory_space<vmem>>, vector<16xf32>,
    tpu.vector_store_idx %arg6[%add3A_1554], %get3A_1556 : memref<32768xf32, #tpu.memory_space<vmem>>[vector<16xi32>], vector<16xf32>,
    %get3A_1557 = arith.constant 1952 : index
    %get3A_1558 = tpu.vector_load %arg7[%get3A_1557] {strides = array<i32>} : memref<3072xi32, #tpu.memory_space<vmem>>, vector<16xi32>,
    %add3A_1559 = arith.constant 20480 : i32
    %add3A_1560 = vector.broadcast %add3A_1559 : i32 to vector<16xi32>
    %add3A_1561 = arith.addi %get3A_1558, %add3A_1560 : vector<16xi32>
    %get3A_1562 = arith.constant 1952 : index
    %get3A_1563 = tpu.vector_load %arg8[%get3A_1562] {strides = array<i32>} : memref<3072xf32, #tpu.memory_space<vmem>>, vector<16xf32>,
    tpu.vector_store_idx %arg6[%add3A_1561], %get3A_1563 : memref<32768xf32, #tpu.memory_space<vmem>>[vector<16xi32>], vector<16xf32>,
    %get3A_1564 = arith.constant 1968 : index
    %get3A_1565 = tpu.vector_load %arg7[%get3A_1564] {strides = array<i32>} : memref<3072xi32, #tpu.memory_space<vmem>>, vector<16xi32>,
    %add3A_1566 = arith.constant 22528 : i32
    %add3A_1567 = vector.broadcast %add3A_1566 : i32 to vector<16xi32>
    %add3A_1568 = arith.addi %get3A_1565, %add3A_1567 : vector<16xi32>
    %get3A_1569 = arith.constant 1968 : index
    %get3A_1570 = tpu.vector_load %arg8[%get3A_1569] {strides = array<i32>} : memref<3072xf32, #tpu.memory_space<vmem>>, vector<16xf32>,
    tpu.vector_store_idx %arg6[%add3A_1568], %get3A_1570 : memref<32768xf32, #tpu.memory_space<vmem>>[vector<16xi32>], vector<16xf32>,
    %get3A_1571 = arith.constant 1984 : index
    %get3A_1572 = tpu.vector_load %arg7[%get3A_1571] {strides = array<i32>} : memref<3072xi32, #tpu.memory_space<vmem>>, vector<16xi32>,
    %add3A_1573 = arith.constant 24576 : i32
    %add3A_1574 = vector.broadcast %add3A_1573 : i32 to vector<16xi32>
    %add3A_1575 = arith.addi %get3A_1572, %add3A_1574 : vector<16xi32>
    %get3A_1576 = arith.constant 1984 : index
    %get3A_1577 = tpu.vector_load %arg8[%get3A_1576] {strides = array<i32>} : memref<3072xf32, #tpu.memory_space<vmem>>, vector<16xf32>,
    tpu.vector_store_idx %arg6[%add3A_1575], %get3A_1577 : memref<32768xf32, #tpu.memory_space<vmem>>[vector<16xi32>], vector<16xf32>,
    %get3A_1578 = arith.constant 2000 : index
    %get3A_1579 = tpu.vector_load %arg7[%get3A_1578] {strides = array<i32>} : memref<3072xi32, #tpu.memory_space<vmem>>, vector<16xi32>,
    %add3A_1580 = arith.constant 26624 : i32
    %add3A_1581 = vector.broadcast %add3A_1580 : i32 to vector<16xi32>
    %add3A_1582 = arith.addi %get3A_1579, %add3A_1581 : vector<16xi32>
    %get3A_1583 = arith.constant 2000 : index
    %get3A_1584 = tpu.vector_load %arg8[%get3A_1583] {strides = array<i32>} : memref<3072xf32, #tpu.memory_space<vmem>>, vector<16xf32>,
    tpu.vector_store_idx %arg6[%add3A_1582], %get3A_1584 : memref<32768xf32, #tpu.memory_space<vmem>>[vector<16xi32>], vector<16xf32>,
    %get3A_1585 = arith.constant 2016 : index
    %get3A_1586 = tpu.vector_load %arg7[%get3A_1585] {strides = array<i32>} : memref<3072xi32, #tpu.memory_space<vmem>>, vector<16xi32>,
    %add3A_1587 = arith.constant 28672 : i32
    %add3A_1588 = vector.broadcast %add3A_1587 : i32 to vector<16xi32>
    %add3A_1589 = arith.addi %get3A_1586, %add3A_1588 : vector<16xi32>
    %get3A_1590 = arith.constant 2016 : index
    %get3A_1591 = tpu.vector_load %arg8[%get3A_1590] {strides = array<i32>} : memref<3072xf32, #tpu.memory_space<vmem>>, vector<16xf32>,
    tpu.vector_store_idx %arg6[%add3A_1589], %get3A_1591 : memref<32768xf32, #tpu.memory_space<vmem>>[vector<16xi32>], vector<16xf32>,
    %get3A_1592 = arith.constant 2032 : index
    %get3A_1593 = tpu.vector_load %arg7[%get3A_1592] {strides = array<i32>} : memref<3072xi32, #tpu.memory_space<vmem>>, vector<16xi32>,
    %add3A_1594 = arith.constant 30720 : i32
    %add3A_1595 = vector.broadcast %add3A_1594 : i32 to vector<16xi32>
    %add3A_1596 = arith.addi %get3A_1593, %add3A_1595 : vector<16xi32>
    %get3A_1597 = arith.constant 2032 : index
    %get3A_1598 = tpu.vector_load %arg8[%get3A_1597] {strides = array<i32>} : memref<3072xf32, #tpu.memory_space<vmem>>, vector<16xf32>,
    tpu.vector_store_idx %arg6[%add3A_1596], %get3A_1598 : memref<32768xf32, #tpu.memory_space<vmem>>[vector<16xi32>], vector<16xf32>,
    %mul3A_1599 = arith.constant 64 : i32
    %mul3A_1600 = arith.muli %add3A, %mul3A_1599 : i32
    %add3A_1601 = arith.constant 2048 : i32
    %add3A_1602 = arith.addi %add3A_1601, %mul3A_1600 : i32
    %add3A_1603 = arith.constant 48 : i32
    %add3A_1604 = arith.addi %add3A_1602, %add3A_1603 : i32
    %mul3A_1605 = arith.constant 2048 : i32
    %mul3A_1606 = arith.muli %add3A_1604, %mul3A_1605 : i32
    %dma_start3A_1607 = tpu.memref_slice %arg4[%mul3A_1606] : memref<12582912xf32, #tpu.memory_space<hbm>> -> memref<32768xf32, #tpu.memory_space<hbm>>
    %dma_start3A_1608 = tpu.memref_slice %arg4[%mul3A_1606] : memref<12582912xf32, #tpu.memory_space<hbm>> -> memref<32768xf32, #tpu.memory_space<hbm>>
    tpu.enqueue_dma source(%arg6 : memref<32768xf32, #tpu.memory_space<vmem>>) target(%dma_start3A_1608 : memref<32768xf32, #tpu.memory_space<hbm>>) target_semaphore(%arg10 : memref<!tpu.dma_semaphore, #tpu.memory_space<semaphore_mem>>)
    %mul3A_1609 = arith.constant 64 : i32
    %mul3A_1610 = arith.muli %add3A, %mul3A_1609 : i32
    %add3A_1611 = arith.constant 2048 : i32
    %add3A_1612 = arith.addi %add3A_1611, %mul3A_1610 : i32
    %add3A_1613 = arith.constant 32 : i32
    %add3A_1614 = arith.addi %add3A_1612, %add3A_1613 : i32
    %mul3A_1615 = arith.constant 2048 : i32
    %mul3A_1616 = arith.muli %add3A_1614, %mul3A_1615 : i32
    %dma_wait3A_1617 = tpu.memref_slice %arg4[%mul3A_1616] : memref<12582912xf32, #tpu.memory_space<hbm>> -> memref<32768xf32, #tpu.memory_space<hbm>>
    %dma_wait3A_1618 = tpu.memref_slice %arg4[%mul3A_1616] : memref<12582912xf32, #tpu.memory_space<hbm>> -> memref<32768xf32, #tpu.memory_space<hbm>>
    tpu.wait_dma2 semaphore(%arg9 : memref<!tpu.dma_semaphore, #tpu.memory_space<semaphore_mem>>) src(%arg5 : memref<32768xf32, #tpu.memory_space<vmem>>) dst(%dma_wait3A_1618 : memref<32768xf32, #tpu.memory_space<hbm>>)
    %get3A_1619 = arith.constant 1536 : index
    %get3A_1620 = tpu.vector_load %arg7[%get3A_1619] {strides = array<i32>} : memref<3072xi32, #tpu.memory_space<vmem>>, vector<16xi32>,
    %add3A_1621 = arith.constant 0 : i32
    %add3A_1622 = vector.broadcast %add3A_1621 : i32 to vector<16xi32>
    %add3A_1623 = arith.addi %get3A_1620, %add3A_1622 : vector<16xi32>
    tpu.vector_store_idx %arg5[%add3A_1623], %broadcast_in_dim3A_93 : memref<32768xf32, #tpu.memory_space<vmem>>[vector<16xi32>], vector<16xf32>,
    %get3A_1624 = arith.constant 1552 : index
    %get3A_1625 = tpu.vector_load %arg7[%get3A_1624] {strides = array<i32>} : memref<3072xi32, #tpu.memory_space<vmem>>, vector<16xi32>,
    %add3A_1626 = arith.constant 2048 : i32
    %add3A_1627 = vector.broadcast %add3A_1626 : i32 to vector<16xi32>
    %add3A_1628 = arith.addi %get3A_1625, %add3A_1627 : vector<16xi32>
    tpu.vector_store_idx %arg5[%add3A_1628], %broadcast_in_dim3A_93 : memref<32768xf32, #tpu.memory_space<vmem>>[vector<16xi32>], vector<16xf32>,
    %get3A_1629 = arith.constant 1568 : index
    %get3A_1630 = tpu.vector_load %arg7[%get3A_1629] {strides = array<i32>} : memref<3072xi32, #tpu.memory_space<vmem>>, vector<16xi32>,
    %add3A_1631 = arith.constant 4096 : i32
    %add3A_1632 = vector.broadcast %add3A_1631 : i32 to vector<16xi32>
    %add3A_1633 = arith.addi %get3A_1630, %add3A_1632 : vector<16xi32>
    tpu.vector_store_idx %arg5[%add3A_1633], %broadcast_in_dim3A_93 : memref<32768xf32, #tpu.memory_space<vmem>>[vector<16xi32>], vector<16xf32>,
    %get3A_1634 = arith.constant 1584 : index
    %get3A_1635 = tpu.vector_load %arg7[%get3A_1634] {strides = array<i32>} : memref<3072xi32, #tpu.memory_space<vmem>>, vector<16xi32>,
    %add3A_1636 = arith.constant 6144 : i32
    %add3A_1637 = vector.broadcast %add3A_1636 : i32 to vector<16xi32>
    %add3A_1638 = arith.addi %get3A_1635, %add3A_1637 : vector<16xi32>
    tpu.vector_store_idx %arg5[%add3A_1638], %broadcast_in_dim3A_93 : memref<32768xf32, #tpu.memory_space<vmem>>[vector<16xi32>], vector<16xf32>,
    %get3A_1639 = arith.constant 1600 : index
    %get3A_1640 = tpu.vector_load %arg7[%get3A_1639] {strides = array<i32>} : memref<3072xi32, #tpu.memory_space<vmem>>, vector<16xi32>,
    %add3A_1641 = arith.constant 8192 : i32
    %add3A_1642 = vector.broadcast %add3A_1641 : i32 to vector<16xi32>
    %add3A_1643 = arith.addi %get3A_1640, %add3A_1642 : vector<16xi32>
    tpu.vector_store_idx %arg5[%add3A_1643], %broadcast_in_dim3A_93 : memref<32768xf32, #tpu.memory_space<vmem>>[vector<16xi32>], vector<16xf32>,
    %get3A_1644 = arith.constant 1616 : index
    %get3A_1645 = tpu.vector_load %arg7[%get3A_1644] {strides = array<i32>} : memref<3072xi32, #tpu.memory_space<vmem>>, vector<16xi32>,
    %add3A_1646 = arith.constant 10240 : i32
    %add3A_1647 = vector.broadcast %add3A_1646 : i32 to vector<16xi32>
    %add3A_1648 = arith.addi %get3A_1645, %add3A_1647 : vector<16xi32>
    tpu.vector_store_idx %arg5[%add3A_1648], %broadcast_in_dim3A_93 : memref<32768xf32, #tpu.memory_space<vmem>>[vector<16xi32>], vector<16xf32>,
    %get3A_1649 = arith.constant 1632 : index
    %get3A_1650 = tpu.vector_load %arg7[%get3A_1649] {strides = array<i32>} : memref<3072xi32, #tpu.memory_space<vmem>>, vector<16xi32>,
    %add3A_1651 = arith.constant 12288 : i32
    %add3A_1652 = vector.broadcast %add3A_1651 : i32 to vector<16xi32>
    %add3A_1653 = arith.addi %get3A_1650, %add3A_1652 : vector<16xi32>
    tpu.vector_store_idx %arg5[%add3A_1653], %broadcast_in_dim3A_93 : memref<32768xf32, #tpu.memory_space<vmem>>[vector<16xi32>], vector<16xf32>,
    %get3A_1654 = arith.constant 1648 : index
    %get3A_1655 = tpu.vector_load %arg7[%get3A_1654] {strides = array<i32>} : memref<3072xi32, #tpu.memory_space<vmem>>, vector<16xi32>,
    %add3A_1656 = arith.constant 14336 : i32
    %add3A_1657 = vector.broadcast %add3A_1656 : i32 to vector<16xi32>
    %add3A_1658 = arith.addi %get3A_1655, %add3A_1657 : vector<16xi32>
    tpu.vector_store_idx %arg5[%add3A_1658], %broadcast_in_dim3A_93 : memref<32768xf32, #tpu.memory_space<vmem>>[vector<16xi32>], vector<16xf32>,
    %get3A_1659 = arith.constant 1664 : index
    %get3A_1660 = tpu.vector_load %arg7[%get3A_1659] {strides = array<i32>} : memref<3072xi32, #tpu.memory_space<vmem>>, vector<16xi32>,
    %add3A_1661 = arith.constant 16384 : i32
    %add3A_1662 = vector.broadcast %add3A_1661 : i32 to vector<16xi32>
    %add3A_1663 = arith.addi %get3A_1660, %add3A_1662 : vector<16xi32>
    tpu.vector_store_idx %arg5[%add3A_1663], %broadcast_in_dim3A_93 : memref<32768xf32, #tpu.memory_space<vmem>>[vector<16xi32>], vector<16xf32>,
    %get3A_1664 = arith.constant 1680 : index
    %get3A_1665 = tpu.vector_load %arg7[%get3A_1664] {strides = array<i32>} : memref<3072xi32, #tpu.memory_space<vmem>>, vector<16xi32>,
    %add3A_1666 = arith.constant 18432 : i32
    %add3A_1667 = vector.broadcast %add3A_1666 : i32 to vector<16xi32>
    %add3A_1668 = arith.addi %get3A_1665, %add3A_1667 : vector<16xi32>
    tpu.vector_store_idx %arg5[%add3A_1668], %broadcast_in_dim3A_93 : memref<32768xf32, #tpu.memory_space<vmem>>[vector<16xi32>], vector<16xf32>,
    %get3A_1669 = arith.constant 1696 : index
    %get3A_1670 = tpu.vector_load %arg7[%get3A_1669] {strides = array<i32>} : memref<3072xi32, #tpu.memory_space<vmem>>, vector<16xi32>,
    %add3A_1671 = arith.constant 20480 : i32
    %add3A_1672 = vector.broadcast %add3A_1671 : i32 to vector<16xi32>
    %add3A_1673 = arith.addi %get3A_1670, %add3A_1672 : vector<16xi32>
    tpu.vector_store_idx %arg5[%add3A_1673], %broadcast_in_dim3A_93 : memref<32768xf32, #tpu.memory_space<vmem>>[vector<16xi32>], vector<16xf32>,
    %get3A_1674 = arith.constant 1712 : index
    %get3A_1675 = tpu.vector_load %arg7[%get3A_1674] {strides = array<i32>} : memref<3072xi32, #tpu.memory_space<vmem>>, vector<16xi32>,
    %add3A_1676 = arith.constant 22528 : i32
    %add3A_1677 = vector.broadcast %add3A_1676 : i32 to vector<16xi32>
    %add3A_1678 = arith.addi %get3A_1675, %add3A_1677 : vector<16xi32>
    tpu.vector_store_idx %arg5[%add3A_1678], %broadcast_in_dim3A_93 : memref<32768xf32, #tpu.memory_space<vmem>>[vector<16xi32>], vector<16xf32>,
    %get3A_1679 = arith.constant 1728 : index
    %get3A_1680 = tpu.vector_load %arg7[%get3A_1679] {strides = array<i32>} : memref<3072xi32, #tpu.memory_space<vmem>>, vector<16xi32>,
    %add3A_1681 = arith.constant 24576 : i32
    %add3A_1682 = vector.broadcast %add3A_1681 : i32 to vector<16xi32>
    %add3A_1683 = arith.addi %get3A_1680, %add3A_1682 : vector<16xi32>
    tpu.vector_store_idx %arg5[%add3A_1683], %broadcast_in_dim3A_93 : memref<32768xf32, #tpu.memory_space<vmem>>[vector<16xi32>], vector<16xf32>,
    %get3A_1684 = arith.constant 1744 : index
    %get3A_1685 = tpu.vector_load %arg7[%get3A_1684] {strides = array<i32>} : memref<3072xi32, #tpu.memory_space<vmem>>, vector<16xi32>,
    %add3A_1686 = arith.constant 26624 : i32
    %add3A_1687 = vector.broadcast %add3A_1686 : i32 to vector<16xi32>
    %add3A_1688 = arith.addi %get3A_1685, %add3A_1687 : vector<16xi32>
    tpu.vector_store_idx %arg5[%add3A_1688], %broadcast_in_dim3A_93 : memref<32768xf32, #tpu.memory_space<vmem>>[vector<16xi32>], vector<16xf32>,
    %get3A_1689 = arith.constant 1760 : index
    %get3A_1690 = tpu.vector_load %arg7[%get3A_1689] {strides = array<i32>} : memref<3072xi32, #tpu.memory_space<vmem>>, vector<16xi32>,
    %add3A_1691 = arith.constant 28672 : i32
    %add3A_1692 = vector.broadcast %add3A_1691 : i32 to vector<16xi32>
    %add3A_1693 = arith.addi %get3A_1690, %add3A_1692 : vector<16xi32>
    tpu.vector_store_idx %arg5[%add3A_1693], %broadcast_in_dim3A_93 : memref<32768xf32, #tpu.memory_space<vmem>>[vector<16xi32>], vector<16xf32>,
    %get3A_1694 = arith.constant 1776 : index
    %get3A_1695 = tpu.vector_load %arg7[%get3A_1694] {strides = array<i32>} : memref<3072xi32, #tpu.memory_space<vmem>>, vector<16xi32>,
    %add3A_1696 = arith.constant 30720 : i32
    %add3A_1697 = vector.broadcast %add3A_1696 : i32 to vector<16xi32>
    %add3A_1698 = arith.addi %get3A_1695, %add3A_1697 : vector<16xi32>
    tpu.vector_store_idx %arg5[%add3A_1698], %broadcast_in_dim3A_93 : memref<32768xf32, #tpu.memory_space<vmem>>[vector<16xi32>], vector<16xf32>,
    %get3A_1699 = arith.constant 2048 : index
    %get3A_1700 = tpu.vector_load %arg7[%get3A_1699] {strides = array<i32>} : memref<3072xi32, #tpu.memory_space<vmem>>, vector<16xi32>,
    %add3A_1701 = arith.constant 0 : i32
    %add3A_1702 = vector.broadcast %add3A_1701 : i32 to vector<16xi32>
    %add3A_1703 = arith.addi %get3A_1700, %add3A_1702 : vector<16xi32>
    %get3A_1704 = arith.constant 2048 : index
    %get3A_1705 = tpu.vector_load %arg8[%get3A_1704] {strides = array<i32>} : memref<3072xf32, #tpu.memory_space<vmem>>, vector<16xf32>,
    tpu.vector_store_idx %arg5[%add3A_1703], %get3A_1705 : memref<32768xf32, #tpu.memory_space<vmem>>[vector<16xi32>], vector<16xf32>,
    %get3A_1706 = arith.constant 2064 : index
    %get3A_1707 = tpu.vector_load %arg7[%get3A_1706] {strides = array<i32>} : memref<3072xi32, #tpu.memory_space<vmem>>, vector<16xi32>,
    %add3A_1708 = arith.constant 2048 : i32
    %add3A_1709 = vector.broadcast %add3A_1708 : i32 to vector<16xi32>
    %add3A_1710 = arith.addi %get3A_1707, %add3A_1709 : vector<16xi32>
    %get3A_1711 = arith.constant 2064 : index
    %get3A_1712 = tpu.vector_load %arg8[%get3A_1711] {strides = array<i32>} : memref<3072xf32, #tpu.memory_space<vmem>>, vector<16xf32>,
    tpu.vector_store_idx %arg5[%add3A_1710], %get3A_1712 : memref<32768xf32, #tpu.memory_space<vmem>>[vector<16xi32>], vector<16xf32>,
    %get3A_1713 = arith.constant 2080 : index
    %get3A_1714 = tpu.vector_load %arg7[%get3A_1713] {strides = array<i32>} : memref<3072xi32, #tpu.memory_space<vmem>>, vector<16xi32>,
    %add3A_1715 = arith.constant 4096 : i32
    %add3A_1716 = vector.broadcast %add3A_1715 : i32 to vector<16xi32>
    %add3A_1717 = arith.addi %get3A_1714, %add3A_1716 : vector<16xi32>
    %get3A_1718 = arith.constant 2080 : index
    %get3A_1719 = tpu.vector_load %arg8[%get3A_1718] {strides = array<i32>} : memref<3072xf32, #tpu.memory_space<vmem>>, vector<16xf32>,
    tpu.vector_store_idx %arg5[%add3A_1717], %get3A_1719 : memref<32768xf32, #tpu.memory_space<vmem>>[vector<16xi32>], vector<16xf32>,
    %get3A_1720 = arith.constant 2096 : index
    %get3A_1721 = tpu.vector_load %arg7[%get3A_1720] {strides = array<i32>} : memref<3072xi32, #tpu.memory_space<vmem>>, vector<16xi32>,
    %add3A_1722 = arith.constant 6144 : i32
    %add3A_1723 = vector.broadcast %add3A_1722 : i32 to vector<16xi32>
    %add3A_1724 = arith.addi %get3A_1721, %add3A_1723 : vector<16xi32>
    %get3A_1725 = arith.constant 2096 : index
    %get3A_1726 = tpu.vector_load %arg8[%get3A_1725] {strides = array<i32>} : memref<3072xf32, #tpu.memory_space<vmem>>, vector<16xf32>,
    tpu.vector_store_idx %arg5[%add3A_1724], %get3A_1726 : memref<32768xf32, #tpu.memory_space<vmem>>[vector<16xi32>], vector<16xf32>,
    %get3A_1727 = arith.constant 2112 : index
    %get3A_1728 = tpu.vector_load %arg7[%get3A_1727] {strides = array<i32>} : memref<3072xi32, #tpu.memory_space<vmem>>, vector<16xi32>,
    %add3A_1729 = arith.constant 8192 : i32
    %add3A_1730 = vector.broadcast %add3A_1729 : i32 to vector<16xi32>
    %add3A_1731 = arith.addi %get3A_1728, %add3A_1730 : vector<16xi32>
    %get3A_1732 = arith.constant 2112 : index
    %get3A_1733 = tpu.vector_load %arg8[%get3A_1732] {strides = array<i32>} : memref<3072xf32, #tpu.memory_space<vmem>>, vector<16xf32>,
    tpu.vector_store_idx %arg5[%add3A_1731], %get3A_1733 : memref<32768xf32, #tpu.memory_space<vmem>>[vector<16xi32>], vector<16xf32>,
    %get3A_1734 = arith.constant 2128 : index
    %get3A_1735 = tpu.vector_load %arg7[%get3A_1734] {strides = array<i32>} : memref<3072xi32, #tpu.memory_space<vmem>>, vector<16xi32>,
    %add3A_1736 = arith.constant 10240 : i32
    %add3A_1737 = vector.broadcast %add3A_1736 : i32 to vector<16xi32>
    %add3A_1738 = arith.addi %get3A_1735, %add3A_1737 : vector<16xi32>
    %get3A_1739 = arith.constant 2128 : index
    %get3A_1740 = tpu.vector_load %arg8[%get3A_1739] {strides = array<i32>} : memref<3072xf32, #tpu.memory_space<vmem>>, vector<16xf32>,
    tpu.vector_store_idx %arg5[%add3A_1738], %get3A_1740 : memref<32768xf32, #tpu.memory_space<vmem>>[vector<16xi32>], vector<16xf32>,
    %get3A_1741 = arith.constant 2144 : index
    %get3A_1742 = tpu.vector_load %arg7[%get3A_1741] {strides = array<i32>} : memref<3072xi32, #tpu.memory_space<vmem>>, vector<16xi32>,
    %add3A_1743 = arith.constant 12288 : i32
    %add3A_1744 = vector.broadcast %add3A_1743 : i32 to vector<16xi32>
    %add3A_1745 = arith.addi %get3A_1742, %add3A_1744 : vector<16xi32>
    %get3A_1746 = arith.constant 2144 : index
    %get3A_1747 = tpu.vector_load %arg8[%get3A_1746] {strides = array<i32>} : memref<3072xf32, #tpu.memory_space<vmem>>, vector<16xf32>,
    tpu.vector_store_idx %arg5[%add3A_1745], %get3A_1747 : memref<32768xf32, #tpu.memory_space<vmem>>[vector<16xi32>], vector<16xf32>,
    %get3A_1748 = arith.constant 2160 : index
    %get3A_1749 = tpu.vector_load %arg7[%get3A_1748] {strides = array<i32>} : memref<3072xi32, #tpu.memory_space<vmem>>, vector<16xi32>,
    %add3A_1750 = arith.constant 14336 : i32
    %add3A_1751 = vector.broadcast %add3A_1750 : i32 to vector<16xi32>
    %add3A_1752 = arith.addi %get3A_1749, %add3A_1751 : vector<16xi32>
    %get3A_1753 = arith.constant 2160 : index
    %get3A_1754 = tpu.vector_load %arg8[%get3A_1753] {strides = array<i32>} : memref<3072xf32, #tpu.memory_space<vmem>>, vector<16xf32>,
    tpu.vector_store_idx %arg5[%add3A_1752], %get3A_1754 : memref<32768xf32, #tpu.memory_space<vmem>>[vector<16xi32>], vector<16xf32>,
    %get3A_1755 = arith.constant 2176 : index
    %get3A_1756 = tpu.vector_load %arg7[%get3A_1755] {strides = array<i32>} : memref<3072xi32, #tpu.memory_space<vmem>>, vector<16xi32>,
    %add3A_1757 = arith.constant 16384 : i32
    %add3A_1758 = vector.broadcast %add3A_1757 : i32 to vector<16xi32>
    %add3A_1759 = arith.addi %get3A_1756, %add3A_1758 : vector<16xi32>
    %get3A_1760 = arith.constant 2176 : index
    %get3A_1761 = tpu.vector_load %arg8[%get3A_1760] {strides = array<i32>} : memref<3072xf32, #tpu.memory_space<vmem>>, vector<16xf32>,
    tpu.vector_store_idx %arg5[%add3A_1759], %get3A_1761 : memref<32768xf32, #tpu.memory_space<vmem>>[vector<16xi32>], vector<16xf32>,
    %get3A_1762 = arith.constant 2192 : index
    %get3A_1763 = tpu.vector_load %arg7[%get3A_1762] {strides = array<i32>} : memref<3072xi32, #tpu.memory_space<vmem>>, vector<16xi32>,
    %add3A_1764 = arith.constant 18432 : i32
    %add3A_1765 = vector.broadcast %add3A_1764 : i32 to vector<16xi32>
    %add3A_1766 = arith.addi %get3A_1763, %add3A_1765 : vector<16xi32>
    %get3A_1767 = arith.constant 2192 : index
    %get3A_1768 = tpu.vector_load %arg8[%get3A_1767] {strides = array<i32>} : memref<3072xf32, #tpu.memory_space<vmem>>, vector<16xf32>,
    tpu.vector_store_idx %arg5[%add3A_1766], %get3A_1768 : memref<32768xf32, #tpu.memory_space<vmem>>[vector<16xi32>], vector<16xf32>,
    %get3A_1769 = arith.constant 2208 : index
    %get3A_1770 = tpu.vector_load %arg7[%get3A_1769] {strides = array<i32>} : memref<3072xi32, #tpu.memory_space<vmem>>, vector<16xi32>,
    %add3A_1771 = arith.constant 20480 : i32
    %add3A_1772 = vector.broadcast %add3A_1771 : i32 to vector<16xi32>
    %add3A_1773 = arith.addi %get3A_1770, %add3A_1772 : vector<16xi32>
    %get3A_1774 = arith.constant 2208 : index
    %get3A_1775 = tpu.vector_load %arg8[%get3A_1774] {strides = array<i32>} : memref<3072xf32, #tpu.memory_space<vmem>>, vector<16xf32>,
    tpu.vector_store_idx %arg5[%add3A_1773], %get3A_1775 : memref<32768xf32, #tpu.memory_space<vmem>>[vector<16xi32>], vector<16xf32>,
    %get3A_1776 = arith.constant 2224 : index
    %get3A_1777 = tpu.vector_load %arg7[%get3A_1776] {strides = array<i32>} : memref<3072xi32, #tpu.memory_space<vmem>>, vector<16xi32>,
    %add3A_1778 = arith.constant 22528 : i32
    %add3A_1779 = vector.broadcast %add3A_1778 : i32 to vector<16xi32>
    %add3A_1780 = arith.addi %get3A_1777, %add3A_1779 : vector<16xi32>
    %get3A_1781 = arith.constant 2224 : index
    %get3A_1782 = tpu.vector_load %arg8[%get3A_1781] {strides = array<i32>} : memref<3072xf32, #tpu.memory_space<vmem>>, vector<16xf32>,
    tpu.vector_store_idx %arg5[%add3A_1780], %get3A_1782 : memref<32768xf32, #tpu.memory_space<vmem>>[vector<16xi32>], vector<16xf32>,
    %get3A_1783 = arith.constant 2240 : index
    %get3A_1784 = tpu.vector_load %arg7[%get3A_1783] {strides = array<i32>} : memref<3072xi32, #tpu.memory_space<vmem>>, vector<16xi32>,
    %add3A_1785 = arith.constant 24576 : i32
    %add3A_1786 = vector.broadcast %add3A_1785 : i32 to vector<16xi32>
    %add3A_1787 = arith.addi %get3A_1784, %add3A_1786 : vector<16xi32>
    %get3A_1788 = arith.constant 2240 : index
    %get3A_1789 = tpu.vector_load %arg8[%get3A_1788] {strides = array<i32>} : memref<3072xf32, #tpu.memory_space<vmem>>, vector<16xf32>,
    tpu.vector_store_idx %arg5[%add3A_1787], %get3A_1789 : memref<32768xf32, #tpu.memory_space<vmem>>[vector<16xi32>], vector<16xf32>,
    %get3A_1790 = arith.constant 2256 : index
    %get3A_1791 = tpu.vector_load %arg7[%get3A_1790] {strides = array<i32>} : memref<3072xi32, #tpu.memory_space<vmem>>, vector<16xi32>,
    %add3A_1792 = arith.constant 26624 : i32
    %add3A_1793 = vector.broadcast %add3A_1792 : i32 to vector<16xi32>
    %add3A_1794 = arith.addi %get3A_1791, %add3A_1793 : vector<16xi32>
    %get3A_1795 = arith.constant 2256 : index
    %get3A_1796 = tpu.vector_load %arg8[%get3A_1795] {strides = array<i32>} : memref<3072xf32, #tpu.memory_space<vmem>>, vector<16xf32>,
    tpu.vector_store_idx %arg5[%add3A_1794], %get3A_1796 : memref<32768xf32, #tpu.memory_space<vmem>>[vector<16xi32>], vector<16xf32>,
    %get3A_1797 = arith.constant 2272 : index
    %get3A_1798 = tpu.vector_load %arg7[%get3A_1797] {strides = array<i32>} : memref<3072xi32, #tpu.memory_space<vmem>>, vector<16xi32>,
    %add3A_1799 = arith.constant 28672 : i32
    %add3A_1800 = vector.broadcast %add3A_1799 : i32 to vector<16xi32>
    %add3A_1801 = arith.addi %get3A_1798, %add3A_1800 : vector<16xi32>
    %get3A_1802 = arith.constant 2272 : index
    %get3A_1803 = tpu.vector_load %arg8[%get3A_1802] {strides = array<i32>} : memref<3072xf32, #tpu.memory_space<vmem>>, vector<16xf32>,
    tpu.vector_store_idx %arg5[%add3A_1801], %get3A_1803 : memref<32768xf32, #tpu.memory_space<vmem>>[vector<16xi32>], vector<16xf32>,
    %get3A_1804 = arith.constant 2288 : index
    %get3A_1805 = tpu.vector_load %arg7[%get3A_1804] {strides = array<i32>} : memref<3072xi32, #tpu.memory_space<vmem>>, vector<16xi32>,
    %add3A_1806 = arith.constant 30720 : i32
    %add3A_1807 = vector.broadcast %add3A_1806 : i32 to vector<16xi32>
    %add3A_1808 = arith.addi %get3A_1805, %add3A_1807 : vector<16xi32>
    %get3A_1809 = arith.constant 2288 : index
    %get3A_1810 = tpu.vector_load %arg8[%get3A_1809] {strides = array<i32>} : memref<3072xf32, #tpu.memory_space<vmem>>, vector<16xf32>,
    tpu.vector_store_idx %arg5[%add3A_1808], %get3A_1810 : memref<32768xf32, #tpu.memory_space<vmem>>[vector<16xi32>], vector<16xf32>,
    %mul3A_1811 = arith.constant 64 : i32
    %mul3A_1812 = arith.muli %add3A, %mul3A_1811 : i32
    %add3A_1813 = arith.constant 4096 : i32
    %add3A_1814 = arith.addi %add3A_1813, %mul3A_1812 : i32
    %add3A_1815 = arith.constant 0 : i32
    %add3A_1816 = arith.addi %add3A_1814, %add3A_1815 : i32
    %mul3A_1817 = arith.constant 2048 : i32
    %mul3A_1818 = arith.muli %add3A_1816, %mul3A_1817 : i32
    %dma_start3A_1819 = tpu.memref_slice %arg4[%mul3A_1818] : memref<12582912xf32, #tpu.memory_space<hbm>> -> memref<32768xf32, #tpu.memory_space<hbm>>
    %dma_start3A_1820 = tpu.memref_slice %arg4[%mul3A_1818] : memref<12582912xf32, #tpu.memory_space<hbm>> -> memref<32768xf32, #tpu.memory_space<hbm>>
    tpu.enqueue_dma source(%arg5 : memref<32768xf32, #tpu.memory_space<vmem>>) target(%dma_start3A_1820 : memref<32768xf32, #tpu.memory_space<hbm>>) target_semaphore(%arg9 : memref<!tpu.dma_semaphore, #tpu.memory_space<semaphore_mem>>)
    %mul3A_1821 = arith.constant 64 : i32
    %mul3A_1822 = arith.muli %add3A, %mul3A_1821 : i32
    %add3A_1823 = arith.constant 2048 : i32
    %add3A_1824 = arith.addi %add3A_1823, %mul3A_1822 : i32
    %add3A_1825 = arith.constant 48 : i32
    %add3A_1826 = arith.addi %add3A_1824, %add3A_1825 : i32
    %mul3A_1827 = arith.constant 2048 : i32
    %mul3A_1828 = arith.muli %add3A_1826, %mul3A_1827 : i32
    %dma_wait3A_1829 = tpu.memref_slice %arg4[%mul3A_1828] : memref<12582912xf32, #tpu.memory_space<hbm>> -> memref<32768xf32, #tpu.memory_space<hbm>>
    %dma_wait3A_1830 = tpu.memref_slice %arg4[%mul3A_1828] : memref<12582912xf32, #tpu.memory_space<hbm>> -> memref<32768xf32, #tpu.memory_space<hbm>>
    tpu.wait_dma2 semaphore(%arg10 : memref<!tpu.dma_semaphore, #tpu.memory_space<semaphore_mem>>) src(%arg6 : memref<32768xf32, #tpu.memory_space<vmem>>) dst(%dma_wait3A_1830 : memref<32768xf32, #tpu.memory_space<hbm>>)
    %get3A_1831 = arith.constant 1792 : index
    %get3A_1832 = tpu.vector_load %arg7[%get3A_1831] {strides = array<i32>} : memref<3072xi32, #tpu.memory_space<vmem>>, vector<16xi32>,
    %add3A_1833 = arith.constant 0 : i32
    %add3A_1834 = vector.broadcast %add3A_1833 : i32 to vector<16xi32>
    %add3A_1835 = arith.addi %get3A_1832, %add3A_1834 : vector<16xi32>
    tpu.vector_store_idx %arg6[%add3A_1835], %broadcast_in_dim3A_93 : memref<32768xf32, #tpu.memory_space<vmem>>[vector<16xi32>], vector<16xf32>,
    %get3A_1836 = arith.constant 1808 : index
    %get3A_1837 = tpu.vector_load %arg7[%get3A_1836] {strides = array<i32>} : memref<3072xi32, #tpu.memory_space<vmem>>, vector<16xi32>,
    %add3A_1838 = arith.constant 2048 : i32
    %add3A_1839 = vector.broadcast %add3A_1838 : i32 to vector<16xi32>
    %add3A_1840 = arith.addi %get3A_1837, %add3A_1839 : vector<16xi32>
    tpu.vector_store_idx %arg6[%add3A_1840], %broadcast_in_dim3A_93 : memref<32768xf32, #tpu.memory_space<vmem>>[vector<16xi32>], vector<16xf32>,
    %get3A_1841 = arith.constant 1824 : index
    %get3A_1842 = tpu.vector_load %arg7[%get3A_1841] {strides = array<i32>} : memref<3072xi32, #tpu.memory_space<vmem>>, vector<16xi32>,
    %add3A_1843 = arith.constant 4096 : i32
    %add3A_1844 = vector.broadcast %add3A_1843 : i32 to vector<16xi32>
    %add3A_1845 = arith.addi %get3A_1842, %add3A_1844 : vector<16xi32>
    tpu.vector_store_idx %arg6[%add3A_1845], %broadcast_in_dim3A_93 : memref<32768xf32, #tpu.memory_space<vmem>>[vector<16xi32>], vector<16xf32>,
    %get3A_1846 = arith.constant 1840 : index
    %get3A_1847 = tpu.vector_load %arg7[%get3A_1846] {strides = array<i32>} : memref<3072xi32, #tpu.memory_space<vmem>>, vector<16xi32>,
    %add3A_1848 = arith.constant 6144 : i32
    %add3A_1849 = vector.broadcast %add3A_1848 : i32 to vector<16xi32>
    %add3A_1850 = arith.addi %get3A_1847, %add3A_1849 : vector<16xi32>
    tpu.vector_store_idx %arg6[%add3A_1850], %broadcast_in_dim3A_93 : memref<32768xf32, #tpu.memory_space<vmem>>[vector<16xi32>], vector<16xf32>,
    %get3A_1851 = arith.constant 1856 : index
    %get3A_1852 = tpu.vector_load %arg7[%get3A_1851] {strides = array<i32>} : memref<3072xi32, #tpu.memory_space<vmem>>, vector<16xi32>,
    %add3A_1853 = arith.constant 8192 : i32
    %add3A_1854 = vector.broadcast %add3A_1853 : i32 to vector<16xi32>
    %add3A_1855 = arith.addi %get3A_1852, %add3A_1854 : vector<16xi32>
    tpu.vector_store_idx %arg6[%add3A_1855], %broadcast_in_dim3A_93 : memref<32768xf32, #tpu.memory_space<vmem>>[vector<16xi32>], vector<16xf32>,
    %get3A_1856 = arith.constant 1872 : index
    %get3A_1857 = tpu.vector_load %arg7[%get3A_1856] {strides = array<i32>} : memref<3072xi32, #tpu.memory_space<vmem>>, vector<16xi32>,
    %add3A_1858 = arith.constant 10240 : i32
    %add3A_1859 = vector.broadcast %add3A_1858 : i32 to vector<16xi32>
    %add3A_1860 = arith.addi %get3A_1857, %add3A_1859 : vector<16xi32>
    tpu.vector_store_idx %arg6[%add3A_1860], %broadcast_in_dim3A_93 : memref<32768xf32, #tpu.memory_space<vmem>>[vector<16xi32>], vector<16xf32>,
    %get3A_1861 = arith.constant 1888 : index
    %get3A_1862 = tpu.vector_load %arg7[%get3A_1861] {strides = array<i32>} : memref<3072xi32, #tpu.memory_space<vmem>>, vector<16xi32>,
    %add3A_1863 = arith.constant 12288 : i32
    %add3A_1864 = vector.broadcast %add3A_1863 : i32 to vector<16xi32>
    %add3A_1865 = arith.addi %get3A_1862, %add3A_1864 : vector<16xi32>
    tpu.vector_store_idx %arg6[%add3A_1865], %broadcast_in_dim3A_93 : memref<32768xf32, #tpu.memory_space<vmem>>[vector<16xi32>], vector<16xf32>,
    %get3A_1866 = arith.constant 1904 : index
    %get3A_1867 = tpu.vector_load %arg7[%get3A_1866] {strides = array<i32>} : memref<3072xi32, #tpu.memory_space<vmem>>, vector<16xi32>,
    %add3A_1868 = arith.constant 14336 : i32
    %add3A_1869 = vector.broadcast %add3A_1868 : i32 to vector<16xi32>
    %add3A_1870 = arith.addi %get3A_1867, %add3A_1869 : vector<16xi32>
    tpu.vector_store_idx %arg6[%add3A_1870], %broadcast_in_dim3A_93 : memref<32768xf32, #tpu.memory_space<vmem>>[vector<16xi32>], vector<16xf32>,
    %get3A_1871 = arith.constant 1920 : index
    %get3A_1872 = tpu.vector_load %arg7[%get3A_1871] {strides = array<i32>} : memref<3072xi32, #tpu.memory_space<vmem>>, vector<16xi32>,
    %add3A_1873 = arith.constant 16384 : i32
    %add3A_1874 = vector.broadcast %add3A_1873 : i32 to vector<16xi32>
    %add3A_1875 = arith.addi %get3A_1872, %add3A_1874 : vector<16xi32>
    tpu.vector_store_idx %arg6[%add3A_1875], %broadcast_in_dim3A_93 : memref<32768xf32, #tpu.memory_space<vmem>>[vector<16xi32>], vector<16xf32>,
    %get3A_1876 = arith.constant 1936 : index
    %get3A_1877 = tpu.vector_load %arg7[%get3A_1876] {strides = array<i32>} : memref<3072xi32, #tpu.memory_space<vmem>>, vector<16xi32>,
    %add3A_1878 = arith.constant 18432 : i32
    %add3A_1879 = vector.broadcast %add3A_1878 : i32 to vector<16xi32>
    %add3A_1880 = arith.addi %get3A_1877, %add3A_1879 : vector<16xi32>
    tpu.vector_store_idx %arg6[%add3A_1880], %broadcast_in_dim3A_93 : memref<32768xf32, #tpu.memory_space<vmem>>[vector<16xi32>], vector<16xf32>,
    %get3A_1881 = arith.constant 1952 : index
    %get3A_1882 = tpu.vector_load %arg7[%get3A_1881] {strides = array<i32>} : memref<3072xi32, #tpu.memory_space<vmem>>, vector<16xi32>,
    %add3A_1883 = arith.constant 20480 : i32
    %add3A_1884 = vector.broadcast %add3A_1883 : i32 to vector<16xi32>
    %add3A_1885 = arith.addi %get3A_1882, %add3A_1884 : vector<16xi32>
    tpu.vector_store_idx %arg6[%add3A_1885], %broadcast_in_dim3A_93 : memref<32768xf32, #tpu.memory_space<vmem>>[vector<16xi32>], vector<16xf32>,
    %get3A_1886 = arith.constant 1968 : index
    %get3A_1887 = tpu.vector_load %arg7[%get3A_1886] {strides = array<i32>} : memref<3072xi32, #tpu.memory_space<vmem>>, vector<16xi32>,
    %add3A_1888 = arith.constant 22528 : i32
    %add3A_1889 = vector.broadcast %add3A_1888 : i32 to vector<16xi32>
    %add3A_1890 = arith.addi %get3A_1887, %add3A_1889 : vector<16xi32>
    tpu.vector_store_idx %arg6[%add3A_1890], %broadcast_in_dim3A_93 : memref<32768xf32, #tpu.memory_space<vmem>>[vector<16xi32>], vector<16xf32>,
    %get3A_1891 = arith.constant 1984 : index
    %get3A_1892 = tpu.vector_load %arg7[%get3A_1891] {strides = array<i32>} : memref<3072xi32, #tpu.memory_space<vmem>>, vector<16xi32>,
    %add3A_1893 = arith.constant 24576 : i32
    %add3A_1894 = vector.broadcast %add3A_1893 : i32 to vector<16xi32>
    %add3A_1895 = arith.addi %get3A_1892, %add3A_1894 : vector<16xi32>
    tpu.vector_store_idx %arg6[%add3A_1895], %broadcast_in_dim3A_93 : memref<32768xf32, #tpu.memory_space<vmem>>[vector<16xi32>], vector<16xf32>,
    %get3A_1896 = arith.constant 2000 : index
    %get3A_1897 = tpu.vector_load %arg7[%get3A_1896] {strides = array<i32>} : memref<3072xi32, #tpu.memory_space<vmem>>, vector<16xi32>,
    %add3A_1898 = arith.constant 26624 : i32
    %add3A_1899 = vector.broadcast %add3A_1898 : i32 to vector<16xi32>
    %add3A_1900 = arith.addi %get3A_1897, %add3A_1899 : vector<16xi32>
    tpu.vector_store_idx %arg6[%add3A_1900], %broadcast_in_dim3A_93 : memref<32768xf32, #tpu.memory_space<vmem>>[vector<16xi32>], vector<16xf32>,
    %get3A_1901 = arith.constant 2016 : index
    %get3A_1902 = tpu.vector_load %arg7[%get3A_1901] {strides = array<i32>} : memref<3072xi32, #tpu.memory_space<vmem>>, vector<16xi32>,
    %add3A_1903 = arith.constant 28672 : i32
    %add3A_1904 = vector.broadcast %add3A_1903 : i32 to vector<16xi32>
    %add3A_1905 = arith.addi %get3A_1902, %add3A_1904 : vector<16xi32>
    tpu.vector_store_idx %arg6[%add3A_1905], %broadcast_in_dim3A_93 : memref<32768xf32, #tpu.memory_space<vmem>>[vector<16xi32>], vector<16xf32>,
    %get3A_1906 = arith.constant 2032 : index
    %get3A_1907 = tpu.vector_load %arg7[%get3A_1906] {strides = array<i32>} : memref<3072xi32, #tpu.memory_space<vmem>>, vector<16xi32>,
    %add3A_1908 = arith.constant 30720 : i32
    %add3A_1909 = vector.broadcast %add3A_1908 : i32 to vector<16xi32>
    %add3A_1910 = arith.addi %get3A_1907, %add3A_1909 : vector<16xi32>
    tpu.vector_store_idx %arg6[%add3A_1910], %broadcast_in_dim3A_93 : memref<32768xf32, #tpu.memory_space<vmem>>[vector<16xi32>], vector<16xf32>,
    %get3A_1911 = arith.constant 2304 : index
    %get3A_1912 = tpu.vector_load %arg7[%get3A_1911] {strides = array<i32>} : memref<3072xi32, #tpu.memory_space<vmem>>, vector<16xi32>,
    %add3A_1913 = arith.constant 0 : i32
    %add3A_1914 = vector.broadcast %add3A_1913 : i32 to vector<16xi32>
    %add3A_1915 = arith.addi %get3A_1912, %add3A_1914 : vector<16xi32>
    %get3A_1916 = arith.constant 2304 : index
    %get3A_1917 = tpu.vector_load %arg8[%get3A_1916] {strides = array<i32>} : memref<3072xf32, #tpu.memory_space<vmem>>, vector<16xf32>,
    tpu.vector_store_idx %arg6[%add3A_1915], %get3A_1917 : memref<32768xf32, #tpu.memory_space<vmem>>[vector<16xi32>], vector<16xf32>,
    %get3A_1918 = arith.constant 2320 : index
    %get3A_1919 = tpu.vector_load %arg7[%get3A_1918] {strides = array<i32>} : memref<3072xi32, #tpu.memory_space<vmem>>, vector<16xi32>,
    %add3A_1920 = arith.constant 2048 : i32
    %add3A_1921 = vector.broadcast %add3A_1920 : i32 to vector<16xi32>
    %add3A_1922 = arith.addi %get3A_1919, %add3A_1921 : vector<16xi32>
    %get3A_1923 = arith.constant 2320 : index
    %get3A_1924 = tpu.vector_load %arg8[%get3A_1923] {strides = array<i32>} : memref<3072xf32, #tpu.memory_space<vmem>>, vector<16xf32>,
    tpu.vector_store_idx %arg6[%add3A_1922], %get3A_1924 : memref<32768xf32, #tpu.memory_space<vmem>>[vector<16xi32>], vector<16xf32>,
    %get3A_1925 = arith.constant 2336 : index
    %get3A_1926 = tpu.vector_load %arg7[%get3A_1925] {strides = array<i32>} : memref<3072xi32, #tpu.memory_space<vmem>>, vector<16xi32>,
    %add3A_1927 = arith.constant 4096 : i32
    %add3A_1928 = vector.broadcast %add3A_1927 : i32 to vector<16xi32>
    %add3A_1929 = arith.addi %get3A_1926, %add3A_1928 : vector<16xi32>
    %get3A_1930 = arith.constant 2336 : index
    %get3A_1931 = tpu.vector_load %arg8[%get3A_1930] {strides = array<i32>} : memref<3072xf32, #tpu.memory_space<vmem>>, vector<16xf32>,
    tpu.vector_store_idx %arg6[%add3A_1929], %get3A_1931 : memref<32768xf32, #tpu.memory_space<vmem>>[vector<16xi32>], vector<16xf32>,
    %get3A_1932 = arith.constant 2352 : index
    %get3A_1933 = tpu.vector_load %arg7[%get3A_1932] {strides = array<i32>} : memref<3072xi32, #tpu.memory_space<vmem>>, vector<16xi32>,
    %add3A_1934 = arith.constant 6144 : i32
    %add3A_1935 = vector.broadcast %add3A_1934 : i32 to vector<16xi32>
    %add3A_1936 = arith.addi %get3A_1933, %add3A_1935 : vector<16xi32>
    %get3A_1937 = arith.constant 2352 : index
    %get3A_1938 = tpu.vector_load %arg8[%get3A_1937] {strides = array<i32>} : memref<3072xf32, #tpu.memory_space<vmem>>, vector<16xf32>,
    tpu.vector_store_idx %arg6[%add3A_1936], %get3A_1938 : memref<32768xf32, #tpu.memory_space<vmem>>[vector<16xi32>], vector<16xf32>,
    %get3A_1939 = arith.constant 2368 : index
    %get3A_1940 = tpu.vector_load %arg7[%get3A_1939] {strides = array<i32>} : memref<3072xi32, #tpu.memory_space<vmem>>, vector<16xi32>,
    %add3A_1941 = arith.constant 8192 : i32
    %add3A_1942 = vector.broadcast %add3A_1941 : i32 to vector<16xi32>
    %add3A_1943 = arith.addi %get3A_1940, %add3A_1942 : vector<16xi32>
    %get3A_1944 = arith.constant 2368 : index
    %get3A_1945 = tpu.vector_load %arg8[%get3A_1944] {strides = array<i32>} : memref<3072xf32, #tpu.memory_space<vmem>>, vector<16xf32>,
    tpu.vector_store_idx %arg6[%add3A_1943], %get3A_1945 : memref<32768xf32, #tpu.memory_space<vmem>>[vector<16xi32>], vector<16xf32>,
    %get3A_1946 = arith.constant 2384 : index
    %get3A_1947 = tpu.vector_load %arg7[%get3A_1946] {strides = array<i32>} : memref<3072xi32, #tpu.memory_space<vmem>>, vector<16xi32>,
    %add3A_1948 = arith.constant 10240 : i32
    %add3A_1949 = vector.broadcast %add3A_1948 : i32 to vector<16xi32>
    %add3A_1950 = arith.addi %get3A_1947, %add3A_1949 : vector<16xi32>
    %get3A_1951 = arith.constant 2384 : index
    %get3A_1952 = tpu.vector_load %arg8[%get3A_1951] {strides = array<i32>} : memref<3072xf32, #tpu.memory_space<vmem>>, vector<16xf32>,
    tpu.vector_store_idx %arg6[%add3A_1950], %get3A_1952 : memref<32768xf32, #tpu.memory_space<vmem>>[vector<16xi32>], vector<16xf32>,
    %get3A_1953 = arith.constant 2400 : index
    %get3A_1954 = tpu.vector_load %arg7[%get3A_1953] {strides = array<i32>} : memref<3072xi32, #tpu.memory_space<vmem>>, vector<16xi32>,
    %add3A_1955 = arith.constant 12288 : i32
    %add3A_1956 = vector.broadcast %add3A_1955 : i32 to vector<16xi32>
    %add3A_1957 = arith.addi %get3A_1954, %add3A_1956 : vector<16xi32>
    %get3A_1958 = arith.constant 2400 : index
    %get3A_1959 = tpu.vector_load %arg8[%get3A_1958] {strides = array<i32>} : memref<3072xf32, #tpu.memory_space<vmem>>, vector<16xf32>,
    tpu.vector_store_idx %arg6[%add3A_1957], %get3A_1959 : memref<32768xf32, #tpu.memory_space<vmem>>[vector<16xi32>], vector<16xf32>,
    %get3A_1960 = arith.constant 2416 : index
    %get3A_1961 = tpu.vector_load %arg7[%get3A_1960] {strides = array<i32>} : memref<3072xi32, #tpu.memory_space<vmem>>, vector<16xi32>,
    %add3A_1962 = arith.constant 14336 : i32
    %add3A_1963 = vector.broadcast %add3A_1962 : i32 to vector<16xi32>
    %add3A_1964 = arith.addi %get3A_1961, %add3A_1963 : vector<16xi32>
    %get3A_1965 = arith.constant 2416 : index
    %get3A_1966 = tpu.vector_load %arg8[%get3A_1965] {strides = array<i32>} : memref<3072xf32, #tpu.memory_space<vmem>>, vector<16xf32>,
    tpu.vector_store_idx %arg6[%add3A_1964], %get3A_1966 : memref<32768xf32, #tpu.memory_space<vmem>>[vector<16xi32>], vector<16xf32>,
    %get3A_1967 = arith.constant 2432 : index
    %get3A_1968 = tpu.vector_load %arg7[%get3A_1967] {strides = array<i32>} : memref<3072xi32, #tpu.memory_space<vmem>>, vector<16xi32>,
    %add3A_1969 = arith.constant 16384 : i32
    %add3A_1970 = vector.broadcast %add3A_1969 : i32 to vector<16xi32>
    %add3A_1971 = arith.addi %get3A_1968, %add3A_1970 : vector<16xi32>
    %get3A_1972 = arith.constant 2432 : index
    %get3A_1973 = tpu.vector_load %arg8[%get3A_1972] {strides = array<i32>} : memref<3072xf32, #tpu.memory_space<vmem>>, vector<16xf32>,
    tpu.vector_store_idx %arg6[%add3A_1971], %get3A_1973 : memref<32768xf32, #tpu.memory_space<vmem>>[vector<16xi32>], vector<16xf32>,
    %get3A_1974 = arith.constant 2448 : index
    %get3A_1975 = tpu.vector_load %arg7[%get3A_1974] {strides = array<i32>} : memref<3072xi32, #tpu.memory_space<vmem>>, vector<16xi32>,
    %add3A_1976 = arith.constant 18432 : i32
    %add3A_1977 = vector.broadcast %add3A_1976 : i32 to vector<16xi32>
    %add3A_1978 = arith.addi %get3A_1975, %add3A_1977 : vector<16xi32>
    %get3A_1979 = arith.constant 2448 : index
    %get3A_1980 = tpu.vector_load %arg8[%get3A_1979] {strides = array<i32>} : memref<3072xf32, #tpu.memory_space<vmem>>, vector<16xf32>,
    tpu.vector_store_idx %arg6[%add3A_1978], %get3A_1980 : memref<32768xf32, #tpu.memory_space<vmem>>[vector<16xi32>], vector<16xf32>,
    %get3A_1981 = arith.constant 2464 : index
    %get3A_1982 = tpu.vector_load %arg7[%get3A_1981] {strides = array<i32>} : memref<3072xi32, #tpu.memory_space<vmem>>, vector<16xi32>,
    %add3A_1983 = arith.constant 20480 : i32
    %add3A_1984 = vector.broadcast %add3A_1983 : i32 to vector<16xi32>
    %add3A_1985 = arith.addi %get3A_1982, %add3A_1984 : vector<16xi32>
    %get3A_1986 = arith.constant 2464 : index
    %get3A_1987 = tpu.vector_load %arg8[%get3A_1986] {strides = array<i32>} : memref<3072xf32, #tpu.memory_space<vmem>>, vector<16xf32>,
    tpu.vector_store_idx %arg6[%add3A_1985], %get3A_1987 : memref<32768xf32, #tpu.memory_space<vmem>>[vector<16xi32>], vector<16xf32>,
    %get3A_1988 = arith.constant 2480 : index
    %get3A_1989 = tpu.vector_load %arg7[%get3A_1988] {strides = array<i32>} : memref<3072xi32, #tpu.memory_space<vmem>>, vector<16xi32>,
    %add3A_1990 = arith.constant 22528 : i32
    %add3A_1991 = vector.broadcast %add3A_1990 : i32 to vector<16xi32>
    %add3A_1992 = arith.addi %get3A_1989, %add3A_1991 : vector<16xi32>
    %get3A_1993 = arith.constant 2480 : index
    %get3A_1994 = tpu.vector_load %arg8[%get3A_1993] {strides = array<i32>} : memref<3072xf32, #tpu.memory_space<vmem>>, vector<16xf32>,
    tpu.vector_store_idx %arg6[%add3A_1992], %get3A_1994 : memref<32768xf32, #tpu.memory_space<vmem>>[vector<16xi32>], vector<16xf32>,
    %get3A_1995 = arith.constant 2496 : index
    %get3A_1996 = tpu.vector_load %arg7[%get3A_1995] {strides = array<i32>} : memref<3072xi32, #tpu.memory_space<vmem>>, vector<16xi32>,
    %add3A_1997 = arith.constant 24576 : i32
    %add3A_1998 = vector.broadcast %add3A_1997 : i32 to vector<16xi32>
    %add3A_1999 = arith.addi %get3A_1996, %add3A_1998 : vector<16xi32>
    %get3A_2000 = arith.constant 2496 : index
    %get3A_2001 = tpu.vector_load %arg8[%get3A_2000] {strides = array<i32>} : memref<3072xf32, #tpu.memory_space<vmem>>, vector<16xf32>,
    tpu.vector_store_idx %arg6[%add3A_1999], %get3A_2001 : memref<32768xf32, #tpu.memory_space<vmem>>[vector<16xi32>], vector<16xf32>,
    %get3A_2002 = arith.constant 2512 : index
    %get3A_2003 = tpu.vector_load %arg7[%get3A_2002] {strides = array<i32>} : memref<3072xi32, #tpu.memory_space<vmem>>, vector<16xi32>,
    %add3A_2004 = arith.constant 26624 : i32
    %add3A_2005 = vector.broadcast %add3A_2004 : i32 to vector<16xi32>
    %add3A_2006 = arith.addi %get3A_2003, %add3A_2005 : vector<16xi32>
    %get3A_2007 = arith.constant 2512 : index
    %get3A_2008 = tpu.vector_load %arg8[%get3A_2007] {strides = array<i32>} : memref<3072xf32, #tpu.memory_space<vmem>>, vector<16xf32>,
    tpu.vector_store_idx %arg6[%add3A_2006], %get3A_2008 : memref<32768xf32, #tpu.memory_space<vmem>>[vector<16xi32>], vector<16xf32>,
    %get3A_2009 = arith.constant 2528 : index
    %get3A_2010 = tpu.vector_load %arg7[%get3A_2009] {strides = array<i32>} : memref<3072xi32, #tpu.memory_space<vmem>>, vector<16xi32>,
    %add3A_2011 = arith.constant 28672 : i32
    %add3A_2012 = vector.broadcast %add3A_2011 : i32 to vector<16xi32>
    %add3A_2013 = arith.addi %get3A_2010, %add3A_2012 : vector<16xi32>
    %get3A_2014 = arith.constant 2528 : index
    %get3A_2015 = tpu.vector_load %arg8[%get3A_2014] {strides = array<i32>} : memref<3072xf32, #tpu.memory_space<vmem>>, vector<16xf32>,
    tpu.vector_store_idx %arg6[%add3A_2013], %get3A_2015 : memref<32768xf32, #tpu.memory_space<vmem>>[vector<16xi32>], vector<16xf32>,
    %get3A_2016 = arith.constant 2544 : index
    %get3A_2017 = tpu.vector_load %arg7[%get3A_2016] {strides = array<i32>} : memref<3072xi32, #tpu.memory_space<vmem>>, vector<16xi32>,
    %add3A_2018 = arith.constant 30720 : i32
    %add3A_2019 = vector.broadcast %add3A_2018 : i32 to vector<16xi32>
    %add3A_2020 = arith.addi %get3A_2017, %add3A_2019 : vector<16xi32>
    %get3A_2021 = arith.constant 2544 : index
    %get3A_2022 = tpu.vector_load %arg8[%get3A_2021] {strides = array<i32>} : memref<3072xf32, #tpu.memory_space<vmem>>, vector<16xf32>,
    tpu.vector_store_idx %arg6[%add3A_2020], %get3A_2022 : memref<32768xf32, #tpu.memory_space<vmem>>[vector<16xi32>], vector<16xf32>,
    %mul3A_2023 = arith.constant 64 : i32
    %mul3A_2024 = arith.muli %add3A, %mul3A_2023 : i32
    %add3A_2025 = arith.constant 4096 : i32
    %add3A_2026 = arith.addi %add3A_2025, %mul3A_2024 : i32
    %add3A_2027 = arith.constant 16 : i32
    %add3A_2028 = arith.addi %add3A_2026, %add3A_2027 : i32
    %mul3A_2029 = arith.constant 2048 : i32
    %mul3A_2030 = arith.muli %add3A_2028, %mul3A_2029 : i32
    %dma_start3A_2031 = tpu.memref_slice %arg4[%mul3A_2030] : memref<12582912xf32, #tpu.memory_space<hbm>> -> memref<32768xf32, #tpu.memory_space<hbm>>
    %dma_start3A_2032 = tpu.memref_slice %arg4[%mul3A_2030] : memref<12582912xf32, #tpu.memory_space<hbm>> -> memref<32768xf32, #tpu.memory_space<hbm>>
    tpu.enqueue_dma source(%arg6 : memref<32768xf32, #tpu.memory_space<vmem>>) target(%dma_start3A_2032 : memref<32768xf32, #tpu.memory_space<hbm>>) target_semaphore(%arg10 : memref<!tpu.dma_semaphore, #tpu.memory_space<semaphore_mem>>)
    %mul3A_2033 = arith.constant 64 : i32
    %mul3A_2034 = arith.muli %add3A, %mul3A_2033 : i32
    %add3A_2035 = arith.constant 4096 : i32
    %add3A_2036 = arith.addi %add3A_2035, %mul3A_2034 : i32
    %add3A_2037 = arith.constant 0 : i32
    %add3A_2038 = arith.addi %add3A_2036, %add3A_2037 : i32
    %mul3A_2039 = arith.constant 2048 : i32
    %mul3A_2040 = arith.muli %add3A_2038, %mul3A_2039 : i32
    %dma_wait3A_2041 = tpu.memref_slice %arg4[%mul3A_2040] : memref<12582912xf32, #tpu.memory_space<hbm>> -> memref<32768xf32, #tpu.memory_space<hbm>>
    %dma_wait3A_2042 = tpu.memref_slice %arg4[%mul3A_2040] : memref<12582912xf32, #tpu.memory_space<hbm>> -> memref<32768xf32, #tpu.memory_space<hbm>>
    tpu.wait_dma2 semaphore(%arg9 : memref<!tpu.dma_semaphore, #tpu.memory_space<semaphore_mem>>) src(%arg5 : memref<32768xf32, #tpu.memory_space<vmem>>) dst(%dma_wait3A_2042 : memref<32768xf32, #tpu.memory_space<hbm>>)
    %get3A_2043 = arith.constant 2048 : index
    %get3A_2044 = tpu.vector_load %arg7[%get3A_2043] {strides = array<i32>} : memref<3072xi32, #tpu.memory_space<vmem>>, vector<16xi32>,
    %add3A_2045 = arith.constant 0 : i32
    %add3A_2046 = vector.broadcast %add3A_2045 : i32 to vector<16xi32>
    %add3A_2047 = arith.addi %get3A_2044, %add3A_2046 : vector<16xi32>
    tpu.vector_store_idx %arg5[%add3A_2047], %broadcast_in_dim3A_93 : memref<32768xf32, #tpu.memory_space<vmem>>[vector<16xi32>], vector<16xf32>,
    %get3A_2048 = arith.constant 2064 : index
    %get3A_2049 = tpu.vector_load %arg7[%get3A_2048] {strides = array<i32>} : memref<3072xi32, #tpu.memory_space<vmem>>, vector<16xi32>,
    %add3A_2050 = arith.constant 2048 : i32
    %add3A_2051 = vector.broadcast %add3A_2050 : i32 to vector<16xi32>
    %add3A_2052 = arith.addi %get3A_2049, %add3A_2051 : vector<16xi32>
    tpu.vector_store_idx %arg5[%add3A_2052], %broadcast_in_dim3A_93 : memref<32768xf32, #tpu.memory_space<vmem>>[vector<16xi32>], vector<16xf32>,
    %get3A_2053 = arith.constant 2080 : index
    %get3A_2054 = tpu.vector_load %arg7[%get3A_2053] {strides = array<i32>} : memref<3072xi32, #tpu.memory_space<vmem>>, vector<16xi32>,
    %add3A_2055 = arith.constant 4096 : i32
    %add3A_2056 = vector.broadcast %add3A_2055 : i32 to vector<16xi32>
    %add3A_2057 = arith.addi %get3A_2054, %add3A_2056 : vector<16xi32>
    tpu.vector_store_idx %arg5[%add3A_2057], %broadcast_in_dim3A_93 : memref<32768xf32, #tpu.memory_space<vmem>>[vector<16xi32>], vector<16xf32>,
    %get3A_2058 = arith.constant 2096 : index
    %get3A_2059 = tpu.vector_load %arg7[%get3A_2058] {strides = array<i32>} : memref<3072xi32, #tpu.memory_space<vmem>>, vector<16xi32>,
    %add3A_2060 = arith.constant 6144 : i32
    %add3A_2061 = vector.broadcast %add3A_2060 : i32 to vector<16xi32>
    %add3A_2062 = arith.addi %get3A_2059, %add3A_2061 : vector<16xi32>
    tpu.vector_store_idx %arg5[%add3A_2062], %broadcast_in_dim3A_93 : memref<32768xf32, #tpu.memory_space<vmem>>[vector<16xi32>], vector<16xf32>,
    %get3A_2063 = arith.constant 2112 : index
    %get3A_2064 = tpu.vector_load %arg7[%get3A_2063] {strides = array<i32>} : memref<3072xi32, #tpu.memory_space<vmem>>, vector<16xi32>,
    %add3A_2065 = arith.constant 8192 : i32
    %add3A_2066 = vector.broadcast %add3A_2065 : i32 to vector<16xi32>
    %add3A_2067 = arith.addi %get3A_2064, %add3A_2066 : vector<16xi32>
    tpu.vector_store_idx %arg5[%add3A_2067], %broadcast_in_dim3A_93 : memref<32768xf32, #tpu.memory_space<vmem>>[vector<16xi32>], vector<16xf32>,
    %get3A_2068 = arith.constant 2128 : index
    %get3A_2069 = tpu.vector_load %arg7[%get3A_2068] {strides = array<i32>} : memref<3072xi32, #tpu.memory_space<vmem>>, vector<16xi32>,
    %add3A_2070 = arith.constant 10240 : i32
    %add3A_2071 = vector.broadcast %add3A_2070 : i32 to vector<16xi32>
    %add3A_2072 = arith.addi %get3A_2069, %add3A_2071 : vector<16xi32>
    tpu.vector_store_idx %arg5[%add3A_2072], %broadcast_in_dim3A_93 : memref<32768xf32, #tpu.memory_space<vmem>>[vector<16xi32>], vector<16xf32>,
    %get3A_2073 = arith.constant 2144 : index
    %get3A_2074 = tpu.vector_load %arg7[%get3A_2073] {strides = array<i32>} : memref<3072xi32, #tpu.memory_space<vmem>>, vector<16xi32>,
    %add3A_2075 = arith.constant 12288 : i32
    %add3A_2076 = vector.broadcast %add3A_2075 : i32 to vector<16xi32>
    %add3A_2077 = arith.addi %get3A_2074, %add3A_2076 : vector<16xi32>
    tpu.vector_store_idx %arg5[%add3A_2077], %broadcast_in_dim3A_93 : memref<32768xf32, #tpu.memory_space<vmem>>[vector<16xi32>], vector<16xf32>,
    %get3A_2078 = arith.constant 2160 : index
    %get3A_2079 = tpu.vector_load %arg7[%get3A_2078] {strides = array<i32>} : memref<3072xi32, #tpu.memory_space<vmem>>, vector<16xi32>,
    %add3A_2080 = arith.constant 14336 : i32
    %add3A_2081 = vector.broadcast %add3A_2080 : i32 to vector<16xi32>
    %add3A_2082 = arith.addi %get3A_2079, %add3A_2081 : vector<16xi32>
    tpu.vector_store_idx %arg5[%add3A_2082], %broadcast_in_dim3A_93 : memref<32768xf32, #tpu.memory_space<vmem>>[vector<16xi32>], vector<16xf32>,
    %get3A_2083 = arith.constant 2176 : index
    %get3A_2084 = tpu.vector_load %arg7[%get3A_2083] {strides = array<i32>} : memref<3072xi32, #tpu.memory_space<vmem>>, vector<16xi32>,
    %add3A_2085 = arith.constant 16384 : i32
    %add3A_2086 = vector.broadcast %add3A_2085 : i32 to vector<16xi32>
    %add3A_2087 = arith.addi %get3A_2084, %add3A_2086 : vector<16xi32>
    tpu.vector_store_idx %arg5[%add3A_2087], %broadcast_in_dim3A_93 : memref<32768xf32, #tpu.memory_space<vmem>>[vector<16xi32>], vector<16xf32>,
    %get3A_2088 = arith.constant 2192 : index
    %get3A_2089 = tpu.vector_load %arg7[%get3A_2088] {strides = array<i32>} : memref<3072xi32, #tpu.memory_space<vmem>>, vector<16xi32>,
    %add3A_2090 = arith.constant 18432 : i32
    %add3A_2091 = vector.broadcast %add3A_2090 : i32 to vector<16xi32>
    %add3A_2092 = arith.addi %get3A_2089, %add3A_2091 : vector<16xi32>
    tpu.vector_store_idx %arg5[%add3A_2092], %broadcast_in_dim3A_93 : memref<32768xf32, #tpu.memory_space<vmem>>[vector<16xi32>], vector<16xf32>,
    %get3A_2093 = arith.constant 2208 : index
    %get3A_2094 = tpu.vector_load %arg7[%get3A_2093] {strides = array<i32>} : memref<3072xi32, #tpu.memory_space<vmem>>, vector<16xi32>,
    %add3A_2095 = arith.constant 20480 : i32
    %add3A_2096 = vector.broadcast %add3A_2095 : i32 to vector<16xi32>
    %add3A_2097 = arith.addi %get3A_2094, %add3A_2096 : vector<16xi32>
    tpu.vector_store_idx %arg5[%add3A_2097], %broadcast_in_dim3A_93 : memref<32768xf32, #tpu.memory_space<vmem>>[vector<16xi32>], vector<16xf32>,
    %get3A_2098 = arith.constant 2224 : index
    %get3A_2099 = tpu.vector_load %arg7[%get3A_2098] {strides = array<i32>} : memref<3072xi32, #tpu.memory_space<vmem>>, vector<16xi32>,
    %add3A_2100 = arith.constant 22528 : i32
    %add3A_2101 = vector.broadcast %add3A_2100 : i32 to vector<16xi32>
    %add3A_2102 = arith.addi %get3A_2099, %add3A_2101 : vector<16xi32>
    tpu.vector_store_idx %arg5[%add3A_2102], %broadcast_in_dim3A_93 : memref<32768xf32, #tpu.memory_space<vmem>>[vector<16xi32>], vector<16xf32>,
    %get3A_2103 = arith.constant 2240 : index
    %get3A_2104 = tpu.vector_load %arg7[%get3A_2103] {strides = array<i32>} : memref<3072xi32, #tpu.memory_space<vmem>>, vector<16xi32>,
    %add3A_2105 = arith.constant 24576 : i32
    %add3A_2106 = vector.broadcast %add3A_2105 : i32 to vector<16xi32>
    %add3A_2107 = arith.addi %get3A_2104, %add3A_2106 : vector<16xi32>
    tpu.vector_store_idx %arg5[%add3A_2107], %broadcast_in_dim3A_93 : memref<32768xf32, #tpu.memory_space<vmem>>[vector<16xi32>], vector<16xf32>,
    %get3A_2108 = arith.constant 2256 : index
    %get3A_2109 = tpu.vector_load %arg7[%get3A_2108] {strides = array<i32>} : memref<3072xi32, #tpu.memory_space<vmem>>, vector<16xi32>,
    %add3A_2110 = arith.constant 26624 : i32
    %add3A_2111 = vector.broadcast %add3A_2110 : i32 to vector<16xi32>
    %add3A_2112 = arith.addi %get3A_2109, %add3A_2111 : vector<16xi32>
    tpu.vector_store_idx %arg5[%add3A_2112], %broadcast_in_dim3A_93 : memref<32768xf32, #tpu.memory_space<vmem>>[vector<16xi32>], vector<16xf32>,
    %get3A_2113 = arith.constant 2272 : index
    %get3A_2114 = tpu.vector_load %arg7[%get3A_2113] {strides = array<i32>} : memref<3072xi32, #tpu.memory_space<vmem>>, vector<16xi32>,
    %add3A_2115 = arith.constant 28672 : i32
    %add3A_2116 = vector.broadcast %add3A_2115 : i32 to vector<16xi32>
    %add3A_2117 = arith.addi %get3A_2114, %add3A_2116 : vector<16xi32>
    tpu.vector_store_idx %arg5[%add3A_2117], %broadcast_in_dim3A_93 : memref<32768xf32, #tpu.memory_space<vmem>>[vector<16xi32>], vector<16xf32>,
    %get3A_2118 = arith.constant 2288 : index
    %get3A_2119 = tpu.vector_load %arg7[%get3A_2118] {strides = array<i32>} : memref<3072xi32, #tpu.memory_space<vmem>>, vector<16xi32>,
    %add3A_2120 = arith.constant 30720 : i32
    %add3A_2121 = vector.broadcast %add3A_2120 : i32 to vector<16xi32>
    %add3A_2122 = arith.addi %get3A_2119, %add3A_2121 : vector<16xi32>
    tpu.vector_store_idx %arg5[%add3A_2122], %broadcast_in_dim3A_93 : memref<32768xf32, #tpu.memory_space<vmem>>[vector<16xi32>], vector<16xf32>,
    %get3A_2123 = arith.constant 2560 : index
    %get3A_2124 = tpu.vector_load %arg7[%get3A_2123] {strides = array<i32>} : memref<3072xi32, #tpu.memory_space<vmem>>, vector<16xi32>,
    %add3A_2125 = arith.constant 0 : i32
    %add3A_2126 = vector.broadcast %add3A_2125 : i32 to vector<16xi32>
    %add3A_2127 = arith.addi %get3A_2124, %add3A_2126 : vector<16xi32>
    %get3A_2128 = arith.constant 2560 : index
    %get3A_2129 = tpu.vector_load %arg8[%get3A_2128] {strides = array<i32>} : memref<3072xf32, #tpu.memory_space<vmem>>, vector<16xf32>,
    tpu.vector_store_idx %arg5[%add3A_2127], %get3A_2129 : memref<32768xf32, #tpu.memory_space<vmem>>[vector<16xi32>], vector<16xf32>,
    %get3A_2130 = arith.constant 2576 : index
    %get3A_2131 = tpu.vector_load %arg7[%get3A_2130] {strides = array<i32>} : memref<3072xi32, #tpu.memory_space<vmem>>, vector<16xi32>,
    %add3A_2132 = arith.constant 2048 : i32
    %add3A_2133 = vector.broadcast %add3A_2132 : i32 to vector<16xi32>
    %add3A_2134 = arith.addi %get3A_2131, %add3A_2133 : vector<16xi32>
    %get3A_2135 = arith.constant 2576 : index
    %get3A_2136 = tpu.vector_load %arg8[%get3A_2135] {strides = array<i32>} : memref<3072xf32, #tpu.memory_space<vmem>>, vector<16xf32>,
    tpu.vector_store_idx %arg5[%add3A_2134], %get3A_2136 : memref<32768xf32, #tpu.memory_space<vmem>>[vector<16xi32>], vector<16xf32>,
    %get3A_2137 = arith.constant 2592 : index
    %get3A_2138 = tpu.vector_load %arg7[%get3A_2137] {strides = array<i32>} : memref<3072xi32, #tpu.memory_space<vmem>>, vector<16xi32>,
    %add3A_2139 = arith.constant 4096 : i32
    %add3A_2140 = vector.broadcast %add3A_2139 : i32 to vector<16xi32>
    %add3A_2141 = arith.addi %get3A_2138, %add3A_2140 : vector<16xi32>
    %get3A_2142 = arith.constant 2592 : index
    %get3A_2143 = tpu.vector_load %arg8[%get3A_2142] {strides = array<i32>} : memref<3072xf32, #tpu.memory_space<vmem>>, vector<16xf32>,
    tpu.vector_store_idx %arg5[%add3A_2141], %get3A_2143 : memref<32768xf32, #tpu.memory_space<vmem>>[vector<16xi32>], vector<16xf32>,
    %get3A_2144 = arith.constant 2608 : index
    %get3A_2145 = tpu.vector_load %arg7[%get3A_2144] {strides = array<i32>} : memref<3072xi32, #tpu.memory_space<vmem>>, vector<16xi32>,
    %add3A_2146 = arith.constant 6144 : i32
    %add3A_2147 = vector.broadcast %add3A_2146 : i32 to vector<16xi32>
    %add3A_2148 = arith.addi %get3A_2145, %add3A_2147 : vector<16xi32>
    %get3A_2149 = arith.constant 2608 : index
    %get3A_2150 = tpu.vector_load %arg8[%get3A_2149] {strides = array<i32>} : memref<3072xf32, #tpu.memory_space<vmem>>, vector<16xf32>,
    tpu.vector_store_idx %arg5[%add3A_2148], %get3A_2150 : memref<32768xf32, #tpu.memory_space<vmem>>[vector<16xi32>], vector<16xf32>,
    %get3A_2151 = arith.constant 2624 : index
    %get3A_2152 = tpu.vector_load %arg7[%get3A_2151] {strides = array<i32>} : memref<3072xi32, #tpu.memory_space<vmem>>, vector<16xi32>,
    %add3A_2153 = arith.constant 8192 : i32
    %add3A_2154 = vector.broadcast %add3A_2153 : i32 to vector<16xi32>
    %add3A_2155 = arith.addi %get3A_2152, %add3A_2154 : vector<16xi32>
    %get3A_2156 = arith.constant 2624 : index
    %get3A_2157 = tpu.vector_load %arg8[%get3A_2156] {strides = array<i32>} : memref<3072xf32, #tpu.memory_space<vmem>>, vector<16xf32>,
    tpu.vector_store_idx %arg5[%add3A_2155], %get3A_2157 : memref<32768xf32, #tpu.memory_space<vmem>>[vector<16xi32>], vector<16xf32>,
    %get3A_2158 = arith.constant 2640 : index
    %get3A_2159 = tpu.vector_load %arg7[%get3A_2158] {strides = array<i32>} : memref<3072xi32, #tpu.memory_space<vmem>>, vector<16xi32>,
    %add3A_2160 = arith.constant 10240 : i32
    %add3A_2161 = vector.broadcast %add3A_2160 : i32 to vector<16xi32>
    %add3A_2162 = arith.addi %get3A_2159, %add3A_2161 : vector<16xi32>
    %get3A_2163 = arith.constant 2640 : index
    %get3A_2164 = tpu.vector_load %arg8[%get3A_2163] {strides = array<i32>} : memref<3072xf32, #tpu.memory_space<vmem>>, vector<16xf32>,
    tpu.vector_store_idx %arg5[%add3A_2162], %get3A_2164 : memref<32768xf32, #tpu.memory_space<vmem>>[vector<16xi32>], vector<16xf32>,
    %get3A_2165 = arith.constant 2656 : index
    %get3A_2166 = tpu.vector_load %arg7[%get3A_2165] {strides = array<i32>} : memref<3072xi32, #tpu.memory_space<vmem>>, vector<16xi32>,
    %add3A_2167 = arith.constant 12288 : i32
    %add3A_2168 = vector.broadcast %add3A_2167 : i32 to vector<16xi32>
    %add3A_2169 = arith.addi %get3A_2166, %add3A_2168 : vector<16xi32>
    %get3A_2170 = arith.constant 2656 : index
    %get3A_2171 = tpu.vector_load %arg8[%get3A_2170] {strides = array<i32>} : memref<3072xf32, #tpu.memory_space<vmem>>, vector<16xf32>,
    tpu.vector_store_idx %arg5[%add3A_2169], %get3A_2171 : memref<32768xf32, #tpu.memory_space<vmem>>[vector<16xi32>], vector<16xf32>,
    %get3A_2172 = arith.constant 2672 : index
    %get3A_2173 = tpu.vector_load %arg7[%get3A_2172] {strides = array<i32>} : memref<3072xi32, #tpu.memory_space<vmem>>, vector<16xi32>,
    %add3A_2174 = arith.constant 14336 : i32
    %add3A_2175 = vector.broadcast %add3A_2174 : i32 to vector<16xi32>
    %add3A_2176 = arith.addi %get3A_2173, %add3A_2175 : vector<16xi32>
    %get3A_2177 = arith.constant 2672 : index
    %get3A_2178 = tpu.vector_load %arg8[%get3A_2177] {strides = array<i32>} : memref<3072xf32, #tpu.memory_space<vmem>>, vector<16xf32>,
    tpu.vector_store_idx %arg5[%add3A_2176], %get3A_2178 : memref<32768xf32, #tpu.memory_space<vmem>>[vector<16xi32>], vector<16xf32>,
    %get3A_2179 = arith.constant 2688 : index
    %get3A_2180 = tpu.vector_load %arg7[%get3A_2179] {strides = array<i32>} : memref<3072xi32, #tpu.memory_space<vmem>>, vector<16xi32>,
    %add3A_2181 = arith.constant 16384 : i32
    %add3A_2182 = vector.broadcast %add3A_2181 : i32 to vector<16xi32>
    %add3A_2183 = arith.addi %get3A_2180, %add3A_2182 : vector<16xi32>
    %get3A_2184 = arith.constant 2688 : index
    %get3A_2185 = tpu.vector_load %arg8[%get3A_2184] {strides = array<i32>} : memref<3072xf32, #tpu.memory_space<vmem>>, vector<16xf32>,
    tpu.vector_store_idx %arg5[%add3A_2183], %get3A_2185 : memref<32768xf32, #tpu.memory_space<vmem>>[vector<16xi32>], vector<16xf32>,
    %get3A_2186 = arith.constant 2704 : index
    %get3A_2187 = tpu.vector_load %arg7[%get3A_2186] {strides = array<i32>} : memref<3072xi32, #tpu.memory_space<vmem>>, vector<16xi32>,
    %add3A_2188 = arith.constant 18432 : i32
    %add3A_2189 = vector.broadcast %add3A_2188 : i32 to vector<16xi32>
    %add3A_2190 = arith.addi %get3A_2187, %add3A_2189 : vector<16xi32>
    %get3A_2191 = arith.constant 2704 : index
    %get3A_2192 = tpu.vector_load %arg8[%get3A_2191] {strides = array<i32>} : memref<3072xf32, #tpu.memory_space<vmem>>, vector<16xf32>,
    tpu.vector_store_idx %arg5[%add3A_2190], %get3A_2192 : memref<32768xf32, #tpu.memory_space<vmem>>[vector<16xi32>], vector<16xf32>,
    %get3A_2193 = arith.constant 2720 : index
    %get3A_2194 = tpu.vector_load %arg7[%get3A_2193] {strides = array<i32>} : memref<3072xi32, #tpu.memory_space<vmem>>, vector<16xi32>,
    %add3A_2195 = arith.constant 20480 : i32
    %add3A_2196 = vector.broadcast %add3A_2195 : i32 to vector<16xi32>
    %add3A_2197 = arith.addi %get3A_2194, %add3A_2196 : vector<16xi32>
    %get3A_2198 = arith.constant 2720 : index
    %get3A_2199 = tpu.vector_load %arg8[%get3A_2198] {strides = array<i32>} : memref<3072xf32, #tpu.memory_space<vmem>>, vector<16xf32>,
    tpu.vector_store_idx %arg5[%add3A_2197], %get3A_2199 : memref<32768xf32, #tpu.memory_space<vmem>>[vector<16xi32>], vector<16xf32>,
    %get3A_2200 = arith.constant 2736 : index
    %get3A_2201 = tpu.vector_load %arg7[%get3A_2200] {strides = array<i32>} : memref<3072xi32, #tpu.memory_space<vmem>>, vector<16xi32>,
    %add3A_2202 = arith.constant 22528 : i32
    %add3A_2203 = vector.broadcast %add3A_2202 : i32 to vector<16xi32>
    %add3A_2204 = arith.addi %get3A_2201, %add3A_2203 : vector<16xi32>
    %get3A_2205 = arith.constant 2736 : index
    %get3A_2206 = tpu.vector_load %arg8[%get3A_2205] {strides = array<i32>} : memref<3072xf32, #tpu.memory_space<vmem>>, vector<16xf32>,
    tpu.vector_store_idx %arg5[%add3A_2204], %get3A_2206 : memref<32768xf32, #tpu.memory_space<vmem>>[vector<16xi32>], vector<16xf32>,
    %get3A_2207 = arith.constant 2752 : index
    %get3A_2208 = tpu.vector_load %arg7[%get3A_2207] {strides = array<i32>} : memref<3072xi32, #tpu.memory_space<vmem>>, vector<16xi32>,
    %add3A_2209 = arith.constant 24576 : i32
    %add3A_2210 = vector.broadcast %add3A_2209 : i32 to vector<16xi32>
    %add3A_2211 = arith.addi %get3A_2208, %add3A_2210 : vector<16xi32>
    %get3A_2212 = arith.constant 2752 : index
    %get3A_2213 = tpu.vector_load %arg8[%get3A_2212] {strides = array<i32>} : memref<3072xf32, #tpu.memory_space<vmem>>, vector<16xf32>,
    tpu.vector_store_idx %arg5[%add3A_2211], %get3A_2213 : memref<32768xf32, #tpu.memory_space<vmem>>[vector<16xi32>], vector<16xf32>,
    %get3A_2214 = arith.constant 2768 : index
    %get3A_2215 = tpu.vector_load %arg7[%get3A_2214] {strides = array<i32>} : memref<3072xi32, #tpu.memory_space<vmem>>, vector<16xi32>,
    %add3A_2216 = arith.constant 26624 : i32
    %add3A_2217 = vector.broadcast %add3A_2216 : i32 to vector<16xi32>
    %add3A_2218 = arith.addi %get3A_2215, %add3A_2217 : vector<16xi32>
    %get3A_2219 = arith.constant 2768 : index
    %get3A_2220 = tpu.vector_load %arg8[%get3A_2219] {strides = array<i32>} : memref<3072xf32, #tpu.memory_space<vmem>>, vector<16xf32>,
    tpu.vector_store_idx %arg5[%add3A_2218], %get3A_2220 : memref<32768xf32, #tpu.memory_space<vmem>>[vector<16xi32>], vector<16xf32>,
    %get3A_2221 = arith.constant 2784 : index
    %get3A_2222 = tpu.vector_load %arg7[%get3A_2221] {strides = array<i32>} : memref<3072xi32, #tpu.memory_space<vmem>>, vector<16xi32>,
    %add3A_2223 = arith.constant 28672 : i32
    %add3A_2224 = vector.broadcast %add3A_2223 : i32 to vector<16xi32>
    %add3A_2225 = arith.addi %get3A_2222, %add3A_2224 : vector<16xi32>
    %get3A_2226 = arith.constant 2784 : index
    %get3A_2227 = tpu.vector_load %arg8[%get3A_2226] {strides = array<i32>} : memref<3072xf32, #tpu.memory_space<vmem>>, vector<16xf32>,
    tpu.vector_store_idx %arg5[%add3A_2225], %get3A_2227 : memref<32768xf32, #tpu.memory_space<vmem>>[vector<16xi32>], vector<16xf32>,
    %get3A_2228 = arith.constant 2800 : index
    %get3A_2229 = tpu.vector_load %arg7[%get3A_2228] {strides = array<i32>} : memref<3072xi32, #tpu.memory_space<vmem>>, vector<16xi32>,
    %add3A_2230 = arith.constant 30720 : i32
    %add3A_2231 = vector.broadcast %add3A_2230 : i32 to vector<16xi32>
    %add3A_2232 = arith.addi %get3A_2229, %add3A_2231 : vector<16xi32>
    %get3A_2233 = arith.constant 2800 : index
    %get3A_2234 = tpu.vector_load %arg8[%get3A_2233] {strides = array<i32>} : memref<3072xf32, #tpu.memory_space<vmem>>, vector<16xf32>,
    tpu.vector_store_idx %arg5[%add3A_2232], %get3A_2234 : memref<32768xf32, #tpu.memory_space<vmem>>[vector<16xi32>], vector<16xf32>,
    %mul3A_2235 = arith.constant 64 : i32
    %mul3A_2236 = arith.muli %add3A, %mul3A_2235 : i32
    %add3A_2237 = arith.constant 4096 : i32
    %add3A_2238 = arith.addi %add3A_2237, %mul3A_2236 : i32
    %add3A_2239 = arith.constant 32 : i32
    %add3A_2240 = arith.addi %add3A_2238, %add3A_2239 : i32
    %mul3A_2241 = arith.constant 2048 : i32
    %mul3A_2242 = arith.muli %add3A_2240, %mul3A_2241 : i32
    %dma_start3A_2243 = tpu.memref_slice %arg4[%mul3A_2242] : memref<12582912xf32, #tpu.memory_space<hbm>> -> memref<32768xf32, #tpu.memory_space<hbm>>
    %dma_start3A_2244 = tpu.memref_slice %arg4[%mul3A_2242] : memref<12582912xf32, #tpu.memory_space<hbm>> -> memref<32768xf32, #tpu.memory_space<hbm>>
    tpu.enqueue_dma source(%arg5 : memref<32768xf32, #tpu.memory_space<vmem>>) target(%dma_start3A_2244 : memref<32768xf32, #tpu.memory_space<hbm>>) target_semaphore(%arg9 : memref<!tpu.dma_semaphore, #tpu.memory_space<semaphore_mem>>)
    %mul3A_2245 = arith.constant 64 : i32
    %mul3A_2246 = arith.muli %add3A, %mul3A_2245 : i32
    %add3A_2247 = arith.constant 4096 : i32
    %add3A_2248 = arith.addi %add3A_2247, %mul3A_2246 : i32
    %add3A_2249 = arith.constant 16 : i32
    %add3A_2250 = arith.addi %add3A_2248, %add3A_2249 : i32
    %mul3A_2251 = arith.constant 2048 : i32
    %mul3A_2252 = arith.muli %add3A_2250, %mul3A_2251 : i32
    %dma_wait3A_2253 = tpu.memref_slice %arg4[%mul3A_2252] : memref<12582912xf32, #tpu.memory_space<hbm>> -> memref<32768xf32, #tpu.memory_space<hbm>>
    %dma_wait3A_2254 = tpu.memref_slice %arg4[%mul3A_2252] : memref<12582912xf32, #tpu.memory_space<hbm>> -> memref<32768xf32, #tpu.memory_space<hbm>>
    tpu.wait_dma2 semaphore(%arg10 : memref<!tpu.dma_semaphore, #tpu.memory_space<semaphore_mem>>) src(%arg6 : memref<32768xf32, #tpu.memory_space<vmem>>) dst(%dma_wait3A_2254 : memref<32768xf32, #tpu.memory_space<hbm>>)
    %get3A_2255 = arith.constant 2304 : index
    %get3A_2256 = tpu.vector_load %arg7[%get3A_2255] {strides = array<i32>} : memref<3072xi32, #tpu.memory_space<vmem>>, vector<16xi32>,
    %add3A_2257 = arith.constant 0 : i32
    %add3A_2258 = vector.broadcast %add3A_2257 : i32 to vector<16xi32>
    %add3A_2259 = arith.addi %get3A_2256, %add3A_2258 : vector<16xi32>
    tpu.vector_store_idx %arg6[%add3A_2259], %broadcast_in_dim3A_93 : memref<32768xf32, #tpu.memory_space<vmem>>[vector<16xi32>], vector<16xf32>,
    %get3A_2260 = arith.constant 2320 : index
    %get3A_2261 = tpu.vector_load %arg7[%get3A_2260] {strides = array<i32>} : memref<3072xi32, #tpu.memory_space<vmem>>, vector<16xi32>,
    %add3A_2262 = arith.constant 2048 : i32
    %add3A_2263 = vector.broadcast %add3A_2262 : i32 to vector<16xi32>
    %add3A_2264 = arith.addi %get3A_2261, %add3A_2263 : vector<16xi32>
    tpu.vector_store_idx %arg6[%add3A_2264], %broadcast_in_dim3A_93 : memref<32768xf32, #tpu.memory_space<vmem>>[vector<16xi32>], vector<16xf32>,
    %get3A_2265 = arith.constant 2336 : index
    %get3A_2266 = tpu.vector_load %arg7[%get3A_2265] {strides = array<i32>} : memref<3072xi32, #tpu.memory_space<vmem>>, vector<16xi32>,
    %add3A_2267 = arith.constant 4096 : i32
    %add3A_2268 = vector.broadcast %add3A_2267 : i32 to vector<16xi32>
    %add3A_2269 = arith.addi %get3A_2266, %add3A_2268 : vector<16xi32>
    tpu.vector_store_idx %arg6[%add3A_2269], %broadcast_in_dim3A_93 : memref<32768xf32, #tpu.memory_space<vmem>>[vector<16xi32>], vector<16xf32>,
    %get3A_2270 = arith.constant 2352 : index
    %get3A_2271 = tpu.vector_load %arg7[%get3A_2270] {strides = array<i32>} : memref<3072xi32, #tpu.memory_space<vmem>>, vector<16xi32>,
    %add3A_2272 = arith.constant 6144 : i32
    %add3A_2273 = vector.broadcast %add3A_2272 : i32 to vector<16xi32>
    %add3A_2274 = arith.addi %get3A_2271, %add3A_2273 : vector<16xi32>
    tpu.vector_store_idx %arg6[%add3A_2274], %broadcast_in_dim3A_93 : memref<32768xf32, #tpu.memory_space<vmem>>[vector<16xi32>], vector<16xf32>,
    %get3A_2275 = arith.constant 2368 : index
    %get3A_2276 = tpu.vector_load %arg7[%get3A_2275] {strides = array<i32>} : memref<3072xi32, #tpu.memory_space<vmem>>, vector<16xi32>,
    %add3A_2277 = arith.constant 8192 : i32
    %add3A_2278 = vector.broadcast %add3A_2277 : i32 to vector<16xi32>
    %add3A_2279 = arith.addi %get3A_2276, %add3A_2278 : vector<16xi32>
    tpu.vector_store_idx %arg6[%add3A_2279], %broadcast_in_dim3A_93 : memref<32768xf32, #tpu.memory_space<vmem>>[vector<16xi32>], vector<16xf32>,
    %get3A_2280 = arith.constant 2384 : index
    %get3A_2281 = tpu.vector_load %arg7[%get3A_2280] {strides = array<i32>} : memref<3072xi32, #tpu.memory_space<vmem>>, vector<16xi32>,
    %add3A_2282 = arith.constant 10240 : i32
    %add3A_2283 = vector.broadcast %add3A_2282 : i32 to vector<16xi32>
    %add3A_2284 = arith.addi %get3A_2281, %add3A_2283 : vector<16xi32>
    tpu.vector_store_idx %arg6[%add3A_2284], %broadcast_in_dim3A_93 : memref<32768xf32, #tpu.memory_space<vmem>>[vector<16xi32>], vector<16xf32>,
    %get3A_2285 = arith.constant 2400 : index
    %get3A_2286 = tpu.vector_load %arg7[%get3A_2285] {strides = array<i32>} : memref<3072xi32, #tpu.memory_space<vmem>>, vector<16xi32>,
    %add3A_2287 = arith.constant 12288 : i32
    %add3A_2288 = vector.broadcast %add3A_2287 : i32 to vector<16xi32>
    %add3A_2289 = arith.addi %get3A_2286, %add3A_2288 : vector<16xi32>
    tpu.vector_store_idx %arg6[%add3A_2289], %broadcast_in_dim3A_93 : memref<32768xf32, #tpu.memory_space<vmem>>[vector<16xi32>], vector<16xf32>,
    %get3A_2290 = arith.constant 2416 : index
    %get3A_2291 = tpu.vector_load %arg7[%get3A_2290] {strides = array<i32>} : memref<3072xi32, #tpu.memory_space<vmem>>, vector<16xi32>,
    %add3A_2292 = arith.constant 14336 : i32
    %add3A_2293 = vector.broadcast %add3A_2292 : i32 to vector<16xi32>
    %add3A_2294 = arith.addi %get3A_2291, %add3A_2293 : vector<16xi32>
    tpu.vector_store_idx %arg6[%add3A_2294], %broadcast_in_dim3A_93 : memref<32768xf32, #tpu.memory_space<vmem>>[vector<16xi32>], vector<16xf32>,
    %get3A_2295 = arith.constant 2432 : index
    %get3A_2296 = tpu.vector_load %arg7[%get3A_2295] {strides = array<i32>} : memref<3072xi32, #tpu.memory_space<vmem>>, vector<16xi32>,
    %add3A_2297 = arith.constant 16384 : i32
    %add3A_2298 = vector.broadcast %add3A_2297 : i32 to vector<16xi32>
    %add3A_2299 = arith.addi %get3A_2296, %add3A_2298 : vector<16xi32>
    tpu.vector_store_idx %arg6[%add3A_2299], %broadcast_in_dim3A_93 : memref<32768xf32, #tpu.memory_space<vmem>>[vector<16xi32>], vector<16xf32>,
    %get3A_2300 = arith.constant 2448 : index
    %get3A_2301 = tpu.vector_load %arg7[%get3A_2300] {strides = array<i32>} : memref<3072xi32, #tpu.memory_space<vmem>>, vector<16xi32>,
    %add3A_2302 = arith.constant 18432 : i32
    %add3A_2303 = vector.broadcast %add3A_2302 : i32 to vector<16xi32>
    %add3A_2304 = arith.addi %get3A_2301, %add3A_2303 : vector<16xi32>
    tpu.vector_store_idx %arg6[%add3A_2304], %broadcast_in_dim3A_93 : memref<32768xf32, #tpu.memory_space<vmem>>[vector<16xi32>], vector<16xf32>,
    %get3A_2305 = arith.constant 2464 : index
    %get3A_2306 = tpu.vector_load %arg7[%get3A_2305] {strides = array<i32>} : memref<3072xi32, #tpu.memory_space<vmem>>, vector<16xi32>,
    %add3A_2307 = arith.constant 20480 : i32
    %add3A_2308 = vector.broadcast %add3A_2307 : i32 to vector<16xi32>
    %add3A_2309 = arith.addi %get3A_2306, %add3A_2308 : vector<16xi32>
    tpu.vector_store_idx %arg6[%add3A_2309], %broadcast_in_dim3A_93 : memref<32768xf32, #tpu.memory_space<vmem>>[vector<16xi32>], vector<16xf32>,
    %get3A_2310 = arith.constant 2480 : index
    %get3A_2311 = tpu.vector_load %arg7[%get3A_2310] {strides = array<i32>} : memref<3072xi32, #tpu.memory_space<vmem>>, vector<16xi32>,
    %add3A_2312 = arith.constant 22528 : i32
    %add3A_2313 = vector.broadcast %add3A_2312 : i32 to vector<16xi32>
    %add3A_2314 = arith.addi %get3A_2311, %add3A_2313 : vector<16xi32>
    tpu.vector_store_idx %arg6[%add3A_2314], %broadcast_in_dim3A_93 : memref<32768xf32, #tpu.memory_space<vmem>>[vector<16xi32>], vector<16xf32>,
    %get3A_2315 = arith.constant 2496 : index
    %get3A_2316 = tpu.vector_load %arg7[%get3A_2315] {strides = array<i32>} : memref<3072xi32, #tpu.memory_space<vmem>>, vector<16xi32>,
    %add3A_2317 = arith.constant 24576 : i32
    %add3A_2318 = vector.broadcast %add3A_2317 : i32 to vector<16xi32>
    %add3A_2319 = arith.addi %get3A_2316, %add3A_2318 : vector<16xi32>
    tpu.vector_store_idx %arg6[%add3A_2319], %broadcast_in_dim3A_93 : memref<32768xf32, #tpu.memory_space<vmem>>[vector<16xi32>], vector<16xf32>,
    %get3A_2320 = arith.constant 2512 : index
    %get3A_2321 = tpu.vector_load %arg7[%get3A_2320] {strides = array<i32>} : memref<3072xi32, #tpu.memory_space<vmem>>, vector<16xi32>,
    %add3A_2322 = arith.constant 26624 : i32
    %add3A_2323 = vector.broadcast %add3A_2322 : i32 to vector<16xi32>
    %add3A_2324 = arith.addi %get3A_2321, %add3A_2323 : vector<16xi32>
    tpu.vector_store_idx %arg6[%add3A_2324], %broadcast_in_dim3A_93 : memref<32768xf32, #tpu.memory_space<vmem>>[vector<16xi32>], vector<16xf32>,
    %get3A_2325 = arith.constant 2528 : index
    %get3A_2326 = tpu.vector_load %arg7[%get3A_2325] {strides = array<i32>} : memref<3072xi32, #tpu.memory_space<vmem>>, vector<16xi32>,
    %add3A_2327 = arith.constant 28672 : i32
    %add3A_2328 = vector.broadcast %add3A_2327 : i32 to vector<16xi32>
    %add3A_2329 = arith.addi %get3A_2326, %add3A_2328 : vector<16xi32>
    tpu.vector_store_idx %arg6[%add3A_2329], %broadcast_in_dim3A_93 : memref<32768xf32, #tpu.memory_space<vmem>>[vector<16xi32>], vector<16xf32>,
    %get3A_2330 = arith.constant 2544 : index
    %get3A_2331 = tpu.vector_load %arg7[%get3A_2330] {strides = array<i32>} : memref<3072xi32, #tpu.memory_space<vmem>>, vector<16xi32>,
    %add3A_2332 = arith.constant 30720 : i32
    %add3A_2333 = vector.broadcast %add3A_2332 : i32 to vector<16xi32>
    %add3A_2334 = arith.addi %get3A_2331, %add3A_2333 : vector<16xi32>
    tpu.vector_store_idx %arg6[%add3A_2334], %broadcast_in_dim3A_93 : memref<32768xf32, #tpu.memory_space<vmem>>[vector<16xi32>], vector<16xf32>,
    %get3A_2335 = arith.constant 2816 : index
    %get3A_2336 = tpu.vector_load %arg7[%get3A_2335] {strides = array<i32>} : memref<3072xi32, #tpu.memory_space<vmem>>, vector<16xi32>,
    %add3A_2337 = arith.constant 0 : i32
    %add3A_2338 = vector.broadcast %add3A_2337 : i32 to vector<16xi32>
    %add3A_2339 = arith.addi %get3A_2336, %add3A_2338 : vector<16xi32>
    %get3A_2340 = arith.constant 2816 : index
    %get3A_2341 = tpu.vector_load %arg8[%get3A_2340] {strides = array<i32>} : memref<3072xf32, #tpu.memory_space<vmem>>, vector<16xf32>,
    tpu.vector_store_idx %arg6[%add3A_2339], %get3A_2341 : memref<32768xf32, #tpu.memory_space<vmem>>[vector<16xi32>], vector<16xf32>,
    %get3A_2342 = arith.constant 2832 : index
    %get3A_2343 = tpu.vector_load %arg7[%get3A_2342] {strides = array<i32>} : memref<3072xi32, #tpu.memory_space<vmem>>, vector<16xi32>,
    %add3A_2344 = arith.constant 2048 : i32
    %add3A_2345 = vector.broadcast %add3A_2344 : i32 to vector<16xi32>
    %add3A_2346 = arith.addi %get3A_2343, %add3A_2345 : vector<16xi32>
    %get3A_2347 = arith.constant 2832 : index
    %get3A_2348 = tpu.vector_load %arg8[%get3A_2347] {strides = array<i32>} : memref<3072xf32, #tpu.memory_space<vmem>>, vector<16xf32>,
    tpu.vector_store_idx %arg6[%add3A_2346], %get3A_2348 : memref<32768xf32, #tpu.memory_space<vmem>>[vector<16xi32>], vector<16xf32>,
    %get3A_2349 = arith.constant 2848 : index
    %get3A_2350 = tpu.vector_load %arg7[%get3A_2349] {strides = array<i32>} : memref<3072xi32, #tpu.memory_space<vmem>>, vector<16xi32>,
    %add3A_2351 = arith.constant 4096 : i32
    %add3A_2352 = vector.broadcast %add3A_2351 : i32 to vector<16xi32>
    %add3A_2353 = arith.addi %get3A_2350, %add3A_2352 : vector<16xi32>
    %get3A_2354 = arith.constant 2848 : index
    %get3A_2355 = tpu.vector_load %arg8[%get3A_2354] {strides = array<i32>} : memref<3072xf32, #tpu.memory_space<vmem>>, vector<16xf32>,
    tpu.vector_store_idx %arg6[%add3A_2353], %get3A_2355 : memref<32768xf32, #tpu.memory_space<vmem>>[vector<16xi32>], vector<16xf32>,
    %get3A_2356 = arith.constant 2864 : index
    %get3A_2357 = tpu.vector_load %arg7[%get3A_2356] {strides = array<i32>} : memref<3072xi32, #tpu.memory_space<vmem>>, vector<16xi32>,
    %add3A_2358 = arith.constant 6144 : i32
    %add3A_2359 = vector.broadcast %add3A_2358 : i32 to vector<16xi32>
    %add3A_2360 = arith.addi %get3A_2357, %add3A_2359 : vector<16xi32>
    %get3A_2361 = arith.constant 2864 : index
    %get3A_2362 = tpu.vector_load %arg8[%get3A_2361] {strides = array<i32>} : memref<3072xf32, #tpu.memory_space<vmem>>, vector<16xf32>,
    tpu.vector_store_idx %arg6[%add3A_2360], %get3A_2362 : memref<32768xf32, #tpu.memory_space<vmem>>[vector<16xi32>], vector<16xf32>,
    %get3A_2363 = arith.constant 2880 : index
    %get3A_2364 = tpu.vector_load %arg7[%get3A_2363] {strides = array<i32>} : memref<3072xi32, #tpu.memory_space<vmem>>, vector<16xi32>,
    %add3A_2365 = arith.constant 8192 : i32
    %add3A_2366 = vector.broadcast %add3A_2365 : i32 to vector<16xi32>
    %add3A_2367 = arith.addi %get3A_2364, %add3A_2366 : vector<16xi32>
    %get3A_2368 = arith.constant 2880 : index
    %get3A_2369 = tpu.vector_load %arg8[%get3A_2368] {strides = array<i32>} : memref<3072xf32, #tpu.memory_space<vmem>>, vector<16xf32>,
    tpu.vector_store_idx %arg6[%add3A_2367], %get3A_2369 : memref<32768xf32, #tpu.memory_space<vmem>>[vector<16xi32>], vector<16xf32>,
    %get3A_2370 = arith.constant 2896 : index
    %get3A_2371 = tpu.vector_load %arg7[%get3A_2370] {strides = array<i32>} : memref<3072xi32, #tpu.memory_space<vmem>>, vector<16xi32>,
    %add3A_2372 = arith.constant 10240 : i32
    %add3A_2373 = vector.broadcast %add3A_2372 : i32 to vector<16xi32>
    %add3A_2374 = arith.addi %get3A_2371, %add3A_2373 : vector<16xi32>
    %get3A_2375 = arith.constant 2896 : index
    %get3A_2376 = tpu.vector_load %arg8[%get3A_2375] {strides = array<i32>} : memref<3072xf32, #tpu.memory_space<vmem>>, vector<16xf32>,
    tpu.vector_store_idx %arg6[%add3A_2374], %get3A_2376 : memref<32768xf32, #tpu.memory_space<vmem>>[vector<16xi32>], vector<16xf32>,
    %get3A_2377 = arith.constant 2912 : index
    %get3A_2378 = tpu.vector_load %arg7[%get3A_2377] {strides = array<i32>} : memref<3072xi32, #tpu.memory_space<vmem>>, vector<16xi32>,
    %add3A_2379 = arith.constant 12288 : i32
    %add3A_2380 = vector.broadcast %add3A_2379 : i32 to vector<16xi32>
    %add3A_2381 = arith.addi %get3A_2378, %add3A_2380 : vector<16xi32>
    %get3A_2382 = arith.constant 2912 : index
    %get3A_2383 = tpu.vector_load %arg8[%get3A_2382] {strides = array<i32>} : memref<3072xf32, #tpu.memory_space<vmem>>, vector<16xf32>,
    tpu.vector_store_idx %arg6[%add3A_2381], %get3A_2383 : memref<32768xf32, #tpu.memory_space<vmem>>[vector<16xi32>], vector<16xf32>,
    %get3A_2384 = arith.constant 2928 : index
    %get3A_2385 = tpu.vector_load %arg7[%get3A_2384] {strides = array<i32>} : memref<3072xi32, #tpu.memory_space<vmem>>, vector<16xi32>,
    %add3A_2386 = arith.constant 14336 : i32
    %add3A_2387 = vector.broadcast %add3A_2386 : i32 to vector<16xi32>
    %add3A_2388 = arith.addi %get3A_2385, %add3A_2387 : vector<16xi32>
    %get3A_2389 = arith.constant 2928 : index
    %get3A_2390 = tpu.vector_load %arg8[%get3A_2389] {strides = array<i32>} : memref<3072xf32, #tpu.memory_space<vmem>>, vector<16xf32>,
    tpu.vector_store_idx %arg6[%add3A_2388], %get3A_2390 : memref<32768xf32, #tpu.memory_space<vmem>>[vector<16xi32>], vector<16xf32>,
    %get3A_2391 = arith.constant 2944 : index
    %get3A_2392 = tpu.vector_load %arg7[%get3A_2391] {strides = array<i32>} : memref<3072xi32, #tpu.memory_space<vmem>>, vector<16xi32>,
    %add3A_2393 = arith.constant 16384 : i32
    %add3A_2394 = vector.broadcast %add3A_2393 : i32 to vector<16xi32>
    %add3A_2395 = arith.addi %get3A_2392, %add3A_2394 : vector<16xi32>
    %get3A_2396 = arith.constant 2944 : index
    %get3A_2397 = tpu.vector_load %arg8[%get3A_2396] {strides = array<i32>} : memref<3072xf32, #tpu.memory_space<vmem>>, vector<16xf32>,
    tpu.vector_store_idx %arg6[%add3A_2395], %get3A_2397 : memref<32768xf32, #tpu.memory_space<vmem>>[vector<16xi32>], vector<16xf32>,
    %get3A_2398 = arith.constant 2960 : index
    %get3A_2399 = tpu.vector_load %arg7[%get3A_2398] {strides = array<i32>} : memref<3072xi32, #tpu.memory_space<vmem>>, vector<16xi32>,
    %add3A_2400 = arith.constant 18432 : i32
    %add3A_2401 = vector.broadcast %add3A_2400 : i32 to vector<16xi32>
    %add3A_2402 = arith.addi %get3A_2399, %add3A_2401 : vector<16xi32>
    %get3A_2403 = arith.constant 2960 : index
    %get3A_2404 = tpu.vector_load %arg8[%get3A_2403] {strides = array<i32>} : memref<3072xf32, #tpu.memory_space<vmem>>, vector<16xf32>,
    tpu.vector_store_idx %arg6[%add3A_2402], %get3A_2404 : memref<32768xf32, #tpu.memory_space<vmem>>[vector<16xi32>], vector<16xf32>,
    %get3A_2405 = arith.constant 2976 : index
    %get3A_2406 = tpu.vector_load %arg7[%get3A_2405] {strides = array<i32>} : memref<3072xi32, #tpu.memory_space<vmem>>, vector<16xi32>,
    %add3A_2407 = arith.constant 20480 : i32
    %add3A_2408 = vector.broadcast %add3A_2407 : i32 to vector<16xi32>
    %add3A_2409 = arith.addi %get3A_2406, %add3A_2408 : vector<16xi32>
    %get3A_2410 = arith.constant 2976 : index
    %get3A_2411 = tpu.vector_load %arg8[%get3A_2410] {strides = array<i32>} : memref<3072xf32, #tpu.memory_space<vmem>>, vector<16xf32>,
    tpu.vector_store_idx %arg6[%add3A_2409], %get3A_2411 : memref<32768xf32, #tpu.memory_space<vmem>>[vector<16xi32>], vector<16xf32>,
    %get3A_2412 = arith.constant 2992 : index
    %get3A_2413 = tpu.vector_load %arg7[%get3A_2412] {strides = array<i32>} : memref<3072xi32, #tpu.memory_space<vmem>>, vector<16xi32>,
    %add3A_2414 = arith.constant 22528 : i32
    %add3A_2415 = vector.broadcast %add3A_2414 : i32 to vector<16xi32>
    %add3A_2416 = arith.addi %get3A_2413, %add3A_2415 : vector<16xi32>
    %get3A_2417 = arith.constant 2992 : index
    %get3A_2418 = tpu.vector_load %arg8[%get3A_2417] {strides = array<i32>} : memref<3072xf32, #tpu.memory_space<vmem>>, vector<16xf32>,
    tpu.vector_store_idx %arg6[%add3A_2416], %get3A_2418 : memref<32768xf32, #tpu.memory_space<vmem>>[vector<16xi32>], vector<16xf32>,
    %get3A_2419 = arith.constant 3008 : index
    %get3A_2420 = tpu.vector_load %arg7[%get3A_2419] {strides = array<i32>} : memref<3072xi32, #tpu.memory_space<vmem>>, vector<16xi32>,
    %add3A_2421 = arith.constant 24576 : i32
    %add3A_2422 = vector.broadcast %add3A_2421 : i32 to vector<16xi32>
    %add3A_2423 = arith.addi %get3A_2420, %add3A_2422 : vector<16xi32>
    %get3A_2424 = arith.constant 3008 : index
    %get3A_2425 = tpu.vector_load %arg8[%get3A_2424] {strides = array<i32>} : memref<3072xf32, #tpu.memory_space<vmem>>, vector<16xf32>,
    tpu.vector_store_idx %arg6[%add3A_2423], %get3A_2425 : memref<32768xf32, #tpu.memory_space<vmem>>[vector<16xi32>], vector<16xf32>,
    %get3A_2426 = arith.constant 3024 : index
    %get3A_2427 = tpu.vector_load %arg7[%get3A_2426] {strides = array<i32>} : memref<3072xi32, #tpu.memory_space<vmem>>, vector<16xi32>,
    %add3A_2428 = arith.constant 26624 : i32
    %add3A_2429 = vector.broadcast %add3A_2428 : i32 to vector<16xi32>
    %add3A_2430 = arith.addi %get3A_2427, %add3A_2429 : vector<16xi32>
    %get3A_2431 = arith.constant 3024 : index
    %get3A_2432 = tpu.vector_load %arg8[%get3A_2431] {strides = array<i32>} : memref<3072xf32, #tpu.memory_space<vmem>>, vector<16xf32>,
    tpu.vector_store_idx %arg6[%add3A_2430], %get3A_2432 : memref<32768xf32, #tpu.memory_space<vmem>>[vector<16xi32>], vector<16xf32>,
    %get3A_2433 = arith.constant 3040 : index
    %get3A_2434 = tpu.vector_load %arg7[%get3A_2433] {strides = array<i32>} : memref<3072xi32, #tpu.memory_space<vmem>>, vector<16xi32>,
    %add3A_2435 = arith.constant 28672 : i32
    %add3A_2436 = vector.broadcast %add3A_2435 : i32 to vector<16xi32>
    %add3A_2437 = arith.addi %get3A_2434, %add3A_2436 : vector<16xi32>
    %get3A_2438 = arith.constant 3040 : index
    %get3A_2439 = tpu.vector_load %arg8[%get3A_2438] {strides = array<i32>} : memref<3072xf32, #tpu.memory_space<vmem>>, vector<16xf32>,
    tpu.vector_store_idx %arg6[%add3A_2437], %get3A_2439 : memref<32768xf32, #tpu.memory_space<vmem>>[vector<16xi32>], vector<16xf32>,
    %get3A_2440 = arith.constant 3056 : index
    %get3A_2441 = tpu.vector_load %arg7[%get3A_2440] {strides = array<i32>} : memref<3072xi32, #tpu.memory_space<vmem>>, vector<16xi32>,
    %add3A_2442 = arith.constant 30720 : i32
    %add3A_2443 = vector.broadcast %add3A_2442 : i32 to vector<16xi32>
    %add3A_2444 = arith.addi %get3A_2441, %add3A_2443 : vector<16xi32>
    %get3A_2445 = arith.constant 3056 : index
    %get3A_2446 = tpu.vector_load %arg8[%get3A_2445] {strides = array<i32>} : memref<3072xf32, #tpu.memory_space<vmem>>, vector<16xf32>,
    tpu.vector_store_idx %arg6[%add3A_2444], %get3A_2446 : memref<32768xf32, #tpu.memory_space<vmem>>[vector<16xi32>], vector<16xf32>,
    %mul3A_2447 = arith.constant 64 : i32
    %mul3A_2448 = arith.muli %add3A, %mul3A_2447 : i32
    %add3A_2449 = arith.constant 4096 : i32
    %add3A_2450 = arith.addi %add3A_2449, %mul3A_2448 : i32
    %add3A_2451 = arith.constant 48 : i32
    %add3A_2452 = arith.addi %add3A_2450, %add3A_2451 : i32
    %mul3A_2453 = arith.constant 2048 : i32
    %mul3A_2454 = arith.muli %add3A_2452, %mul3A_2453 : i32
    %dma_start3A_2455 = tpu.memref_slice %arg4[%mul3A_2454] : memref<12582912xf32, #tpu.memory_space<hbm>> -> memref<32768xf32, #tpu.memory_space<hbm>>
    %dma_start3A_2456 = tpu.memref_slice %arg4[%mul3A_2454] : memref<12582912xf32, #tpu.memory_space<hbm>> -> memref<32768xf32, #tpu.memory_space<hbm>>
    tpu.enqueue_dma source(%arg6 : memref<32768xf32, #tpu.memory_space<vmem>>) target(%dma_start3A_2456 : memref<32768xf32, #tpu.memory_space<hbm>>) target_semaphore(%arg10 : memref<!tpu.dma_semaphore, #tpu.memory_space<semaphore_mem>>)
    %mul3A_2457 = arith.constant 64 : i32
    %mul3A_2458 = arith.muli %add3A, %mul3A_2457 : i32
    %add3A_2459 = arith.constant 4096 : i32
    %add3A_2460 = arith.addi %add3A_2459, %mul3A_2458 : i32
    %add3A_2461 = arith.constant 32 : i32
    %add3A_2462 = arith.addi %add3A_2460, %add3A_2461 : i32
    %mul3A_2463 = arith.constant 2048 : i32
    %mul3A_2464 = arith.muli %add3A_2462, %mul3A_2463 : i32
    %dma_wait3A_2465 = tpu.memref_slice %arg4[%mul3A_2464] : memref<12582912xf32, #tpu.memory_space<hbm>> -> memref<32768xf32, #tpu.memory_space<hbm>>
    %dma_wait3A_2466 = tpu.memref_slice %arg4[%mul3A_2464] : memref<12582912xf32, #tpu.memory_space<hbm>> -> memref<32768xf32, #tpu.memory_space<hbm>>
    tpu.wait_dma2 semaphore(%arg9 : memref<!tpu.dma_semaphore, #tpu.memory_space<semaphore_mem>>) src(%arg5 : memref<32768xf32, #tpu.memory_space<vmem>>) dst(%dma_wait3A_2466 : memref<32768xf32, #tpu.memory_space<hbm>>)
    %mul3A_2467 = arith.constant 64 : i32
    %mul3A_2468 = arith.muli %add3A, %mul3A_2467 : i32
    %add3A_2469 = arith.constant 4096 : i32
    %add3A_2470 = arith.addi %add3A_2469, %mul3A_2468 : i32
    %add3A_2471 = arith.constant 48 : i32
    %add3A_2472 = arith.addi %add3A_2470, %add3A_2471 : i32
    %mul3A_2473 = arith.constant 2048 : i32
    %mul3A_2474 = arith.muli %add3A_2472, %mul3A_2473 : i32
    %dma_wait3A_2475 = tpu.memref_slice %arg4[%mul3A_2474] : memref<12582912xf32, #tpu.memory_space<hbm>> -> memref<32768xf32, #tpu.memory_space<hbm>>
    %dma_wait3A_2476 = tpu.memref_slice %arg4[%mul3A_2474] : memref<12582912xf32, #tpu.memory_space<hbm>> -> memref<32768xf32, #tpu.memory_space<hbm>>
    tpu.wait_dma2 semaphore(%arg10 : memref<!tpu.dma_semaphore, #tpu.memory_space<semaphore_mem>>) src(%arg6 : memref<32768xf32, #tpu.memory_space<vmem>>) dst(%dma_wait3A_2476 : memref<32768xf32, #tpu.memory_space<hbm>>)
    return
  }
}

module attributes {stable_mosaic.version = 14 : i64} {
  func.func @_tc_in_body(%arg0: memref<1024x512xf32, #tpu.memory_space<vmem>>, %arg1: memref<2048x512xf32, #tpu.memory_space<vmem>>, %arg2: memref<2048x1xf32, #tpu.memory_space<vmem>>, %arg3: memref<2048x1024xbf16, #tpu.memory_space<vmem>>, %arg4: memref<1024x512xbf16, #tpu.memory_space<vmem>>) attributes {dimension_semantics = [], scalar_prefetch = 0 : i64, scratch_operands = 1 : i64, tpu.core_type = #tpu.core_type<tc>} {
    %get3A = arith.constant 0 : index
    %get3A_0 = arith.constant 0 : index
    %get3A_1 = vector.load %arg0[%get3A, %get3A_0] : memref<1024x512xf32, #tpu.memory_space<vmem>>, vector<1024x512xf32>
    %convert_element_type3A = arith.truncf %get3A_1 : vector<1024x512xf32> to vector<1024x512xbf16>
    %swap3A = arith.constant 0 : index
    %swap3A_2 = arith.constant 0 : index
    %swap3A_3 = vector.load %arg4[%swap3A, %swap3A_2] : memref<1024x512xbf16, #tpu.memory_space<vmem>>, vector<1024x512xbf16>
    tpu.vector_store %arg4[%swap3A, %swap3A_2], %convert_element_type3A {strides = array<i32>} : memref<1024x512xbf16, #tpu.memory_space<vmem>>, vector<1024x512xbf16>,
    %get3A_4 = arith.constant 0 : index
    %get3A_5 = arith.constant 0 : index
    %get3A_6 = vector.load %arg1[%get3A_4, %get3A_5] : memref<2048x512xf32, #tpu.memory_space<vmem>>, vector<512x512xf32>
    %convert_element_type3A_7 = arith.truncf %get3A_6 : vector<512x512xf32> to vector<512x512xbf16>
    %get3A_8 = arith.constant 0 : index
    %get3A_9 = arith.constant 0 : index
    %get3A_10 = vector.load %arg4[%get3A_8, %get3A_9] : memref<1024x512xbf16, #tpu.memory_space<vmem>>, vector<1024x512xbf16>
    %dot_general3A = arith.constant dense<0.000000e+00> : vector<512x1024xf32>
    %dot_general3A_11 = tpu.matmul %convert_element_type3A_7, %get3A_10, %dot_general3A {dimension_numbers = #tpu.dot_dimension_numbers<[1], [1], [0], [0], [0, 0, 1, 0], [], []>, transpose_lhs_hint = false} : vector<512x512xbf16>, vector<1024x512xbf16>, vector<512x1024xf32> -> vector<512x1024xf32>
    %get3A_12 = arith.constant 0 : index
    %get3A_13 = arith.constant 0 : index
    %get3A_14 = vector.load %arg2[%get3A_12, %get3A_13] : memref<2048x1xf32, #tpu.memory_space<vmem>>, vector<512x1xf32>
    %add3A = vector.broadcast %get3A_14 : vector<512x1xf32> to vector<512x1024xf32>
    %add3A_15 = arith.addf %dot_general3A_11, %add3A : vector<512x1024xf32>
    %max3A = arith.constant 0.000000e+00 : f32
    %max3A_16 = vector.broadcast %max3A : f32 to vector<512x1024xf32>
    %max3A_17 = arith.maximumf %add3A_15, %max3A_16 : vector<512x1024xf32>
    %convert_element_type3A_18 = arith.truncf %max3A_17 : vector<512x1024xf32> to vector<512x1024xbf16>
    %swap3A_19 = arith.constant 0 : index
    %swap3A_20 = arith.constant 0 : index
    %swap3A_21 = vector.load %arg3[%swap3A_19, %swap3A_20] : memref<2048x1024xbf16, #tpu.memory_space<vmem>>, vector<512x1024xbf16>
    tpu.vector_store %arg3[%swap3A_19, %swap3A_20], %convert_element_type3A_18 {strides = array<i32>} : memref<2048x1024xbf16, #tpu.memory_space<vmem>>, vector<512x1024xbf16>,
    %get3A_22 = arith.constant 512 : index
    %get3A_23 = arith.constant 0 : index
    %get3A_24 = vector.load %arg1[%get3A_22, %get3A_23] : memref<2048x512xf32, #tpu.memory_space<vmem>>, vector<512x512xf32>
    %convert_element_type3A_25 = arith.truncf %get3A_24 : vector<512x512xf32> to vector<512x512xbf16>
    %get3A_26 = arith.constant 0 : index
    %get3A_27 = arith.constant 0 : index
    %get3A_28 = vector.load %arg4[%get3A_26, %get3A_27] : memref<1024x512xbf16, #tpu.memory_space<vmem>>, vector<1024x512xbf16>
    %dot_general3A_29 = arith.constant dense<0.000000e+00> : vector<512x1024xf32>
    %dot_general3A_30 = tpu.matmul %convert_element_type3A_25, %get3A_28, %dot_general3A_29 {dimension_numbers = #tpu.dot_dimension_numbers<[1], [1], [0], [0], [0, 0, 1, 0], [], []>, transpose_lhs_hint = false} : vector<512x512xbf16>, vector<1024x512xbf16>, vector<512x1024xf32> -> vector<512x1024xf32>
    %get3A_31 = arith.constant 512 : index
    %get3A_32 = arith.constant 0 : index
    %get3A_33 = vector.load %arg2[%get3A_31, %get3A_32] : memref<2048x1xf32, #tpu.memory_space<vmem>>, vector<512x1xf32>
    %add3A_34 = vector.broadcast %get3A_33 : vector<512x1xf32> to vector<512x1024xf32>
    %add3A_35 = arith.addf %dot_general3A_30, %add3A_34 : vector<512x1024xf32>
    %max3A_36 = arith.constant 0.000000e+00 : f32
    %max3A_37 = vector.broadcast %max3A_36 : f32 to vector<512x1024xf32>
    %max3A_38 = arith.maximumf %add3A_35, %max3A_37 : vector<512x1024xf32>
    %convert_element_type3A_39 = arith.truncf %max3A_38 : vector<512x1024xf32> to vector<512x1024xbf16>
    %swap3A_40 = arith.constant 512 : index
    %swap3A_41 = arith.constant 0 : index
    %swap3A_42 = vector.load %arg3[%swap3A_40, %swap3A_41] : memref<2048x1024xbf16, #tpu.memory_space<vmem>>, vector<512x1024xbf16>
    tpu.vector_store %arg3[%swap3A_40, %swap3A_41], %convert_element_type3A_39 {strides = array<i32>} : memref<2048x1024xbf16, #tpu.memory_space<vmem>>, vector<512x1024xbf16>,
    %get3A_43 = arith.constant 1024 : index
    %get3A_44 = arith.constant 0 : index
    %get3A_45 = vector.load %arg1[%get3A_43, %get3A_44] : memref<2048x512xf32, #tpu.memory_space<vmem>>, vector<512x512xf32>
    %convert_element_type3A_46 = arith.truncf %get3A_45 : vector<512x512xf32> to vector<512x512xbf16>
    %get3A_47 = arith.constant 0 : index
    %get3A_48 = arith.constant 0 : index
    %get3A_49 = vector.load %arg4[%get3A_47, %get3A_48] : memref<1024x512xbf16, #tpu.memory_space<vmem>>, vector<1024x512xbf16>
    %dot_general3A_50 = arith.constant dense<0.000000e+00> : vector<512x1024xf32>
    %dot_general3A_51 = tpu.matmul %convert_element_type3A_46, %get3A_49, %dot_general3A_50 {dimension_numbers = #tpu.dot_dimension_numbers<[1], [1], [0], [0], [0, 0, 1, 0], [], []>, transpose_lhs_hint = false} : vector<512x512xbf16>, vector<1024x512xbf16>, vector<512x1024xf32> -> vector<512x1024xf32>
    %get3A_52 = arith.constant 1024 : index
    %get3A_53 = arith.constant 0 : index
    %get3A_54 = vector.load %arg2[%get3A_52, %get3A_53] : memref<2048x1xf32, #tpu.memory_space<vmem>>, vector<512x1xf32>
    %add3A_55 = vector.broadcast %get3A_54 : vector<512x1xf32> to vector<512x1024xf32>
    %add3A_56 = arith.addf %dot_general3A_51, %add3A_55 : vector<512x1024xf32>
    %max3A_57 = arith.constant 0.000000e+00 : f32
    %max3A_58 = vector.broadcast %max3A_57 : f32 to vector<512x1024xf32>
    %max3A_59 = arith.maximumf %add3A_56, %max3A_58 : vector<512x1024xf32>
    %convert_element_type3A_60 = arith.truncf %max3A_59 : vector<512x1024xf32> to vector<512x1024xbf16>
    %swap3A_61 = arith.constant 1024 : index
    %swap3A_62 = arith.constant 0 : index
    %swap3A_63 = vector.load %arg3[%swap3A_61, %swap3A_62] : memref<2048x1024xbf16, #tpu.memory_space<vmem>>, vector<512x1024xbf16>
    tpu.vector_store %arg3[%swap3A_61, %swap3A_62], %convert_element_type3A_60 {strides = array<i32>} : memref<2048x1024xbf16, #tpu.memory_space<vmem>>, vector<512x1024xbf16>,
    %get3A_64 = arith.constant 1536 : index
    %get3A_65 = arith.constant 0 : index
    %get3A_66 = vector.load %arg1[%get3A_64, %get3A_65] : memref<2048x512xf32, #tpu.memory_space<vmem>>, vector<512x512xf32>
    %convert_element_type3A_67 = arith.truncf %get3A_66 : vector<512x512xf32> to vector<512x512xbf16>
    %get3A_68 = arith.constant 0 : index
    %get3A_69 = arith.constant 0 : index
    %get3A_70 = vector.load %arg4[%get3A_68, %get3A_69] : memref<1024x512xbf16, #tpu.memory_space<vmem>>, vector<1024x512xbf16>
    %dot_general3A_71 = arith.constant dense<0.000000e+00> : vector<512x1024xf32>
    %dot_general3A_72 = tpu.matmul %convert_element_type3A_67, %get3A_70, %dot_general3A_71 {dimension_numbers = #tpu.dot_dimension_numbers<[1], [1], [0], [0], [0, 0, 1, 0], [], []>, transpose_lhs_hint = false} : vector<512x512xbf16>, vector<1024x512xbf16>, vector<512x1024xf32> -> vector<512x1024xf32>
    %get3A_73 = arith.constant 1536 : index
    %get3A_74 = arith.constant 0 : index
    %get3A_75 = vector.load %arg2[%get3A_73, %get3A_74] : memref<2048x1xf32, #tpu.memory_space<vmem>>, vector<512x1xf32>
    %add3A_76 = vector.broadcast %get3A_75 : vector<512x1xf32> to vector<512x1024xf32>
    %add3A_77 = arith.addf %dot_general3A_72, %add3A_76 : vector<512x1024xf32>
    %max3A_78 = arith.constant 0.000000e+00 : f32
    %max3A_79 = vector.broadcast %max3A_78 : f32 to vector<512x1024xf32>
    %max3A_80 = arith.maximumf %add3A_77, %max3A_79 : vector<512x1024xf32>
    %convert_element_type3A_81 = arith.truncf %max3A_80 : vector<512x1024xf32> to vector<512x1024xbf16>
    %swap3A_82 = arith.constant 1536 : index
    %swap3A_83 = arith.constant 0 : index
    %swap3A_84 = vector.load %arg3[%swap3A_82, %swap3A_83] : memref<2048x1024xbf16, #tpu.memory_space<vmem>>, vector<512x1024xbf16>
    tpu.vector_store %arg3[%swap3A_82, %swap3A_83], %convert_element_type3A_81 {strides = array<i32>} : memref<2048x1024xbf16, #tpu.memory_space<vmem>>, vector<512x1024xbf16>,
    return
  }
}

module attributes {stable_mosaic.version = 14 : i64} {
  func.func @_tc_body(%arg0: memref<2048x1024xbf16, #tpu.memory_space<vmem>>, %arg1: memref<128x2048xf32, #tpu.memory_space<vmem>>, %arg2: memref<1x128xf32, #tpu.memory_space<vmem>>, %arg3: memref<98304x128xf32, #tpu.memory_space<hbm>>, %arg4: memref<1024x128xf32, #tpu.memory_space<vmem>>, %arg5: memref<2048x1024xbf16, #tpu.memory_space<vmem>>, %arg6: memref<2048x1024xbf16, #tpu.memory_space<vmem>>, %arg7: memref<8192x128xf32, #tpu.memory_space<vmem>>, %arg8: memref<8192x128xf32, #tpu.memory_space<vmem>>, %arg9: memref<!tpu.dma_semaphore, #tpu.memory_space<semaphore_mem>>, %arg10: memref<!tpu.dma_semaphore, #tpu.memory_space<semaphore_mem>>) attributes {dimension_semantics = [], scalar_prefetch = 0 : i64, scratch_operands = 6 : i64, tpu.core_type = #tpu.core_type<tc>} {
    %dma_start3A = arith.constant 0 : i32
    %dma_start3A_0 = tpu.memref_reshape %arg3 : memref<98304x128xf32, #tpu.memory_space<hbm>> -> memref<12x8192x128xf32, #tpu.memory_space<hbm>>
    %dma_start3A_1 = arith.constant 0 : i32
    %dma_start3A_2 = arith.constant 0 : i32
    %dma_start3A_3 = tpu.memref_slice %dma_start3A_0[%dma_start3A, %dma_start3A_1, %dma_start3A_2] : memref<12x8192x128xf32, #tpu.memory_space<hbm>> -> memref<1x8192x128xf32, #tpu.memory_space<hbm>>
    %dma_start3A_4 = tpu.memref_squeeze %dma_start3A_3 : memref<1x8192x128xf32, #tpu.memory_space<hbm>> -> memref<8192x128xf32, #tpu.memory_space<hbm>>
    tpu.enqueue_dma source(%dma_start3A_4 : memref<8192x128xf32, #tpu.memory_space<hbm>>) target(%arg7 : memref<8192x128xf32, #tpu.memory_space<vmem>>) target_semaphore(%arg9 : memref<!tpu.dma_semaphore, #tpu.memory_space<semaphore_mem>>)
    %dma_start3A_5 = arith.constant 1 : i32
    %dma_start3A_6 = tpu.memref_reshape %arg3 : memref<98304x128xf32, #tpu.memory_space<hbm>> -> memref<12x8192x128xf32, #tpu.memory_space<hbm>>
    %dma_start3A_7 = arith.constant 0 : i32
    %dma_start3A_8 = arith.constant 0 : i32
    %dma_start3A_9 = tpu.memref_slice %dma_start3A_6[%dma_start3A_5, %dma_start3A_7, %dma_start3A_8] : memref<12x8192x128xf32, #tpu.memory_space<hbm>> -> memref<1x8192x128xf32, #tpu.memory_space<hbm>>
    %dma_start3A_10 = tpu.memref_squeeze %dma_start3A_9 : memref<1x8192x128xf32, #tpu.memory_space<hbm>> -> memref<8192x128xf32, #tpu.memory_space<hbm>>
    tpu.enqueue_dma source(%dma_start3A_10 : memref<8192x128xf32, #tpu.memory_space<hbm>>) target(%arg8 : memref<8192x128xf32, #tpu.memory_space<vmem>>) target_semaphore(%arg10 : memref<!tpu.dma_semaphore, #tpu.memory_space<semaphore_mem>>)
    %dma_wait3A = arith.constant 0 : i32
    %dma_wait3A_11 = tpu.memref_reshape %arg3 : memref<98304x128xf32, #tpu.memory_space<hbm>> -> memref<12x8192x128xf32, #tpu.memory_space<hbm>>
    %dma_wait3A_12 = arith.constant 0 : i32
    %dma_wait3A_13 = arith.constant 0 : i32
    %dma_wait3A_14 = tpu.memref_slice %dma_wait3A_11[%dma_wait3A, %dma_wait3A_12, %dma_wait3A_13] : memref<12x8192x128xf32, #tpu.memory_space<hbm>> -> memref<1x8192x128xf32, #tpu.memory_space<hbm>>
    %dma_wait3A_15 = tpu.memref_squeeze %dma_wait3A_14 : memref<1x8192x128xf32, #tpu.memory_space<hbm>> -> memref<8192x128xf32, #tpu.memory_space<hbm>>
    tpu.wait_dma2 semaphore(%arg9 : memref<!tpu.dma_semaphore, #tpu.memory_space<semaphore_mem>>) src(%dma_wait3A_15 : memref<8192x128xf32, #tpu.memory_space<hbm>>) dst(%arg7 : memref<8192x128xf32, #tpu.memory_space<vmem>>)
    %get3A = tpu.memref_reshape %arg7 : memref<8192x128xf32, #tpu.memory_space<vmem>> -> memref<512x2048xf32, #tpu.memory_space<vmem>>
    %get3A_16 = arith.constant 0 : index
    %get3A_17 = arith.constant 0 : index
    %get3A_18 = vector.load %get3A[%get3A_16, %get3A_17] : memref<512x2048xf32, #tpu.memory_space<vmem>>, vector<512x2048xf32>
    %convert_element_type3A = arith.truncf %get3A_18 : vector<512x2048xf32> to vector<512x2048xbf16>
    %get3A_19 = arith.constant 0 : index
    %get3A_20 = arith.constant 0 : index
    %get3A_21 = vector.load %arg0[%get3A_19, %get3A_20] : memref<2048x1024xbf16, #tpu.memory_space<vmem>>, vector<2048x1024xbf16>
    %dot_general3A = arith.constant dense<0.000000e+00> : vector<512x1024xf32>
    %dot_general3A_22 = tpu.matmul %convert_element_type3A, %get3A_21, %dot_general3A {dimension_numbers = #tpu.dot_dimension_numbers<[1], [0], [0], [1], [0, 0, 1, 1], [], []>, transpose_lhs_hint = false} : vector<512x2048xbf16>, vector<2048x1024xbf16>, vector<512x1024xf32> -> vector<512x1024xf32>
    %max3A = arith.constant 0.000000e+00 : f32
    %max3A_23 = vector.broadcast %max3A : f32 to vector<512x1024xf32>
    %max3A_24 = arith.maximumf %dot_general3A_22, %max3A_23 : vector<512x1024xf32>
    %convert_element_type3A_25 = arith.truncf %max3A_24 : vector<512x1024xf32> to vector<512x1024xbf16>
    %swap3A = arith.constant 0 : index
    %swap3A_26 = arith.constant 0 : index
    %swap3A_27 = vector.load %arg6[%swap3A, %swap3A_26] : memref<2048x1024xbf16, #tpu.memory_space<vmem>>, vector<512x1024xbf16>
    tpu.vector_store %arg6[%swap3A, %swap3A_26], %convert_element_type3A_25 {strides = array<i32>} : memref<2048x1024xbf16, #tpu.memory_space<vmem>>, vector<512x1024xbf16>,
    %dma_start3A_28 = arith.constant 2 : i32
    %dma_start3A_29 = tpu.memref_reshape %arg3 : memref<98304x128xf32, #tpu.memory_space<hbm>> -> memref<12x8192x128xf32, #tpu.memory_space<hbm>>
    %dma_start3A_30 = arith.constant 0 : i32
    %dma_start3A_31 = arith.constant 0 : i32
    %dma_start3A_32 = tpu.memref_slice %dma_start3A_29[%dma_start3A_28, %dma_start3A_30, %dma_start3A_31] : memref<12x8192x128xf32, #tpu.memory_space<hbm>> -> memref<1x8192x128xf32, #tpu.memory_space<hbm>>
    %dma_start3A_33 = tpu.memref_squeeze %dma_start3A_32 : memref<1x8192x128xf32, #tpu.memory_space<hbm>> -> memref<8192x128xf32, #tpu.memory_space<hbm>>
    tpu.enqueue_dma source(%dma_start3A_33 : memref<8192x128xf32, #tpu.memory_space<hbm>>) target(%arg7 : memref<8192x128xf32, #tpu.memory_space<vmem>>) target_semaphore(%arg9 : memref<!tpu.dma_semaphore, #tpu.memory_space<semaphore_mem>>)
    %dma_wait3A_34 = arith.constant 1 : i32
    %dma_wait3A_35 = tpu.memref_reshape %arg3 : memref<98304x128xf32, #tpu.memory_space<hbm>> -> memref<12x8192x128xf32, #tpu.memory_space<hbm>>
    %dma_wait3A_36 = arith.constant 0 : i32
    %dma_wait3A_37 = arith.constant 0 : i32
    %dma_wait3A_38 = tpu.memref_slice %dma_wait3A_35[%dma_wait3A_34, %dma_wait3A_36, %dma_wait3A_37] : memref<12x8192x128xf32, #tpu.memory_space<hbm>> -> memref<1x8192x128xf32, #tpu.memory_space<hbm>>
    %dma_wait3A_39 = tpu.memref_squeeze %dma_wait3A_38 : memref<1x8192x128xf32, #tpu.memory_space<hbm>> -> memref<8192x128xf32, #tpu.memory_space<hbm>>
    tpu.wait_dma2 semaphore(%arg10 : memref<!tpu.dma_semaphore, #tpu.memory_space<semaphore_mem>>) src(%dma_wait3A_39 : memref<8192x128xf32, #tpu.memory_space<hbm>>) dst(%arg8 : memref<8192x128xf32, #tpu.memory_space<vmem>>)
    %get3A_40 = tpu.memref_reshape %arg8 : memref<8192x128xf32, #tpu.memory_space<vmem>> -> memref<512x2048xf32, #tpu.memory_space<vmem>>
    %get3A_41 = arith.constant 0 : index
    %get3A_42 = arith.constant 0 : index
    %get3A_43 = vector.load %get3A_40[%get3A_41, %get3A_42] : memref<512x2048xf32, #tpu.memory_space<vmem>>, vector<512x2048xf32>
    %convert_element_type3A_44 = arith.truncf %get3A_43 : vector<512x2048xf32> to vector<512x2048xbf16>
    %get3A_45 = arith.constant 0 : index
    %get3A_46 = arith.constant 0 : index
    %get3A_47 = vector.load %arg0[%get3A_45, %get3A_46] : memref<2048x1024xbf16, #tpu.memory_space<vmem>>, vector<2048x1024xbf16>
    %dot_general3A_48 = arith.constant dense<0.000000e+00> : vector<512x1024xf32>
    %dot_general3A_49 = tpu.matmul %convert_element_type3A_44, %get3A_47, %dot_general3A_48 {dimension_numbers = #tpu.dot_dimension_numbers<[1], [0], [0], [1], [0, 0, 1, 1], [], []>, transpose_lhs_hint = false} : vector<512x2048xbf16>, vector<2048x1024xbf16>, vector<512x1024xf32> -> vector<512x1024xf32>
    %max3A_50 = arith.constant 0.000000e+00 : f32
    %max3A_51 = vector.broadcast %max3A_50 : f32 to vector<512x1024xf32>
    %max3A_52 = arith.maximumf %dot_general3A_49, %max3A_51 : vector<512x1024xf32>
    %convert_element_type3A_53 = arith.truncf %max3A_52 : vector<512x1024xf32> to vector<512x1024xbf16>
    %swap3A_54 = arith.constant 512 : index
    %swap3A_55 = arith.constant 0 : index
    %swap3A_56 = vector.load %arg6[%swap3A_54, %swap3A_55] : memref<2048x1024xbf16, #tpu.memory_space<vmem>>, vector<512x1024xbf16>
    tpu.vector_store %arg6[%swap3A_54, %swap3A_55], %convert_element_type3A_53 {strides = array<i32>} : memref<2048x1024xbf16, #tpu.memory_space<vmem>>, vector<512x1024xbf16>,
    %dma_start3A_57 = arith.constant 3 : i32
    %dma_start3A_58 = tpu.memref_reshape %arg3 : memref<98304x128xf32, #tpu.memory_space<hbm>> -> memref<12x8192x128xf32, #tpu.memory_space<hbm>>
    %dma_start3A_59 = arith.constant 0 : i32
    %dma_start3A_60 = arith.constant 0 : i32
    %dma_start3A_61 = tpu.memref_slice %dma_start3A_58[%dma_start3A_57, %dma_start3A_59, %dma_start3A_60] : memref<12x8192x128xf32, #tpu.memory_space<hbm>> -> memref<1x8192x128xf32, #tpu.memory_space<hbm>>
    %dma_start3A_62 = tpu.memref_squeeze %dma_start3A_61 : memref<1x8192x128xf32, #tpu.memory_space<hbm>> -> memref<8192x128xf32, #tpu.memory_space<hbm>>
    tpu.enqueue_dma source(%dma_start3A_62 : memref<8192x128xf32, #tpu.memory_space<hbm>>) target(%arg8 : memref<8192x128xf32, #tpu.memory_space<vmem>>) target_semaphore(%arg10 : memref<!tpu.dma_semaphore, #tpu.memory_space<semaphore_mem>>)
    %dma_wait3A_63 = arith.constant 2 : i32
    %dma_wait3A_64 = tpu.memref_reshape %arg3 : memref<98304x128xf32, #tpu.memory_space<hbm>> -> memref<12x8192x128xf32, #tpu.memory_space<hbm>>
    %dma_wait3A_65 = arith.constant 0 : i32
    %dma_wait3A_66 = arith.constant 0 : i32
    %dma_wait3A_67 = tpu.memref_slice %dma_wait3A_64[%dma_wait3A_63, %dma_wait3A_65, %dma_wait3A_66] : memref<12x8192x128xf32, #tpu.memory_space<hbm>> -> memref<1x8192x128xf32, #tpu.memory_space<hbm>>
    %dma_wait3A_68 = tpu.memref_squeeze %dma_wait3A_67 : memref<1x8192x128xf32, #tpu.memory_space<hbm>> -> memref<8192x128xf32, #tpu.memory_space<hbm>>
    tpu.wait_dma2 semaphore(%arg9 : memref<!tpu.dma_semaphore, #tpu.memory_space<semaphore_mem>>) src(%dma_wait3A_68 : memref<8192x128xf32, #tpu.memory_space<hbm>>) dst(%arg7 : memref<8192x128xf32, #tpu.memory_space<vmem>>)
    %get3A_69 = tpu.memref_reshape %arg7 : memref<8192x128xf32, #tpu.memory_space<vmem>> -> memref<512x2048xf32, #tpu.memory_space<vmem>>
    %get3A_70 = arith.constant 0 : index
    %get3A_71 = arith.constant 0 : index
    %get3A_72 = vector.load %get3A_69[%get3A_70, %get3A_71] : memref<512x2048xf32, #tpu.memory_space<vmem>>, vector<512x2048xf32>
    %convert_element_type3A_73 = arith.truncf %get3A_72 : vector<512x2048xf32> to vector<512x2048xbf16>
    %get3A_74 = arith.constant 0 : index
    %get3A_75 = arith.constant 0 : index
    %get3A_76 = vector.load %arg0[%get3A_74, %get3A_75] : memref<2048x1024xbf16, #tpu.memory_space<vmem>>, vector<2048x1024xbf16>
    %dot_general3A_77 = arith.constant dense<0.000000e+00> : vector<512x1024xf32>
    %dot_general3A_78 = tpu.matmul %convert_element_type3A_73, %get3A_76, %dot_general3A_77 {dimension_numbers = #tpu.dot_dimension_numbers<[1], [0], [0], [1], [0, 0, 1, 1], [], []>, transpose_lhs_hint = false} : vector<512x2048xbf16>, vector<2048x1024xbf16>, vector<512x1024xf32> -> vector<512x1024xf32>
    %max3A_79 = arith.constant 0.000000e+00 : f32
    %max3A_80 = vector.broadcast %max3A_79 : f32 to vector<512x1024xf32>
    %max3A_81 = arith.maximumf %dot_general3A_78, %max3A_80 : vector<512x1024xf32>
    %convert_element_type3A_82 = arith.truncf %max3A_81 : vector<512x1024xf32> to vector<512x1024xbf16>
    %swap3A_83 = arith.constant 1024 : index
    %swap3A_84 = arith.constant 0 : index
    %swap3A_85 = vector.load %arg6[%swap3A_83, %swap3A_84] : memref<2048x1024xbf16, #tpu.memory_space<vmem>>, vector<512x1024xbf16>
    tpu.vector_store %arg6[%swap3A_83, %swap3A_84], %convert_element_type3A_82 {strides = array<i32>} : memref<2048x1024xbf16, #tpu.memory_space<vmem>>, vector<512x1024xbf16>,
    %dma_start3A_86 = arith.constant 4 : i32
    %dma_start3A_87 = tpu.memref_reshape %arg3 : memref<98304x128xf32, #tpu.memory_space<hbm>> -> memref<12x8192x128xf32, #tpu.memory_space<hbm>>
    %dma_start3A_88 = arith.constant 0 : i32
    %dma_start3A_89 = arith.constant 0 : i32
    %dma_start3A_90 = tpu.memref_slice %dma_start3A_87[%dma_start3A_86, %dma_start3A_88, %dma_start3A_89] : memref<12x8192x128xf32, #tpu.memory_space<hbm>> -> memref<1x8192x128xf32, #tpu.memory_space<hbm>>
    %dma_start3A_91 = tpu.memref_squeeze %dma_start3A_90 : memref<1x8192x128xf32, #tpu.memory_space<hbm>> -> memref<8192x128xf32, #tpu.memory_space<hbm>>
    tpu.enqueue_dma source(%dma_start3A_91 : memref<8192x128xf32, #tpu.memory_space<hbm>>) target(%arg7 : memref<8192x128xf32, #tpu.memory_space<vmem>>) target_semaphore(%arg9 : memref<!tpu.dma_semaphore, #tpu.memory_space<semaphore_mem>>)
    %dma_wait3A_92 = arith.constant 3 : i32
    %dma_wait3A_93 = tpu.memref_reshape %arg3 : memref<98304x128xf32, #tpu.memory_space<hbm>> -> memref<12x8192x128xf32, #tpu.memory_space<hbm>>
    %dma_wait3A_94 = arith.constant 0 : i32
    %dma_wait3A_95 = arith.constant 0 : i32
    %dma_wait3A_96 = tpu.memref_slice %dma_wait3A_93[%dma_wait3A_92, %dma_wait3A_94, %dma_wait3A_95] : memref<12x8192x128xf32, #tpu.memory_space<hbm>> -> memref<1x8192x128xf32, #tpu.memory_space<hbm>>
    %dma_wait3A_97 = tpu.memref_squeeze %dma_wait3A_96 : memref<1x8192x128xf32, #tpu.memory_space<hbm>> -> memref<8192x128xf32, #tpu.memory_space<hbm>>
    tpu.wait_dma2 semaphore(%arg10 : memref<!tpu.dma_semaphore, #tpu.memory_space<semaphore_mem>>) src(%dma_wait3A_97 : memref<8192x128xf32, #tpu.memory_space<hbm>>) dst(%arg8 : memref<8192x128xf32, #tpu.memory_space<vmem>>)
    %get3A_98 = tpu.memref_reshape %arg8 : memref<8192x128xf32, #tpu.memory_space<vmem>> -> memref<512x2048xf32, #tpu.memory_space<vmem>>
    %get3A_99 = arith.constant 0 : index
    %get3A_100 = arith.constant 0 : index
    %get3A_101 = vector.load %get3A_98[%get3A_99, %get3A_100] : memref<512x2048xf32, #tpu.memory_space<vmem>>, vector<512x2048xf32>
    %convert_element_type3A_102 = arith.truncf %get3A_101 : vector<512x2048xf32> to vector<512x2048xbf16>
    %get3A_103 = arith.constant 0 : index
    %get3A_104 = arith.constant 0 : index
    %get3A_105 = vector.load %arg0[%get3A_103, %get3A_104] : memref<2048x1024xbf16, #tpu.memory_space<vmem>>, vector<2048x1024xbf16>
    %dot_general3A_106 = arith.constant dense<0.000000e+00> : vector<512x1024xf32>
    %dot_general3A_107 = tpu.matmul %convert_element_type3A_102, %get3A_105, %dot_general3A_106 {dimension_numbers = #tpu.dot_dimension_numbers<[1], [0], [0], [1], [0, 0, 1, 1], [], []>, transpose_lhs_hint = false} : vector<512x2048xbf16>, vector<2048x1024xbf16>, vector<512x1024xf32> -> vector<512x1024xf32>
    %max3A_108 = arith.constant 0.000000e+00 : f32
    %max3A_109 = vector.broadcast %max3A_108 : f32 to vector<512x1024xf32>
    %max3A_110 = arith.maximumf %dot_general3A_107, %max3A_109 : vector<512x1024xf32>
    %convert_element_type3A_111 = arith.truncf %max3A_110 : vector<512x1024xf32> to vector<512x1024xbf16>
    %swap3A_112 = arith.constant 1536 : index
    %swap3A_113 = arith.constant 0 : index
    %swap3A_114 = vector.load %arg6[%swap3A_112, %swap3A_113] : memref<2048x1024xbf16, #tpu.memory_space<vmem>>, vector<512x1024xbf16>
    tpu.vector_store %arg6[%swap3A_112, %swap3A_113], %convert_element_type3A_111 {strides = array<i32>} : memref<2048x1024xbf16, #tpu.memory_space<vmem>>, vector<512x1024xbf16>,
    %dma_start3A_115 = arith.constant 5 : i32
    %dma_start3A_116 = tpu.memref_reshape %arg3 : memref<98304x128xf32, #tpu.memory_space<hbm>> -> memref<12x8192x128xf32, #tpu.memory_space<hbm>>
    %dma_start3A_117 = arith.constant 0 : i32
    %dma_start3A_118 = arith.constant 0 : i32
    %dma_start3A_119 = tpu.memref_slice %dma_start3A_116[%dma_start3A_115, %dma_start3A_117, %dma_start3A_118] : memref<12x8192x128xf32, #tpu.memory_space<hbm>> -> memref<1x8192x128xf32, #tpu.memory_space<hbm>>
    %dma_start3A_120 = tpu.memref_squeeze %dma_start3A_119 : memref<1x8192x128xf32, #tpu.memory_space<hbm>> -> memref<8192x128xf32, #tpu.memory_space<hbm>>
    tpu.enqueue_dma source(%dma_start3A_120 : memref<8192x128xf32, #tpu.memory_space<hbm>>) target(%arg8 : memref<8192x128xf32, #tpu.memory_space<vmem>>) target_semaphore(%arg10 : memref<!tpu.dma_semaphore, #tpu.memory_space<semaphore_mem>>)
    %dma_wait3A_121 = arith.constant 4 : i32
    %dma_wait3A_122 = tpu.memref_reshape %arg3 : memref<98304x128xf32, #tpu.memory_space<hbm>> -> memref<12x8192x128xf32, #tpu.memory_space<hbm>>
    %dma_wait3A_123 = arith.constant 0 : i32
    %dma_wait3A_124 = arith.constant 0 : i32
    %dma_wait3A_125 = tpu.memref_slice %dma_wait3A_122[%dma_wait3A_121, %dma_wait3A_123, %dma_wait3A_124] : memref<12x8192x128xf32, #tpu.memory_space<hbm>> -> memref<1x8192x128xf32, #tpu.memory_space<hbm>>
    %dma_wait3A_126 = tpu.memref_squeeze %dma_wait3A_125 : memref<1x8192x128xf32, #tpu.memory_space<hbm>> -> memref<8192x128xf32, #tpu.memory_space<hbm>>
    tpu.wait_dma2 semaphore(%arg9 : memref<!tpu.dma_semaphore, #tpu.memory_space<semaphore_mem>>) src(%dma_wait3A_126 : memref<8192x128xf32, #tpu.memory_space<hbm>>) dst(%arg7 : memref<8192x128xf32, #tpu.memory_space<vmem>>)
    %get3A_127 = tpu.memref_reshape %arg7 : memref<8192x128xf32, #tpu.memory_space<vmem>> -> memref<512x2048xf32, #tpu.memory_space<vmem>>
    %get3A_128 = arith.constant 0 : index
    %get3A_129 = arith.constant 0 : index
    %get3A_130 = vector.load %get3A_127[%get3A_128, %get3A_129] : memref<512x2048xf32, #tpu.memory_space<vmem>>, vector<512x2048xf32>
    %convert_element_type3A_131 = arith.truncf %get3A_130 : vector<512x2048xf32> to vector<512x2048xbf16>
    %get3A_132 = arith.constant 0 : index
    %get3A_133 = arith.constant 0 : index
    %get3A_134 = vector.load %arg6[%get3A_132, %get3A_133] : memref<2048x1024xbf16, #tpu.memory_space<vmem>>, vector<2048x1024xbf16>
    %dot_general3A_135 = arith.constant dense<0.000000e+00> : vector<512x1024xf32>
    %dot_general3A_136 = tpu.matmul %convert_element_type3A_131, %get3A_134, %dot_general3A_135 {dimension_numbers = #tpu.dot_dimension_numbers<[1], [0], [0], [1], [0, 0, 1, 1], [], []>, transpose_lhs_hint = false} : vector<512x2048xbf16>, vector<2048x1024xbf16>, vector<512x1024xf32> -> vector<512x1024xf32>
    %max3A_137 = arith.constant 0.000000e+00 : f32
    %max3A_138 = vector.broadcast %max3A_137 : f32 to vector<512x1024xf32>
    %max3A_139 = arith.maximumf %dot_general3A_136, %max3A_138 : vector<512x1024xf32>
    %convert_element_type3A_140 = arith.truncf %max3A_139 : vector<512x1024xf32> to vector<512x1024xbf16>
    %swap3A_141 = arith.constant 0 : index
    %swap3A_142 = arith.constant 0 : index
    %swap3A_143 = vector.load %arg5[%swap3A_141, %swap3A_142] : memref<2048x1024xbf16, #tpu.memory_space<vmem>>, vector<512x1024xbf16>
    tpu.vector_store %arg5[%swap3A_141, %swap3A_142], %convert_element_type3A_140 {strides = array<i32>} : memref<2048x1024xbf16, #tpu.memory_space<vmem>>, vector<512x1024xbf16>,
    %dma_start3A_144 = arith.constant 6 : i32
    %dma_start3A_145 = tpu.memref_reshape %arg3 : memref<98304x128xf32, #tpu.memory_space<hbm>> -> memref<12x8192x128xf32, #tpu.memory_space<hbm>>
    %dma_start3A_146 = arith.constant 0 : i32
    %dma_start3A_147 = arith.constant 0 : i32
    %dma_start3A_148 = tpu.memref_slice %dma_start3A_145[%dma_start3A_144, %dma_start3A_146, %dma_start3A_147] : memref<12x8192x128xf32, #tpu.memory_space<hbm>> -> memref<1x8192x128xf32, #tpu.memory_space<hbm>>
    %dma_start3A_149 = tpu.memref_squeeze %dma_start3A_148 : memref<1x8192x128xf32, #tpu.memory_space<hbm>> -> memref<8192x128xf32, #tpu.memory_space<hbm>>
    tpu.enqueue_dma source(%dma_start3A_149 : memref<8192x128xf32, #tpu.memory_space<hbm>>) target(%arg7 : memref<8192x128xf32, #tpu.memory_space<vmem>>) target_semaphore(%arg9 : memref<!tpu.dma_semaphore, #tpu.memory_space<semaphore_mem>>)
    %dma_wait3A_150 = arith.constant 5 : i32
    %dma_wait3A_151 = tpu.memref_reshape %arg3 : memref<98304x128xf32, #tpu.memory_space<hbm>> -> memref<12x8192x128xf32, #tpu.memory_space<hbm>>
    %dma_wait3A_152 = arith.constant 0 : i32
    %dma_wait3A_153 = arith.constant 0 : i32
    %dma_wait3A_154 = tpu.memref_slice %dma_wait3A_151[%dma_wait3A_150, %dma_wait3A_152, %dma_wait3A_153] : memref<12x8192x128xf32, #tpu.memory_space<hbm>> -> memref<1x8192x128xf32, #tpu.memory_space<hbm>>
    %dma_wait3A_155 = tpu.memref_squeeze %dma_wait3A_154 : memref<1x8192x128xf32, #tpu.memory_space<hbm>> -> memref<8192x128xf32, #tpu.memory_space<hbm>>
    tpu.wait_dma2 semaphore(%arg10 : memref<!tpu.dma_semaphore, #tpu.memory_space<semaphore_mem>>) src(%dma_wait3A_155 : memref<8192x128xf32, #tpu.memory_space<hbm>>) dst(%arg8 : memref<8192x128xf32, #tpu.memory_space<vmem>>)
    %get3A_156 = tpu.memref_reshape %arg8 : memref<8192x128xf32, #tpu.memory_space<vmem>> -> memref<512x2048xf32, #tpu.memory_space<vmem>>
    %get3A_157 = arith.constant 0 : index
    %get3A_158 = arith.constant 0 : index
    %get3A_159 = vector.load %get3A_156[%get3A_157, %get3A_158] : memref<512x2048xf32, #tpu.memory_space<vmem>>, vector<512x2048xf32>
    %convert_element_type3A_160 = arith.truncf %get3A_159 : vector<512x2048xf32> to vector<512x2048xbf16>
    %get3A_161 = arith.constant 0 : index
    %get3A_162 = arith.constant 0 : index
    %get3A_163 = vector.load %arg6[%get3A_161, %get3A_162] : memref<2048x1024xbf16, #tpu.memory_space<vmem>>, vector<2048x1024xbf16>
    %dot_general3A_164 = arith.constant dense<0.000000e+00> : vector<512x1024xf32>
    %dot_general3A_165 = tpu.matmul %convert_element_type3A_160, %get3A_163, %dot_general3A_164 {dimension_numbers = #tpu.dot_dimension_numbers<[1], [0], [0], [1], [0, 0, 1, 1], [], []>, transpose_lhs_hint = false} : vector<512x2048xbf16>, vector<2048x1024xbf16>, vector<512x1024xf32> -> vector<512x1024xf32>
    %max3A_166 = arith.constant 0.000000e+00 : f32
    %max3A_167 = vector.broadcast %max3A_166 : f32 to vector<512x1024xf32>
    %max3A_168 = arith.maximumf %dot_general3A_165, %max3A_167 : vector<512x1024xf32>
    %convert_element_type3A_169 = arith.truncf %max3A_168 : vector<512x1024xf32> to vector<512x1024xbf16>
    %swap3A_170 = arith.constant 512 : index
    %swap3A_171 = arith.constant 0 : index
    %swap3A_172 = vector.load %arg5[%swap3A_170, %swap3A_171] : memref<2048x1024xbf16, #tpu.memory_space<vmem>>, vector<512x1024xbf16>
    tpu.vector_store %arg5[%swap3A_170, %swap3A_171], %convert_element_type3A_169 {strides = array<i32>} : memref<2048x1024xbf16, #tpu.memory_space<vmem>>, vector<512x1024xbf16>,
    %dma_start3A_173 = arith.constant 7 : i32
    %dma_start3A_174 = tpu.memref_reshape %arg3 : memref<98304x128xf32, #tpu.memory_space<hbm>> -> memref<12x8192x128xf32, #tpu.memory_space<hbm>>
    %dma_start3A_175 = arith.constant 0 : i32
    %dma_start3A_176 = arith.constant 0 : i32
    %dma_start3A_177 = tpu.memref_slice %dma_start3A_174[%dma_start3A_173, %dma_start3A_175, %dma_start3A_176] : memref<12x8192x128xf32, #tpu.memory_space<hbm>> -> memref<1x8192x128xf32, #tpu.memory_space<hbm>>
    %dma_start3A_178 = tpu.memref_squeeze %dma_start3A_177 : memref<1x8192x128xf32, #tpu.memory_space<hbm>> -> memref<8192x128xf32, #tpu.memory_space<hbm>>
    tpu.enqueue_dma source(%dma_start3A_178 : memref<8192x128xf32, #tpu.memory_space<hbm>>) target(%arg8 : memref<8192x128xf32, #tpu.memory_space<vmem>>) target_semaphore(%arg10 : memref<!tpu.dma_semaphore, #tpu.memory_space<semaphore_mem>>)
    %dma_wait3A_179 = arith.constant 6 : i32
    %dma_wait3A_180 = tpu.memref_reshape %arg3 : memref<98304x128xf32, #tpu.memory_space<hbm>> -> memref<12x8192x128xf32, #tpu.memory_space<hbm>>
    %dma_wait3A_181 = arith.constant 0 : i32
    %dma_wait3A_182 = arith.constant 0 : i32
    %dma_wait3A_183 = tpu.memref_slice %dma_wait3A_180[%dma_wait3A_179, %dma_wait3A_181, %dma_wait3A_182] : memref<12x8192x128xf32, #tpu.memory_space<hbm>> -> memref<1x8192x128xf32, #tpu.memory_space<hbm>>
    %dma_wait3A_184 = tpu.memref_squeeze %dma_wait3A_183 : memref<1x8192x128xf32, #tpu.memory_space<hbm>> -> memref<8192x128xf32, #tpu.memory_space<hbm>>
    tpu.wait_dma2 semaphore(%arg9 : memref<!tpu.dma_semaphore, #tpu.memory_space<semaphore_mem>>) src(%dma_wait3A_184 : memref<8192x128xf32, #tpu.memory_space<hbm>>) dst(%arg7 : memref<8192x128xf32, #tpu.memory_space<vmem>>)
    %get3A_185 = tpu.memref_reshape %arg7 : memref<8192x128xf32, #tpu.memory_space<vmem>> -> memref<512x2048xf32, #tpu.memory_space<vmem>>
    %get3A_186 = arith.constant 0 : index
    %get3A_187 = arith.constant 0 : index
    %get3A_188 = vector.load %get3A_185[%get3A_186, %get3A_187] : memref<512x2048xf32, #tpu.memory_space<vmem>>, vector<512x2048xf32>
    %convert_element_type3A_189 = arith.truncf %get3A_188 : vector<512x2048xf32> to vector<512x2048xbf16>
    %get3A_190 = arith.constant 0 : index
    %get3A_191 = arith.constant 0 : index
    %get3A_192 = vector.load %arg6[%get3A_190, %get3A_191] : memref<2048x1024xbf16, #tpu.memory_space<vmem>>, vector<2048x1024xbf16>
    %dot_general3A_193 = arith.constant dense<0.000000e+00> : vector<512x1024xf32>
    %dot_general3A_194 = tpu.matmul %convert_element_type3A_189, %get3A_192, %dot_general3A_193 {dimension_numbers = #tpu.dot_dimension_numbers<[1], [0], [0], [1], [0, 0, 1, 1], [], []>, transpose_lhs_hint = false} : vector<512x2048xbf16>, vector<2048x1024xbf16>, vector<512x1024xf32> -> vector<512x1024xf32>
    %max3A_195 = arith.constant 0.000000e+00 : f32
    %max3A_196 = vector.broadcast %max3A_195 : f32 to vector<512x1024xf32>
    %max3A_197 = arith.maximumf %dot_general3A_194, %max3A_196 : vector<512x1024xf32>
    %convert_element_type3A_198 = arith.truncf %max3A_197 : vector<512x1024xf32> to vector<512x1024xbf16>
    %swap3A_199 = arith.constant 1024 : index
    %swap3A_200 = arith.constant 0 : index
    %swap3A_201 = vector.load %arg5[%swap3A_199, %swap3A_200] : memref<2048x1024xbf16, #tpu.memory_space<vmem>>, vector<512x1024xbf16>
    tpu.vector_store %arg5[%swap3A_199, %swap3A_200], %convert_element_type3A_198 {strides = array<i32>} : memref<2048x1024xbf16, #tpu.memory_space<vmem>>, vector<512x1024xbf16>,
    %dma_start3A_202 = arith.constant 8 : i32
    %dma_start3A_203 = tpu.memref_reshape %arg3 : memref<98304x128xf32, #tpu.memory_space<hbm>> -> memref<12x8192x128xf32, #tpu.memory_space<hbm>>
    %dma_start3A_204 = arith.constant 0 : i32
    %dma_start3A_205 = arith.constant 0 : i32
    %dma_start3A_206 = tpu.memref_slice %dma_start3A_203[%dma_start3A_202, %dma_start3A_204, %dma_start3A_205] : memref<12x8192x128xf32, #tpu.memory_space<hbm>> -> memref<1x8192x128xf32, #tpu.memory_space<hbm>>
    %dma_start3A_207 = tpu.memref_squeeze %dma_start3A_206 : memref<1x8192x128xf32, #tpu.memory_space<hbm>> -> memref<8192x128xf32, #tpu.memory_space<hbm>>
    tpu.enqueue_dma source(%dma_start3A_207 : memref<8192x128xf32, #tpu.memory_space<hbm>>) target(%arg7 : memref<8192x128xf32, #tpu.memory_space<vmem>>) target_semaphore(%arg9 : memref<!tpu.dma_semaphore, #tpu.memory_space<semaphore_mem>>)
    %dma_wait3A_208 = arith.constant 7 : i32
    %dma_wait3A_209 = tpu.memref_reshape %arg3 : memref<98304x128xf32, #tpu.memory_space<hbm>> -> memref<12x8192x128xf32, #tpu.memory_space<hbm>>
    %dma_wait3A_210 = arith.constant 0 : i32
    %dma_wait3A_211 = arith.constant 0 : i32
    %dma_wait3A_212 = tpu.memref_slice %dma_wait3A_209[%dma_wait3A_208, %dma_wait3A_210, %dma_wait3A_211] : memref<12x8192x128xf32, #tpu.memory_space<hbm>> -> memref<1x8192x128xf32, #tpu.memory_space<hbm>>
    %dma_wait3A_213 = tpu.memref_squeeze %dma_wait3A_212 : memref<1x8192x128xf32, #tpu.memory_space<hbm>> -> memref<8192x128xf32, #tpu.memory_space<hbm>>
    tpu.wait_dma2 semaphore(%arg10 : memref<!tpu.dma_semaphore, #tpu.memory_space<semaphore_mem>>) src(%dma_wait3A_213 : memref<8192x128xf32, #tpu.memory_space<hbm>>) dst(%arg8 : memref<8192x128xf32, #tpu.memory_space<vmem>>)
    %get3A_214 = tpu.memref_reshape %arg8 : memref<8192x128xf32, #tpu.memory_space<vmem>> -> memref<512x2048xf32, #tpu.memory_space<vmem>>
    %get3A_215 = arith.constant 0 : index
    %get3A_216 = arith.constant 0 : index
    %get3A_217 = vector.load %get3A_214[%get3A_215, %get3A_216] : memref<512x2048xf32, #tpu.memory_space<vmem>>, vector<512x2048xf32>
    %convert_element_type3A_218 = arith.truncf %get3A_217 : vector<512x2048xf32> to vector<512x2048xbf16>
    %get3A_219 = arith.constant 0 : index
    %get3A_220 = arith.constant 0 : index
    %get3A_221 = vector.load %arg6[%get3A_219, %get3A_220] : memref<2048x1024xbf16, #tpu.memory_space<vmem>>, vector<2048x1024xbf16>
    %dot_general3A_222 = arith.constant dense<0.000000e+00> : vector<512x1024xf32>
    %dot_general3A_223 = tpu.matmul %convert_element_type3A_218, %get3A_221, %dot_general3A_222 {dimension_numbers = #tpu.dot_dimension_numbers<[1], [0], [0], [1], [0, 0, 1, 1], [], []>, transpose_lhs_hint = false} : vector<512x2048xbf16>, vector<2048x1024xbf16>, vector<512x1024xf32> -> vector<512x1024xf32>
    %max3A_224 = arith.constant 0.000000e+00 : f32
    %max3A_225 = vector.broadcast %max3A_224 : f32 to vector<512x1024xf32>
    %max3A_226 = arith.maximumf %dot_general3A_223, %max3A_225 : vector<512x1024xf32>
    %convert_element_type3A_227 = arith.truncf %max3A_226 : vector<512x1024xf32> to vector<512x1024xbf16>
    %swap3A_228 = arith.constant 1536 : index
    %swap3A_229 = arith.constant 0 : index
    %swap3A_230 = vector.load %arg5[%swap3A_228, %swap3A_229] : memref<2048x1024xbf16, #tpu.memory_space<vmem>>, vector<512x1024xbf16>
    tpu.vector_store %arg5[%swap3A_228, %swap3A_229], %convert_element_type3A_227 {strides = array<i32>} : memref<2048x1024xbf16, #tpu.memory_space<vmem>>, vector<512x1024xbf16>,
    %dma_start3A_231 = arith.constant 9 : i32
    %dma_start3A_232 = tpu.memref_reshape %arg3 : memref<98304x128xf32, #tpu.memory_space<hbm>> -> memref<12x8192x128xf32, #tpu.memory_space<hbm>>
    %dma_start3A_233 = arith.constant 0 : i32
    %dma_start3A_234 = arith.constant 0 : i32
    %dma_start3A_235 = tpu.memref_slice %dma_start3A_232[%dma_start3A_231, %dma_start3A_233, %dma_start3A_234] : memref<12x8192x128xf32, #tpu.memory_space<hbm>> -> memref<1x8192x128xf32, #tpu.memory_space<hbm>>
    %dma_start3A_236 = tpu.memref_squeeze %dma_start3A_235 : memref<1x8192x128xf32, #tpu.memory_space<hbm>> -> memref<8192x128xf32, #tpu.memory_space<hbm>>
    tpu.enqueue_dma source(%dma_start3A_236 : memref<8192x128xf32, #tpu.memory_space<hbm>>) target(%arg8 : memref<8192x128xf32, #tpu.memory_space<vmem>>) target_semaphore(%arg10 : memref<!tpu.dma_semaphore, #tpu.memory_space<semaphore_mem>>)
    %dma_wait3A_237 = arith.constant 8 : i32
    %dma_wait3A_238 = tpu.memref_reshape %arg3 : memref<98304x128xf32, #tpu.memory_space<hbm>> -> memref<12x8192x128xf32, #tpu.memory_space<hbm>>
    %dma_wait3A_239 = arith.constant 0 : i32
    %dma_wait3A_240 = arith.constant 0 : i32
    %dma_wait3A_241 = tpu.memref_slice %dma_wait3A_238[%dma_wait3A_237, %dma_wait3A_239, %dma_wait3A_240] : memref<12x8192x128xf32, #tpu.memory_space<hbm>> -> memref<1x8192x128xf32, #tpu.memory_space<hbm>>
    %dma_wait3A_242 = tpu.memref_squeeze %dma_wait3A_241 : memref<1x8192x128xf32, #tpu.memory_space<hbm>> -> memref<8192x128xf32, #tpu.memory_space<hbm>>
    tpu.wait_dma2 semaphore(%arg9 : memref<!tpu.dma_semaphore, #tpu.memory_space<semaphore_mem>>) src(%dma_wait3A_242 : memref<8192x128xf32, #tpu.memory_space<hbm>>) dst(%arg7 : memref<8192x128xf32, #tpu.memory_space<vmem>>)
    %get3A_243 = tpu.memref_reshape %arg7 : memref<8192x128xf32, #tpu.memory_space<vmem>> -> memref<512x2048xf32, #tpu.memory_space<vmem>>
    %get3A_244 = arith.constant 0 : index
    %get3A_245 = arith.constant 0 : index
    %get3A_246 = vector.load %get3A_243[%get3A_244, %get3A_245] : memref<512x2048xf32, #tpu.memory_space<vmem>>, vector<512x2048xf32>
    %convert_element_type3A_247 = arith.truncf %get3A_246 : vector<512x2048xf32> to vector<512x2048xbf16>
    %get3A_248 = arith.constant 0 : index
    %get3A_249 = arith.constant 0 : index
    %get3A_250 = vector.load %arg5[%get3A_248, %get3A_249] : memref<2048x1024xbf16, #tpu.memory_space<vmem>>, vector<2048x1024xbf16>
    %dot_general3A_251 = arith.constant dense<0.000000e+00> : vector<512x1024xf32>
    %dot_general3A_252 = tpu.matmul %convert_element_type3A_247, %get3A_250, %dot_general3A_251 {dimension_numbers = #tpu.dot_dimension_numbers<[1], [0], [0], [1], [0, 0, 1, 1], [], []>, transpose_lhs_hint = false} : vector<512x2048xbf16>, vector<2048x1024xbf16>, vector<512x1024xf32> -> vector<512x1024xf32>
    %max3A_253 = arith.constant 0.000000e+00 : f32
    %max3A_254 = vector.broadcast %max3A_253 : f32 to vector<512x1024xf32>
    %max3A_255 = arith.maximumf %dot_general3A_252, %max3A_254 : vector<512x1024xf32>
    %convert_element_type3A_256 = arith.truncf %max3A_255 : vector<512x1024xf32> to vector<512x1024xbf16>
    %swap3A_257 = arith.constant 0 : index
    %swap3A_258 = arith.constant 0 : index
    %swap3A_259 = vector.load %arg6[%swap3A_257, %swap3A_258] : memref<2048x1024xbf16, #tpu.memory_space<vmem>>, vector<512x1024xbf16>
    tpu.vector_store %arg6[%swap3A_257, %swap3A_258], %convert_element_type3A_256 {strides = array<i32>} : memref<2048x1024xbf16, #tpu.memory_space<vmem>>, vector<512x1024xbf16>,
    %dma_start3A_260 = arith.constant 10 : i32
    %dma_start3A_261 = tpu.memref_reshape %arg3 : memref<98304x128xf32, #tpu.memory_space<hbm>> -> memref<12x8192x128xf32, #tpu.memory_space<hbm>>
    %dma_start3A_262 = arith.constant 0 : i32
    %dma_start3A_263 = arith.constant 0 : i32
    %dma_start3A_264 = tpu.memref_slice %dma_start3A_261[%dma_start3A_260, %dma_start3A_262, %dma_start3A_263] : memref<12x8192x128xf32, #tpu.memory_space<hbm>> -> memref<1x8192x128xf32, #tpu.memory_space<hbm>>
    %dma_start3A_265 = tpu.memref_squeeze %dma_start3A_264 : memref<1x8192x128xf32, #tpu.memory_space<hbm>> -> memref<8192x128xf32, #tpu.memory_space<hbm>>
    tpu.enqueue_dma source(%dma_start3A_265 : memref<8192x128xf32, #tpu.memory_space<hbm>>) target(%arg7 : memref<8192x128xf32, #tpu.memory_space<vmem>>) target_semaphore(%arg9 : memref<!tpu.dma_semaphore, #tpu.memory_space<semaphore_mem>>)
    %dma_wait3A_266 = arith.constant 9 : i32
    %dma_wait3A_267 = tpu.memref_reshape %arg3 : memref<98304x128xf32, #tpu.memory_space<hbm>> -> memref<12x8192x128xf32, #tpu.memory_space<hbm>>
    %dma_wait3A_268 = arith.constant 0 : i32
    %dma_wait3A_269 = arith.constant 0 : i32
    %dma_wait3A_270 = tpu.memref_slice %dma_wait3A_267[%dma_wait3A_266, %dma_wait3A_268, %dma_wait3A_269] : memref<12x8192x128xf32, #tpu.memory_space<hbm>> -> memref<1x8192x128xf32, #tpu.memory_space<hbm>>
    %dma_wait3A_271 = tpu.memref_squeeze %dma_wait3A_270 : memref<1x8192x128xf32, #tpu.memory_space<hbm>> -> memref<8192x128xf32, #tpu.memory_space<hbm>>
    tpu.wait_dma2 semaphore(%arg10 : memref<!tpu.dma_semaphore, #tpu.memory_space<semaphore_mem>>) src(%dma_wait3A_271 : memref<8192x128xf32, #tpu.memory_space<hbm>>) dst(%arg8 : memref<8192x128xf32, #tpu.memory_space<vmem>>)
    %get3A_272 = tpu.memref_reshape %arg8 : memref<8192x128xf32, #tpu.memory_space<vmem>> -> memref<512x2048xf32, #tpu.memory_space<vmem>>
    %get3A_273 = arith.constant 0 : index
    %get3A_274 = arith.constant 0 : index
    %get3A_275 = vector.load %get3A_272[%get3A_273, %get3A_274] : memref<512x2048xf32, #tpu.memory_space<vmem>>, vector<512x2048xf32>
    %convert_element_type3A_276 = arith.truncf %get3A_275 : vector<512x2048xf32> to vector<512x2048xbf16>
    %get3A_277 = arith.constant 0 : index
    %get3A_278 = arith.constant 0 : index
    %get3A_279 = vector.load %arg5[%get3A_277, %get3A_278] : memref<2048x1024xbf16, #tpu.memory_space<vmem>>, vector<2048x1024xbf16>
    %dot_general3A_280 = arith.constant dense<0.000000e+00> : vector<512x1024xf32>
    %dot_general3A_281 = tpu.matmul %convert_element_type3A_276, %get3A_279, %dot_general3A_280 {dimension_numbers = #tpu.dot_dimension_numbers<[1], [0], [0], [1], [0, 0, 1, 1], [], []>, transpose_lhs_hint = false} : vector<512x2048xbf16>, vector<2048x1024xbf16>, vector<512x1024xf32> -> vector<512x1024xf32>
    %max3A_282 = arith.constant 0.000000e+00 : f32
    %max3A_283 = vector.broadcast %max3A_282 : f32 to vector<512x1024xf32>
    %max3A_284 = arith.maximumf %dot_general3A_281, %max3A_283 : vector<512x1024xf32>
    %convert_element_type3A_285 = arith.truncf %max3A_284 : vector<512x1024xf32> to vector<512x1024xbf16>
    %swap3A_286 = arith.constant 512 : index
    %swap3A_287 = arith.constant 0 : index
    %swap3A_288 = vector.load %arg6[%swap3A_286, %swap3A_287] : memref<2048x1024xbf16, #tpu.memory_space<vmem>>, vector<512x1024xbf16>
    tpu.vector_store %arg6[%swap3A_286, %swap3A_287], %convert_element_type3A_285 {strides = array<i32>} : memref<2048x1024xbf16, #tpu.memory_space<vmem>>, vector<512x1024xbf16>,
    %dma_start3A_289 = arith.constant 11 : i32
    %dma_start3A_290 = tpu.memref_reshape %arg3 : memref<98304x128xf32, #tpu.memory_space<hbm>> -> memref<12x8192x128xf32, #tpu.memory_space<hbm>>
    %dma_start3A_291 = arith.constant 0 : i32
    %dma_start3A_292 = arith.constant 0 : i32
    %dma_start3A_293 = tpu.memref_slice %dma_start3A_290[%dma_start3A_289, %dma_start3A_291, %dma_start3A_292] : memref<12x8192x128xf32, #tpu.memory_space<hbm>> -> memref<1x8192x128xf32, #tpu.memory_space<hbm>>
    %dma_start3A_294 = tpu.memref_squeeze %dma_start3A_293 : memref<1x8192x128xf32, #tpu.memory_space<hbm>> -> memref<8192x128xf32, #tpu.memory_space<hbm>>
    tpu.enqueue_dma source(%dma_start3A_294 : memref<8192x128xf32, #tpu.memory_space<hbm>>) target(%arg8 : memref<8192x128xf32, #tpu.memory_space<vmem>>) target_semaphore(%arg10 : memref<!tpu.dma_semaphore, #tpu.memory_space<semaphore_mem>>)
    %dma_wait3A_295 = arith.constant 10 : i32
    %dma_wait3A_296 = tpu.memref_reshape %arg3 : memref<98304x128xf32, #tpu.memory_space<hbm>> -> memref<12x8192x128xf32, #tpu.memory_space<hbm>>
    %dma_wait3A_297 = arith.constant 0 : i32
    %dma_wait3A_298 = arith.constant 0 : i32
    %dma_wait3A_299 = tpu.memref_slice %dma_wait3A_296[%dma_wait3A_295, %dma_wait3A_297, %dma_wait3A_298] : memref<12x8192x128xf32, #tpu.memory_space<hbm>> -> memref<1x8192x128xf32, #tpu.memory_space<hbm>>
    %dma_wait3A_300 = tpu.memref_squeeze %dma_wait3A_299 : memref<1x8192x128xf32, #tpu.memory_space<hbm>> -> memref<8192x128xf32, #tpu.memory_space<hbm>>
    tpu.wait_dma2 semaphore(%arg9 : memref<!tpu.dma_semaphore, #tpu.memory_space<semaphore_mem>>) src(%dma_wait3A_300 : memref<8192x128xf32, #tpu.memory_space<hbm>>) dst(%arg7 : memref<8192x128xf32, #tpu.memory_space<vmem>>)
    %get3A_301 = tpu.memref_reshape %arg7 : memref<8192x128xf32, #tpu.memory_space<vmem>> -> memref<512x2048xf32, #tpu.memory_space<vmem>>
    %get3A_302 = arith.constant 0 : index
    %get3A_303 = arith.constant 0 : index
    %get3A_304 = vector.load %get3A_301[%get3A_302, %get3A_303] : memref<512x2048xf32, #tpu.memory_space<vmem>>, vector<512x2048xf32>
    %convert_element_type3A_305 = arith.truncf %get3A_304 : vector<512x2048xf32> to vector<512x2048xbf16>
    %get3A_306 = arith.constant 0 : index
    %get3A_307 = arith.constant 0 : index
    %get3A_308 = vector.load %arg5[%get3A_306, %get3A_307] : memref<2048x1024xbf16, #tpu.memory_space<vmem>>, vector<2048x1024xbf16>
    %dot_general3A_309 = arith.constant dense<0.000000e+00> : vector<512x1024xf32>
    %dot_general3A_310 = tpu.matmul %convert_element_type3A_305, %get3A_308, %dot_general3A_309 {dimension_numbers = #tpu.dot_dimension_numbers<[1], [0], [0], [1], [0, 0, 1, 1], [], []>, transpose_lhs_hint = false} : vector<512x2048xbf16>, vector<2048x1024xbf16>, vector<512x1024xf32> -> vector<512x1024xf32>
    %max3A_311 = arith.constant 0.000000e+00 : f32
    %max3A_312 = vector.broadcast %max3A_311 : f32 to vector<512x1024xf32>
    %max3A_313 = arith.maximumf %dot_general3A_310, %max3A_312 : vector<512x1024xf32>
    %convert_element_type3A_314 = arith.truncf %max3A_313 : vector<512x1024xf32> to vector<512x1024xbf16>
    %swap3A_315 = arith.constant 1024 : index
    %swap3A_316 = arith.constant 0 : index
    %swap3A_317 = vector.load %arg6[%swap3A_315, %swap3A_316] : memref<2048x1024xbf16, #tpu.memory_space<vmem>>, vector<512x1024xbf16>
    tpu.vector_store %arg6[%swap3A_315, %swap3A_316], %convert_element_type3A_314 {strides = array<i32>} : memref<2048x1024xbf16, #tpu.memory_space<vmem>>, vector<512x1024xbf16>,
    %dma_wait3A_318 = arith.constant 11 : i32
    %dma_wait3A_319 = tpu.memref_reshape %arg3 : memref<98304x128xf32, #tpu.memory_space<hbm>> -> memref<12x8192x128xf32, #tpu.memory_space<hbm>>
    %dma_wait3A_320 = arith.constant 0 : i32
    %dma_wait3A_321 = arith.constant 0 : i32
    %dma_wait3A_322 = tpu.memref_slice %dma_wait3A_319[%dma_wait3A_318, %dma_wait3A_320, %dma_wait3A_321] : memref<12x8192x128xf32, #tpu.memory_space<hbm>> -> memref<1x8192x128xf32, #tpu.memory_space<hbm>>
    %dma_wait3A_323 = tpu.memref_squeeze %dma_wait3A_322 : memref<1x8192x128xf32, #tpu.memory_space<hbm>> -> memref<8192x128xf32, #tpu.memory_space<hbm>>
    tpu.wait_dma2 semaphore(%arg10 : memref<!tpu.dma_semaphore, #tpu.memory_space<semaphore_mem>>) src(%dma_wait3A_323 : memref<8192x128xf32, #tpu.memory_space<hbm>>) dst(%arg8 : memref<8192x128xf32, #tpu.memory_space<vmem>>)
    %get3A_324 = tpu.memref_reshape %arg8 : memref<8192x128xf32, #tpu.memory_space<vmem>> -> memref<512x2048xf32, #tpu.memory_space<vmem>>
    %get3A_325 = arith.constant 0 : index
    %get3A_326 = arith.constant 0 : index
    %get3A_327 = vector.load %get3A_324[%get3A_325, %get3A_326] : memref<512x2048xf32, #tpu.memory_space<vmem>>, vector<512x2048xf32>
    %convert_element_type3A_328 = arith.truncf %get3A_327 : vector<512x2048xf32> to vector<512x2048xbf16>
    %get3A_329 = arith.constant 0 : index
    %get3A_330 = arith.constant 0 : index
    %get3A_331 = vector.load %arg5[%get3A_329, %get3A_330] : memref<2048x1024xbf16, #tpu.memory_space<vmem>>, vector<2048x1024xbf16>
    %dot_general3A_332 = arith.constant dense<0.000000e+00> : vector<512x1024xf32>
    %dot_general3A_333 = tpu.matmul %convert_element_type3A_328, %get3A_331, %dot_general3A_332 {dimension_numbers = #tpu.dot_dimension_numbers<[1], [0], [0], [1], [0, 0, 1, 1], [], []>, transpose_lhs_hint = false} : vector<512x2048xbf16>, vector<2048x1024xbf16>, vector<512x1024xf32> -> vector<512x1024xf32>
    %max3A_334 = arith.constant 0.000000e+00 : f32
    %max3A_335 = vector.broadcast %max3A_334 : f32 to vector<512x1024xf32>
    %max3A_336 = arith.maximumf %dot_general3A_333, %max3A_335 : vector<512x1024xf32>
    %convert_element_type3A_337 = arith.truncf %max3A_336 : vector<512x1024xf32> to vector<512x1024xbf16>
    %swap3A_338 = arith.constant 1536 : index
    %swap3A_339 = arith.constant 0 : index
    %swap3A_340 = vector.load %arg6[%swap3A_338, %swap3A_339] : memref<2048x1024xbf16, #tpu.memory_space<vmem>>, vector<512x1024xbf16>
    tpu.vector_store %arg6[%swap3A_338, %swap3A_339], %convert_element_type3A_337 {strides = array<i32>} : memref<2048x1024xbf16, #tpu.memory_space<vmem>>, vector<512x1024xbf16>,
    %get3A_341 = arith.constant 0 : index
    %get3A_342 = arith.constant 0 : index
    %get3A_343 = vector.load %arg6[%get3A_341, %get3A_342] : memref<2048x1024xbf16, #tpu.memory_space<vmem>>, vector<2048x1024xbf16>
    %get3A_344 = arith.constant 0 : index
    %get3A_345 = arith.constant 0 : index
    %get3A_346 = vector.load %arg1[%get3A_344, %get3A_345] : memref<128x2048xf32, #tpu.memory_space<vmem>>, vector<128x2048xf32>
    %convert_element_type3A_347 = arith.truncf %get3A_346 : vector<128x2048xf32> to vector<128x2048xbf16>
    %dot_general3A_348 = arith.constant dense<0.000000e+00> : vector<1024x128xf32>
    %dot_general3A_349 = tpu.matmul %get3A_343, %convert_element_type3A_347, %dot_general3A_348 {dimension_numbers = #tpu.dot_dimension_numbers<[0], [1], [1], [0], [0, 1, 1, 0], [], []>, transpose_lhs_hint = false} : vector<2048x1024xbf16>, vector<128x2048xbf16>, vector<1024x128xf32> -> vector<1024x128xf32>
    %get3A_350 = arith.constant 0 : index
    %get3A_351 = arith.constant 0 : index
    %get3A_352 = vector.load %arg2[%get3A_350, %get3A_351] : memref<1x128xf32, #tpu.memory_space<vmem>>, vector<1x128xf32>
    %add3A = vector.broadcast %get3A_352 : vector<1x128xf32> to vector<1024x128xf32>
    %add3A_353 = arith.addf %dot_general3A_349, %add3A : vector<1024x128xf32>
    %swap3A_354 = arith.constant 0 : index
    %swap3A_355 = arith.constant 0 : index
    %swap3A_356 = vector.load %arg4[%swap3A_354, %swap3A_355] : memref<1024x128xf32, #tpu.memory_space<vmem>>, vector<1024x128xf32>
    tpu.vector_store %arg4[%swap3A_354, %swap3A_355], %add3A_353 {strides = array<i32>} : memref<1024x128xf32, #tpu.memory_space<vmem>>, vector<1024x128xf32>,
    return
  }
}

</mosaic_0001>

<sc_bundles>
// kernel: kernel.5.cloned.1.call-start
scs
__scs_entry_jumppad:
0x0: {  	(pc) =	sbr.rel $0x88, $3  }
0x1: {  	(tag) =	ssettag $0x0;
	lr =	simm.s32 $0x1  }
0x2: {  	[smem:$0x3F96] =	sst lr;
	_ =	strace $0xD0000000  }
0x3: {  	_ = 	snop  }
0x4: {  	_ = 	snop  }
0x5: {  	_ = 	snop  }
0x6: {  	_ = 	snop  }
0x7: {  	_ = 	snop  }
__scs_overlays_trampoline_lowered:
0x8: {  	[smem:$0x3FA5] =	sst s0  }
0x9: {  	[smem:$0x3FA6] =	sst s1  }
0xa: {  	[smem:$0x3FA7] =	sst s2  }
0xb: {  	[smem:$0x3FA8] =	sst s3  }
0xc: {  	[smem:$0x3FA9] =	sst s4  }
0xd: {  	[smem:$0x3FAA] =	sst s5  }
0xe: {  	[smem:$0x3FAB] =	sst s6  }
0xf: {  	[smem:$0x3FAC] =	sst s7  }
0x10: {  	[smem:$0x3FAD] =	sst s8  }
0x11: {  	[smem:$0x3FAE] =	sst s9;
	s0 =	simm.s32 @!p0 $0x0  }
0x12: {  	s1 =	sld [smem:$0x3F94];
	s0 =	simm.s32 @p0 $0x1  }
0x13: {  	[smem:$0x3FAF] =	sst s0;
	s0 =	simm.s32 @!p1 $0x0  }
0x14: {  	s2 =	sld [smem:$0x3F93];
	s0 =	simm.s32 @p1 $0x1  }
0x15: {  	[smem:$0x3FB0] =	sst s0;
	s0 =	simm.s32 @!p2 $0x0  }
0x16: {  	s3 =	sld [smem:$0x3FDB];
	s0 =	simm.s32 @p2 $0x1  }
0x17: {  	s4 =	simm.s32 $0x1BF5;
	[smem:$0x3FB2] =	sst s0  }
0x18: {  	s0 =	sld [smem:$0x3F95];
	_ =	swait.ge [sflag:s4], $0x0  }
0x19: {  	s7 =	sld [smem:$0x3F96]  }
0x1a: {  	s8 =	sadd.s32 $0xFFFFE003, lr  }
0x1b: {  	s9 =	sadd.s32 $0xFFFFFEF7, lr;
	s5 =	simm.s32 $0xFFFFFFFF;
	p2 =	slt.u32 s8, $0xFFFFF086  }
0x1c: {  	p1 =	slt.u32 s9, $0xF7A;
	s5 =	simm.s32 @!p2 $0x0  }
0x1d: {  	s5 =	simm.s32 @p1 $0x1;
	p0 =	seq.s32 s7, s2  }
0x1e: {  	s7 =	smul.u32 @!p0 $0xF7A, s2;
	p2 =	seq.s32 @!p0 s5, $0x0  }
0x1f: {  	s9 =	smul.u32 $0xF7A, s1;
	s8 =	simm.s32 @!p0 $0x1BF5;
	p2 =	por !p2, p0  }
0x20: {  	[sflag:s8] =	ssyncset.s32 @!p0 $0xFFFFF086;
	s6 =	sadd.s32 @!p0 s3, s7;
	s7 =	simm.s32 @!p0 $0x108  }
0x21: {  	s3 =	sadd.s32 s3, s9;
	s6 =	sadd.s32 @!p0 $0x88, s6;
	s7 =	simm.s32 @p2 $0x1082  }
0x22: {  	[simem:s7], [sflag:s8] =	dma.local @!p0 [hbm:s6], $0xF7A  }
0x23: {  	s9 =	sor.u32 $0xD0000000, s2;
	s6 =	simm.s32 $0x108;
	_ =	swait.ge @!p0 [sflag:s8], $0x0  }
0x24: {  	s3 =	sadd.s32 $0x88, s3;
	s6 =	simm.s32 @!p1 $0x1082;
	[sflag:s4] =	ssyncset.s32 $0xFFFFF086  }
0x25: {  	[simem:s6], [sflag:s4] =	dma.local [hbm:s3], $0xF7A  }
0x26: {  	[smem:$0x3F96] =	sst s1;
	(tag) =	ssettag s2;
	_ =	strace s9  }
0x27: {  	s1 =	sld [smem:$0x3FA6]  }
0x28: {  	s2 =	sld [smem:$0x3FA7]  }
0x29: {  	s4 =	sld [smem:$0x3FA9]  }
0x2a: {  	p0 =	seq.s32 s5, $0x0;
	s5 =	sld [smem:$0x3FAA]  }
0x2b: {  	s6 =	sld [smem:$0x3FAB]  }
0x2c: {  	s7 =	sld [smem:$0x3FAC]  }
0x2d: {  	s3 =	simm.s32 $0x108;
	s8 =	sld [smem:$0x3FAD]  }
0x2e: {  	s3 =	simm.s32 @!p0 $0x1082;
	s9 =	sld [smem:$0x3FAE]  }
0x2f: {  	lr =	sadd.s32 s0, s3;
	s0 =	sld [smem:$0x3FA5]  }
0x30: {  	s3 =	sld [smem:$0x3FA8]  }
0x31: {  	[smem:$0x3FB1] =	sst s10  }
0x32: {  	s10 =	sld [smem:$0x3FAF];
	_ =	sdelay $0x3  }
0x33: {  	p0 =	seq.s32 s10, $0x1;
	s10 =	sld [smem:$0x3FB1];
	_ =	sdelay $0x3  }
0x34: {  	[smem:$0x3FB1] =	sst s10  }
0x35: {  	s10 =	sld [smem:$0x3FB0];
	_ =	sdelay $0x3  }
0x36: {  	p1 =	seq.s32 s10, $0x1;
	s10 =	sld [smem:$0x3FB1];
	_ =	sdelay $0x3  }
0x37: {  	[smem:$0x3FB1] =	sst s10  }
0x38: {  	s10 =	sld [smem:$0x3FB2]  }
0x39: {  	_ = 	snop;
	(pc) =	sbr.ind lr, $3  }
0x3a: {  	_ = 	snop  }
0x3b: {  	_ = 	snop  }
0x3c: {  	p2 =	seq.s32 s10, $0x1;
	s10 =	sld [smem:$0x3FB1]  }
0x3d: {  	_ =	shalt  }
0x3e: {  	_ =	shalt  }
0x3f: {  	_ =	shalt  }
0x40: {  	_ =	shalt  }
0x41: {  	_ =	shalt  }
0x42: {  	_ =	shalt  }
0x43: {  	_ =	shalt  }
0x44: {  	_ =	shalt  }
0x45: {  	_ =	shalt  }
0x46: {  	_ =	shalt  }
0x47: {  	_ =	shalt  }
0x48: {  	_ =	shalt  }
0x49: {  	_ =	shalt  }
0x4a: {  	_ =	shalt  }
0x4b: {  	_ =	shalt  }
0x4c: {  	_ =	shalt  }
0x4d: {  	_ =	shalt  }
0x4e: {  	_ =	shalt  }
0x4f: {  	_ =	shalt  }
0x50: {  	_ =	shalt  }
0x51: {  	_ =	shalt  }
0x52: {  	_ =	shalt  }
0x53: {  	_ =	shalt  }
0x54: {  	_ =	shalt  }
0x55: {  	_ =	shalt  }
0x56: {  	_ =	shalt  }
0x57: {  	_ =	shalt  }
0x58: {  	_ =	shalt  }
0x59: {  	_ =	shalt  }
0x5a: {  	_ =	shalt  }
0x5b: {  	_ =	shalt  }
0x5c: {  	_ =	shalt  }
0x5d: {  	_ =	shalt  }
0x5e: {  	_ =	shalt  }
0x5f: {  	_ =	shalt  }
0x60: {  	_ =	shalt  }
0x61: {  	_ =	shalt  }
0x62: {  	_ =	shalt  }
0x63: {  	_ =	shalt  }
0x64: {  	_ =	shalt  }
0x65: {  	_ =	shalt  }
0x66: {  	_ =	shalt  }
0x67: {  	_ =	shalt  }
0x68: {  	_ =	shalt  }
0x69: {  	_ =	shalt  }
0x6a: {  	_ =	shalt  }
0x6b: {  	_ =	shalt  }
0x6c: {  	_ =	shalt  }
0x6d: {  	_ =	shalt  }
0x6e: {  	_ =	shalt  }
0x6f: {  	_ =	shalt  }
0x70: {  	_ =	shalt  }
0x71: {  	_ =	shalt  }
0x72: {  	_ =	shalt  }
0x73: {  	_ =	shalt  }
0x74: {  	_ =	shalt  }
0x75: {  	_ =	shalt  }
0x76: {  	_ =	shalt  }
0x77: {  	_ =	shalt  }
0x78: {  	_ =	shalt  }
0x79: {  	_ =	shalt  }
0x7a: {  	_ =	shalt  }
0x7b: {  	_ =	shalt  }
0x7c: {  	_ =	shalt  }
0x7d: {  	_ =	shalt  }
0x7e: {  	_ =	shalt  }
0x7f: {  	_ =	shalt  }
0x80: {  	_ =	shalt  }
0x81: {  	_ =	shalt  }
0x82: {  	_ =	shalt  }
0x83: {  	_ =	shalt  }
0x84: {  	_ =	shalt  }
0x85: {  	_ =	shalt  }
0x86: {  	_ =	shalt  }
0x87: {  	_ =	shalt  }
.Lfunc_end0:
.L_simem_size_0:
called_computation_lowered:
.L_overlay_start_0:
0x88: {  	s2 =	sld [smem:$0x3FD9]  }
0x89: {  	s3 =	sld [smem:$0x3FFE];
	_ =	sdelay $0x1  }
0x8a: {  	s1 =	srdreg.scid  }
0x8b: {  	s0 =	sand.u32 $0x1, s1  }
0x8c: {  	s17 =	sshll.u32 s0, $0xA;
	s2 =	sadd.s32 s3, s2  }
0x8d: {  	s2 =	sadd.s32 s2, s17  }
0x8e: {  	[smem:$0x3FBD] =	sst s2  }
0x8f: {  	_ = 	snop  }
0x90: {  	s2 =	sld [smem:$0x3FD0];
	(tm) =	ssettm $0x1  }
0x91: {  	s18 =	sld [smem:$0x3FFB];
	_ =	sdelay $0x3  }
0x92: {  	_ =	strace s18  }
0x93: {  	s3 =	sld [smem:$0x3FFC];
	_ =	sdelay $0x3  }
0x94: {  	_ =	strace s3  }
0x95: {  	s3 =	sld [smem:$0x3FFD];
	_ =	sdelay $0x3  }
0x96: {  	_ =	strace s3  }
0x97: {  	_ =	strace $0x8FFFFFFF  }
0x98: {  	s19 =	sld [smem:$0x3FDB];
	_ =	sdelay $0x1  }
0x99: {  	s4 =	simm.s32 $_scs_section_size  }
0x9a: {  	s5 =	simm.s32 $_size__tile_overlayer_lowered;
	s6 =	simm.s32 $_tile_overlayer_lowered  }
0x9b: {  	s22 =	simm.s32 $0x1BFF;
	s21 =	sshll.u32 s6, $0x1;
	s3 =	sadd.s32 s4, s19  }
0x9c: {  	s7 =	simm.s32 $0x0;
	s20 =	sshll.u32 s5, $0x1;
	s5 =	sadd.s32 s21, s3  }
0x9d: {  	[timem:s7], [sflag:s22] =	dma.local [hbm:s5], s20  }
0x9e: {  	_ =	swait.ge [sflag:s22], s20  }
0x9f: {  	s4 =	ssub.s32 $0x0, s20;
	[sflag:s22] =	ssyncset.done $0x0  }
0xa0: {  	[sflag:s22] =	ssyncadd.s32 s4;
	_ =	sdelay $0x1  }
0xa1: {  	s23 =	simm.s32 $0x1B8B  }
0xa2: {  	_ =	swait.ge [sflag:s23], $0x1  }
0xa3: {  	[sflag:s23] =	ssyncset.done $0x0  }
0xa4: {  	s25 =	simm.s32 $0x1B8E;
	s24 =	sld [smem:$0x3FFE];
	[sflag:s23] =	ssyncadd.s32 $0xFFFFFFFF  }
0xa5: {  	s26 =	simm.s32 $execute0_lowered;
	[smem:$0x3FD2] =	sst s25  }
0xa6: {  	s5 =	sshll.u32 s26, $0x1;
	_ =	strace $0x80000046;
	[dreg:$0x1] =	wrdreg $0xFFFFFFFF  }
0xa7: {  	s28 =	simm.s32 $_size_execute0_lowered;
	s3 =	sadd.s32 s3, s5;
	[dreg:$0x0] =	wrdreg $0x0  }
0xa8: {  	s5 =	sshll.u32 s28, $0x1;
	[dreg:$0x2] =	wrdreg s3  }
0xa9: {  	[dreg:$0x3] =	wrdreg s5  }
0xaa: {  	[dreg:$0x4] =	wrdreg $0xC0  }
0xab: {  	_ =	task [dreg:s7], $0x5FFFF  }
0xac: {  	[dreg:$0x1] =	wrdreg $0xFFFFFFFF  }
0xad: {  	[dreg:$0x0] =	wrdreg $0x60  }
0xae: {  	[dreg:$0x2] =	wrdreg s2  }
0xaf: {  	[dreg:$0x3] =	wrdreg s24  }
0xb0: {  	[dreg:$0x4] =	wrdreg $0x9  }
0xb1: {  	_ =	task.clear_ibuf [dreg:s7], $0x5FFFF;
	_ =	strace $0x90000046  }
0xb2: {  	s29 =	simm.s32 $0x9;
	_ =	strace $0x80000048  }
0xb3: {  	_ =	swait.ge [sflag:s29], $0x1  }
0xb4: {  	[sflag:s29] =	ssyncadd.s32 $0xFFFFFFFF  }
0xb5: {  	_ =	strace $0x90000048  }
0xb6: {  	_ =	sfence  }
0xb7: {  	s30 =	sld [smem:$0x0];
	_ =	sdelay $0x2  }
0xb8: {  	s31 =	sshll.u32 s1, $0xD;
	s1 =	sshrl.u32 s1, $0x2  }
0xb9: {  	s3 =	sand.u32 $0x4000, s31;
	s1 =	sadd.s32 s1, s30  }
0xba: {  	s0 =	sor.u32 s3, s0;
	s1 =	sshll.u32 s1, $0x11  }
0xbb: {  	s0 =	sor.u32 s1, s0  }
0xbc: {  	s0 =	sadd.s32 $0x8F2B, s0  }
0xbd: {  	[sflag:s0] =	ssyncadd.remote.s32 $0x1  }
0xbe: {  	_ =	sfence.sel $0xFFFF  }
0xbf: {  	[dreg:$0x0] =	wrdreg $0xFFFFFFFF;
	(pc) =	sbr.abs _section_cstart, $3  }
0xc0: {  	[dreg:$0x1] =	wrdreg $0xFFFFFFFF  }
0xc1: {  	_ =	task.clear_ibuf [dreg:s7], $0x2FFFF;
	_ =	strace $0x9FFFFFFF  }
0xc2: {  	(tm) =	ssettm $0x7FFFFFFF  }
0xc3: {  	_ =	shalt  }
tec
execute0_lowered:
.L_overlay_start_1:
0x0: {  	(tag) =	ssettag $0x1  }
0x1: {  	s0 =	rddreg [dreg:$0x0]  }
0x2: {  	s1 =	rddreg [dreg:$0x1];
	s2 =	simm.s32 $0x0  }
0x3: {  	s3 =	srdreg.scid;
	s4 =	stileid.u32;
	s28 =	simm.s32 $0x10800  }
0x4: {  	s29 =	simm.s32 $0x11400;
	s30 =	simm.s32 $0x8000;
	s31 =	simm.s32 $0x1  }
0x5: {  	[smem:$0x7FF] =	sst s2;
	s3 =	sand.u32 $0x1, s3;
	s4 =	sshll.u32 s4, $0x1  }
0x6: {  	s9 =	sadd.s32 $0x1400, s1;
	s1 =	sadd.s32 $0x4400, s1;
	s5 =	ssub.s32 $0x2, s3  }
0x7: {  	_ =	strace $0x80000047;
	s6 =	sor.u32 s3, s4;
	s23 =	sshrl.u32 s5, $0x1  }
0x8: {  	s7 =	sshll.u32 s6, $0x6;
	s4 =	sshll.u32 s6, $0x7;
	s24 =	sshll.u32 s6, $0xE  }
0x9: {  	s21 =	ssub.s32 s5, s23;
	s13 =	sor.u32 $0x800, s7;
	s3 =	sadd.s32 s0, s4  }
0xa: {  	s4 =	sadd.s32 s9, s4;
	s15 =	sor.u32 $0x1000, s7;
	s7 =	sadd.s32 s1, s24  }
0xb: {  	s23 =	simm.s32 $0x3;
	s8 =	sshll.u32 s13, $0x1;
	s10 =	sshll.u32 s15, $0x1  }
0xc: {  	s11 =	sadd.s32 $0x2000, s7;
	s12 =	sadd.s32 $0x3000, s7;
	s25 =	sshll.u32 s13, $0x8  }
0xd: {  	s14 =	sadd.s32 $0x81000, s7;
	s26 =	sshll.u32 s15, $0x8;
	s15 =	sadd.s32 $0x82000, s7  }
0xe: {  	s16 =	sadd.s32 $0x83000, s7;
	s18 =	sadd.s32 $0x101000, s7;
	s19 =	sadd.s32 $0x102000, s7  }
0xf: {  	s20 =	sadd.s32 $0x103000, s7;
	s21 =	smax.u32 s21, $0x1;
	s5 =	sadd.s32 s0, s8  }
0x10: {  	s6 =	sadd.s32 s9, s8;
	s8 =	sadd.s32 s0, s10;
	s9 =	sadd.s32 s9, s10  }
0x11: {  	s10 =	sadd.s32 $0x1000, s7;
	s13 =	sadd.s32 s1, s25;
	s17 =	sadd.s32 s1, s26  }
0x12: {  	v0 =	vimm.f32 $0.0e+00;
	s26 =	simm.s32 $0x11000;
	s0 =	simm.s32 $0x2;
	s1 =	simm.s32 $0x0  }
.LBB2_1:
0x13: {  	s22 =	simm.s32 $0x10000  }
0x14: {  	[tilespmem:s22], [sflag:$0x3] =	stream.linear.gather [hbm4b:s3+s2], $0x400, $0x38;
	[tilespmem:$0x11800] =	vst v63  }
0x15: {  	_ =	swait.ge [sflag:s23], $0x400  }
0x16: {  	[sflag:s23] =	ssyncset.done $0x0  }
0x17: {  	s24 =	simm.s32 $0x10C00;
	[sflag:s23] =	ssyncadd.s32 $0xFFFFFC00  }
0x18: {  	[tilespmem:s24], [sflag:$0x3] =	stream.linear.gather [hbm4b:s4+s2], $0x400, $0x38;
	[tilespmem:$0x11800] =	vst v63  }
0x19: {  	_ =	swait.ge [sflag:s23], $0x400  }
0x1a: {  	[sflag:s23] =	ssyncset.done $0x0  }
0x1b: {  	s25 =	simm.s32 $0x10400;
	[sflag:s23] =	ssyncadd.s32 $0xFFFFFC00  }
0x1c: {  	[tilespmem:s25], [sflag:$0x3] =	stream.linear.gather [hbm4b:s5+s2], $0x400, $0x38;
	[tilespmem:$0x11800] =	vst v63  }
0x1d: {  	_ =	swait.ge [sflag:s23], $0x400  }
0x1e: {  	[sflag:s23] =	ssyncset.done $0x0  }
0x1f: {  	[sflag:s23] =	ssyncadd.s32 $0xFFFFFC00  }
0x20: {  	[tilespmem:s26], [sflag:$0x3] =	stream.linear.gather [hbm4b:s6+s2], $0x400, $0x38;
	[tilespmem:$0x11800] =	vst v63  }
0x21: {  	_ =	swait.ge [sflag:s23], $0x400  }
0x22: {  	[sflag:s23] =	ssyncset.done $0x0  }
0x23: {  	[sflag:s23] =	ssyncadd.s32 $0xFFFFFC00  }
0x24: {  	[tilespmem:s28], [sflag:$0x3] =	stream.linear.gather [hbm4b:s8+s2], $0x400, $0x38;
	[tilespmem:$0x11800] =	vst v63  }
0x25: {  	_ =	swait.ge [sflag:s23], $0x400  }
0x26: {  	[sflag:s23] =	ssyncset.done $0x0  }
0x27: {  	[sflag:s23] =	ssyncadd.s32 $0xFFFFFC00  }
0x28: {  	[tilespmem:s29], [sflag:$0x3] =	stream.linear.gather [hbm4b:s9+s2], $0x400, $0x38;
	[tilespmem:$0x11800] =	vst v63  }
0x29: {  	_ =	swait.ge [sflag:s23], $0x400  }
0x2a: {  	[sflag:s23] =	ssyncset.done $0x0  }
0x2b: {  	s22 =	simm.s32 $0x40;
	s24 =	simm.s32 $0x0;
	[sflag:s23] =	ssyncadd.s32 $0xFFFFFC00  }
.LBB2_2:
0x2c: {  	p0 =	sne.s32 s22, $0x1FFC0;
	[tilespmem:s24+$0x0] =	vst v0;
	s25 =	smov.u32 s22;
	s22 =	sadd.s32 $0x40, s22  }
.Ltmp0:
0x2d: {  	[tilespmem:s24+$0x8000] =	vst v0;
	(pc) =	sbr.rel @p0 .LBB2_2-.Ltmp0, $2  }
0x2e: {  	_ =	sdelay $0x2  }
0x2f: {  	s24 =	sshra.s32 s25, $0x2  }
0x30: {  	[tilespmem:s24+$0x0] =	vst v0  }
0x31: {  	[tilespmem:s24+$0x8000] =	vst v0  }
0x32: {  	v1 =	vld [tilespmem:$0x10000];
	_ =	sdelay $0x2  }
0x33: {  	v2 =	vld [tilespmem:$0x10C00];
	_ =	sdelay $0x4  }
0x34: {  	[tilespmem:v1+s2+$0x0] =	vst.idx.msk $0xffff, v2  }
0x35: {  	v1 =	vld [tilespmem:$0x10010];
	_ =	sdelay $0x4  }
0x36: {  	v2 =	vld [tilespmem:$0x10C10];
	v1 =	vadd.s32 $0x800, v1;
	_ =	sdelay $0x4  }
0x37: {  	[tilespmem:v1+s2+$0x0] =	vst.idx.msk $0xffff, v2  }
0x38: {  	v1 =	vld [tilespmem:$0x10020];
	_ =	sdelay $0x4  }
0x39: {  	v2 =	vld [tilespmem:$0x10C20];
	v1 =	vadd.s32 $0x1000, v1;
	_ =	sdelay $0x4  }
0x3a: {  	[tilespmem:v1+s2+$0x0] =	vst.idx.msk $0xffff, v2  }
0x3b: {  	v1 =	vld [tilespmem:$0x10030];
	_ =	sdelay $0x4  }
0x3c: {  	v2 =	vld [tilespmem:$0x10C30];
	v1 =	vadd.s32 $0x1800, v1;
	_ =	sdelay $0x4  }
0x3d: {  	[tilespmem:v1+s2+$0x0] =	vst.idx.msk $0xffff, v2  }
0x3e: {  	v1 =	vld [tilespmem:$0x10040];
	_ =	sdelay $0x4  }
0x3f: {  	v2 =	vld [tilespmem:$0x10C40];
	v1 =	vadd.s32 $0x2000, v1;
	_ =	sdelay $0x4  }
0x40: {  	[tilespmem:v1+s2+$0x0] =	vst.idx.msk $0xffff, v2  }
0x41: {  	v1 =	vld [tilespmem:$0x10050];
	_ =	sdelay $0x4  }
0x42: {  	v2 =	vld [tilespmem:$0x10C50];
	v1 =	vadd.s32 $0x2800, v1;
	_ =	sdelay $0x4  }
0x43: {  	[tilespmem:v1+s2+$0x0] =	vst.idx.msk $0xffff, v2  }
0x44: {  	v1 =	vld [tilespmem:$0x10060];
	_ =	sdelay $0x4  }
0x45: {  	v2 =	vld [tilespmem:$0x10C60];
	v1 =	vadd.s32 $0x3000, v1;
	_ =	sdelay $0x4  }
0x46: {  	[tilespmem:v1+s2+$0x0] =	vst.idx.msk $0xffff, v2  }
0x47: {  	v1 =	vld [tilespmem:$0x10070];
	_ =	sdelay $0x4  }
0x48: {  	v2 =	vld [tilespmem:$0x10C70];
	v1 =	vadd.s32 $0x3800, v1;
	_ =	sdelay $0x4  }
0x49: {  	[tilespmem:v1+s2+$0x0] =	vst.idx.msk $0xffff, v2  }
0x4a: {  	v1 =	vld [tilespmem:$0x10080];
	_ =	sdelay $0x4  }
0x4b: {  	v2 =	vld [tilespmem:$0x10C80];
	v1 =	vadd.s32 $0x4000, v1;
	_ =	sdelay $0x4  }
0x4c: {  	[tilespmem:v1+s2+$0x0] =	vst.idx.msk $0xffff, v2  }
0x4d: {  	v1 =	vld [tilespmem:$0x10090];
	_ =	sdelay $0x4  }
0x4e: {  	v2 =	vld [tilespmem:$0x10C90];
	v1 =	vadd.s32 $0x4800, v1;
	_ =	sdelay $0x4  }
0x4f: {  	[tilespmem:v1+s2+$0x0] =	vst.idx.msk $0xffff, v2  }
0x50: {  	v1 =	vld [tilespmem:$0x100A0];
	_ =	sdelay $0x4  }
0x51: {  	v2 =	vld [tilespmem:$0x10CA0];
	v1 =	vadd.s32 $0x5000, v1;
	_ =	sdelay $0x4  }
0x52: {  	[tilespmem:v1+s2+$0x0] =	vst.idx.msk $0xffff, v2  }
0x53: {  	v1 =	vld [tilespmem:$0x100B0];
	_ =	sdelay $0x4  }
0x54: {  	v2 =	vld [tilespmem:$0x10CB0];
	v1 =	vadd.s32 $0x5800, v1;
	_ =	sdelay $0x4  }
0x55: {  	[tilespmem:v1+s2+$0x0] =	vst.idx.msk $0xffff, v2  }
0x56: {  	v1 =	vld [tilespmem:$0x100C0];
	_ =	sdelay $0x4  }
0x57: {  	v2 =	vld [tilespmem:$0x10CC0];
	v1 =	vadd.s32 $0x6000, v1;
	_ =	sdelay $0x4  }
0x58: {  	[tilespmem:v1+s2+$0x0] =	vst.idx.msk $0xffff, v2  }
0x59: {  	v1 =	vld [tilespmem:$0x100D0];
	_ =	sdelay $0x4  }
0x5a: {  	v2 =	vld [tilespmem:$0x10CD0];
	v1 =	vadd.s32 $0x6800, v1;
	_ =	sdelay $0x4  }
0x5b: {  	[tilespmem:v1+s2+$0x0] =	vst.idx.msk $0xffff, v2  }
0x5c: {  	v1 =	vld [tilespmem:$0x100E0];
	_ =	sdelay $0x4  }
0x5d: {  	v2 =	vld [tilespmem:$0x10CE0];
	v1 =	vadd.s32 $0x7000, v1;
	_ =	sdelay $0x4  }
0x5e: {  	[tilespmem:v1+s2+$0x0] =	vst.idx.msk $0xffff, v2  }
0x5f: {  	v1 =	vld [tilespmem:$0x100F0];
	_ =	sdelay $0x4  }
0x60: {  	v2 =	vld [tilespmem:$0x10CF0];
	v1 =	vadd.s32 $0x7800, v1;
	_ =	sdelay $0x4  }
0x61: {  	[tilespmem:v1+s2+$0x0] =	vst.idx.msk $0xffff, v2  }
0x62: {  	[hbm4b:s7+s2] =	stream.linear.scatter [tilespmem:s2], [sflag:$0x1], $0x8000, $0x38;
	[tilespmem:$0x11800] =	vst v63  }
0x63: {  	v1 =	vld [tilespmem:$0x10100];
	_ =	sdelay $0x2  }
0x64: {  	v2 =	vld [tilespmem:$0x10D00];
	_ =	sdelay $0x4  }
0x65: {  	[tilespmem:v1+s30+$0x0] =	vst.idx.msk $0xffff, v2  }
0x66: {  	v1 =	vld [tilespmem:$0x10110];
	_ =	sdelay $0x4  }
0x67: {  	v2 =	vld [tilespmem:$0x10D10];
	v1 =	vadd.s32 $0x800, v1;
	_ =	sdelay $0x4  }
0x68: {  	[tilespmem:v1+s30+$0x0] =	vst.idx.msk $0xffff, v2  }
0x69: {  	v1 =	vld [tilespmem:$0x10120];
	_ =	sdelay $0x4  }
0x6a: {  	v2 =	vld [tilespmem:$0x10D20];
	v1 =	vadd.s32 $0x1000, v1;
	_ =	sdelay $0x4  }
0x6b: {  	[tilespmem:v1+s30+$0x0] =	vst.idx.msk $0xffff, v2  }
0x6c: {  	v1 =	vld [tilespmem:$0x10130];
	_ =	sdelay $0x4  }
0x6d: {  	v2 =	vld [tilespmem:$0x10D30];
	v1 =	vadd.s32 $0x1800, v1;
	_ =	sdelay $0x4  }
0x6e: {  	[tilespmem:v1+s30+$0x0] =	vst.idx.msk $0xffff, v2  }
0x6f: {  	v1 =	vld [tilespmem:$0x10140];
	_ =	sdelay $0x4  }
0x70: {  	v2 =	vld [tilespmem:$0x10D40];
	v1 =	vadd.s32 $0x2000, v1;
	_ =	sdelay $0x4  }
0x71: {  	[tilespmem:v1+s30+$0x0] =	vst.idx.msk $0xffff, v2  }
0x72: {  	v1 =	vld [tilespmem:$0x10150];
	_ =	sdelay $0x4  }
0x73: {  	v2 =	vld [tilespmem:$0x10D50];
	v1 =	vadd.s32 $0x2800, v1;
	_ =	sdelay $0x4  }
0x74: {  	[tilespmem:v1+s30+$0x0] =	vst.idx.msk $0xffff, v2  }
0x75: {  	v1 =	vld [tilespmem:$0x10160];
	_ =	sdelay $0x4  }
0x76: {  	v2 =	vld [tilespmem:$0x10D60];
	v1 =	vadd.s32 $0x3000, v1;
	_ =	sdelay $0x4  }
0x77: {  	[tilespmem:v1+s30+$0x0] =	vst.idx.msk $0xffff, v2  }
0x78: {  	v1 =	vld [tilespmem:$0x10170];
	_ =	sdelay $0x4  }
0x79: {  	v2 =	vld [tilespmem:$0x10D70];
	v1 =	vadd.s32 $0x3800, v1;
	_ =	sdelay $0x4  }
0x7a: {  	[tilespmem:v1+s30+$0x0] =	vst.idx.msk $0xffff, v2  }
0x7b: {  	v1 =	vld [tilespmem:$0x10180];
	_ =	sdelay $0x4  }
0x7c: {  	v2 =	vld [tilespmem:$0x10D80];
	v1 =	vadd.s32 $0x4000, v1;
	_ =	sdelay $0x4  }
0x7d: {  	[tilespmem:v1+s30+$0x0] =	vst.idx.msk $0xffff, v2  }
0x7e: {  	v1 =	vld [tilespmem:$0x10190];
	_ =	sdelay $0x4  }
0x7f: {  	v2 =	vld [tilespmem:$0x10D90];
	v1 =	vadd.s32 $0x4800, v1;
	_ =	sdelay $0x4  }
0x80: {  	[tilespmem:v1+s30+$0x0] =	vst.idx.msk $0xffff, v2  }
0x81: {  	v1 =	vld [tilespmem:$0x101A0];
	_ =	sdelay $0x4  }
0x82: {  	v2 =	vld [tilespmem:$0x10DA0];
	v1 =	vadd.s32 $0x5000, v1;
	_ =	sdelay $0x4  }
0x83: {  	[tilespmem:v1+s30+$0x0] =	vst.idx.msk $0xffff, v2  }
0x84: {  	v1 =	vld [tilespmem:$0x101B0];
	_ =	sdelay $0x4  }
0x85: {  	v2 =	vld [tilespmem:$0x10DB0];
	v1 =	vadd.s32 $0x5800, v1;
	_ =	sdelay $0x4  }
0x86: {  	[tilespmem:v1+s30+$0x0] =	vst.idx.msk $0xffff, v2  }
0x87: {  	v1 =	vld [tilespmem:$0x101C0];
	_ =	sdelay $0x4  }
0x88: {  	v2 =	vld [tilespmem:$0x10DC0];
	v1 =	vadd.s32 $0x6000, v1;
	_ =	sdelay $0x4  }
0x89: {  	[tilespmem:v1+s30+$0x0] =	vst.idx.msk $0xffff, v2  }
0x8a: {  	v1 =	vld [tilespmem:$0x101D0];
	_ =	sdelay $0x4  }
0x8b: {  	v2 =	vld [tilespmem:$0x10DD0];
	v1 =	vadd.s32 $0x6800, v1;
	_ =	sdelay $0x4  }
0x8c: {  	[tilespmem:v1+s30+$0x0] =	vst.idx.msk $0xffff, v2  }
0x8d: {  	v1 =	vld [tilespmem:$0x101E0];
	_ =	sdelay $0x4  }
0x8e: {  	v2 =	vld [tilespmem:$0x10DE0];
	v1 =	vadd.s32 $0x7000, v1;
	_ =	sdelay $0x4  }
0x8f: {  	[tilespmem:v1+s30+$0x0] =	vst.idx.msk $0xffff, v2  }
0x90: {  	v1 =	vld [tilespmem:$0x101F0];
	_ =	sdelay $0x4  }
0x91: {  	v2 =	vld [tilespmem:$0x10DF0];
	v1 =	vadd.s32 $0x7800, v1;
	_ =	sdelay $0x4  }
0x92: {  	[tilespmem:v1+s30+$0x0] =	vst.idx.msk $0xffff, v2  }
0x93: {  	[hbm4b:s10+s2] =	stream.linear.scatter [tilespmem:s30], [sflag:$0x2], $0x8000, $0x38;
	[tilespmem:$0x11800] =	vst v63  }
0x94: {  	_ =	swait.ge [sflag:s31], $0x8000  }
0x95: {  	[sflag:s31] =	ssyncset.done $0x0  }
0x96: {  	[sflag:s31] =	ssyncadd.s32 $0xFFFF8000  }
0x97: {  	v1 =	vld [tilespmem:$0x10000];
	_ =	sdelay $0x7  }
0x98: {  	[tilespmem:v1+s2+$0x0] =	vst.idx.msk $0xffff, v0  }
0x99: {  	v1 =	vld [tilespmem:$0x10010];
	_ =	sdelay $0x4  }
0x9a: {  	v1 =	vadd.s32 $0x800, v1;
	_ =	sdelay $0x4  }
0x9b: {  	[tilespmem:v1+s2+$0x0] =	vst.idx.msk $0xffff, v0  }
0x9c: {  	v1 =	vld [tilespmem:$0x10020];
	_ =	sdelay $0x4  }
0x9d: {  	v1 =	vadd.s32 $0x1000, v1;
	_ =	sdelay $0x4  }
0x9e: {  	[tilespmem:v1+s2+$0x0] =	vst.idx.msk $0xffff, v0  }
0x9f: {  	v1 =	vld [tilespmem:$0x10030];
	_ =	sdelay $0x4  }
0xa0: {  	v1 =	vadd.s32 $0x1800, v1;
	_ =	sdelay $0x4  }
0xa1: {  	[tilespmem:v1+s2+$0x0] =	vst.idx.msk $0xffff, v0  }
0xa2: {  	v1 =	vld [tilespmem:$0x10040];
	_ =	sdelay $0x4  }
0xa3: {  	v1 =	vadd.s32 $0x2000, v1;
	_ =	sdelay $0x4  }
0xa4: {  	[tilespmem:v1+s2+$0x0] =	vst.idx.msk $0xffff, v0  }
0xa5: {  	v1 =	vld [tilespmem:$0x10050];
	_ =	sdelay $0x4  }
0xa6: {  	v1 =	vadd.s32 $0x2800, v1;
	_ =	sdelay $0x4  }
0xa7: {  	[tilespmem:v1+s2+$0x0] =	vst.idx.msk $0xffff, v0  }
0xa8: {  	v1 =	vld [tilespmem:$0x10060];
	_ =	sdelay $0x4  }
0xa9: {  	v1 =	vadd.s32 $0x3000, v1;
	_ =	sdelay $0x4  }
0xaa: {  	[tilespmem:v1+s2+$0x0] =	vst.idx.msk $0xffff, v0  }
0xab: {  	v1 =	vld [tilespmem:$0x10070];
	_ =	sdelay $0x4  }
0xac: {  	v1 =	vadd.s32 $0x3800, v1;
	_ =	sdelay $0x4  }
0xad: {  	[tilespmem:v1+s2+$0x0] =	vst.idx.msk $0xffff, v0  }
0xae: {  	v1 =	vld [tilespmem:$0x10080];
	_ =	sdelay $0x4  }
0xaf: {  	v1 =	vadd.s32 $0x4000, v1;
	_ =	sdelay $0x4  }
0xb0: {  	[tilespmem:v1+s2+$0x0] =	vst.idx.msk $0xffff, v0  }
0xb1: {  	v1 =	vld [tilespmem:$0x10090];
	_ =	sdelay $0x4  }
0xb2: {  	v1 =	vadd.s32 $0x4800, v1;
	_ =	sdelay $0x4  }
0xb3: {  	[tilespmem:v1+s2+$0x0] =	vst.idx.msk $0xffff, v0  }
0xb4: {  	v1 =	vld [tilespmem:$0x100A0];
	_ =	sdelay $0x4  }
0xb5: {  	v1 =	vadd.s32 $0x5000, v1;
	_ =	sdelay $0x4  }
0xb6: {  	[tilespmem:v1+s2+$0x0] =	vst.idx.msk $0xffff, v0  }
0xb7: {  	v1 =	vld [tilespmem:$0x100B0];
	_ =	sdelay $0x4  }
0xb8: {  	v1 =	vadd.s32 $0x5800, v1;
	_ =	sdelay $0x4  }
0xb9: {  	[tilespmem:v1+s2+$0x0] =	vst.idx.msk $0xffff, v0  }
0xba: {  	v1 =	vld [tilespmem:$0x100C0];
	_ =	sdelay $0x4  }
0xbb: {  	v1 =	vadd.s32 $0x6000, v1;
	_ =	sdelay $0x4  }
0xbc: {  	[tilespmem:v1+s2+$0x0] =	vst.idx.msk $0xffff, v0  }
0xbd: {  	v1 =	vld [tilespmem:$0x100D0];
	_ =	sdelay $0x4  }
0xbe: {  	v1 =	vadd.s32 $0x6800, v1;
	_ =	sdelay $0x4  }
0xbf: {  	[tilespmem:v1+s2+$0x0] =	vst.idx.msk $0xffff, v0  }
0xc0: {  	v1 =	vld [tilespmem:$0x100E0];
	_ =	sdelay $0x4  }
0xc1: {  	v1 =	vadd.s32 $0x7000, v1;
	_ =	sdelay $0x4  }
0xc2: {  	[tilespmem:v1+s2+$0x0] =	vst.idx.msk $0xffff, v0  }
0xc3: {  	v1 =	vld [tilespmem:$0x100F0];
	_ =	sdelay $0x4  }
0xc4: {  	v1 =	vadd.s32 $0x7800, v1;
	_ =	sdelay $0x4  }
0xc5: {  	[tilespmem:v1+s2+$0x0] =	vst.idx.msk $0xffff, v0  }
0xc6: {  	v1 =	vld [tilespmem:$0x10200];
	_ =	sdelay $0x2  }
0xc7: {  	v2 =	vld [tilespmem:$0x10E00];
	_ =	sdelay $0x4  }
0xc8: {  	[tilespmem:v1+s2+$0x0] =	vst.idx.msk $0xffff, v2  }
0xc9: {  	v1 =	vld [tilespmem:$0x10210];
	_ =	sdelay $0x4  }
0xca: {  	v2 =	vld [tilespmem:$0x10E10];
	v1 =	vadd.s32 $0x800, v1;
	_ =	sdelay $0x4  }
0xcb: {  	[tilespmem:v1+s2+$0x0] =	vst.idx.msk $0xffff, v2  }
0xcc: {  	v1 =	vld [tilespmem:$0x10220];
	_ =	sdelay $0x4  }
0xcd: {  	v2 =	vld [tilespmem:$0x10E20];
	v1 =	vadd.s32 $0x1000, v1;
	_ =	sdelay $0x4  }
0xce: {  	[tilespmem:v1+s2+$0x0] =	vst.idx.msk $0xffff, v2  }
0xcf: {  	v1 =	vld [tilespmem:$0x10230];
	_ =	sdelay $0x4  }
0xd0: {  	v2 =	vld [tilespmem:$0x10E30];
	v1 =	vadd.s32 $0x1800, v1;
	_ =	sdelay $0x4  }
0xd1: {  	[tilespmem:v1+s2+$0x0] =	vst.idx.msk $0xffff, v2  }
0xd2: {  	v1 =	vld [tilespmem:$0x10240];
	_ =	sdelay $0x4  }
0xd3: {  	v2 =	vld [tilespmem:$0x10E40];
	v1 =	vadd.s32 $0x2000, v1;
	_ =	sdelay $0x4  }
0xd4: {  	[tilespmem:v1+s2+$0x0] =	vst.idx.msk $0xffff, v2  }
0xd5: {  	v1 =	vld [tilespmem:$0x10250];
	_ =	sdelay $0x4  }
0xd6: {  	v2 =	vld [tilespmem:$0x10E50];
	v1 =	vadd.s32 $0x2800, v1;
	_ =	sdelay $0x4  }
0xd7: {  	[tilespmem:v1+s2+$0x0] =	vst.idx.msk $0xffff, v2  }
0xd8: {  	v1 =	vld [tilespmem:$0x10260];
	_ =	sdelay $0x4  }
0xd9: {  	v2 =	vld [tilespmem:$0x10E60];
	v1 =	vadd.s32 $0x3000, v1;
	_ =	sdelay $0x4  }
0xda: {  	[tilespmem:v1+s2+$0x0] =	vst.idx.msk $0xffff, v2  }
0xdb: {  	v1 =	vld [tilespmem:$0x10270];
	_ =	sdelay $0x4  }
0xdc: {  	v2 =	vld [tilespmem:$0x10E70];
	v1 =	vadd.s32 $0x3800, v1;
	_ =	sdelay $0x4  }
0xdd: {  	[tilespmem:v1+s2+$0x0] =	vst.idx.msk $0xffff, v2  }
0xde: {  	v1 =	vld [tilespmem:$0x10280];
	_ =	sdelay $0x4  }
0xdf: {  	v2 =	vld [tilespmem:$0x10E80];
	v1 =	vadd.s32 $0x4000, v1;
	_ =	sdelay $0x4  }
0xe0: {  	[tilespmem:v1+s2+$0x0] =	vst.idx.msk $0xffff, v2  }
0xe1: {  	v1 =	vld [tilespmem:$0x10290];
	_ =	sdelay $0x4  }
0xe2: {  	v2 =	vld [tilespmem:$0x10E90];
	v1 =	vadd.s32 $0x4800, v1;
	_ =	sdelay $0x4  }
0xe3: {  	[tilespmem:v1+s2+$0x0] =	vst.idx.msk $0xffff, v2  }
0xe4: {  	v1 =	vld [tilespmem:$0x102A0];
	_ =	sdelay $0x4  }
0xe5: {  	v2 =	vld [tilespmem:$0x10EA0];
	v1 =	vadd.s32 $0x5000, v1;
	_ =	sdelay $0x4  }
0xe6: {  	[tilespmem:v1+s2+$0x0] =	vst.idx.msk $0xffff, v2  }
0xe7: {  	v1 =	vld [tilespmem:$0x102B0];
	_ =	sdelay $0x4  }
0xe8: {  	v2 =	vld [tilespmem:$0x10EB0];
	v1 =	vadd.s32 $0x5800, v1;
	_ =	sdelay $0x4  }
0xe9: {  	[tilespmem:v1+s2+$0x0] =	vst.idx.msk $0xffff, v2  }
0xea: {  	v1 =	vld [tilespmem:$0x102C0];
	_ =	sdelay $0x4  }
0xeb: {  	v2 =	vld [tilespmem:$0x10EC0];
	v1 =	vadd.s32 $0x6000, v1;
	_ =	sdelay $0x4  }
0xec: {  	[tilespmem:v1+s2+$0x0] =	vst.idx.msk $0xffff, v2  }
0xed: {  	v1 =	vld [tilespmem:$0x102D0];
	_ =	sdelay $0x4  }
0xee: {  	v2 =	vld [tilespmem:$0x10ED0];
	v1 =	vadd.s32 $0x6800, v1;
	_ =	sdelay $0x4  }
0xef: {  	[tilespmem:v1+s2+$0x0] =	vst.idx.msk $0xffff, v2  }
0xf0: {  	v1 =	vld [tilespmem:$0x102E0];
	_ =	sdelay $0x4  }
0xf1: {  	v2 =	vld [tilespmem:$0x10EE0];
	v1 =	vadd.s32 $0x7000, v1;
	_ =	sdelay $0x4  }
0xf2: {  	[tilespmem:v1+s2+$0x0] =	vst.idx.msk $0xffff, v2  }
0xf3: {  	v1 =	vld [tilespmem:$0x102F0];
	_ =	sdelay $0x4  }
0xf4: {  	v2 =	vld [tilespmem:$0x10EF0];
	v1 =	vadd.s32 $0x7800, v1;
	_ =	sdelay $0x4  }
0xf5: {  	[tilespmem:v1+s2+$0x0] =	vst.idx.msk $0xffff, v2  }
0xf6: {  	[hbm4b:s11+s2] =	stream.linear.scatter [tilespmem:s2], [sflag:$0x1], $0x8000, $0x38;
	[tilespmem:$0x11800] =	vst v63  }
0xf7: {  	_ =	swait.ge [sflag:s0], $0x8000  }
0xf8: {  	[sflag:s0] =	ssyncset.done $0x0  }
0xf9: {  	[sflag:s0] =	ssyncadd.s32 $0xFFFF8000  }
0xfa: {  	v1 =	vld [tilespmem:$0x10100];
	_ =	sdelay $0x7  }
0xfb: {  	[tilespmem:v1+s30+$0x0] =	vst.idx.msk $0xffff, v0  }
0xfc: {  	v1 =	vld [tilespmem:$0x10110];
	_ =	sdelay $0x4  }
0xfd: {  	v1 =	vadd.s32 $0x800, v1;
	_ =	sdelay $0x4  }
0xfe: {  	[tilespmem:v1+s30+$0x0] =	vst.idx.msk $0xffff, v0  }
0xff: {  	v1 =	vld [tilespmem:$0x10120];
	_ =	sdelay $0x4  }
0x100: {  	v1 =	vadd.s32 $0x1000, v1;
	_ =	sdelay $0x4  }
0x101: {  	[tilespmem:v1+s30+$0x0] =	vst.idx.msk $0xffff, v0  }
0x102: {  	v1 =	vld [tilespmem:$0x10130];
	_ =	sdelay $0x4  }
0x103: {  	v1 =	vadd.s32 $0x1800, v1;
	_ =	sdelay $0x4  }
0x104: {  	[tilespmem:v1+s30+$0x0] =	vst.idx.msk $0xffff, v0  }
0x105: {  	v1 =	vld [tilespmem:$0x10140];
	_ =	sdelay $0x4  }
0x106: {  	v1 =	vadd.s32 $0x2000, v1;
	_ =	sdelay $0x4  }
0x107: {  	[tilespmem:v1+s30+$0x0] =	vst.idx.msk $0xffff, v0  }
0x108: {  	v1 =	vld [tilespmem:$0x10150];
	_ =	sdelay $0x4  }
0x109: {  	v1 =	vadd.s32 $0x2800, v1;
	_ =	sdelay $0x4  }
0x10a: {  	[tilespmem:v1+s30+$0x0] =	vst.idx.msk $0xffff, v0  }
0x10b: {  	v1 =	vld [tilespmem:$0x10160];
	_ =	sdelay $0x4  }
0x10c: {  	v1 =	vadd.s32 $0x3000, v1;
	_ =	sdelay $0x4  }
0x10d: {  	[tilespmem:v1+s30+$0x0] =	vst.idx.msk $0xffff, v0  }
0x10e: {  	v1 =	vld [tilespmem:$0x10170];
	_ =	sdelay $0x4  }
0x10f: {  	v1 =	vadd.s32 $0x3800, v1;
	_ =	sdelay $0x4  }
0x110: {  	[tilespmem:v1+s30+$0x0] =	vst.idx.msk $0xffff, v0  }
0x111: {  	v1 =	vld [tilespmem:$0x10180];
	_ =	sdelay $0x4  }
0x112: {  	v1 =	vadd.s32 $0x4000, v1;
	_ =	sdelay $0x4  }
0x113: {  	[tilespmem:v1+s30+$0x0] =	vst.idx.msk $0xffff, v0  }
0x114: {  	v1 =	vld [tilespmem:$0x10190];
	_ =	sdelay $0x4  }
0x115: {  	v1 =	vadd.s32 $0x4800, v1;
	_ =	sdelay $0x4  }
0x116: {  	[tilespmem:v1+s30+$0x0] =	vst.idx.msk $0xffff, v0  }
0x117: {  	v1 =	vld [tilespmem:$0x101A0];
	_ =	sdelay $0x4  }
0x118: {  	v1 =	vadd.s32 $0x5000, v1;
	_ =	sdelay $0x4  }
0x119: {  	[tilespmem:v1+s30+$0x0] =	vst.idx.msk $0xffff, v0  }
0x11a: {  	v1 =	vld [tilespmem:$0x101B0];
	_ =	sdelay $0x4  }
0x11b: {  	v1 =	vadd.s32 $0x5800, v1;
	_ =	sdelay $0x4  }
0x11c: {  	[tilespmem:v1+s30+$0x0] =	vst.idx.msk $0xffff, v0  }
0x11d: {  	v1 =	vld [tilespmem:$0x101C0];
	_ =	sdelay $0x4  }
0x11e: {  	v1 =	vadd.s32 $0x6000, v1;
	_ =	sdelay $0x4  }
0x11f: {  	[tilespmem:v1+s30+$0x0] =	vst.idx.msk $0xffff, v0  }
0x120: {  	v1 =	vld [tilespmem:$0x101D0];
	_ =	sdelay $0x4  }
0x121: {  	v1 =	vadd.s32 $0x6800, v1;
	_ =	sdelay $0x4  }
0x122: {  	[tilespmem:v1+s30+$0x0] =	vst.idx.msk $0xffff, v0  }
0x123: {  	v1 =	vld [tilespmem:$0x101E0];
	_ =	sdelay $0x4  }
0x124: {  	v1 =	vadd.s32 $0x7000, v1;
	_ =	sdelay $0x4  }
0x125: {  	[tilespmem:v1+s30+$0x0] =	vst.idx.msk $0xffff, v0  }
0x126: {  	v1 =	vld [tilespmem:$0x101F0];
	_ =	sdelay $0x4  }
0x127: {  	v1 =	vadd.s32 $0x7800, v1;
	_ =	sdelay $0x4  }
0x128: {  	[tilespmem:v1+s30+$0x0] =	vst.idx.msk $0xffff, v0  }
0x129: {  	v1 =	vld [tilespmem:$0x10300];
	_ =	sdelay $0x2  }
0x12a: {  	v2 =	vld [tilespmem:$0x10F00];
	_ =	sdelay $0x4  }
0x12b: {  	[tilespmem:v1+s30+$0x0] =	vst.idx.msk $0xffff, v2  }
0x12c: {  	v1 =	vld [tilespmem:$0x10310];
	_ =	sdelay $0x4  }
0x12d: {  	v2 =	vld [tilespmem:$0x10F10];
	v1 =	vadd.s32 $0x800, v1;
	_ =	sdelay $0x4  }
0x12e: {  	[tilespmem:v1+s30+$0x0] =	vst.idx.msk $0xffff, v2  }
0x12f: {  	v1 =	vld [tilespmem:$0x10320];
	_ =	sdelay $0x4  }
0x130: {  	v2 =	vld [tilespmem:$0x10F20];
	v1 =	vadd.s32 $0x1000, v1;
	_ =	sdelay $0x4  }
0x131: {  	[tilespmem:v1+s30+$0x0] =	vst.idx.msk $0xffff, v2  }
0x132: {  	v1 =	vld [tilespmem:$0x10330];
	_ =	sdelay $0x4  }
0x133: {  	v2 =	vld [tilespmem:$0x10F30];
	v1 =	vadd.s32 $0x1800, v1;
	_ =	sdelay $0x4  }
0x134: {  	[tilespmem:v1+s30+$0x0] =	vst.idx.msk $0xffff, v2  }
0x135: {  	v1 =	vld [tilespmem:$0x10340];
	_ =	sdelay $0x4  }
0x136: {  	v2 =	vld [tilespmem:$0x10F40];
	v1 =	vadd.s32 $0x2000, v1;
	_ =	sdelay $0x4  }
0x137: {  	[tilespmem:v1+s30+$0x0] =	vst.idx.msk $0xffff, v2  }
0x138: {  	v1 =	vld [tilespmem:$0x10350];
	_ =	sdelay $0x4  }
0x139: {  	v2 =	vld [tilespmem:$0x10F50];
	v1 =	vadd.s32 $0x2800, v1;
	_ =	sdelay $0x4  }
0x13a: {  	[tilespmem:v1+s30+$0x0] =	vst.idx.msk $0xffff, v2  }
0x13b: {  	v1 =	vld [tilespmem:$0x10360];
	_ =	sdelay $0x4  }
0x13c: {  	v2 =	vld [tilespmem:$0x10F60];
	v1 =	vadd.s32 $0x3000, v1;
	_ =	sdelay $0x4  }
0x13d: {  	[tilespmem:v1+s30+$0x0] =	vst.idx.msk $0xffff, v2  }
0x13e: {  	v1 =	vld [tilespmem:$0x10370];
	_ =	sdelay $0x4  }
0x13f: {  	v2 =	vld [tilespmem:$0x10F70];
	v1 =	vadd.s32 $0x3800, v1;
	_ =	sdelay $0x4  }
0x140: {  	[tilespmem:v1+s30+$0x0] =	vst.idx.msk $0xffff, v2  }
0x141: {  	v1 =	vld [tilespmem:$0x10380];
	_ =	sdelay $0x4  }
0x142: {  	v2 =	vld [tilespmem:$0x10F80];
	v1 =	vadd.s32 $0x4000, v1;
	_ =	sdelay $0x4  }
0x143: {  	[tilespmem:v1+s30+$0x0] =	vst.idx.msk $0xffff, v2  }
0x144: {  	v1 =	vld [tilespmem:$0x10390];
	_ =	sdelay $0x4  }
0x145: {  	v2 =	vld [tilespmem:$0x10F90];
	v1 =	vadd.s32 $0x4800, v1;
	_ =	sdelay $0x4  }
0x146: {  	[tilespmem:v1+s30+$0x0] =	vst.idx.msk $0xffff, v2  }
0x147: {  	v1 =	vld [tilespmem:$0x103A0];
	_ =	sdelay $0x4  }
0x148: {  	v2 =	vld [tilespmem:$0x10FA0];
	v1 =	vadd.s32 $0x5000, v1;
	_ =	sdelay $0x4  }
0x149: {  	[tilespmem:v1+s30+$0x0] =	vst.idx.msk $0xffff, v2  }
0x14a: {  	v1 =	vld [tilespmem:$0x103B0];
	_ =	sdelay $0x4  }
0x14b: {  	v2 =	vld [tilespmem:$0x10FB0];
	v1 =	vadd.s32 $0x5800, v1;
	_ =	sdelay $0x4  }
0x14c: {  	[tilespmem:v1+s30+$0x0] =	vst.idx.msk $0xffff, v2  }
0x14d: {  	v1 =	vld [tilespmem:$0x103C0];
	_ =	sdelay $0x4  }
0x14e: {  	v2 =	vld [tilespmem:$0x10FC0];
	v1 =	vadd.s32 $0x6000, v1;
	_ =	sdelay $0x4  }
0x14f: {  	[tilespmem:v1+s30+$0x0] =	vst.idx.msk $0xffff, v2  }
0x150: {  	v1 =	vld [tilespmem:$0x103D0];
	_ =	sdelay $0x4  }
0x151: {  	v2 =	vld [tilespmem:$0x10FD0];
	v1 =	vadd.s32 $0x6800, v1;
	_ =	sdelay $0x4  }
0x152: {  	[tilespmem:v1+s30+$0x0] =	vst.idx.msk $0xffff, v2  }
0x153: {  	v1 =	vld [tilespmem:$0x103E0];
	_ =	sdelay $0x4  }
0x154: {  	v2 =	vld [tilespmem:$0x10FE0];
	v1 =	vadd.s32 $0x7000, v1;
	_ =	sdelay $0x4  }
0x155: {  	[tilespmem:v1+s30+$0x0] =	vst.idx.msk $0xffff, v2  }
0x156: {  	v1 =	vld [tilespmem:$0x103F0];
	_ =	sdelay $0x4  }
0x157: {  	v2 =	vld [tilespmem:$0x10FF0];
	v1 =	vadd.s32 $0x7800, v1;
	_ =	sdelay $0x4  }
0x158: {  	[tilespmem:v1+s30+$0x0] =	vst.idx.msk $0xffff, v2  }
0x159: {  	[hbm4b:s12+s2] =	stream.linear.scatter [tilespmem:s30], [sflag:$0x2], $0x8000, $0x38;
	[tilespmem:$0x11800] =	vst v63  }
0x15a: {  	_ =	swait.ge [sflag:s31], $0x8000  }
0x15b: {  	[sflag:s31] =	ssyncset.done $0x0  }
0x15c: {  	[sflag:s31] =	ssyncadd.s32 $0xFFFF8000  }
0x15d: {  	v1 =	vld [tilespmem:$0x10200];
	_ =	sdelay $0x7  }
0x15e: {  	[tilespmem:v1+s2+$0x0] =	vst.idx.msk $0xffff, v0  }
0x15f: {  	v1 =	vld [tilespmem:$0x10210];
	_ =	sdelay $0x4  }
0x160: {  	v1 =	vadd.s32 $0x800, v1;
	_ =	sdelay $0x4  }
0x161: {  	[tilespmem:v1+s2+$0x0] =	vst.idx.msk $0xffff, v0  }
0x162: {  	v1 =	vld [tilespmem:$0x10220];
	_ =	sdelay $0x4  }
0x163: {  	v1 =	vadd.s32 $0x1000, v1;
	_ =	sdelay $0x4  }
0x164: {  	[tilespmem:v1+s2+$0x0] =	vst.idx.msk $0xffff, v0  }
0x165: {  	v1 =	vld [tilespmem:$0x10230];
	_ =	sdelay $0x4  }
0x166: {  	v1 =	vadd.s32 $0x1800, v1;
	_ =	sdelay $0x4  }
0x167: {  	[tilespmem:v1+s2+$0x0] =	vst.idx.msk $0xffff, v0  }
0x168: {  	v1 =	vld [tilespmem:$0x10240];
	_ =	sdelay $0x4  }
0x169: {  	v1 =	vadd.s32 $0x2000, v1;
	_ =	sdelay $0x4  }
0x16a: {  	[tilespmem:v1+s2+$0x0] =	vst.idx.msk $0xffff, v0  }
0x16b: {  	v1 =	vld [tilespmem:$0x10250];
	_ =	sdelay $0x4  }
0x16c: {  	v1 =	vadd.s32 $0x2800, v1;
	_ =	sdelay $0x4  }
0x16d: {  	[tilespmem:v1+s2+$0x0] =	vst.idx.msk $0xffff, v0  }
0x16e: {  	v1 =	vld [tilespmem:$0x10260];
	_ =	sdelay $0x4  }
0x16f: {  	v1 =	vadd.s32 $0x3000, v1;
	_ =	sdelay $0x4  }
0x170: {  	[tilespmem:v1+s2+$0x0] =	vst.idx.msk $0xffff, v0  }
0x171: {  	v1 =	vld [tilespmem:$0x10270];
	_ =	sdelay $0x4  }
0x172: {  	v1 =	vadd.s32 $0x3800, v1;
	_ =	sdelay $0x4  }
0x173: {  	[tilespmem:v1+s2+$0x0] =	vst.idx.msk $0xffff, v0  }
0x174: {  	v1 =	vld [tilespmem:$0x10280];
	_ =	sdelay $0x4  }
0x175: {  	v1 =	vadd.s32 $0x4000, v1;
	_ =	sdelay $0x4  }
0x176: {  	[tilespmem:v1+s2+$0x0] =	vst.idx.msk $0xffff, v0  }
0x177: {  	v1 =	vld [tilespmem:$0x10290];
	_ =	sdelay $0x4  }
0x178: {  	v1 =	vadd.s32 $0x4800, v1;
	_ =	sdelay $0x4  }
0x179: {  	[tilespmem:v1+s2+$0x0] =	vst.idx.msk $0xffff, v0  }
0x17a: {  	v1 =	vld [tilespmem:$0x102A0];
	_ =	sdelay $0x4  }
0x17b: {  	v1 =	vadd.s32 $0x5000, v1;
	_ =	sdelay $0x4  }
0x17c: {  	[tilespmem:v1+s2+$0x0] =	vst.idx.msk $0xffff, v0  }
0x17d: {  	v1 =	vld [tilespmem:$0x102B0];
	_ =	sdelay $0x4  }
0x17e: {  	v1 =	vadd.s32 $0x5800, v1;
	_ =	sdelay $0x4  }
0x17f: {  	[tilespmem:v1+s2+$0x0] =	vst.idx.msk $0xffff, v0  }
0x180: {  	v1 =	vld [tilespmem:$0x102C0];
	_ =	sdelay $0x4  }
0x181: {  	v1 =	vadd.s32 $0x6000, v1;
	_ =	sdelay $0x4  }
0x182: {  	[tilespmem:v1+s2+$0x0] =	vst.idx.msk $0xffff, v0  }
0x183: {  	v1 =	vld [tilespmem:$0x102D0];
	_ =	sdelay $0x4  }
0x184: {  	v1 =	vadd.s32 $0x6800, v1;
	_ =	sdelay $0x4  }
0x185: {  	[tilespmem:v1+s2+$0x0] =	vst.idx.msk $0xffff, v0  }
0x186: {  	v1 =	vld [tilespmem:$0x102E0];
	_ =	sdelay $0x4  }
0x187: {  	v1 =	vadd.s32 $0x7000, v1;
	_ =	sdelay $0x4  }
0x188: {  	[tilespmem:v1+s2+$0x0] =	vst.idx.msk $0xffff, v0  }
0x189: {  	v1 =	vld [tilespmem:$0x102F0];
	_ =	sdelay $0x4  }
0x18a: {  	v1 =	vadd.s32 $0x7800, v1;
	_ =	sdelay $0x4  }
0x18b: {  	[tilespmem:v1+s2+$0x0] =	vst.idx.msk $0xffff, v0  }
0x18c: {  	v1 =	vld [tilespmem:$0x10400];
	_ =	sdelay $0x2  }
0x18d: {  	v2 =	vld [tilespmem:$0x11000];
	_ =	sdelay $0x4  }
0x18e: {  	[tilespmem:v1+s2+$0x0] =	vst.idx.msk $0xffff, v2  }
0x18f: {  	v1 =	vld [tilespmem:$0x10410];
	_ =	sdelay $0x4  }
0x190: {  	v2 =	vld [tilespmem:$0x11010];
	v1 =	vadd.s32 $0x800, v1;
	_ =	sdelay $0x4  }
0x191: {  	[tilespmem:v1+s2+$0x0] =	vst.idx.msk $0xffff, v2  }
0x192: {  	v1 =	vld [tilespmem:$0x10420];
	_ =	sdelay $0x4  }
0x193: {  	v2 =	vld [tilespmem:$0x11020];
	v1 =	vadd.s32 $0x1000, v1;
	_ =	sdelay $0x4  }
0x194: {  	[tilespmem:v1+s2+$0x0] =	vst.idx.msk $0xffff, v2  }
0x195: {  	v1 =	vld [tilespmem:$0x10430];
	_ =	sdelay $0x4  }
0x196: {  	v2 =	vld [tilespmem:$0x11030];
	v1 =	vadd.s32 $0x1800, v1;
	_ =	sdelay $0x4  }
0x197: {  	[tilespmem:v1+s2+$0x0] =	vst.idx.msk $0xffff, v2  }
0x198: {  	v1 =	vld [tilespmem:$0x10440];
	_ =	sdelay $0x4  }
0x199: {  	v2 =	vld [tilespmem:$0x11040];
	v1 =	vadd.s32 $0x2000, v1;
	_ =	sdelay $0x4  }
0x19a: {  	[tilespmem:v1+s2+$0x0] =	vst.idx.msk $0xffff, v2  }
0x19b: {  	v1 =	vld [tilespmem:$0x10450];
	_ =	sdelay $0x4  }
0x19c: {  	v2 =	vld [tilespmem:$0x11050];
	v1 =	vadd.s32 $0x2800, v1;
	_ =	sdelay $0x4  }
0x19d: {  	[tilespmem:v1+s2+$0x0] =	vst.idx.msk $0xffff, v2  }
0x19e: {  	v1 =	vld [tilespmem:$0x10460];
	_ =	sdelay $0x4  }
0x19f: {  	v2 =	vld [tilespmem:$0x11060];
	v1 =	vadd.s32 $0x3000, v1;
	_ =	sdelay $0x4  }
0x1a0: {  	[tilespmem:v1+s2+$0x0] =	vst.idx.msk $0xffff, v2  }
0x1a1: {  	v1 =	vld [tilespmem:$0x10470];
	_ =	sdelay $0x4  }
0x1a2: {  	v2 =	vld [tilespmem:$0x11070];
	v1 =	vadd.s32 $0x3800, v1;
	_ =	sdelay $0x4  }
0x1a3: {  	[tilespmem:v1+s2+$0x0] =	vst.idx.msk $0xffff, v2  }
0x1a4: {  	v1 =	vld [tilespmem:$0x10480];
	_ =	sdelay $0x4  }
0x1a5: {  	v2 =	vld [tilespmem:$0x11080];
	v1 =	vadd.s32 $0x4000, v1;
	_ =	sdelay $0x4  }
0x1a6: {  	[tilespmem:v1+s2+$0x0] =	vst.idx.msk $0xffff, v2  }
0x1a7: {  	v1 =	vld [tilespmem:$0x10490];
	_ =	sdelay $0x4  }
0x1a8: {  	v2 =	vld [tilespmem:$0x11090];
	v1 =	vadd.s32 $0x4800, v1;
	_ =	sdelay $0x4  }
0x1a9: {  	[tilespmem:v1+s2+$0x0] =	vst.idx.msk $0xffff, v2  }
0x1aa: {  	v1 =	vld [tilespmem:$0x104A0];
	_ =	sdelay $0x4  }
0x1ab: {  	v2 =	vld [tilespmem:$0x110A0];
	v1 =	vadd.s32 $0x5000, v1;
	_ =	sdelay $0x4  }
0x1ac: {  	[tilespmem:v1+s2+$0x0] =	vst.idx.msk $0xffff, v2  }
0x1ad: {  	v1 =	vld [tilespmem:$0x104B0];
	_ =	sdelay $0x4  }
0x1ae: {  	v2 =	vld [tilespmem:$0x110B0];
	v1 =	vadd.s32 $0x5800, v1;
	_ =	sdelay $0x4  }
0x1af: {  	[tilespmem:v1+s2+$0x0] =	vst.idx.msk $0xffff, v2  }
0x1b0: {  	v1 =	vld [tilespmem:$0x104C0];
	_ =	sdelay $0x4  }
0x1b1: {  	v2 =	vld [tilespmem:$0x110C0];
	v1 =	vadd.s32 $0x6000, v1;
	_ =	sdelay $0x4  }
0x1b2: {  	[tilespmem:v1+s2+$0x0] =	vst.idx.msk $0xffff, v2  }
0x1b3: {  	v1 =	vld [tilespmem:$0x104D0];
	_ =	sdelay $0x4  }
0x1b4: {  	v2 =	vld [tilespmem:$0x110D0];
	v1 =	vadd.s32 $0x6800, v1;
	_ =	sdelay $0x4  }
0x1b5: {  	[tilespmem:v1+s2+$0x0] =	vst.idx.msk $0xffff, v2  }
0x1b6: {  	v1 =	vld [tilespmem:$0x104E0];
	_ =	sdelay $0x4  }
0x1b7: {  	v2 =	vld [tilespmem:$0x110E0];
	v1 =	vadd.s32 $0x7000, v1;
	_ =	sdelay $0x4  }
0x1b8: {  	[tilespmem:v1+s2+$0x0] =	vst.idx.msk $0xffff, v2  }
0x1b9: {  	v1 =	vld [tilespmem:$0x104F0];
	_ =	sdelay $0x4  }
0x1ba: {  	v2 =	vld [tilespmem:$0x110F0];
	v1 =	vadd.s32 $0x7800, v1;
	_ =	sdelay $0x4  }
0x1bb: {  	[tilespmem:v1+s2+$0x0] =	vst.idx.msk $0xffff, v2  }
0x1bc: {  	[hbm4b:s13+s2] =	stream.linear.scatter [tilespmem:s2], [sflag:$0x1], $0x8000, $0x38;
	[tilespmem:$0x11800] =	vst v63  }
0x1bd: {  	_ =	swait.ge [sflag:s0], $0x8000  }
0x1be: {  	[sflag:s0] =	ssyncset.done $0x0  }
0x1bf: {  	[sflag:s0] =	ssyncadd.s32 $0xFFFF8000  }
0x1c0: {  	v1 =	vld [tilespmem:$0x10300];
	_ =	sdelay $0x7  }
0x1c1: {  	[tilespmem:v1+s30+$0x0] =	vst.idx.msk $0xffff, v0  }
0x1c2: {  	v1 =	vld [tilespmem:$0x10310];
	_ =	sdelay $0x4  }
0x1c3: {  	v1 =	vadd.s32 $0x800, v1;
	_ =	sdelay $0x4  }
0x1c4: {  	[tilespmem:v1+s30+$0x0] =	vst.idx.msk $0xffff, v0  }
0x1c5: {  	v1 =	vld [tilespmem:$0x10320];
	_ =	sdelay $0x4  }
0x1c6: {  	v1 =	vadd.s32 $0x1000, v1;
	_ =	sdelay $0x4  }
0x1c7: {  	[tilespmem:v1+s30+$0x0] =	vst.idx.msk $0xffff, v0  }
0x1c8: {  	v1 =	vld [tilespmem:$0x10330];
	_ =	sdelay $0x4  }
0x1c9: {  	v1 =	vadd.s32 $0x1800, v1;
	_ =	sdelay $0x4  }
0x1ca: {  	[tilespmem:v1+s30+$0x0] =	vst.idx.msk $0xffff, v0  }
0x1cb: {  	v1 =	vld [tilespmem:$0x10340];
	_ =	sdelay $0x4  }
0x1cc: {  	v1 =	vadd.s32 $0x2000, v1;
	_ =	sdelay $0x4  }
0x1cd: {  	[tilespmem:v1+s30+$0x0] =	vst.idx.msk $0xffff, v0  }
0x1ce: {  	v1 =	vld [tilespmem:$0x10350];
	_ =	sdelay $0x4  }
0x1cf: {  	v1 =	vadd.s32 $0x2800, v1;
	_ =	sdelay $0x4  }
0x1d0: {  	[tilespmem:v1+s30+$0x0] =	vst.idx.msk $0xffff, v0  }
0x1d1: {  	v1 =	vld [tilespmem:$0x10360];
	_ =	sdelay $0x4  }
0x1d2: {  	v1 =	vadd.s32 $0x3000, v1;
	_ =	sdelay $0x4  }
0x1d3: {  	[tilespmem:v1+s30+$0x0] =	vst.idx.msk $0xffff, v0  }
0x1d4: {  	v1 =	vld [tilespmem:$0x10370];
	_ =	sdelay $0x4  }
0x1d5: {  	v1 =	vadd.s32 $0x3800, v1;
	_ =	sdelay $0x4  }
0x1d6: {  	[tilespmem:v1+s30+$0x0] =	vst.idx.msk $0xffff, v0  }
0x1d7: {  	v1 =	vld [tilespmem:$0x10380];
	_ =	sdelay $0x4  }
0x1d8: {  	v1 =	vadd.s32 $0x4000, v1;
	_ =	sdelay $0x4  }
0x1d9: {  	[tilespmem:v1+s30+$0x0] =	vst.idx.msk $0xffff, v0  }
0x1da: {  	v1 =	vld [tilespmem:$0x10390];
	_ =	sdelay $0x4  }
0x1db: {  	v1 =	vadd.s32 $0x4800, v1;
	_ =	sdelay $0x4  }
0x1dc: {  	[tilespmem:v1+s30+$0x0] =	vst.idx.msk $0xffff, v0  }
0x1dd: {  	v1 =	vld [tilespmem:$0x103A0];
	_ =	sdelay $0x4  }
0x1de: {  	v1 =	vadd.s32 $0x5000, v1;
	_ =	sdelay $0x4  }
0x1df: {  	[tilespmem:v1+s30+$0x0] =	vst.idx.msk $0xffff, v0  }
0x1e0: {  	v1 =	vld [tilespmem:$0x103B0];
	_ =	sdelay $0x4  }
0x1e1: {  	v1 =	vadd.s32 $0x5800, v1;
	_ =	sdelay $0x4  }
0x1e2: {  	[tilespmem:v1+s30+$0x0] =	vst.idx.msk $0xffff, v0  }
0x1e3: {  	v1 =	vld [tilespmem:$0x103C0];
	_ =	sdelay $0x4  }
0x1e4: {  	v1 =	vadd.s32 $0x6000, v1;
	_ =	sdelay $0x4  }
0x1e5: {  	[tilespmem:v1+s30+$0x0] =	vst.idx.msk $0xffff, v0  }
0x1e6: {  	v1 =	vld [tilespmem:$0x103D0];
	_ =	sdelay $0x4  }
0x1e7: {  	v1 =	vadd.s32 $0x6800, v1;
	_ =	sdelay $0x4  }
0x1e8: {  	[tilespmem:v1+s30+$0x0] =	vst.idx.msk $0xffff, v0  }
0x1e9: {  	v1 =	vld [tilespmem:$0x103E0];
	_ =	sdelay $0x4  }
0x1ea: {  	v1 =	vadd.s32 $0x7000, v1;
	_ =	sdelay $0x4  }
0x1eb: {  	[tilespmem:v1+s30+$0x0] =	vst.idx.msk $0xffff, v0  }
0x1ec: {  	v1 =	vld [tilespmem:$0x103F0];
	_ =	sdelay $0x4  }
0x1ed: {  	v1 =	vadd.s32 $0x7800, v1;
	_ =	sdelay $0x4  }
0x1ee: {  	[tilespmem:v1+s30+$0x0] =	vst.idx.msk $0xffff, v0  }
0x1ef: {  	v1 =	vld [tilespmem:$0x10500];
	_ =	sdelay $0x2  }
0x1f0: {  	v2 =	vld [tilespmem:$0x11100];
	_ =	sdelay $0x4  }
0x1f1: {  	[tilespmem:v1+s30+$0x0] =	vst.idx.msk $0xffff, v2  }
0x1f2: {  	v1 =	vld [tilespmem:$0x10510];
	_ =	sdelay $0x4  }
0x1f3: {  	v2 =	vld [tilespmem:$0x11110];
	v1 =	vadd.s32 $0x800, v1;
	_ =	sdelay $0x4  }
0x1f4: {  	[tilespmem:v1+s30+$0x0] =	vst.idx.msk $0xffff, v2  }
0x1f5: {  	v1 =	vld [tilespmem:$0x10520];
	_ =	sdelay $0x4  }
0x1f6: {  	v2 =	vld [tilespmem:$0x11120];
	v1 =	vadd.s32 $0x1000, v1;
	_ =	sdelay $0x4  }
0x1f7: {  	[tilespmem:v1+s30+$0x0] =	vst.idx.msk $0xffff, v2  }
0x1f8: {  	v1 =	vld [tilespmem:$0x10530];
	_ =	sdelay $0x4  }
0x1f9: {  	v2 =	vld [tilespmem:$0x11130];
	v1 =	vadd.s32 $0x1800, v1;
	_ =	sdelay $0x4  }
0x1fa: {  	[tilespmem:v1+s30+$0x0] =	vst.idx.msk $0xffff, v2  }
0x1fb: {  	v1 =	vld [tilespmem:$0x10540];
	_ =	sdelay $0x4  }
0x1fc: {  	v2 =	vld [tilespmem:$0x11140];
	v1 =	vadd.s32 $0x2000, v1;
	_ =	sdelay $0x4  }
0x1fd: {  	[tilespmem:v1+s30+$0x0] =	vst.idx.msk $0xffff, v2  }
0x1fe: {  	v1 =	vld [tilespmem:$0x10550];
	_ =	sdelay $0x4  }
0x1ff: {  	v2 =	vld [tilespmem:$0x11150];
	v1 =	vadd.s32 $0x2800, v1;
	_ =	sdelay $0x4  }
0x200: {  	[tilespmem:v1+s30+$0x0] =	vst.idx.msk $0xffff, v2  }
0x201: {  	v1 =	vld [tilespmem:$0x10560];
	_ =	sdelay $0x4  }
0x202: {  	v2 =	vld [tilespmem:$0x11160];
	v1 =	vadd.s32 $0x3000, v1;
	_ =	sdelay $0x4  }
0x203: {  	[tilespmem:v1+s30+$0x0] =	vst.idx.msk $0xffff, v2  }
0x204: {  	v1 =	vld [tilespmem:$0x10570];
	_ =	sdelay $0x4  }
0x205: {  	v2 =	vld [tilespmem:$0x11170];
	v1 =	vadd.s32 $0x3800, v1;
	_ =	sdelay $0x4  }
0x206: {  	[tilespmem:v1+s30+$0x0] =	vst.idx.msk $0xffff, v2  }
0x207: {  	v1 =	vld [tilespmem:$0x10580];
	_ =	sdelay $0x4  }
0x208: {  	v2 =	vld [tilespmem:$0x11180];
	v1 =	vadd.s32 $0x4000, v1;
	_ =	sdelay $0x4  }
0x209: {  	[tilespmem:v1+s30+$0x0] =	vst.idx.msk $0xffff, v2  }
0x20a: {  	v1 =	vld [tilespmem:$0x10590];
	_ =	sdelay $0x4  }
0x20b: {  	v2 =	vld [tilespmem:$0x11190];
	v1 =	vadd.s32 $0x4800, v1;
	_ =	sdelay $0x4  }
0x20c: {  	[tilespmem:v1+s30+$0x0] =	vst.idx.msk $0xffff, v2  }
0x20d: {  	v1 =	vld [tilespmem:$0x105A0];
	_ =	sdelay $0x4  }
0x20e: {  	v2 =	vld [tilespmem:$0x111A0];
	v1 =	vadd.s32 $0x5000, v1;
	_ =	sdelay $0x4  }
0x20f: {  	[tilespmem:v1+s30+$0x0] =	vst.idx.msk $0xffff, v2  }
0x210: {  	v1 =	vld [tilespmem:$0x105B0];
	_ =	sdelay $0x4  }
0x211: {  	v2 =	vld [tilespmem:$0x111B0];
	v1 =	vadd.s32 $0x5800, v1;
	_ =	sdelay $0x4  }
0x212: {  	[tilespmem:v1+s30+$0x0] =	vst.idx.msk $0xffff, v2  }
0x213: {  	v1 =	vld [tilespmem:$0x105C0];
	_ =	sdelay $0x4  }
0x214: {  	v2 =	vld [tilespmem:$0x111C0];
	v1 =	vadd.s32 $0x6000, v1;
	_ =	sdelay $0x4  }
0x215: {  	[tilespmem:v1+s30+$0x0] =	vst.idx.msk $0xffff, v2  }
0x216: {  	v1 =	vld [tilespmem:$0x105D0];
	_ =	sdelay $0x4  }
0x217: {  	v2 =	vld [tilespmem:$0x111D0];
	v1 =	vadd.s32 $0x6800, v1;
	_ =	sdelay $0x4  }
0x218: {  	[tilespmem:v1+s30+$0x0] =	vst.idx.msk $0xffff, v2  }
0x219: {  	v1 =	vld [tilespmem:$0x105E0];
	_ =	sdelay $0x4  }
0x21a: {  	v2 =	vld [tilespmem:$0x111E0];
	v1 =	vadd.s32 $0x7000, v1;
	_ =	sdelay $0x4  }
0x21b: {  	[tilespmem:v1+s30+$0x0] =	vst.idx.msk $0xffff, v2  }
0x21c: {  	v1 =	vld [tilespmem:$0x105F0];
	_ =	sdelay $0x4  }
0x21d: {  	v2 =	vld [tilespmem:$0x111F0];
	v1 =	vadd.s32 $0x7800, v1;
	_ =	sdelay $0x4  }
0x21e: {  	[tilespmem:v1+s30+$0x0] =	vst.idx.msk $0xffff, v2  }
0x21f: {  	[hbm4b:s14+s2] =	stream.linear.scatter [tilespmem:s30], [sflag:$0x2], $0x8000, $0x38;
	[tilespmem:$0x11800] =	vst v63  }
0x220: {  	_ =	swait.ge [sflag:s31], $0x8000  }
0x221: {  	[sflag:s31] =	ssyncset.done $0x0  }
0x222: {  	[sflag:s31] =	ssyncadd.s32 $0xFFFF8000  }
0x223: {  	v1 =	vld [tilespmem:$0x10400];
	_ =	sdelay $0x7  }
0x224: {  	[tilespmem:v1+s2+$0x0] =	vst.idx.msk $0xffff, v0  }
0x225: {  	v1 =	vld [tilespmem:$0x10410];
	_ =	sdelay $0x4  }
0x226: {  	v1 =	vadd.s32 $0x800, v1;
	_ =	sdelay $0x4  }
0x227: {  	[tilespmem:v1+s2+$0x0] =	vst.idx.msk $0xffff, v0  }
0x228: {  	v1 =	vld [tilespmem:$0x10420];
	_ =	sdelay $0x4  }
0x229: {  	v1 =	vadd.s32 $0x1000, v1;
	_ =	sdelay $0x4  }
0x22a: {  	[tilespmem:v1+s2+$0x0] =	vst.idx.msk $0xffff, v0  }
0x22b: {  	v1 =	vld [tilespmem:$0x10430];
	_ =	sdelay $0x4  }
0x22c: {  	v1 =	vadd.s32 $0x1800, v1;
	_ =	sdelay $0x4  }
0x22d: {  	[tilespmem:v1+s2+$0x0] =	vst.idx.msk $0xffff, v0  }
0x22e: {  	v1 =	vld [tilespmem:$0x10440];
	_ =	sdelay $0x4  }
0x22f: {  	v1 =	vadd.s32 $0x2000, v1;
	_ =	sdelay $0x4  }
0x230: {  	[tilespmem:v1+s2+$0x0] =	vst.idx.msk $0xffff, v0  }
0x231: {  	v1 =	vld [tilespmem:$0x10450];
	_ =	sdelay $0x4  }
0x232: {  	v1 =	vadd.s32 $0x2800, v1;
	_ =	sdelay $0x4  }
0x233: {  	[tilespmem:v1+s2+$0x0] =	vst.idx.msk $0xffff, v0  }
0x234: {  	v1 =	vld [tilespmem:$0x10460];
	_ =	sdelay $0x4  }
0x235: {  	v1 =	vadd.s32 $0x3000, v1;
	_ =	sdelay $0x4  }
0x236: {  	[tilespmem:v1+s2+$0x0] =	vst.idx.msk $0xffff, v0  }
0x237: {  	v1 =	vld [tilespmem:$0x10470];
	_ =	sdelay $0x4  }
0x238: {  	v1 =	vadd.s32 $0x3800, v1;
	_ =	sdelay $0x4  }
0x239: {  	[tilespmem:v1+s2+$0x0] =	vst.idx.msk $0xffff, v0  }
0x23a: {  	v1 =	vld [tilespmem:$0x10480];
	_ =	sdelay $0x4  }
0x23b: {  	v1 =	vadd.s32 $0x4000, v1;
	_ =	sdelay $0x4  }
0x23c: {  	[tilespmem:v1+s2+$0x0] =	vst.idx.msk $0xffff, v0  }
0x23d: {  	v1 =	vld [tilespmem:$0x10490];
	_ =	sdelay $0x4  }
0x23e: {  	v1 =	vadd.s32 $0x4800, v1;
	_ =	sdelay $0x4  }
0x23f: {  	[tilespmem:v1+s2+$0x0] =	vst.idx.msk $0xffff, v0  }
0x240: {  	v1 =	vld [tilespmem:$0x104A0];
	_ =	sdelay $0x4  }
0x241: {  	v1 =	vadd.s32 $0x5000, v1;
	_ =	sdelay $0x4  }
0x242: {  	[tilespmem:v1+s2+$0x0] =	vst.idx.msk $0xffff, v0  }
0x243: {  	v1 =	vld [tilespmem:$0x104B0];
	_ =	sdelay $0x4  }
0x244: {  	v1 =	vadd.s32 $0x5800, v1;
	_ =	sdelay $0x4  }
0x245: {  	[tilespmem:v1+s2+$0x0] =	vst.idx.msk $0xffff, v0  }
0x246: {  	v1 =	vld [tilespmem:$0x104C0];
	_ =	sdelay $0x4  }
0x247: {  	v1 =	vadd.s32 $0x6000, v1;
	_ =	sdelay $0x4  }
0x248: {  	[tilespmem:v1+s2+$0x0] =	vst.idx.msk $0xffff, v0  }
0x249: {  	v1 =	vld [tilespmem:$0x104D0];
	_ =	sdelay $0x4  }
0x24a: {  	v1 =	vadd.s32 $0x6800, v1;
	_ =	sdelay $0x4  }
0x24b: {  	[tilespmem:v1+s2+$0x0] =	vst.idx.msk $0xffff, v0  }
0x24c: {  	v1 =	vld [tilespmem:$0x104E0];
	_ =	sdelay $0x4  }
0x24d: {  	v1 =	vadd.s32 $0x7000, v1;
	_ =	sdelay $0x4  }
0x24e: {  	[tilespmem:v1+s2+$0x0] =	vst.idx.msk $0xffff, v0  }
0x24f: {  	v1 =	vld [tilespmem:$0x104F0];
	_ =	sdelay $0x4  }
0x250: {  	v1 =	vadd.s32 $0x7800, v1;
	_ =	sdelay $0x4  }
0x251: {  	[tilespmem:v1+s2+$0x0] =	vst.idx.msk $0xffff, v0  }
0x252: {  	v1 =	vld [tilespmem:$0x10600];
	_ =	sdelay $0x2  }
0x253: {  	v2 =	vld [tilespmem:$0x11200];
	_ =	sdelay $0x4  }
0x254: {  	[tilespmem:v1+s2+$0x0] =	vst.idx.msk $0xffff, v2  }
0x255: {  	v1 =	vld [tilespmem:$0x10610];
	_ =	sdelay $0x4  }
0x256: {  	v2 =	vld [tilespmem:$0x11210];
	v1 =	vadd.s32 $0x800, v1;
	_ =	sdelay $0x4  }
0x257: {  	[tilespmem:v1+s2+$0x0] =	vst.idx.msk $0xffff, v2  }
0x258: {  	v1 =	vld [tilespmem:$0x10620];
	_ =	sdelay $0x4  }
0x259: {  	v2 =	vld [tilespmem:$0x11220];
	v1 =	vadd.s32 $0x1000, v1;
	_ =	sdelay $0x4  }
0x25a: {  	[tilespmem:v1+s2+$0x0] =	vst.idx.msk $0xffff, v2  }
0x25b: {  	v1 =	vld [tilespmem:$0x10630];
	_ =	sdelay $0x4  }
0x25c: {  	v2 =	vld [tilespmem:$0x11230];
	v1 =	vadd.s32 $0x1800, v1;
	_ =	sdelay $0x4  }
0x25d: {  	[tilespmem:v1+s2+$0x0] =	vst.idx.msk $0xffff, v2  }
0x25e: {  	v1 =	vld [tilespmem:$0x10640];
	_ =	sdelay $0x4  }
0x25f: {  	v2 =	vld [tilespmem:$0x11240];
	v1 =	vadd.s32 $0x2000, v1;
	_ =	sdelay $0x4  }
0x260: {  	[tilespmem:v1+s2+$0x0] =	vst.idx.msk $0xffff, v2  }
0x261: {  	v1 =	vld [tilespmem:$0x10650];
	_ =	sdelay $0x4  }
0x262: {  	v2 =	vld [tilespmem:$0x11250];
	v1 =	vadd.s32 $0x2800, v1;
	_ =	sdelay $0x4  }
0x263: {  	[tilespmem:v1+s2+$0x0] =	vst.idx.msk $0xffff, v2  }
0x264: {  	v1 =	vld [tilespmem:$0x10660];
	_ =	sdelay $0x4  }
0x265: {  	v2 =	vld [tilespmem:$0x11260];
	v1 =	vadd.s32 $0x3000, v1;
	_ =	sdelay $0x4  }
0x266: {  	[tilespmem:v1+s2+$0x0] =	vst.idx.msk $0xffff, v2  }
0x267: {  	v1 =	vld [tilespmem:$0x10670];
	_ =	sdelay $0x4  }
0x268: {  	v2 =	vld [tilespmem:$0x11270];
	v1 =	vadd.s32 $0x3800, v1;
	_ =	sdelay $0x4  }
0x269: {  	[tilespmem:v1+s2+$0x0] =	vst.idx.msk $0xffff, v2  }
0x26a: {  	v1 =	vld [tilespmem:$0x10680];
	_ =	sdelay $0x4  }
0x26b: {  	v2 =	vld [tilespmem:$0x11280];
	v1 =	vadd.s32 $0x4000, v1;
	_ =	sdelay $0x4  }
0x26c: {  	[tilespmem:v1+s2+$0x0] =	vst.idx.msk $0xffff, v2  }
0x26d: {  	v1 =	vld [tilespmem:$0x10690];
	_ =	sdelay $0x4  }
0x26e: {  	v2 =	vld [tilespmem:$0x11290];
	v1 =	vadd.s32 $0x4800, v1;
	_ =	sdelay $0x4  }
0x26f: {  	[tilespmem:v1+s2+$0x0] =	vst.idx.msk $0xffff, v2  }
0x270: {  	v1 =	vld [tilespmem:$0x106A0];
	_ =	sdelay $0x4  }
0x271: {  	v2 =	vld [tilespmem:$0x112A0];
	v1 =	vadd.s32 $0x5000, v1;
	_ =	sdelay $0x4  }
0x272: {  	[tilespmem:v1+s2+$0x0] =	vst.idx.msk $0xffff, v2  }
0x273: {  	v1 =	vld [tilespmem:$0x106B0];
	_ =	sdelay $0x4  }
0x274: {  	v2 =	vld [tilespmem:$0x112B0];
	v1 =	vadd.s32 $0x5800, v1;
	_ =	sdelay $0x4  }
0x275: {  	[tilespmem:v1+s2+$0x0] =	vst.idx.msk $0xffff, v2  }
0x276: {  	v1 =	vld [tilespmem:$0x106C0];
	_ =	sdelay $0x4  }
0x277: {  	v2 =	vld [tilespmem:$0x112C0];
	v1 =	vadd.s32 $0x6000, v1;
	_ =	sdelay $0x4  }
0x278: {  	[tilespmem:v1+s2+$0x0] =	vst.idx.msk $0xffff, v2  }
0x279: {  	v1 =	vld [tilespmem:$0x106D0];
	_ =	sdelay $0x4  }
0x27a: {  	v2 =	vld [tilespmem:$0x112D0];
	v1 =	vadd.s32 $0x6800, v1;
	_ =	sdelay $0x4  }
0x27b: {  	[tilespmem:v1+s2+$0x0] =	vst.idx.msk $0xffff, v2  }
0x27c: {  	v1 =	vld [tilespmem:$0x106E0];
	_ =	sdelay $0x4  }
0x27d: {  	v2 =	vld [tilespmem:$0x112E0];
	v1 =	vadd.s32 $0x7000, v1;
	_ =	sdelay $0x4  }
0x27e: {  	[tilespmem:v1+s2+$0x0] =	vst.idx.msk $0xffff, v2  }
0x27f: {  	v1 =	vld [tilespmem:$0x106F0];
	_ =	sdelay $0x4  }
0x280: {  	v2 =	vld [tilespmem:$0x112F0];
	v1 =	vadd.s32 $0x7800, v1;
	_ =	sdelay $0x4  }
0x281: {  	[tilespmem:v1+s2+$0x0] =	vst.idx.msk $0xffff, v2  }
0x282: {  	[hbm4b:s15+s2] =	stream.linear.scatter [tilespmem:s2], [sflag:$0x1], $0x8000, $0x38;
	[tilespmem:$0x11800] =	vst v63  }
0x283: {  	_ =	swait.ge [sflag:s0], $0x8000  }
0x284: {  	[sflag:s0] =	ssyncset.done $0x0  }
0x285: {  	[sflag:s0] =	ssyncadd.s32 $0xFFFF8000  }
0x286: {  	v1 =	vld [tilespmem:$0x10500];
	_ =	sdelay $0x7  }
0x287: {  	[tilespmem:v1+s30+$0x0] =	vst.idx.msk $0xffff, v0  }
0x288: {  	v1 =	vld [tilespmem:$0x10510];
	_ =	sdelay $0x4  }
0x289: {  	v1 =	vadd.s32 $0x800, v1;
	_ =	sdelay $0x4  }
0x28a: {  	[tilespmem:v1+s30+$0x0] =	vst.idx.msk $0xffff, v0  }
0x28b: {  	v1 =	vld [tilespmem:$0x10520];
	_ =	sdelay $0x4  }
0x28c: {  	v1 =	vadd.s32 $0x1000, v1;
	_ =	sdelay $0x4  }
0x28d: {  	[tilespmem:v1+s30+$0x0] =	vst.idx.msk $0xffff, v0  }
0x28e: {  	v1 =	vld [tilespmem:$0x10530];
	_ =	sdelay $0x4  }
0x28f: {  	v1 =	vadd.s32 $0x1800, v1;
	_ =	sdelay $0x4  }
0x290: {  	[tilespmem:v1+s30+$0x0] =	vst.idx.msk $0xffff, v0  }
0x291: {  	v1 =	vld [tilespmem:$0x10540];
	_ =	sdelay $0x4  }
0x292: {  	v1 =	vadd.s32 $0x2000, v1;
	_ =	sdelay $0x4  }
0x293: {  	[tilespmem:v1+s30+$0x0] =	vst.idx.msk $0xffff, v0  }
0x294: {  	v1 =	vld [tilespmem:$0x10550];
	_ =	sdelay $0x4  }
0x295: {  	v1 =	vadd.s32 $0x2800, v1;
	_ =	sdelay $0x4  }
0x296: {  	[tilespmem:v1+s30+$0x0] =	vst.idx.msk $0xffff, v0  }
0x297: {  	v1 =	vld [tilespmem:$0x10560];
	_ =	sdelay $0x4  }
0x298: {  	v1 =	vadd.s32 $0x3000, v1;
	_ =	sdelay $0x4  }
0x299: {  	[tilespmem:v1+s30+$0x0] =	vst.idx.msk $0xffff, v0  }
0x29a: {  	v1 =	vld [tilespmem:$0x10570];
	_ =	sdelay $0x4  }
0x29b: {  	v1 =	vadd.s32 $0x3800, v1;
	_ =	sdelay $0x4  }
0x29c: {  	[tilespmem:v1+s30+$0x0] =	vst.idx.msk $0xffff, v0  }
0x29d: {  	v1 =	vld [tilespmem:$0x10580];
	_ =	sdelay $0x4  }
0x29e: {  	v1 =	vadd.s32 $0x4000, v1;
	_ =	sdelay $0x4  }
0x29f: {  	[tilespmem:v1+s30+$0x0] =	vst.idx.msk $0xffff, v0  }
0x2a0: {  	v1 =	vld [tilespmem:$0x10590];
	_ =	sdelay $0x4  }
0x2a1: {  	v1 =	vadd.s32 $0x4800, v1;
	_ =	sdelay $0x4  }
0x2a2: {  	[tilespmem:v1+s30+$0x0] =	vst.idx.msk $0xffff, v0  }
0x2a3: {  	v1 =	vld [tilespmem:$0x105A0];
	_ =	sdelay $0x4  }
0x2a4: {  	v1 =	vadd.s32 $0x5000, v1;
	_ =	sdelay $0x4  }
0x2a5: {  	[tilespmem:v1+s30+$0x0] =	vst.idx.msk $0xffff, v0  }
0x2a6: {  	v1 =	vld [tilespmem:$0x105B0];
	_ =	sdelay $0x4  }
0x2a7: {  	v1 =	vadd.s32 $0x5800, v1;
	_ =	sdelay $0x4  }
0x2a8: {  	[tilespmem:v1+s30+$0x0] =	vst.idx.msk $0xffff, v0  }
0x2a9: {  	v1 =	vld [tilespmem:$0x105C0];
	_ =	sdelay $0x4  }
0x2aa: {  	v1 =	vadd.s32 $0x6000, v1;
	_ =	sdelay $0x4  }
0x2ab: {  	[tilespmem:v1+s30+$0x0] =	vst.idx.msk $0xffff, v0  }
0x2ac: {  	v1 =	vld [tilespmem:$0x105D0];
	_ =	sdelay $0x4  }
0x2ad: {  	v1 =	vadd.s32 $0x6800, v1;
	_ =	sdelay $0x4  }
0x2ae: {  	[tilespmem:v1+s30+$0x0] =	vst.idx.msk $0xffff, v0  }
0x2af: {  	v1 =	vld [tilespmem:$0x105E0];
	_ =	sdelay $0x4  }
0x2b0: {  	v1 =	vadd.s32 $0x7000, v1;
	_ =	sdelay $0x4  }
0x2b1: {  	[tilespmem:v1+s30+$0x0] =	vst.idx.msk $0xffff, v0  }
0x2b2: {  	v1 =	vld [tilespmem:$0x105F0];
	_ =	sdelay $0x4  }
0x2b3: {  	v1 =	vadd.s32 $0x7800, v1;
	_ =	sdelay $0x4  }
0x2b4: {  	[tilespmem:v1+s30+$0x0] =	vst.idx.msk $0xffff, v0  }
0x2b5: {  	v1 =	vld [tilespmem:$0x10700];
	_ =	sdelay $0x2  }
0x2b6: {  	v2 =	vld [tilespmem:$0x11300];
	_ =	sdelay $0x4  }
0x2b7: {  	[tilespmem:v1+s30+$0x0] =	vst.idx.msk $0xffff, v2  }
0x2b8: {  	v1 =	vld [tilespmem:$0x10710];
	_ =	sdelay $0x4  }
0x2b9: {  	v2 =	vld [tilespmem:$0x11310];
	v1 =	vadd.s32 $0x800, v1;
	_ =	sdelay $0x4  }
0x2ba: {  	[tilespmem:v1+s30+$0x0] =	vst.idx.msk $0xffff, v2  }
0x2bb: {  	v1 =	vld [tilespmem:$0x10720];
	_ =	sdelay $0x4  }
0x2bc: {  	v2 =	vld [tilespmem:$0x11320];
	v1 =	vadd.s32 $0x1000, v1;
	_ =	sdelay $0x4  }
0x2bd: {  	[tilespmem:v1+s30+$0x0] =	vst.idx.msk $0xffff, v2  }
0x2be: {  	v1 =	vld [tilespmem:$0x10730];
	_ =	sdelay $0x4  }
0x2bf: {  	v2 =	vld [tilespmem:$0x11330];
	v1 =	vadd.s32 $0x1800, v1;
	_ =	sdelay $0x4  }
0x2c0: {  	[tilespmem:v1+s30+$0x0] =	vst.idx.msk $0xffff, v2  }
0x2c1: {  	v1 =	vld [tilespmem:$0x10740];
	_ =	sdelay $0x4  }
0x2c2: {  	v2 =	vld [tilespmem:$0x11340];
	v1 =	vadd.s32 $0x2000, v1;
	_ =	sdelay $0x4  }
0x2c3: {  	[tilespmem:v1+s30+$0x0] =	vst.idx.msk $0xffff, v2  }
0x2c4: {  	v1 =	vld [tilespmem:$0x10750];
	_ =	sdelay $0x4  }
0x2c5: {  	v2 =	vld [tilespmem:$0x11350];
	v1 =	vadd.s32 $0x2800, v1;
	_ =	sdelay $0x4  }
0x2c6: {  	[tilespmem:v1+s30+$0x0] =	vst.idx.msk $0xffff, v2  }
0x2c7: {  	v1 =	vld [tilespmem:$0x10760];
	_ =	sdelay $0x4  }
0x2c8: {  	v2 =	vld [tilespmem:$0x11360];
	v1 =	vadd.s32 $0x3000, v1;
	_ =	sdelay $0x4  }
0x2c9: {  	[tilespmem:v1+s30+$0x0] =	vst.idx.msk $0xffff, v2  }
0x2ca: {  	v1 =	vld [tilespmem:$0x10770];
	_ =	sdelay $0x4  }
0x2cb: {  	v2 =	vld [tilespmem:$0x11370];
	v1 =	vadd.s32 $0x3800, v1;
	_ =	sdelay $0x4  }
0x2cc: {  	[tilespmem:v1+s30+$0x0] =	vst.idx.msk $0xffff, v2  }
0x2cd: {  	v1 =	vld [tilespmem:$0x10780];
	_ =	sdelay $0x4  }
0x2ce: {  	v2 =	vld [tilespmem:$0x11380];
	v1 =	vadd.s32 $0x4000, v1;
	_ =	sdelay $0x4  }
0x2cf: {  	[tilespmem:v1+s30+$0x0] =	vst.idx.msk $0xffff, v2  }
0x2d0: {  	v1 =	vld [tilespmem:$0x10790];
	_ =	sdelay $0x4  }
0x2d1: {  	v2 =	vld [tilespmem:$0x11390];
	v1 =	vadd.s32 $0x4800, v1;
	_ =	sdelay $0x4  }
0x2d2: {  	[tilespmem:v1+s30+$0x0] =	vst.idx.msk $0xffff, v2  }
0x2d3: {  	v1 =	vld [tilespmem:$0x107A0];
	_ =	sdelay $0x4  }
0x2d4: {  	v2 =	vld [tilespmem:$0x113A0];
	v1 =	vadd.s32 $0x5000, v1;
	_ =	sdelay $0x4  }
0x2d5: {  	[tilespmem:v1+s30+$0x0] =	vst.idx.msk $0xffff, v2  }
0x2d6: {  	v1 =	vld [tilespmem:$0x107B0];
	_ =	sdelay $0x4  }
0x2d7: {  	v2 =	vld [tilespmem:$0x113B0];
	v1 =	vadd.s32 $0x5800, v1;
	_ =	sdelay $0x4  }
0x2d8: {  	[tilespmem:v1+s30+$0x0] =	vst.idx.msk $0xffff, v2  }
0x2d9: {  	v1 =	vld [tilespmem:$0x107C0];
	_ =	sdelay $0x4  }
0x2da: {  	v2 =	vld [tilespmem:$0x113C0];
	v1 =	vadd.s32 $0x6000, v1;
	_ =	sdelay $0x4  }
0x2db: {  	[tilespmem:v1+s30+$0x0] =	vst.idx.msk $0xffff, v2  }
0x2dc: {  	v1 =	vld [tilespmem:$0x107D0];
	_ =	sdelay $0x4  }
0x2dd: {  	v2 =	vld [tilespmem:$0x113D0];
	v1 =	vadd.s32 $0x6800, v1;
	_ =	sdelay $0x4  }
0x2de: {  	[tilespmem:v1+s30+$0x0] =	vst.idx.msk $0xffff, v2  }
0x2df: {  	v1 =	vld [tilespmem:$0x107E0];
	_ =	sdelay $0x4  }
0x2e0: {  	v2 =	vld [tilespmem:$0x113E0];
	v1 =	vadd.s32 $0x7000, v1;
	_ =	sdelay $0x4  }
0x2e1: {  	[tilespmem:v1+s30+$0x0] =	vst.idx.msk $0xffff, v2  }
0x2e2: {  	v1 =	vld [tilespmem:$0x107F0];
	_ =	sdelay $0x4  }
0x2e3: {  	v2 =	vld [tilespmem:$0x113F0];
	v1 =	vadd.s32 $0x7800, v1;
	_ =	sdelay $0x4  }
0x2e4: {  	[tilespmem:v1+s30+$0x0] =	vst.idx.msk $0xffff, v2  }
0x2e5: {  	[hbm4b:s16+s2] =	stream.linear.scatter [tilespmem:s30], [sflag:$0x2], $0x8000, $0x38;
	[tilespmem:$0x11800] =	vst v63  }
0x2e6: {  	_ =	swait.ge [sflag:s31], $0x8000  }
0x2e7: {  	[sflag:s31] =	ssyncset.done $0x0  }
0x2e8: {  	[sflag:s31] =	ssyncadd.s32 $0xFFFF8000  }
0x2e9: {  	v1 =	vld [tilespmem:$0x10600];
	_ =	sdelay $0x7  }
0x2ea: {  	[tilespmem:v1+s2+$0x0] =	vst.idx.msk $0xffff, v0  }
0x2eb: {  	v1 =	vld [tilespmem:$0x10610];
	_ =	sdelay $0x4  }
0x2ec: {  	v1 =	vadd.s32 $0x800, v1;
	_ =	sdelay $0x4  }
0x2ed: {  	[tilespmem:v1+s2+$0x0] =	vst.idx.msk $0xffff, v0  }
0x2ee: {  	v1 =	vld [tilespmem:$0x10620];
	_ =	sdelay $0x4  }
0x2ef: {  	v1 =	vadd.s32 $0x1000, v1;
	_ =	sdelay $0x4  }
0x2f0: {  	[tilespmem:v1+s2+$0x0] =	vst.idx.msk $0xffff, v0  }
0x2f1: {  	v1 =	vld [tilespmem:$0x10630];
	_ =	sdelay $0x4  }
0x2f2: {  	v1 =	vadd.s32 $0x1800, v1;
	_ =	sdelay $0x4  }
0x2f3: {  	[tilespmem:v1+s2+$0x0] =	vst.idx.msk $0xffff, v0  }
0x2f4: {  	v1 =	vld [tilespmem:$0x10640];
	_ =	sdelay $0x4  }
0x2f5: {  	v1 =	vadd.s32 $0x2000, v1;
	_ =	sdelay $0x4  }
0x2f6: {  	[tilespmem:v1+s2+$0x0] =	vst.idx.msk $0xffff, v0  }
0x2f7: {  	v1 =	vld [tilespmem:$0x10650];
	_ =	sdelay $0x4  }
0x2f8: {  	v1 =	vadd.s32 $0x2800, v1;
	_ =	sdelay $0x4  }
0x2f9: {  	[tilespmem:v1+s2+$0x0] =	vst.idx.msk $0xffff, v0  }
0x2fa: {  	v1 =	vld [tilespmem:$0x10660];
	_ =	sdelay $0x4  }
0x2fb: {  	v1 =	vadd.s32 $0x3000, v1;
	_ =	sdelay $0x4  }
0x2fc: {  	[tilespmem:v1+s2+$0x0] =	vst.idx.msk $0xffff, v0  }
0x2fd: {  	v1 =	vld [tilespmem:$0x10670];
	_ =	sdelay $0x4  }
0x2fe: {  	v1 =	vadd.s32 $0x3800, v1;
	_ =	sdelay $0x4  }
0x2ff: {  	[tilespmem:v1+s2+$0x0] =	vst.idx.msk $0xffff, v0  }
0x300: {  	v1 =	vld [tilespmem:$0x10680];
	_ =	sdelay $0x4  }
0x301: {  	v1 =	vadd.s32 $0x4000, v1;
	_ =	sdelay $0x4  }
0x302: {  	[tilespmem:v1+s2+$0x0] =	vst.idx.msk $0xffff, v0  }
0x303: {  	v1 =	vld [tilespmem:$0x10690];
	_ =	sdelay $0x4  }
0x304: {  	v1 =	vadd.s32 $0x4800, v1;
	_ =	sdelay $0x4  }
0x305: {  	[tilespmem:v1+s2+$0x0] =	vst.idx.msk $0xffff, v0  }
0x306: {  	v1 =	vld [tilespmem:$0x106A0];
	_ =	sdelay $0x4  }
0x307: {  	v1 =	vadd.s32 $0x5000, v1;
	_ =	sdelay $0x4  }
0x308: {  	[tilespmem:v1+s2+$0x0] =	vst.idx.msk $0xffff, v0  }
0x309: {  	v1 =	vld [tilespmem:$0x106B0];
	_ =	sdelay $0x4  }
0x30a: {  	v1 =	vadd.s32 $0x5800, v1;
	_ =	sdelay $0x4  }
0x30b: {  	[tilespmem:v1+s2+$0x0] =	vst.idx.msk $0xffff, v0  }
0x30c: {  	v1 =	vld [tilespmem:$0x106C0];
	_ =	sdelay $0x4  }
0x30d: {  	v1 =	vadd.s32 $0x6000, v1;
	_ =	sdelay $0x4  }
0x30e: {  	[tilespmem:v1+s2+$0x0] =	vst.idx.msk $0xffff, v0  }
0x30f: {  	v1 =	vld [tilespmem:$0x106D0];
	_ =	sdelay $0x4  }
0x310: {  	v1 =	vadd.s32 $0x6800, v1;
	_ =	sdelay $0x4  }
0x311: {  	[tilespmem:v1+s2+$0x0] =	vst.idx.msk $0xffff, v0  }
0x312: {  	v1 =	vld [tilespmem:$0x106E0];
	_ =	sdelay $0x4  }
0x313: {  	v1 =	vadd.s32 $0x7000, v1;
	_ =	sdelay $0x4  }
0x314: {  	[tilespmem:v1+s2+$0x0] =	vst.idx.msk $0xffff, v0  }
0x315: {  	v1 =	vld [tilespmem:$0x106F0];
	_ =	sdelay $0x4  }
0x316: {  	v1 =	vadd.s32 $0x7800, v1;
	_ =	sdelay $0x4  }
0x317: {  	[tilespmem:v1+s2+$0x0] =	vst.idx.msk $0xffff, v0  }
0x318: {  	v1 =	vld [tilespmem:$0x10800];
	_ =	sdelay $0x2  }
0x319: {  	v2 =	vld [tilespmem:$0x11400];
	_ =	sdelay $0x4  }
0x31a: {  	[tilespmem:v1+s2+$0x0] =	vst.idx.msk $0xffff, v2  }
0x31b: {  	v1 =	vld [tilespmem:$0x10810];
	_ =	sdelay $0x4  }
0x31c: {  	v2 =	vld [tilespmem:$0x11410];
	v1 =	vadd.s32 $0x800, v1;
	_ =	sdelay $0x4  }
0x31d: {  	[tilespmem:v1+s2+$0x0] =	vst.idx.msk $0xffff, v2  }
0x31e: {  	v1 =	vld [tilespmem:$0x10820];
	_ =	sdelay $0x4  }
0x31f: {  	v2 =	vld [tilespmem:$0x11420];
	v1 =	vadd.s32 $0x1000, v1;
	_ =	sdelay $0x4  }
0x320: {  	[tilespmem:v1+s2+$0x0] =	vst.idx.msk $0xffff, v2  }
0x321: {  	v1 =	vld [tilespmem:$0x10830];
	_ =	sdelay $0x4  }
0x322: {  	v2 =	vld [tilespmem:$0x11430];
	v1 =	vadd.s32 $0x1800, v1;
	_ =	sdelay $0x4  }
0x323: {  	[tilespmem:v1+s2+$0x0] =	vst.idx.msk $0xffff, v2  }
0x324: {  	v1 =	vld [tilespmem:$0x10840];
	_ =	sdelay $0x4  }
0x325: {  	v2 =	vld [tilespmem:$0x11440];
	v1 =	vadd.s32 $0x2000, v1;
	_ =	sdelay $0x4  }
0x326: {  	[tilespmem:v1+s2+$0x0] =	vst.idx.msk $0xffff, v2  }
0x327: {  	v1 =	vld [tilespmem:$0x10850];
	_ =	sdelay $0x4  }
0x328: {  	v2 =	vld [tilespmem:$0x11450];
	v1 =	vadd.s32 $0x2800, v1;
	_ =	sdelay $0x4  }
0x329: {  	[tilespmem:v1+s2+$0x0] =	vst.idx.msk $0xffff, v2  }
0x32a: {  	v1 =	vld [tilespmem:$0x10860];
	_ =	sdelay $0x4  }
0x32b: {  	v2 =	vld [tilespmem:$0x11460];
	v1 =	vadd.s32 $0x3000, v1;
	_ =	sdelay $0x4  }
0x32c: {  	[tilespmem:v1+s2+$0x0] =	vst.idx.msk $0xffff, v2  }
0x32d: {  	v1 =	vld [tilespmem:$0x10870];
	_ =	sdelay $0x4  }
0x32e: {  	v2 =	vld [tilespmem:$0x11470];
	v1 =	vadd.s32 $0x3800, v1;
	_ =	sdelay $0x4  }
0x32f: {  	[tilespmem:v1+s2+$0x0] =	vst.idx.msk $0xffff, v2  }
0x330: {  	v1 =	vld [tilespmem:$0x10880];
	_ =	sdelay $0x4  }
0x331: {  	v2 =	vld [tilespmem:$0x11480];
	v1 =	vadd.s32 $0x4000, v1;
	_ =	sdelay $0x4  }
0x332: {  	[tilespmem:v1+s2+$0x0] =	vst.idx.msk $0xffff, v2  }
0x333: {  	v1 =	vld [tilespmem:$0x10890];
	_ =	sdelay $0x4  }
0x334: {  	v2 =	vld [tilespmem:$0x11490];
	v1 =	vadd.s32 $0x4800, v1;
	_ =	sdelay $0x4  }
0x335: {  	[tilespmem:v1+s2+$0x0] =	vst.idx.msk $0xffff, v2  }
0x336: {  	v1 =	vld [tilespmem:$0x108A0];
	_ =	sdelay $0x4  }
0x337: {  	v2 =	vld [tilespmem:$0x114A0];
	v1 =	vadd.s32 $0x5000, v1;
	_ =	sdelay $0x4  }
0x338: {  	[tilespmem:v1+s2+$0x0] =	vst.idx.msk $0xffff, v2  }
0x339: {  	v1 =	vld [tilespmem:$0x108B0];
	_ =	sdelay $0x4  }
0x33a: {  	v2 =	vld [tilespmem:$0x114B0];
	v1 =	vadd.s32 $0x5800, v1;
	_ =	sdelay $0x4  }
0x33b: {  	[tilespmem:v1+s2+$0x0] =	vst.idx.msk $0xffff, v2  }
0x33c: {  	v1 =	vld [tilespmem:$0x108C0];
	_ =	sdelay $0x4  }
0x33d: {  	v2 =	vld [tilespmem:$0x114C0];
	v1 =	vadd.s32 $0x6000, v1;
	_ =	sdelay $0x4  }
0x33e: {  	[tilespmem:v1+s2+$0x0] =	vst.idx.msk $0xffff, v2  }
0x33f: {  	v1 =	vld [tilespmem:$0x108D0];
	_ =	sdelay $0x4  }
0x340: {  	v2 =	vld [tilespmem:$0x114D0];
	v1 =	vadd.s32 $0x6800, v1;
	_ =	sdelay $0x4  }
0x341: {  	[tilespmem:v1+s2+$0x0] =	vst.idx.msk $0xffff, v2  }
0x342: {  	v1 =	vld [tilespmem:$0x108E0];
	_ =	sdelay $0x4  }
0x343: {  	v2 =	vld [tilespmem:$0x114E0];
	v1 =	vadd.s32 $0x7000, v1;
	_ =	sdelay $0x4  }
0x344: {  	[tilespmem:v1+s2+$0x0] =	vst.idx.msk $0xffff, v2  }
0x345: {  	v1 =	vld [tilespmem:$0x108F0];
	_ =	sdelay $0x4  }
0x346: {  	v2 =	vld [tilespmem:$0x114F0];
	v1 =	vadd.s32 $0x7800, v1;
	_ =	sdelay $0x4  }
0x347: {  	[tilespmem:v1+s2+$0x0] =	vst.idx.msk $0xffff, v2  }
0x348: {  	[hbm4b:s17+s2] =	stream.linear.scatter [tilespmem:s2], [sflag:$0x1], $0x8000, $0x38;
	[tilespmem:$0x11800] =	vst v63  }
0x349: {  	_ =	swait.ge [sflag:s0], $0x8000  }
0x34a: {  	[sflag:s0] =	ssyncset.done $0x0  }
0x34b: {  	[sflag:s0] =	ssyncadd.s32 $0xFFFF8000  }
0x34c: {  	v1 =	vld [tilespmem:$0x10700];
	_ =	sdelay $0x7  }
0x34d: {  	[tilespmem:v1+s30+$0x0] =	vst.idx.msk $0xffff, v0  }
0x34e: {  	v1 =	vld [tilespmem:$0x10710];
	_ =	sdelay $0x4  }
0x34f: {  	v1 =	vadd.s32 $0x800, v1;
	_ =	sdelay $0x4  }
0x350: {  	[tilespmem:v1+s30+$0x0] =	vst.idx.msk $0xffff, v0  }
0x351: {  	v1 =	vld [tilespmem:$0x10720];
	_ =	sdelay $0x4  }
0x352: {  	v1 =	vadd.s32 $0x1000, v1;
	_ =	sdelay $0x4  }
0x353: {  	[tilespmem:v1+s30+$0x0] =	vst.idx.msk $0xffff, v0  }
0x354: {  	v1 =	vld [tilespmem:$0x10730];
	_ =	sdelay $0x4  }
0x355: {  	v1 =	vadd.s32 $0x1800, v1;
	_ =	sdelay $0x4  }
0x356: {  	[tilespmem:v1+s30+$0x0] =	vst.idx.msk $0xffff, v0  }
0x357: {  	v1 =	vld [tilespmem:$0x10740];
	_ =	sdelay $0x4  }
0x358: {  	v1 =	vadd.s32 $0x2000, v1;
	_ =	sdelay $0x4  }
0x359: {  	[tilespmem:v1+s30+$0x0] =	vst.idx.msk $0xffff, v0  }
0x35a: {  	v1 =	vld [tilespmem:$0x10750];
	_ =	sdelay $0x4  }
0x35b: {  	v1 =	vadd.s32 $0x2800, v1;
	_ =	sdelay $0x4  }
0x35c: {  	[tilespmem:v1+s30+$0x0] =	vst.idx.msk $0xffff, v0  }
0x35d: {  	v1 =	vld [tilespmem:$0x10760];
	_ =	sdelay $0x4  }
0x35e: {  	v1 =	vadd.s32 $0x3000, v1;
	_ =	sdelay $0x4  }
0x35f: {  	[tilespmem:v1+s30+$0x0] =	vst.idx.msk $0xffff, v0  }
0x360: {  	v1 =	vld [tilespmem:$0x10770];
	_ =	sdelay $0x4  }
0x361: {  	v1 =	vadd.s32 $0x3800, v1;
	_ =	sdelay $0x4  }
0x362: {  	[tilespmem:v1+s30+$0x0] =	vst.idx.msk $0xffff, v0  }
0x363: {  	v1 =	vld [tilespmem:$0x10780];
	_ =	sdelay $0x4  }
0x364: {  	v1 =	vadd.s32 $0x4000, v1;
	_ =	sdelay $0x4  }
0x365: {  	[tilespmem:v1+s30+$0x0] =	vst.idx.msk $0xffff, v0  }
0x366: {  	v1 =	vld [tilespmem:$0x10790];
	_ =	sdelay $0x4  }
0x367: {  	v1 =	vadd.s32 $0x4800, v1;
	_ =	sdelay $0x4  }
0x368: {  	[tilespmem:v1+s30+$0x0] =	vst.idx.msk $0xffff, v0  }
0x369: {  	v1 =	vld [tilespmem:$0x107A0];
	_ =	sdelay $0x4  }
0x36a: {  	v1 =	vadd.s32 $0x5000, v1;
	_ =	sdelay $0x4  }
0x36b: {  	[tilespmem:v1+s30+$0x0] =	vst.idx.msk $0xffff, v0  }
0x36c: {  	v1 =	vld [tilespmem:$0x107B0];
	_ =	sdelay $0x4  }
0x36d: {  	v1 =	vadd.s32 $0x5800, v1;
	_ =	sdelay $0x4  }
0x36e: {  	[tilespmem:v1+s30+$0x0] =	vst.idx.msk $0xffff, v0  }
0x36f: {  	v1 =	vld [tilespmem:$0x107C0];
	_ =	sdelay $0x4  }
0x370: {  	v1 =	vadd.s32 $0x6000, v1;
	_ =	sdelay $0x4  }
0x371: {  	[tilespmem:v1+s30+$0x0] =	vst.idx.msk $0xffff, v0  }
0x372: {  	v1 =	vld [tilespmem:$0x107D0];
	_ =	sdelay $0x4  }
0x373: {  	v1 =	vadd.s32 $0x6800, v1;
	_ =	sdelay $0x4  }
0x374: {  	[tilespmem:v1+s30+$0x0] =	vst.idx.msk $0xffff, v0  }
0x375: {  	v1 =	vld [tilespmem:$0x107E0];
	_ =	sdelay $0x4  }
0x376: {  	v1 =	vadd.s32 $0x7000, v1;
	_ =	sdelay $0x4  }
0x377: {  	[tilespmem:v1+s30+$0x0] =	vst.idx.msk $0xffff, v0  }
0x378: {  	v1 =	vld [tilespmem:$0x107F0];
	_ =	sdelay $0x4  }
0x379: {  	v1 =	vadd.s32 $0x7800, v1;
	_ =	sdelay $0x4  }
0x37a: {  	[tilespmem:v1+s30+$0x0] =	vst.idx.msk $0xffff, v0  }
0x37b: {  	v1 =	vld [tilespmem:$0x10900];
	_ =	sdelay $0x2  }
0x37c: {  	v2 =	vld [tilespmem:$0x11500];
	_ =	sdelay $0x4  }
0x37d: {  	[tilespmem:v1+s30+$0x0] =	vst.idx.msk $0xffff, v2  }
0x37e: {  	v1 =	vld [tilespmem:$0x10910];
	_ =	sdelay $0x4  }
0x37f: {  	v2 =	vld [tilespmem:$0x11510];
	v1 =	vadd.s32 $0x800, v1;
	_ =	sdelay $0x4  }
0x380: {  	[tilespmem:v1+s30+$0x0] =	vst.idx.msk $0xffff, v2  }
0x381: {  	v1 =	vld [tilespmem:$0x10920];
	_ =	sdelay $0x4  }
0x382: {  	v2 =	vld [tilespmem:$0x11520];
	v1 =	vadd.s32 $0x1000, v1;
	_ =	sdelay $0x4  }
0x383: {  	[tilespmem:v1+s30+$0x0] =	vst.idx.msk $0xffff, v2  }
0x384: {  	v1 =	vld [tilespmem:$0x10930];
	_ =	sdelay $0x4  }
0x385: {  	v2 =	vld [tilespmem:$0x11530];
	v1 =	vadd.s32 $0x1800, v1;
	_ =	sdelay $0x4  }
0x386: {  	[tilespmem:v1+s30+$0x0] =	vst.idx.msk $0xffff, v2  }
0x387: {  	v1 =	vld [tilespmem:$0x10940];
	_ =	sdelay $0x4  }
0x388: {  	v2 =	vld [tilespmem:$0x11540];
	v1 =	vadd.s32 $0x2000, v1;
	_ =	sdelay $0x4  }
0x389: {  	[tilespmem:v1+s30+$0x0] =	vst.idx.msk $0xffff, v2  }
0x38a: {  	v1 =	vld [tilespmem:$0x10950];
	_ =	sdelay $0x4  }
0x38b: {  	v2 =	vld [tilespmem:$0x11550];
	v1 =	vadd.s32 $0x2800, v1;
	_ =	sdelay $0x4  }
0x38c: {  	[tilespmem:v1+s30+$0x0] =	vst.idx.msk $0xffff, v2  }
0x38d: {  	v1 =	vld [tilespmem:$0x10960];
	_ =	sdelay $0x4  }
0x38e: {  	v2 =	vld [tilespmem:$0x11560];
	v1 =	vadd.s32 $0x3000, v1;
	_ =	sdelay $0x4  }
0x38f: {  	[tilespmem:v1+s30+$0x0] =	vst.idx.msk $0xffff, v2  }
0x390: {  	v1 =	vld [tilespmem:$0x10970];
	_ =	sdelay $0x4  }
0x391: {  	v2 =	vld [tilespmem:$0x11570];
	v1 =	vadd.s32 $0x3800, v1;
	_ =	sdelay $0x4  }
0x392: {  	[tilespmem:v1+s30+$0x0] =	vst.idx.msk $0xffff, v2  }
0x393: {  	v1 =	vld [tilespmem:$0x10980];
	_ =	sdelay $0x4  }
0x394: {  	v2 =	vld [tilespmem:$0x11580];
	v1 =	vadd.s32 $0x4000, v1;
	_ =	sdelay $0x4  }
0x395: {  	[tilespmem:v1+s30+$0x0] =	vst.idx.msk $0xffff, v2  }
0x396: {  	v1 =	vld [tilespmem:$0x10990];
	_ =	sdelay $0x4  }
0x397: {  	v2 =	vld [tilespmem:$0x11590];
	v1 =	vadd.s32 $0x4800, v1;
	_ =	sdelay $0x4  }
0x398: {  	[tilespmem:v1+s30+$0x0] =	vst.idx.msk $0xffff, v2  }
0x399: {  	v1 =	vld [tilespmem:$0x109A0];
	_ =	sdelay $0x4  }
0x39a: {  	v2 =	vld [tilespmem:$0x115A0];
	v1 =	vadd.s32 $0x5000, v1;
	_ =	sdelay $0x4  }
0x39b: {  	[tilespmem:v1+s30+$0x0] =	vst.idx.msk $0xffff, v2  }
0x39c: {  	v1 =	vld [tilespmem:$0x109B0];
	_ =	sdelay $0x4  }
0x39d: {  	v2 =	vld [tilespmem:$0x115B0];
	v1 =	vadd.s32 $0x5800, v1;
	_ =	sdelay $0x4  }
0x39e: {  	[tilespmem:v1+s30+$0x0] =	vst.idx.msk $0xffff, v2  }
0x39f: {  	v1 =	vld [tilespmem:$0x109C0];
	_ =	sdelay $0x4  }
0x3a0: {  	v2 =	vld [tilespmem:$0x115C0];
	v1 =	vadd.s32 $0x6000, v1;
	_ =	sdelay $0x4  }
0x3a1: {  	[tilespmem:v1+s30+$0x0] =	vst.idx.msk $0xffff, v2  }
0x3a2: {  	v1 =	vld [tilespmem:$0x109D0];
	_ =	sdelay $0x4  }
0x3a3: {  	v2 =	vld [tilespmem:$0x115D0];
	v1 =	vadd.s32 $0x6800, v1;
	_ =	sdelay $0x4  }
0x3a4: {  	[tilespmem:v1+s30+$0x0] =	vst.idx.msk $0xffff, v2  }
0x3a5: {  	v1 =	vld [tilespmem:$0x109E0];
	_ =	sdelay $0x4  }
0x3a6: {  	v2 =	vld [tilespmem:$0x115E0];
	v1 =	vadd.s32 $0x7000, v1;
	_ =	sdelay $0x4  }
0x3a7: {  	[tilespmem:v1+s30+$0x0] =	vst.idx.msk $0xffff, v2  }
0x3a8: {  	v1 =	vld [tilespmem:$0x109F0];
	_ =	sdelay $0x4  }
0x3a9: {  	v2 =	vld [tilespmem:$0x115F0];
	v1 =	vadd.s32 $0x7800, v1;
	_ =	sdelay $0x4  }
0x3aa: {  	[tilespmem:v1+s30+$0x0] =	vst.idx.msk $0xffff, v2  }
0x3ab: {  	[hbm4b:s18+s2] =	stream.linear.scatter [tilespmem:s30], [sflag:$0x2], $0x8000, $0x38;
	[tilespmem:$0x11800] =	vst v63  }
0x3ac: {  	_ =	swait.ge [sflag:s31], $0x8000  }
0x3ad: {  	[sflag:s31] =	ssyncset.done $0x0  }
0x3ae: {  	[sflag:s31] =	ssyncadd.s32 $0xFFFF8000  }
0x3af: {  	v1 =	vld [tilespmem:$0x10800];
	_ =	sdelay $0x7  }
0x3b0: {  	[tilespmem:v1+s2+$0x0] =	vst.idx.msk $0xffff, v0  }
0x3b1: {  	v1 =	vld [tilespmem:$0x10810];
	_ =	sdelay $0x4  }
0x3b2: {  	v1 =	vadd.s32 $0x800, v1;
	_ =	sdelay $0x4  }
0x3b3: {  	[tilespmem:v1+s2+$0x0] =	vst.idx.msk $0xffff, v0  }
0x3b4: {  	v1 =	vld [tilespmem:$0x10820];
	_ =	sdelay $0x4  }
0x3b5: {  	v1 =	vadd.s32 $0x1000, v1;
	_ =	sdelay $0x4  }
0x3b6: {  	[tilespmem:v1+s2+$0x0] =	vst.idx.msk $0xffff, v0  }
0x3b7: {  	v1 =	vld [tilespmem:$0x10830];
	_ =	sdelay $0x4  }
0x3b8: {  	v1 =	vadd.s32 $0x1800, v1;
	_ =	sdelay $0x4  }
0x3b9: {  	[tilespmem:v1+s2+$0x0] =	vst.idx.msk $0xffff, v0  }
0x3ba: {  	v1 =	vld [tilespmem:$0x10840];
	_ =	sdelay $0x4  }
0x3bb: {  	v1 =	vadd.s32 $0x2000, v1;
	_ =	sdelay $0x4  }
0x3bc: {  	[tilespmem:v1+s2+$0x0] =	vst.idx.msk $0xffff, v0  }
0x3bd: {  	v1 =	vld [tilespmem:$0x10850];
	_ =	sdelay $0x4  }
0x3be: {  	v1 =	vadd.s32 $0x2800, v1;
	_ =	sdelay $0x4  }
0x3bf: {  	[tilespmem:v1+s2+$0x0] =	vst.idx.msk $0xffff, v0  }
0x3c0: {  	v1 =	vld [tilespmem:$0x10860];
	_ =	sdelay $0x4  }
0x3c1: {  	v1 =	vadd.s32 $0x3000, v1;
	_ =	sdelay $0x4  }
0x3c2: {  	[tilespmem:v1+s2+$0x0] =	vst.idx.msk $0xffff, v0  }
0x3c3: {  	v1 =	vld [tilespmem:$0x10870];
	_ =	sdelay $0x4  }
0x3c4: {  	v1 =	vadd.s32 $0x3800, v1;
	_ =	sdelay $0x4  }
0x3c5: {  	[tilespmem:v1+s2+$0x0] =	vst.idx.msk $0xffff, v0  }
0x3c6: {  	v1 =	vld [tilespmem:$0x10880];
	_ =	sdelay $0x4  }
0x3c7: {  	v1 =	vadd.s32 $0x4000, v1;
	_ =	sdelay $0x4  }
0x3c8: {  	[tilespmem:v1+s2+$0x0] =	vst.idx.msk $0xffff, v0  }
0x3c9: {  	v1 =	vld [tilespmem:$0x10890];
	_ =	sdelay $0x4  }
0x3ca: {  	v1 =	vadd.s32 $0x4800, v1;
	_ =	sdelay $0x4  }
0x3cb: {  	[tilespmem:v1+s2+$0x0] =	vst.idx.msk $0xffff, v0  }
0x3cc: {  	v1 =	vld [tilespmem:$0x108A0];
	_ =	sdelay $0x4  }
0x3cd: {  	v1 =	vadd.s32 $0x5000, v1;
	_ =	sdelay $0x4  }
0x3ce: {  	[tilespmem:v1+s2+$0x0] =	vst.idx.msk $0xffff, v0  }
0x3cf: {  	v1 =	vld [tilespmem:$0x108B0];
	_ =	sdelay $0x4  }
0x3d0: {  	v1 =	vadd.s32 $0x5800, v1;
	_ =	sdelay $0x4  }
0x3d1: {  	[tilespmem:v1+s2+$0x0] =	vst.idx.msk $0xffff, v0  }
0x3d2: {  	v1 =	vld [tilespmem:$0x108C0];
	_ =	sdelay $0x4  }
0x3d3: {  	v1 =	vadd.s32 $0x6000, v1;
	_ =	sdelay $0x4  }
0x3d4: {  	[tilespmem:v1+s2+$0x0] =	vst.idx.msk $0xffff, v0  }
0x3d5: {  	v1 =	vld [tilespmem:$0x108D0];
	_ =	sdelay $0x4  }
0x3d6: {  	v1 =	vadd.s32 $0x6800, v1;
	_ =	sdelay $0x4  }
0x3d7: {  	[tilespmem:v1+s2+$0x0] =	vst.idx.msk $0xffff, v0  }
0x3d8: {  	v1 =	vld [tilespmem:$0x108E0];
	_ =	sdelay $0x4  }
0x3d9: {  	v1 =	vadd.s32 $0x7000, v1;
	_ =	sdelay $0x4  }
0x3da: {  	[tilespmem:v1+s2+$0x0] =	vst.idx.msk $0xffff, v0  }
0x3db: {  	v1 =	vld [tilespmem:$0x108F0];
	_ =	sdelay $0x4  }
0x3dc: {  	v1 =	vadd.s32 $0x7800, v1;
	_ =	sdelay $0x4  }
0x3dd: {  	[tilespmem:v1+s2+$0x0] =	vst.idx.msk $0xffff, v0  }
0x3de: {  	v1 =	vld [tilespmem:$0x10A00];
	_ =	sdelay $0x2  }
0x3df: {  	v2 =	vld [tilespmem:$0x11600];
	_ =	sdelay $0x4  }
0x3e0: {  	[tilespmem:v1+s2+$0x0] =	vst.idx.msk $0xffff, v2  }
0x3e1: {  	v1 =	vld [tilespmem:$0x10A10];
	_ =	sdelay $0x4  }
0x3e2: {  	v2 =	vld [tilespmem:$0x11610];
	v1 =	vadd.s32 $0x800, v1;
	_ =	sdelay $0x4  }
0x3e3: {  	[tilespmem:v1+s2+$0x0] =	vst.idx.msk $0xffff, v2  }
0x3e4: {  	v1 =	vld [tilespmem:$0x10A20];
	_ =	sdelay $0x4  }
0x3e5: {  	v2 =	vld [tilespmem:$0x11620];
	v1 =	vadd.s32 $0x1000, v1;
	_ =	sdelay $0x4  }
0x3e6: {  	[tilespmem:v1+s2+$0x0] =	vst.idx.msk $0xffff, v2  }
0x3e7: {  	v1 =	vld [tilespmem:$0x10A30];
	_ =	sdelay $0x4  }
0x3e8: {  	v2 =	vld [tilespmem:$0x11630];
	v1 =	vadd.s32 $0x1800, v1;
	_ =	sdelay $0x4  }
0x3e9: {  	[tilespmem:v1+s2+$0x0] =	vst.idx.msk $0xffff, v2  }
0x3ea: {  	v1 =	vld [tilespmem:$0x10A40];
	_ =	sdelay $0x4  }
0x3eb: {  	v2 =	vld [tilespmem:$0x11640];
	v1 =	vadd.s32 $0x2000, v1;
	_ =	sdelay $0x4  }
0x3ec: {  	[tilespmem:v1+s2+$0x0] =	vst.idx.msk $0xffff, v2  }
0x3ed: {  	v1 =	vld [tilespmem:$0x10A50];
	_ =	sdelay $0x4  }
0x3ee: {  	v2 =	vld [tilespmem:$0x11650];
	v1 =	vadd.s32 $0x2800, v1;
	_ =	sdelay $0x4  }
0x3ef: {  	[tilespmem:v1+s2+$0x0] =	vst.idx.msk $0xffff, v2  }
0x3f0: {  	v1 =	vld [tilespmem:$0x10A60];
	_ =	sdelay $0x4  }
0x3f1: {  	v2 =	vld [tilespmem:$0x11660];
	v1 =	vadd.s32 $0x3000, v1;
	_ =	sdelay $0x4  }
0x3f2: {  	[tilespmem:v1+s2+$0x0] =	vst.idx.msk $0xffff, v2  }
0x3f3: {  	v1 =	vld [tilespmem:$0x10A70];
	_ =	sdelay $0x4  }
0x3f4: {  	v2 =	vld [tilespmem:$0x11670];
	v1 =	vadd.s32 $0x3800, v1;
	_ =	sdelay $0x4  }
0x3f5: {  	[tilespmem:v1+s2+$0x0] =	vst.idx.msk $0xffff, v2  }
0x3f6: {  	v1 =	vld [tilespmem:$0x10A80];
	_ =	sdelay $0x4  }
0x3f7: {  	v2 =	vld [tilespmem:$0x11680];
	v1 =	vadd.s32 $0x4000, v1;
	_ =	sdelay $0x4  }
0x3f8: {  	[tilespmem:v1+s2+$0x0] =	vst.idx.msk $0xffff, v2  }
0x3f9: {  	v1 =	vld [tilespmem:$0x10A90];
	_ =	sdelay $0x4  }
0x3fa: {  	v2 =	vld [tilespmem:$0x11690];
	v1 =	vadd.s32 $0x4800, v1;
	_ =	sdelay $0x4  }
0x3fb: {  	[tilespmem:v1+s2+$0x0] =	vst.idx.msk $0xffff, v2  }
0x3fc: {  	v1 =	vld [tilespmem:$0x10AA0];
	_ =	sdelay $0x4  }
0x3fd: {  	v2 =	vld [tilespmem:$0x116A0];
	v1 =	vadd.s32 $0x5000, v1;
	_ =	sdelay $0x4  }
0x3fe: {  	[tilespmem:v1+s2+$0x0] =	vst.idx.msk $0xffff, v2  }
0x3ff: {  	v1 =	vld [tilespmem:$0x10AB0];
	_ =	sdelay $0x4  }
0x400: {  	v2 =	vld [tilespmem:$0x116B0];
	v1 =	vadd.s32 $0x5800, v1;
	_ =	sdelay $0x4  }
0x401: {  	[tilespmem:v1+s2+$0x0] =	vst.idx.msk $0xffff, v2  }
0x402: {  	v1 =	vld [tilespmem:$0x10AC0];
	_ =	sdelay $0x4  }
0x403: {  	v2 =	vld [tilespmem:$0x116C0];
	v1 =	vadd.s32 $0x6000, v1;
	_ =	sdelay $0x4  }
0x404: {  	[tilespmem:v1+s2+$0x0] =	vst.idx.msk $0xffff, v2  }
0x405: {  	v1 =	vld [tilespmem:$0x10AD0];
	_ =	sdelay $0x4  }
0x406: {  	v2 =	vld [tilespmem:$0x116D0];
	v1 =	vadd.s32 $0x6800, v1;
	_ =	sdelay $0x4  }
0x407: {  	[tilespmem:v1+s2+$0x0] =	vst.idx.msk $0xffff, v2  }
0x408: {  	v1 =	vld [tilespmem:$0x10AE0];
	_ =	sdelay $0x4  }
0x409: {  	v2 =	vld [tilespmem:$0x116E0];
	v1 =	vadd.s32 $0x7000, v1;
	_ =	sdelay $0x4  }
0x40a: {  	[tilespmem:v1+s2+$0x0] =	vst.idx.msk $0xffff, v2  }
0x40b: {  	v1 =	vld [tilespmem:$0x10AF0];
	_ =	sdelay $0x4  }
0x40c: {  	v2 =	vld [tilespmem:$0x116F0];
	v1 =	vadd.s32 $0x7800, v1;
	_ =	sdelay $0x4  }
0x40d: {  	[tilespmem:v1+s2+$0x0] =	vst.idx.msk $0xffff, v2  }
0x40e: {  	[hbm4b:s19+s2] =	stream.linear.scatter [tilespmem:s2], [sflag:$0x1], $0x8000, $0x38;
	[tilespmem:$0x11800] =	vst v63  }
0x40f: {  	_ =	swait.ge [sflag:s0], $0x8000  }
0x410: {  	[sflag:s0] =	ssyncset.done $0x0  }
0x411: {  	[sflag:s0] =	ssyncadd.s32 $0xFFFF8000  }
0x412: {  	v1 =	vld [tilespmem:$0x10900];
	_ =	sdelay $0x7  }
0x413: {  	[tilespmem:v1+s30+$0x0] =	vst.idx.msk $0xffff, v0  }
0x414: {  	v1 =	vld [tilespmem:$0x10910];
	_ =	sdelay $0x4  }
0x415: {  	v1 =	vadd.s32 $0x800, v1;
	_ =	sdelay $0x4  }
0x416: {  	[tilespmem:v1+s30+$0x0] =	vst.idx.msk $0xffff, v0  }
0x417: {  	v1 =	vld [tilespmem:$0x10920];
	_ =	sdelay $0x4  }
0x418: {  	v1 =	vadd.s32 $0x1000, v1;
	_ =	sdelay $0x4  }
0x419: {  	[tilespmem:v1+s30+$0x0] =	vst.idx.msk $0xffff, v0  }
0x41a: {  	v1 =	vld [tilespmem:$0x10930];
	_ =	sdelay $0x4  }
0x41b: {  	v1 =	vadd.s32 $0x1800, v1;
	_ =	sdelay $0x4  }
0x41c: {  	[tilespmem:v1+s30+$0x0] =	vst.idx.msk $0xffff, v0  }
0x41d: {  	v1 =	vld [tilespmem:$0x10940];
	_ =	sdelay $0x4  }
0x41e: {  	v1 =	vadd.s32 $0x2000, v1;
	_ =	sdelay $0x4  }
0x41f: {  	[tilespmem:v1+s30+$0x0] =	vst.idx.msk $0xffff, v0  }
0x420: {  	v1 =	vld [tilespmem:$0x10950];
	_ =	sdelay $0x4  }
0x421: {  	v1 =	vadd.s32 $0x2800, v1;
	_ =	sdelay $0x4  }
0x422: {  	[tilespmem:v1+s30+$0x0] =	vst.idx.msk $0xffff, v0  }
0x423: {  	v1 =	vld [tilespmem:$0x10960];
	_ =	sdelay $0x4  }
0x424: {  	v1 =	vadd.s32 $0x3000, v1;
	_ =	sdelay $0x4  }
0x425: {  	[tilespmem:v1+s30+$0x0] =	vst.idx.msk $0xffff, v0  }
0x426: {  	v1 =	vld [tilespmem:$0x10970];
	_ =	sdelay $0x4  }
0x427: {  	v1 =	vadd.s32 $0x3800, v1;
	_ =	sdelay $0x4  }
0x428: {  	[tilespmem:v1+s30+$0x0] =	vst.idx.msk $0xffff, v0  }
0x429: {  	v1 =	vld [tilespmem:$0x10980];
	_ =	sdelay $0x4  }
0x42a: {  	v1 =	vadd.s32 $0x4000, v1;
	_ =	sdelay $0x4  }
0x42b: {  	[tilespmem:v1+s30+$0x0] =	vst.idx.msk $0xffff, v0  }
0x42c: {  	v1 =	vld [tilespmem:$0x10990];
	_ =	sdelay $0x4  }
0x42d: {  	v1 =	vadd.s32 $0x4800, v1;
	_ =	sdelay $0x4  }
0x42e: {  	[tilespmem:v1+s30+$0x0] =	vst.idx.msk $0xffff, v0  }
0x42f: {  	v1 =	vld [tilespmem:$0x109A0];
	_ =	sdelay $0x4  }
0x430: {  	v1 =	vadd.s32 $0x5000, v1;
	_ =	sdelay $0x4  }
0x431: {  	[tilespmem:v1+s30+$0x0] =	vst.idx.msk $0xffff, v0  }
0x432: {  	v1 =	vld [tilespmem:$0x109B0];
	_ =	sdelay $0x4  }
0x433: {  	v1 =	vadd.s32 $0x5800, v1;
	_ =	sdelay $0x4  }
0x434: {  	[tilespmem:v1+s30+$0x0] =	vst.idx.msk $0xffff, v0  }
0x435: {  	v1 =	vld [tilespmem:$0x109C0];
	_ =	sdelay $0x4  }
0x436: {  	v1 =	vadd.s32 $0x6000, v1;
	_ =	sdelay $0x4  }
0x437: {  	[tilespmem:v1+s30+$0x0] =	vst.idx.msk $0xffff, v0  }
0x438: {  	v1 =	vld [tilespmem:$0x109D0];
	_ =	sdelay $0x4  }
0x439: {  	v1 =	vadd.s32 $0x6800, v1;
	_ =	sdelay $0x4  }
0x43a: {  	[tilespmem:v1+s30+$0x0] =	vst.idx.msk $0xffff, v0  }
0x43b: {  	v1 =	vld [tilespmem:$0x109E0];
	_ =	sdelay $0x4  }
0x43c: {  	v1 =	vadd.s32 $0x7000, v1;
	_ =	sdelay $0x4  }
0x43d: {  	[tilespmem:v1+s30+$0x0] =	vst.idx.msk $0xffff, v0  }
0x43e: {  	v1 =	vld [tilespmem:$0x109F0];
	_ =	sdelay $0x4  }
0x43f: {  	v1 =	vadd.s32 $0x7800, v1;
	_ =	sdelay $0x4  }
0x440: {  	[tilespmem:v1+s30+$0x0] =	vst.idx.msk $0xffff, v0  }
0x441: {  	v1 =	vld [tilespmem:$0x10B00];
	_ =	sdelay $0x2  }
0x442: {  	v2 =	vld [tilespmem:$0x11700];
	_ =	sdelay $0x4  }
0x443: {  	[tilespmem:v1+s30+$0x0] =	vst.idx.msk $0xffff, v2  }
0x444: {  	v1 =	vld [tilespmem:$0x10B10];
	_ =	sdelay $0x4  }
0x445: {  	v2 =	vld [tilespmem:$0x11710];
	v1 =	vadd.s32 $0x800, v1;
	_ =	sdelay $0x4  }
0x446: {  	[tilespmem:v1+s30+$0x0] =	vst.idx.msk $0xffff, v2  }
0x447: {  	v1 =	vld [tilespmem:$0x10B20];
	_ =	sdelay $0x4  }
0x448: {  	v2 =	vld [tilespmem:$0x11720];
	v1 =	vadd.s32 $0x1000, v1;
	_ =	sdelay $0x4  }
0x449: {  	[tilespmem:v1+s30+$0x0] =	vst.idx.msk $0xffff, v2  }
0x44a: {  	v1 =	vld [tilespmem:$0x10B30];
	_ =	sdelay $0x4  }
0x44b: {  	v2 =	vld [tilespmem:$0x11730];
	v1 =	vadd.s32 $0x1800, v1;
	_ =	sdelay $0x4  }
0x44c: {  	[tilespmem:v1+s30+$0x0] =	vst.idx.msk $0xffff, v2  }
0x44d: {  	v1 =	vld [tilespmem:$0x10B40];
	_ =	sdelay $0x4  }
0x44e: {  	v2 =	vld [tilespmem:$0x11740];
	v1 =	vadd.s32 $0x2000, v1;
	_ =	sdelay $0x4  }
0x44f: {  	[tilespmem:v1+s30+$0x0] =	vst.idx.msk $0xffff, v2  }
0x450: {  	v1 =	vld [tilespmem:$0x10B50];
	_ =	sdelay $0x4  }
0x451: {  	v2 =	vld [tilespmem:$0x11750];
	v1 =	vadd.s32 $0x2800, v1;
	_ =	sdelay $0x4  }
0x452: {  	[tilespmem:v1+s30+$0x0] =	vst.idx.msk $0xffff, v2  }
0x453: {  	v1 =	vld [tilespmem:$0x10B60];
	_ =	sdelay $0x4  }
0x454: {  	v2 =	vld [tilespmem:$0x11760];
	v1 =	vadd.s32 $0x3000, v1;
	_ =	sdelay $0x4  }
0x455: {  	[tilespmem:v1+s30+$0x0] =	vst.idx.msk $0xffff, v2  }
0x456: {  	v1 =	vld [tilespmem:$0x10B70];
	_ =	sdelay $0x4  }
0x457: {  	v2 =	vld [tilespmem:$0x11770];
	v1 =	vadd.s32 $0x3800, v1;
	_ =	sdelay $0x4  }
0x458: {  	[tilespmem:v1+s30+$0x0] =	vst.idx.msk $0xffff, v2  }
0x459: {  	v1 =	vld [tilespmem:$0x10B80];
	_ =	sdelay $0x4  }
0x45a: {  	v2 =	vld [tilespmem:$0x11780];
	v1 =	vadd.s32 $0x4000, v1;
	_ =	sdelay $0x4  }
0x45b: {  	[tilespmem:v1+s30+$0x0] =	vst.idx.msk $0xffff, v2  }
0x45c: {  	v1 =	vld [tilespmem:$0x10B90];
	_ =	sdelay $0x4  }
0x45d: {  	v2 =	vld [tilespmem:$0x11790];
	v1 =	vadd.s32 $0x4800, v1;
	_ =	sdelay $0x4  }
0x45e: {  	[tilespmem:v1+s30+$0x0] =	vst.idx.msk $0xffff, v2  }
0x45f: {  	v1 =	vld [tilespmem:$0x10BA0];
	_ =	sdelay $0x4  }
0x460: {  	v2 =	vld [tilespmem:$0x117A0];
	v1 =	vadd.s32 $0x5000, v1;
	_ =	sdelay $0x4  }
0x461: {  	[tilespmem:v1+s30+$0x0] =	vst.idx.msk $0xffff, v2  }
0x462: {  	v1 =	vld [tilespmem:$0x10BB0];
	_ =	sdelay $0x4  }
0x463: {  	v2 =	vld [tilespmem:$0x117B0];
	v1 =	vadd.s32 $0x5800, v1;
	_ =	sdelay $0x4  }
0x464: {  	[tilespmem:v1+s30+$0x0] =	vst.idx.msk $0xffff, v2  }
0x465: {  	v1 =	vld [tilespmem:$0x10BC0];
	_ =	sdelay $0x4  }
0x466: {  	v2 =	vld [tilespmem:$0x117C0];
	v1 =	vadd.s32 $0x6000, v1;
	_ =	sdelay $0x4  }
0x467: {  	[tilespmem:v1+s30+$0x0] =	vst.idx.msk $0xffff, v2  }
0x468: {  	v1 =	vld [tilespmem:$0x10BD0];
	_ =	sdelay $0x4  }
0x469: {  	v2 =	vld [tilespmem:$0x117D0];
	v1 =	vadd.s32 $0x6800, v1;
	_ =	sdelay $0x4  }
0x46a: {  	[tilespmem:v1+s30+$0x0] =	vst.idx.msk $0xffff, v2  }
0x46b: {  	v1 =	vld [tilespmem:$0x10BE0];
	_ =	sdelay $0x4  }
0x46c: {  	v2 =	vld [tilespmem:$0x117E0];
	v1 =	vadd.s32 $0x7000, v1;
	_ =	sdelay $0x4  }
0x46d: {  	[tilespmem:v1+s30+$0x0] =	vst.idx.msk $0xffff, v2  }
0x46e: {  	v1 =	vld [tilespmem:$0x10BF0];
	_ =	sdelay $0x4  }
0x46f: {  	v2 =	vld [tilespmem:$0x117F0];
	v1 =	vadd.s32 $0x7800, v1;
	_ =	sdelay $0x4  }
0x470: {  	s1 =	sadd.s32 $0x1, s1;
	[tilespmem:v1+s30+$0x0] =	vst.idx.msk $0xffff, v2  }
0x471: {  	[hbm4b:s20+s2] =	stream.linear.scatter [tilespmem:s30], [sflag:$0x2], $0x8000, $0x38;
	[tilespmem:$0x11800] =	vst v63  }
0x472: {  	p0 =	sne.s32 s1, s21;
	_ =	swait.ge [sflag:s31], $0x8000  }
.Ltmp1:
0x473: {  	[sflag:s31] =	ssyncset.done $0x0;
	(pc) =	sbr.rel @p0 .LBB2_1-.Ltmp1, $4  }
0x474: {  	[sflag:s31] =	ssyncadd.s32 $0xFFFF8000  }
0x475: {  	_ =	swait.ge [sflag:s0], $0x8000  }
0x476: {  	[sflag:s0] =	ssyncset.done $0x0  }
0x477: {  	[sflag:s0] =	ssyncadd.s32 $0xFFFF8000  }
0x478: {  	_ =	sfence.sel $0x180000  }
0x479: {  	[bflag:$0x0] =	sbarrier.arrive $0xFFFF  }
0x47a: {  	_ =	strace $0x90000047  }
0x47b: {  	s0 =	stileid.u32;
	[bflag:$0x2] =	sbarrier.arrive $0xFFFF  }
0x47c: {  	p0 =	sne.s32 s0, $0x0;
	s0 =	rddreg [dreg:$0x2]  }
0x47d: {  	s0 =	sadd.s32 @!p0 $0x100000, s0  }
0x47e: {  	[sflag:s0] =	ssyncadd.tile.s32 @!p0 $0x1;
	_ =	shalt  }
.Lfunc_end2:
_tile_overlayer_lowered:
.L_overlay_start_2:
0x47f: {  	(tag) =	ssettag $0x2  }
0x480: {  	s0 =	rddreg [dreg:$0x0];
	s2 =	stileid.u32  }
0x481: {  	s1 =	rddreg [dreg:$0x1];
	p0 =	sne.s32 s2, $0x0  }
0x482: {  	s3 =	rddreg [dreg:$0x2];
	[bflag:$0x3] =	sbarrier.arrive $0xFFFF;
	s2 =	simm.s32 @!p0 $0x1C04  }
0x483: {  	[timem:s3], [sflag:s2] =	dma.local @!p0 [hbm:s0], s1  }
0x484: {  	s0 =	simm.s32 @!p0 $0x4  }
0x485: {  	_ =	swait.ge @!p0 [sflag:s0], s1  }
0x486: {  	s1 =	ssub.s32 @!p0 $0x0, s1;
	[sflag:s0] =	ssyncset.done @!p0 $0x0  }
0x487: {  	[sflag:s0] =	ssyncadd.s32 @!p0 s1  }
0x488: {  	[bflag:$0x3] =	sbarrier.arrive $0xFFFF  }
0x489: {  	_ =	shalt  }

</sc_bundles>
